<compile_context>
chip_gen: v7x
topology: tpu7x:2x2x1
jax: 0.10.2.dev20260603
libtpu: 0.0.44.dev20260713+nightly
codegen_flags: <defaults>
</compile_context>

<pallas_src>
import functools

import jax
import jax.numpy as jnp
from jax import lax
from jax.experimental import pallas as pl
from jax.experimental.pallas import tpu as pltpu
from jax.experimental.pallas import tpu_sc as plsc

NC = 2
NS = 16
NW = NC * NS
LANES = 16

CHUNK = 128
PC = 40


def _sc_mesh():
    return plsc.VectorSubcoreMesh(
        core_axis_name="c", subcore_axis_name="s", num_cores=NC, num_subcores=NS
    )


def _chunk_split(total_chunks):
    cap = 2 * PC
    nfull = total_chunks // cap
    rem = total_chunks - nfull * cap
    assert nfull <= NW and (nfull < NW or rem == 0)
    assert rem % 2 == 0 and cap % 8 == 0
    return cap, nfull, rem


def _make_deg_kernel(n, total_chunks):
    cap, nfull, rem = _chunk_split(total_chunks)
    n_tbl = -(-n // (NS * LANES)) * (NS * LANES)
    nps = n_tbl // NS
    grp_full = 8
    grp_rem = 4
    assert cap % grp_full == 0 and rem % grp_rem == 0

    def body(srcs2, dsts2, deg_out, sidx, didx, ones_v, zbuf, deg_s, deg_d,
             sem0):
        c = lax.axis_index("c")
        s = lax.axis_index("s")
        wid = c * NS + s

        z16 = jnp.zeros((LANES,), jnp.float32)
        o16 = jnp.ones((LANES,), jnp.float32)

        def zb(i, _):
            zbuf[pl.ds(i * LANES, LANES)] = z16
            return 0

        lax.fori_loop(0, nps // LANES, zb, 0)
        for k in range(CHUNK // LANES):
            ones_v[pl.ds(k * LANES, LANES)] = o16

        pltpu.sync_copy(zbuf, deg_s.at[pl.ds(s * nps, nps)])
        pltpu.sync_copy(zbuf, deg_d.at[pl.ds(s * nps, nps)])

        def run(base, cnt, grp):
            pltpu.sync_copy(srcs2.at[pl.ds(base, cnt)],
                            sidx.at[pl.ds(0, cnt)])
            pltpu.sync_copy(dsts2.at[pl.ds(base, cnt)],
                            didx.at[pl.ds(0, cnt)])

            def step(q, _):
                for k in range(grp):
                    g = q * grp + k
                    pltpu.async_copy(ones_v, deg_s.at[sidx.at[g]], sem0,
                                     add=True)
                    pltpu.async_copy(ones_v, deg_d.at[didx.at[g]], sem0,
                                     add=True)
                for k in range(grp):
                    g = q * grp + k
                    pltpu.make_async_copy(ones_v, deg_s.at[sidx.at[g]],
                                          sem0).wait()
                    pltpu.make_async_copy(ones_v, deg_d.at[didx.at[g]],
                                          sem0).wait()
                return 0

            lax.fori_loop(0, cnt // grp, step, 0)

        plsc.subcore_barrier()

        @pl.when(wid < nfull)
        def _():
            run(cap * wid, cap, grp_full)

        if rem:
            @pl.when(wid == nfull)
            def _():
                run(cap * nfull, rem, grp_rem)

        plsc.subcore_barrier()

        pltpu.sync_copy(deg_s.at[pl.ds(s * nps, nps)],
                        deg_out.at[2 * c, pl.ds(s * nps, nps)])
        pltpu.sync_copy(deg_d.at[pl.ds(s * nps, nps)],
                        deg_out.at[2 * c + 1, pl.ds(s * nps, nps)])

    return pl.kernel(
        body,
        out_type=jax.ShapeDtypeStruct((2 * NC, n_tbl), jnp.float32),
        mesh=_sc_mesh(),
        scratch_types=[
            pltpu.VMEM((cap, CHUNK), jnp.int32),
            pltpu.VMEM((cap, CHUNK), jnp.int32),
            pltpu.VMEM((CHUNK,), jnp.float32),
            pltpu.VMEM((nps,), jnp.float32),
            pltpu.VMEM_SHARED((n_tbl,), jnp.float32),
            pltpu.VMEM_SHARED((n_tbl,), jnp.float32),
            pltpu.SemaphoreType.DMA,
        ],
    ), n_tbl


def _make_spmm_kernel(n, d, total_chunks):
    cap, nfull, rem = _chunk_split(total_chunks)
    n_sp = -(-n // (NS * CHUNK)) * (NS * CHUNK)
    nps = n_sp // NS
    zfull, zrem = divmod(nps, CHUNK)

    def body(h_hbm, srcs2, dsts2, out_hbm, sidx, didx, buf0, buf1,
             agg, sem0, sem1):
        c = lax.axis_index("c")
        s = lax.axis_index("s")
        wid = c * NS + s

        z16 = jnp.zeros((LANES,), jnp.float32)

        def zb(i, _):
            for k in range(d // LANES):
                buf0[i, pl.ds(k * LANES, LANES)] = z16
            return 0

        lax.fori_loop(0, CHUNK, zb, 0)
        for k in range(zfull):
            pltpu.sync_copy(buf0, agg.at[pl.ds(s * nps + k * CHUNK, CHUNK)])
        if zrem:
            pltpu.sync_copy(buf0.at[pl.ds(0, zrem)],
                            agg.at[pl.ds(s * nps + zfull * CHUNK, zrem)])
        plsc.subcore_barrier()

        def run(base, pk):
            pltpu.sync_copy(srcs2.at[pl.ds(base, pk)], sidx.at[pl.ds(0, pk)])
            pltpu.sync_copy(dsts2.at[pl.ds(base, pk)], didx.at[pl.ds(0, pk)])

            pltpu.async_copy(h_hbm.at[sidx.at[0]], buf0, sem0)

            def step(g2, _):
                g = g2 * 2
                pltpu.async_copy(h_hbm.at[sidx.at[g + 1]], buf1, sem1)
                pltpu.make_async_copy(h_hbm.at[sidx.at[g]], buf0, sem0).wait()
                pltpu.sync_copy(buf0, agg.at[didx.at[g]], add=True)

                @pl.when(g + 2 < pk)
                def _():
                    pltpu.async_copy(h_hbm.at[sidx.at[g + 2]], buf0, sem0)

                pltpu.make_async_copy(h_hbm.at[sidx.at[g + 1]], buf1,
                                      sem1).wait()
                pltpu.sync_copy(buf1, agg.at[didx.at[g + 1]], add=True)
                return 0

            lax.fori_loop(0, pk // 2, step, 0)

        @pl.when(wid < nfull)
        def _():
            run(cap * wid, PC)
            run(cap * wid + PC, cap - PC)

        if rem:
            @pl.when(wid == nfull)
            def _():
                run(cap * nfull, rem)

        plsc.subcore_barrier()
        pltpu.sync_copy(agg.at[pl.ds(s * nps, nps)],
                        out_hbm.at[c, pl.ds(s * nps, nps)])

    return pl.kernel(
        body,
        out_type=jax.ShapeDtypeStruct((NC, n_sp, d), jnp.float32),
        mesh=_sc_mesh(),
        scratch_types=[
            pltpu.VMEM((PC, CHUNK), jnp.int32),
            pltpu.VMEM((PC, CHUNK), jnp.int32),
            pltpu.VMEM((CHUNK, d), jnp.float32),
            pltpu.VMEM((CHUNK, d), jnp.float32),
            pltpu.VMEM_SHARED((n_sp, d), jnp.float32),
            pltpu.SemaphoreType.DMA,
            pltpu.SemaphoreType.DMA,
        ],
    )


def _chunkify(ei, total_chunks):

    def body(ei_ref, s_ref, d_ref):
        s_ref[...] = ei_ref[0].reshape(total_chunks, CHUNK)
        d_ref[...] = ei_ref[1].reshape(total_chunks, CHUNK)

    return pl.pallas_call(
        body,
        out_shape=[
            jax.ShapeDtypeStruct((total_chunks, CHUNK), jnp.int32),
            jax.ShapeDtypeStruct((total_chunks, CHUNK), jnp.int32),
        ],
    )(ei)


def _norm_from(deg):
    return jnp.where(deg > 0, lax.rsqrt(jnp.maximum(deg, 1.0)), 0.0)


def _pre_body(x_ref, degt_ref, h_ref):
    deg_src = degt_ref[:, 0:1] + degt_ref[:, 2:3]
    h_ref[...] = x_ref[...] * _norm_from(deg_src)


def _post_body(parts_ref, degt_ref, w_ref, b_ref, out_ref, *, mid_layer):
    agg = parts_ref[0] + parts_ref[1]
    deg_dst = degt_ref[:, 1:2] + degt_ref[:, 3:4]
    z = jnp.dot(agg * _norm_from(deg_dst), w_ref[...],
                preferred_element_type=jnp.float32) + b_ref[...]
    if mid_layer:
        z = jnp.maximum(z, 0.0)
        deg_src = degt_ref[:, 0:1] + degt_ref[:, 2:3]
        z = z * _norm_from(deg_src)
    out_ref[...] = z


def _pre_call(x, degt, n_rows, d, blk=2000):
    grid = (n_rows // blk,)
    return pl.pallas_call(
        _pre_body,
        grid=grid,
        in_specs=[
            pl.BlockSpec((blk, d), lambda i: (i, 0)),
            pl.BlockSpec((blk, 2 * NC), lambda i: (i, 0)),
        ],
        out_specs=pl.BlockSpec((blk, d), lambda i: (i, 0)),
        out_shape=jax.ShapeDtypeStruct((n_rows, d), jnp.float32),
    )(x, degt)


def _post_call(parts, degt, w, b, *, mid_layer, d, out_rows, blk):
    grid = (out_rows // blk,)
    body = functools.partial(_post_body, mid_layer=mid_layer)
    return pl.pallas_call(
        body,
        grid=grid,
        in_specs=[
            pl.BlockSpec((NC, blk, d), lambda i: (0, i, 0)),
            pl.BlockSpec((blk, 2 * NC), lambda i: (i, 0)),
            pl.BlockSpec((d, d), lambda i: (0, 0)),
            pl.BlockSpec((1, d), lambda i: (0, 0)),
        ],
        out_specs=pl.BlockSpec((blk, d), lambda i: (i, 0)),
        out_shape=jax.ShapeDtypeStruct((out_rows, d), jnp.float32),
    )(parts, degt, w, b)


def kernel(in_feat, edge_index, W1, b1, W2, b2):
    n, d = in_feat.shape
    e = edge_index.shape[1]
    assert e % CHUNK == 0 and n % NS == 0
    total_chunks = e // CHUNK

    ei = edge_index.astype(jnp.int32)
    srcs2, dsts2 = _chunkify(ei, total_chunks)

    deg_kernel, _ = _make_deg_kernel(n, total_chunks)
    deg = deg_kernel(srcs2, dsts2)
    degt = deg.T

    spmm = _make_spmm_kernel(n, d, total_chunks)

    assert n % 2000 == 0
    h1 = _pre_call(in_feat, degt, n, d, blk=5000)
    parts1 = spmm(h1, srcs2, dsts2)
    h2 = _post_call(parts1, degt, W1, b1.reshape(1, d), mid_layer=True,
                    d=d, out_rows=n, blk=5000)
    parts2 = spmm(h2, srcs2, dsts2)
    return _post_call(parts2, degt, W2, b2.reshape(1, d), mid_layer=False,
                      d=d, out_rows=n, blk=5000)

# --- scband reference (transcript-rebuilt; emitter-appended) ---
"""Pipeline reference for scband-gnn-38448547233927 (READ-ONLY COPY).

The authoritative reference and input builder live on the scoring server;
editing this copy changes nothing except your own understanding.
"""

import jax, jax.numpy as jnp
import numpy as np

N = 10000
E = 320000
D_IN = 128
D_H = 128


def setup_inputs(seed: int = 0) -> dict:
    key = jax.random.key(seed)
    k1, k2, k3, k4 = jax.random.split(key, 4)
    in_feat = jax.random.normal(k1, (N, D_IN), dtype=jnp.float32)
    edge_index = jax.random.randint(k2, (2, E), 0, N).astype(jnp.int64)
    W1 = jax.random.normal(k3, (D_IN, D_H), dtype=jnp.float32) * (1.0 / np.sqrt(D_IN))
    b1 = jnp.zeros((D_H,), dtype=jnp.float32)
    W2 = jax.random.normal(k4, (D_H, D_H), dtype=jnp.float32) * (1.0 / np.sqrt(D_H))
    b2 = jnp.zeros((D_H,), dtype=jnp.float32)
    return {"in_feat": in_feat, "edge_index": edge_index, "W1": W1, "b1": b1, "W2": W2, "b2": b2}


def _graph_conv(x, src, dst, W, b):
    # DGL GraphConv with norm='both': D_dst^{-1/2} A D_src^{-1/2} X W + b
    deg_out = jnp.bincount(src, length=N).astype(x.dtype)
    deg_in = jnp.bincount(dst, length=N).astype(x.dtype)
    norm_src = jnp.where(deg_out > 0, 1.0 / jnp.sqrt(jnp.maximum(deg_out, 1.0)), 0.0)
    norm_dst = jnp.where(deg_in > 0, 1.0 / jnp.sqrt(jnp.maximum(deg_in, 1.0)), 0.0)
    h = x * norm_src[:, None]
    msg = jnp.take(h, src, axis=0)
    agg = jax.ops.segment_sum(msg, dst, num_segments=N)
    agg = agg * norm_dst[:, None]
    return agg @ W + b


def reference(in_feat, edge_index, W1, b1, W2, b2):
    src = edge_index[0]
    dst = edge_index[1]
    h = _graph_conv(in_feat, src, dst, W1, b1)
    h = jax.nn.relu(h)
    h = _graph_conv(h, src, dst, W2, b2)
    return h

if __name__ == "__main__":
    import jax
    _d = setup_inputs()
    print(jax.jit(kernel)(*tuple(_d.values())))

</pallas_src>

<mosaic_0001>
#map = affine_map<(d0, d1) -> (0, 0)>
#map1 = affine_map<(d0, d1) -> (0, 0, 0)>
module attributes {stable_mosaic.version = 14 : i64} {
  func.func @body(%arg0: i32, %arg1: i32, %arg2: memref<10000x128xf32, #tpu.memory_space<hbm>>, %arg3: memref<2500x128xi32, #tpu.memory_space<hbm>>, %arg4: memref<2500x128xi32, #tpu.memory_space<hbm>>, %arg5: memref<2x10240x128xf32, #tpu.memory_space<hbm>>, %arg6: memref<40x128xi32, #tpu.memory_space<vmem>>, %arg7: memref<40x128xi32, #tpu.memory_space<vmem>>, %arg8: memref<128x128xf32, #tpu.memory_space<vmem>>, %arg9: memref<128x128xf32, #tpu.memory_space<vmem>>, %arg10: memref<10240x128xf32, #tpu.memory_space<vmem_shared>>, %arg11: memref<!tpu.dma_semaphore, #tpu.memory_space<semaphore_mem>>, %arg12: memref<!tpu.dma_semaphore, #tpu.memory_space<semaphore_mem>>) attributes {dimension_semantics = [#tpu.dimension_semantics<core_parallel>, #tpu.dimension_semantics<subcore_parallel>], iteration_bounds = array<i64: 2, 16>, scalar_prefetch = 0 : i64, scratch_operands = 7 : i64, tpu.core_type = #tpu.core_type<sc_vector_subcore>, window_params = [{transform_indices = #map}, {transform_indices = #map}, {transform_indices = #map}, {transform_indices = #map1}]} {
    %mul3A = arith.constant 16 : i32
    %mul3A_0 = arith.muli %arg0, %mul3A : i32
    %add3A = arith.addi %mul3A_0, %arg1 : i32
    %broadcast_in_dim3A = arith.constant 0.000000e+00 : f32
    %broadcast_in_dim3A_1 = vector.broadcast %broadcast_in_dim3A : f32 to vector<16xf32>
    %scan3A = arith.constant 0 : i32
    %scan3A_2 = arith.constant 0 : i32
    %scan3A_3 = arith.constant 128 : i32
    %scan3A_4 = arith.addi %scan3A_2, %scan3A_3 : i32
    %scan3A_5 = arith.constant 1 : i32
    %scan3A_6 = scf.for %scan3A_39 = %scan3A_2 to %scan3A_4 step %scan3A_5 iter_args(%scan3A_40 = %scan3A) -> (i32)  : i32 {
      %swap3A = arith.index_cast %scan3A_39 : i32 to index
      %swap3A_41 = arith.constant 0 : index
      %swap3A_42 = tpu.vector_load %arg8[%swap3A, %swap3A_41] {strides = array<i32>} : memref<128x128xf32, #tpu.memory_space<vmem>>, vector<1x16xf32>,
      %swap3A_43 = vector.shape_cast %swap3A_42 : vector<1x16xf32> to vector<16xf32>
      %swap3A_44 = vector.shape_cast %broadcast_in_dim3A_1 : vector<16xf32> to vector<1x16xf32>
      tpu.vector_store %arg8[%swap3A, %swap3A_41], %swap3A_44 {strides = array<i32>} : memref<128x128xf32, #tpu.memory_space<vmem>>, vector<1x16xf32>,
      %swap3A_45 = arith.index_cast %scan3A_39 : i32 to index
      %swap3A_46 = arith.constant 16 : index
      %swap3A_47 = tpu.vector_load %arg8[%swap3A_45, %swap3A_46] {strides = array<i32>} : memref<128x128xf32, #tpu.memory_space<vmem>>, vector<1x16xf32>,
      %swap3A_48 = vector.shape_cast %swap3A_47 : vector<1x16xf32> to vector<16xf32>
      %swap3A_49 = vector.shape_cast %broadcast_in_dim3A_1 : vector<16xf32> to vector<1x16xf32>
      tpu.vector_store %arg8[%swap3A_45, %swap3A_46], %swap3A_49 {strides = array<i32>} : memref<128x128xf32, #tpu.memory_space<vmem>>, vector<1x16xf32>,
      %swap3A_50 = arith.index_cast %scan3A_39 : i32 to index
      %swap3A_51 = arith.constant 32 : index
      %swap3A_52 = tpu.vector_load %arg8[%swap3A_50, %swap3A_51] {strides = array<i32>} : memref<128x128xf32, #tpu.memory_space<vmem>>, vector<1x16xf32>,
      %swap3A_53 = vector.shape_cast %swap3A_52 : vector<1x16xf32> to vector<16xf32>
      %swap3A_54 = vector.shape_cast %broadcast_in_dim3A_1 : vector<16xf32> to vector<1x16xf32>
      tpu.vector_store %arg8[%swap3A_50, %swap3A_51], %swap3A_54 {strides = array<i32>} : memref<128x128xf32, #tpu.memory_space<vmem>>, vector<1x16xf32>,
      %swap3A_55 = arith.index_cast %scan3A_39 : i32 to index
      %swap3A_56 = arith.constant 48 : index
      %swap3A_57 = tpu.vector_load %arg8[%swap3A_55, %swap3A_56] {strides = array<i32>} : memref<128x128xf32, #tpu.memory_space<vmem>>, vector<1x16xf32>,
      %swap3A_58 = vector.shape_cast %swap3A_57 : vector<1x16xf32> to vector<16xf32>
      %swap3A_59 = vector.shape_cast %broadcast_in_dim3A_1 : vector<16xf32> to vector<1x16xf32>
      tpu.vector_store %arg8[%swap3A_55, %swap3A_56], %swap3A_59 {strides = array<i32>} : memref<128x128xf32, #tpu.memory_space<vmem>>, vector<1x16xf32>,
      %swap3A_60 = arith.index_cast %scan3A_39 : i32 to index
      %swap3A_61 = arith.constant 64 : index
      %swap3A_62 = tpu.vector_load %arg8[%swap3A_60, %swap3A_61] {strides = array<i32>} : memref<128x128xf32, #tpu.memory_space<vmem>>, vector<1x16xf32>,
      %swap3A_63 = vector.shape_cast %swap3A_62 : vector<1x16xf32> to vector<16xf32>
      %swap3A_64 = vector.shape_cast %broadcast_in_dim3A_1 : vector<16xf32> to vector<1x16xf32>
      tpu.vector_store %arg8[%swap3A_60, %swap3A_61], %swap3A_64 {strides = array<i32>} : memref<128x128xf32, #tpu.memory_space<vmem>>, vector<1x16xf32>,
      %swap3A_65 = arith.index_cast %scan3A_39 : i32 to index
      %swap3A_66 = arith.constant 80 : index
      %swap3A_67 = tpu.vector_load %arg8[%swap3A_65, %swap3A_66] {strides = array<i32>} : memref<128x128xf32, #tpu.memory_space<vmem>>, vector<1x16xf32>,
      %swap3A_68 = vector.shape_cast %swap3A_67 : vector<1x16xf32> to vector<16xf32>
      %swap3A_69 = vector.shape_cast %broadcast_in_dim3A_1 : vector<16xf32> to vector<1x16xf32>
      tpu.vector_store %arg8[%swap3A_65, %swap3A_66], %swap3A_69 {strides = array<i32>} : memref<128x128xf32, #tpu.memory_space<vmem>>, vector<1x16xf32>,
      %swap3A_70 = arith.index_cast %scan3A_39 : i32 to index
      %swap3A_71 = arith.constant 96 : index
      %swap3A_72 = tpu.vector_load %arg8[%swap3A_70, %swap3A_71] {strides = array<i32>} : memref<128x128xf32, #tpu.memory_space<vmem>>, vector<1x16xf32>,
      %swap3A_73 = vector.shape_cast %swap3A_72 : vector<1x16xf32> to vector<16xf32>
      %swap3A_74 = vector.shape_cast %broadcast_in_dim3A_1 : vector<16xf32> to vector<1x16xf32>
      tpu.vector_store %arg8[%swap3A_70, %swap3A_71], %swap3A_74 {strides = array<i32>} : memref<128x128xf32, #tpu.memory_space<vmem>>, vector<1x16xf32>,
      %swap3A_75 = arith.index_cast %scan3A_39 : i32 to index
      %swap3A_76 = arith.constant 112 : index
      %swap3A_77 = tpu.vector_load %arg8[%swap3A_75, %swap3A_76] {strides = array<i32>} : memref<128x128xf32, #tpu.memory_space<vmem>>, vector<1x16xf32>,
      %swap3A_78 = vector.shape_cast %swap3A_77 : vector<1x16xf32> to vector<16xf32>
      %swap3A_79 = vector.shape_cast %broadcast_in_dim3A_1 : vector<16xf32> to vector<1x16xf32>
      tpu.vector_store %arg8[%swap3A_75, %swap3A_76], %swap3A_79 {strides = array<i32>} : memref<128x128xf32, #tpu.memory_space<vmem>>, vector<1x16xf32>,
      %scan3A_80 = arith.constant 0 : i32
      scf.yield %scan3A_80 : i32
    }
    %scan3A_7 = arith.constant 128 : i32
    %mul3A_8 = arith.constant 640 : i32
    %mul3A_9 = arith.muli %arg1, %mul3A_8 : i32
    %add3A_10 = arith.constant 0 : i32
    %add3A_11 = arith.addi %mul3A_9, %add3A_10 : i32
    "tpu.region"() ({
      %run_scoped3A = tpu.sem_alloc : memref<!tpu.dma_semaphore, #tpu.memory_space<semaphore_mem>>
      %dma_start3A = arith.constant 0 : i32
      %dma_start3A_39 = tpu.memref_slice %arg10[%add3A_11, %dma_start3A] : memref<10240x128xf32, #tpu.memory_space<vmem_shared>> -> memref<128x128xf32, #tpu.memory_space<vmem_shared>>
      %dma_start3A_40 = arith.constant 0 : i32
      %dma_start3A_41 = tpu.memref_slice %arg10[%add3A_11, %dma_start3A_40] : memref<10240x128xf32, #tpu.memory_space<vmem_shared>> -> memref<128x128xf32, #tpu.memory_space<vmem_shared>>
      tpu.enqueue_dma source(%arg8 : memref<128x128xf32, #tpu.memory_space<vmem>>) target(%dma_start3A_41 : memref<128x128xf32, #tpu.memory_space<vmem_shared>>) target_semaphore(%run_scoped3A : memref<!tpu.dma_semaphore, #tpu.memory_space<semaphore_mem>>)
      %dma_wait3A = arith.constant 0 : i32
      %dma_wait3A_42 = tpu.memref_slice %arg10[%add3A_11, %dma_wait3A] : memref<10240x128xf32, #tpu.memory_space<vmem_shared>> -> memref<128x128xf32, #tpu.memory_space<vmem_shared>>
      %dma_wait3A_43 = arith.constant 0 : i32
      %dma_wait3A_44 = tpu.memref_slice %arg10[%add3A_11, %dma_wait3A_43] : memref<10240x128xf32, #tpu.memory_space<vmem_shared>> -> memref<128x128xf32, #tpu.memory_space<vmem_shared>>
      tpu.wait_dma2 semaphore(%run_scoped3A : memref<!tpu.dma_semaphore, #tpu.memory_space<semaphore_mem>>) src(%arg8 : memref<128x128xf32, #tpu.memory_space<vmem>>) dst(%dma_wait3A_44 : memref<128x128xf32, #tpu.memory_space<vmem_shared>>)
      tpu.yield
    }) : () -> ()
    %mul3A_12 = arith.constant 640 : i32
    %mul3A_13 = arith.muli %arg1, %mul3A_12 : i32
    %add3A_14 = arith.constant 128 : i32
    %add3A_15 = arith.addi %mul3A_13, %add3A_14 : i32
    "tpu.region"() ({
      %run_scoped3A = tpu.sem_alloc : memref<!tpu.dma_semaphore, #tpu.memory_space<semaphore_mem>>
      %dma_start3A = arith.constant 0 : i32
      %dma_start3A_39 = tpu.memref_slice %arg10[%add3A_15, %dma_start3A] : memref<10240x128xf32, #tpu.memory_space<vmem_shared>> -> memref<128x128xf32, #tpu.memory_space<vmem_shared>>
      %dma_start3A_40 = arith.constant 0 : i32
      %dma_start3A_41 = tpu.memref_slice %arg10[%add3A_15, %dma_start3A_40] : memref<10240x128xf32, #tpu.memory_space<vmem_shared>> -> memref<128x128xf32, #tpu.memory_space<vmem_shared>>
      tpu.enqueue_dma source(%arg8 : memref<128x128xf32, #tpu.memory_space<vmem>>) target(%dma_start3A_41 : memref<128x128xf32, #tpu.memory_space<vmem_shared>>) target_semaphore(%run_scoped3A : memref<!tpu.dma_semaphore, #tpu.memory_space<semaphore_mem>>)
      %dma_wait3A = arith.constant 0 : i32
      %dma_wait3A_42 = tpu.memref_slice %arg10[%add3A_15, %dma_wait3A] : memref<10240x128xf32, #tpu.memory_space<vmem_shared>> -> memref<128x128xf32, #tpu.memory_space<vmem_shared>>
      %dma_wait3A_43 = arith.constant 0 : i32
      %dma_wait3A_44 = tpu.memref_slice %arg10[%add3A_15, %dma_wait3A_43] : memref<10240x128xf32, #tpu.memory_space<vmem_shared>> -> memref<128x128xf32, #tpu.memory_space<vmem_shared>>
      tpu.wait_dma2 semaphore(%run_scoped3A : memref<!tpu.dma_semaphore, #tpu.memory_space<semaphore_mem>>) src(%arg8 : memref<128x128xf32, #tpu.memory_space<vmem>>) dst(%dma_wait3A_44 : memref<128x128xf32, #tpu.memory_space<vmem_shared>>)
      tpu.yield
    }) : () -> ()
    %mul3A_16 = arith.constant 640 : i32
    %mul3A_17 = arith.muli %arg1, %mul3A_16 : i32
    %add3A_18 = arith.constant 256 : i32
    %add3A_19 = arith.addi %mul3A_17, %add3A_18 : i32
    "tpu.region"() ({
      %run_scoped3A = tpu.sem_alloc : memref<!tpu.dma_semaphore, #tpu.memory_space<semaphore_mem>>
      %dma_start3A = arith.constant 0 : i32
      %dma_start3A_39 = tpu.memref_slice %arg10[%add3A_19, %dma_start3A] : memref<10240x128xf32, #tpu.memory_space<vmem_shared>> -> memref<128x128xf32, #tpu.memory_space<vmem_shared>>
      %dma_start3A_40 = arith.constant 0 : i32
      %dma_start3A_41 = tpu.memref_slice %arg10[%add3A_19, %dma_start3A_40] : memref<10240x128xf32, #tpu.memory_space<vmem_shared>> -> memref<128x128xf32, #tpu.memory_space<vmem_shared>>
      tpu.enqueue_dma source(%arg8 : memref<128x128xf32, #tpu.memory_space<vmem>>) target(%dma_start3A_41 : memref<128x128xf32, #tpu.memory_space<vmem_shared>>) target_semaphore(%run_scoped3A : memref<!tpu.dma_semaphore, #tpu.memory_space<semaphore_mem>>)
      %dma_wait3A = arith.constant 0 : i32
      %dma_wait3A_42 = tpu.memref_slice %arg10[%add3A_19, %dma_wait3A] : memref<10240x128xf32, #tpu.memory_space<vmem_shared>> -> memref<128x128xf32, #tpu.memory_space<vmem_shared>>
      %dma_wait3A_43 = arith.constant 0 : i32
      %dma_wait3A_44 = tpu.memref_slice %arg10[%add3A_19, %dma_wait3A_43] : memref<10240x128xf32, #tpu.memory_space<vmem_shared>> -> memref<128x128xf32, #tpu.memory_space<vmem_shared>>
      tpu.wait_dma2 semaphore(%run_scoped3A : memref<!tpu.dma_semaphore, #tpu.memory_space<semaphore_mem>>) src(%arg8 : memref<128x128xf32, #tpu.memory_space<vmem>>) dst(%dma_wait3A_44 : memref<128x128xf32, #tpu.memory_space<vmem_shared>>)
      tpu.yield
    }) : () -> ()
    %mul3A_20 = arith.constant 640 : i32
    %mul3A_21 = arith.muli %arg1, %mul3A_20 : i32
    %add3A_22 = arith.constant 384 : i32
    %add3A_23 = arith.addi %mul3A_21, %add3A_22 : i32
    "tpu.region"() ({
      %run_scoped3A = tpu.sem_alloc : memref<!tpu.dma_semaphore, #tpu.memory_space<semaphore_mem>>
      %dma_start3A = arith.constant 0 : i32
      %dma_start3A_39 = tpu.memref_slice %arg10[%add3A_23, %dma_start3A] : memref<10240x128xf32, #tpu.memory_space<vmem_shared>> -> memref<128x128xf32, #tpu.memory_space<vmem_shared>>
      %dma_start3A_40 = arith.constant 0 : i32
      %dma_start3A_41 = tpu.memref_slice %arg10[%add3A_23, %dma_start3A_40] : memref<10240x128xf32, #tpu.memory_space<vmem_shared>> -> memref<128x128xf32, #tpu.memory_space<vmem_shared>>
      tpu.enqueue_dma source(%arg8 : memref<128x128xf32, #tpu.memory_space<vmem>>) target(%dma_start3A_41 : memref<128x128xf32, #tpu.memory_space<vmem_shared>>) target_semaphore(%run_scoped3A : memref<!tpu.dma_semaphore, #tpu.memory_space<semaphore_mem>>)
      %dma_wait3A = arith.constant 0 : i32
      %dma_wait3A_42 = tpu.memref_slice %arg10[%add3A_23, %dma_wait3A] : memref<10240x128xf32, #tpu.memory_space<vmem_shared>> -> memref<128x128xf32, #tpu.memory_space<vmem_shared>>
      %dma_wait3A_43 = arith.constant 0 : i32
      %dma_wait3A_44 = tpu.memref_slice %arg10[%add3A_23, %dma_wait3A_43] : memref<10240x128xf32, #tpu.memory_space<vmem_shared>> -> memref<128x128xf32, #tpu.memory_space<vmem_shared>>
      tpu.wait_dma2 semaphore(%run_scoped3A : memref<!tpu.dma_semaphore, #tpu.memory_space<semaphore_mem>>) src(%arg8 : memref<128x128xf32, #tpu.memory_space<vmem>>) dst(%dma_wait3A_44 : memref<128x128xf32, #tpu.memory_space<vmem_shared>>)
      tpu.yield
    }) : () -> ()
    %mul3A_24 = arith.constant 640 : i32
    %mul3A_25 = arith.muli %arg1, %mul3A_24 : i32
    %add3A_26 = arith.constant 512 : i32
    %add3A_27 = arith.addi %mul3A_25, %add3A_26 : i32
    "tpu.region"() ({
      %run_scoped3A = tpu.sem_alloc : memref<!tpu.dma_semaphore, #tpu.memory_space<semaphore_mem>>
      %dma_start3A = arith.constant 0 : i32
      %dma_start3A_39 = tpu.memref_slice %arg10[%add3A_27, %dma_start3A] : memref<10240x128xf32, #tpu.memory_space<vmem_shared>> -> memref<128x128xf32, #tpu.memory_space<vmem_shared>>
      %dma_start3A_40 = arith.constant 0 : i32
      %dma_start3A_41 = tpu.memref_slice %arg10[%add3A_27, %dma_start3A_40] : memref<10240x128xf32, #tpu.memory_space<vmem_shared>> -> memref<128x128xf32, #tpu.memory_space<vmem_shared>>
      tpu.enqueue_dma source(%arg8 : memref<128x128xf32, #tpu.memory_space<vmem>>) target(%dma_start3A_41 : memref<128x128xf32, #tpu.memory_space<vmem_shared>>) target_semaphore(%run_scoped3A : memref<!tpu.dma_semaphore, #tpu.memory_space<semaphore_mem>>)
      %dma_wait3A = arith.constant 0 : i32
      %dma_wait3A_42 = tpu.memref_slice %arg10[%add3A_27, %dma_wait3A] : memref<10240x128xf32, #tpu.memory_space<vmem_shared>> -> memref<128x128xf32, #tpu.memory_space<vmem_shared>>
      %dma_wait3A_43 = arith.constant 0 : i32
      %dma_wait3A_44 = tpu.memref_slice %arg10[%add3A_27, %dma_wait3A_43] : memref<10240x128xf32, #tpu.memory_space<vmem_shared>> -> memref<128x128xf32, #tpu.memory_space<vmem_shared>>
      tpu.wait_dma2 semaphore(%run_scoped3A : memref<!tpu.dma_semaphore, #tpu.memory_space<semaphore_mem>>) src(%arg8 : memref<128x128xf32, #tpu.memory_space<vmem>>) dst(%dma_wait3A_44 : memref<128x128xf32, #tpu.memory_space<vmem_shared>>)
      tpu.yield
    }) : () -> ()
    %barrier3A = arith.constant 0 : index
    tpu.barrier barrier_id(%barrier3A)
    %lt3A = arith.constant 31 : i32
    %lt3A_28 = arith.cmpi slt, %add3A, %lt3A : i32
    %convert_element_type3A = arith.extui %lt3A_28 : i1 to i32
    %cond3A = arith.constant 0 : i32
    %cond3A_29 = arith.cmpi ne, %convert_element_type3A, %cond3A : i32
    scf.if %cond3A_29 {
      %mul3A_39 = arith.constant 80 : i32
      %mul3A_40 = arith.muli %mul3A_39, %add3A : i32
      "tpu.region"() ({
        %run_scoped3A = tpu.sem_alloc : memref<!tpu.dma_semaphore, #tpu.memory_space<semaphore_mem>>
        %dma_start3A_72 = arith.constant 0 : i32
        %dma_start3A_73 = arith.constant 0 : i32
        %dma_start3A_74 = tpu.memref_slice %arg6[%dma_start3A_72, %dma_start3A_73] : memref<40x128xi32, #tpu.memory_space<vmem>> -> memref<40x128xi32, #tpu.memory_space<vmem>>
        %dma_start3A_75 = arith.constant 0 : i32
        %dma_start3A_76 = tpu.memref_slice %arg3[%mul3A_40, %dma_start3A_75] : memref<2500x128xi32, #tpu.memory_space<hbm>> -> memref<40x128xi32, #tpu.memory_space<hbm>>
        %dma_start3A_77 = arith.constant 0 : i32
        %dma_start3A_78 = arith.constant 0 : i32
        %dma_start3A_79 = tpu.memref_slice %arg6[%dma_start3A_77, %dma_start3A_78] : memref<40x128xi32, #tpu.memory_space<vmem>> -> memref<40x128xi32, #tpu.memory_space<vmem>>
        %dma_start3A_80 = arith.constant 0 : i32
        %dma_start3A_81 = tpu.memref_slice %arg3[%mul3A_40, %dma_start3A_80] : memref<2500x128xi32, #tpu.memory_space<hbm>> -> memref<40x128xi32, #tpu.memory_space<hbm>>
        tpu.enqueue_dma source(%dma_start3A_81 : memref<40x128xi32, #tpu.memory_space<hbm>>) target(%dma_start3A_79 : memref<40x128xi32, #tpu.memory_space<vmem>>) target_semaphore(%run_scoped3A : memref<!tpu.dma_semaphore, #tpu.memory_space<semaphore_mem>>)
        %dma_wait3A = arith.constant 0 : i32
        %dma_wait3A_82 = arith.constant 0 : i32
        %dma_wait3A_83 = tpu.memref_slice %arg6[%dma_wait3A, %dma_wait3A_82] : memref<40x128xi32, #tpu.memory_space<vmem>> -> memref<40x128xi32, #tpu.memory_space<vmem>>
        %dma_wait3A_84 = arith.constant 0 : i32
        %dma_wait3A_85 = tpu.memref_slice %arg3[%mul3A_40, %dma_wait3A_84] : memref<2500x128xi32, #tpu.memory_space<hbm>> -> memref<40x128xi32, #tpu.memory_space<hbm>>
        %dma_wait3A_86 = arith.constant 0 : i32
        %dma_wait3A_87 = arith.constant 0 : i32
        %dma_wait3A_88 = tpu.memref_slice %arg6[%dma_wait3A_86, %dma_wait3A_87] : memref<40x128xi32, #tpu.memory_space<vmem>> -> memref<40x128xi32, #tpu.memory_space<vmem>>
        %dma_wait3A_89 = arith.constant 0 : i32
        %dma_wait3A_90 = tpu.memref_slice %arg3[%mul3A_40, %dma_wait3A_89] : memref<2500x128xi32, #tpu.memory_space<hbm>> -> memref<40x128xi32, #tpu.memory_space<hbm>>
        tpu.wait_dma2 semaphore(%run_scoped3A : memref<!tpu.dma_semaphore, #tpu.memory_space<semaphore_mem>>) src(%dma_wait3A_90 : memref<40x128xi32, #tpu.memory_space<hbm>>) dst(%dma_wait3A_88 : memref<40x128xi32, #tpu.memory_space<vmem>>)
        tpu.yield
      }) : () -> ()
      "tpu.region"() ({
        %run_scoped3A = tpu.sem_alloc : memref<!tpu.dma_semaphore, #tpu.memory_space<semaphore_mem>>
        %dma_start3A_72 = arith.constant 0 : i32
        %dma_start3A_73 = arith.constant 0 : i32
        %dma_start3A_74 = tpu.memref_slice %arg7[%dma_start3A_72, %dma_start3A_73] : memref<40x128xi32, #tpu.memory_space<vmem>> -> memref<40x128xi32, #tpu.memory_space<vmem>>
        %dma_start3A_75 = arith.constant 0 : i32
        %dma_start3A_76 = tpu.memref_slice %arg4[%mul3A_40, %dma_start3A_75] : memref<2500x128xi32, #tpu.memory_space<hbm>> -> memref<40x128xi32, #tpu.memory_space<hbm>>
        %dma_start3A_77 = arith.constant 0 : i32
        %dma_start3A_78 = arith.constant 0 : i32
        %dma_start3A_79 = tpu.memref_slice %arg7[%dma_start3A_77, %dma_start3A_78] : memref<40x128xi32, #tpu.memory_space<vmem>> -> memref<40x128xi32, #tpu.memory_space<vmem>>
        %dma_start3A_80 = arith.constant 0 : i32
        %dma_start3A_81 = tpu.memref_slice %arg4[%mul3A_40, %dma_start3A_80] : memref<2500x128xi32, #tpu.memory_space<hbm>> -> memref<40x128xi32, #tpu.memory_space<hbm>>
        tpu.enqueue_dma source(%dma_start3A_81 : memref<40x128xi32, #tpu.memory_space<hbm>>) target(%dma_start3A_79 : memref<40x128xi32, #tpu.memory_space<vmem>>) target_semaphore(%run_scoped3A : memref<!tpu.dma_semaphore, #tpu.memory_space<semaphore_mem>>)
        %dma_wait3A = arith.constant 0 : i32
        %dma_wait3A_82 = arith.constant 0 : i32
        %dma_wait3A_83 = tpu.memref_slice %arg7[%dma_wait3A, %dma_wait3A_82] : memref<40x128xi32, #tpu.memory_space<vmem>> -> memref<40x128xi32, #tpu.memory_space<vmem>>
        %dma_wait3A_84 = arith.constant 0 : i32
        %dma_wait3A_85 = tpu.memref_slice %arg4[%mul3A_40, %dma_wait3A_84] : memref<2500x128xi32, #tpu.memory_space<hbm>> -> memref<40x128xi32, #tpu.memory_space<hbm>>
        %dma_wait3A_86 = arith.constant 0 : i32
        %dma_wait3A_87 = arith.constant 0 : i32
        %dma_wait3A_88 = tpu.memref_slice %arg7[%dma_wait3A_86, %dma_wait3A_87] : memref<40x128xi32, #tpu.memory_space<vmem>> -> memref<40x128xi32, #tpu.memory_space<vmem>>
        %dma_wait3A_89 = arith.constant 0 : i32
        %dma_wait3A_90 = tpu.memref_slice %arg4[%mul3A_40, %dma_wait3A_89] : memref<2500x128xi32, #tpu.memory_space<hbm>> -> memref<40x128xi32, #tpu.memory_space<hbm>>
        tpu.wait_dma2 semaphore(%run_scoped3A : memref<!tpu.dma_semaphore, #tpu.memory_space<semaphore_mem>>) src(%dma_wait3A_90 : memref<40x128xi32, #tpu.memory_space<hbm>>) dst(%dma_wait3A_88 : memref<40x128xi32, #tpu.memory_space<vmem>>)
        tpu.yield
      }) : () -> ()
      %dma_start3A = arith.constant 0 : i32
      %dma_start3A_41 = arith.constant 0 : i32
      %dma_start3A_42 = tpu.memref_slice %arg6[%dma_start3A, %dma_start3A_41] : memref<40x128xi32, #tpu.memory_space<vmem>> -> memref<1x128xi32, #tpu.memory_space<vmem>>
      %dma_start3A_43 = tpu.memref_squeeze %dma_start3A_42 : memref<1x128xi32, #tpu.memory_space<vmem>> -> memref<128xi32, #tpu.memory_space<vmem>>
      %dma_start3A_44 = arith.constant 0 : i32
      %dma_start3A_45 = arith.constant 0 : i32
      %dma_start3A_46 = tpu.memref_slice %arg2[%dma_start3A_44, %dma_start3A_45] : memref<10000x128xf32, #tpu.memory_space<hbm>> -> memref<10000x128xf32, #tpu.memory_space<hbm>>
      tpu.enqueue_indirect_dma source(%dma_start3A_46 : memref<10000x128xf32, #tpu.memory_space<hbm>>) target(%arg8 : memref<128x128xf32, #tpu.memory_space<vmem>>) offsets(%dma_start3A_43 : memref<128xi32, #tpu.memory_space<vmem>>) semaphore(%arg11 : memref<!tpu.dma_semaphore, #tpu.memory_space<semaphore_mem>>)
      %scan3A_47 = arith.constant 0 : i32
      %scan3A_48 = arith.constant 0 : i32
      %scan3A_49 = arith.constant 20 : i32
      %scan3A_50 = arith.addi %scan3A_48, %scan3A_49 : i32
      %scan3A_51 = arith.constant 1 : i32
      %scan3A_52 = scf.for %scan3A_72 = %scan3A_48 to %scan3A_50 step %scan3A_51 iter_args(%scan3A_73 = %scan3A_47) -> (i32)  : i32 {
        %mul3A_74 = arith.constant 2 : i32
        %mul3A_75 = arith.muli %scan3A_72, %mul3A_74 : i32
        %add3A_76 = arith.constant 1 : i32
        %add3A_77 = arith.addi %mul3A_75, %add3A_76 : i32
        %dma_start3A_78 = arith.constant 0 : i32
        %dma_start3A_79 = tpu.memref_slice %arg6[%add3A_77, %dma_start3A_78] : memref<40x128xi32, #tpu.memory_space<vmem>> -> memref<1x128xi32, #tpu.memory_space<vmem>>
        %dma_start3A_80 = tpu.memref_squeeze %dma_start3A_79 : memref<1x128xi32, #tpu.memory_space<vmem>> -> memref<128xi32, #tpu.memory_space<vmem>>
        %dma_start3A_81 = arith.constant 0 : i32
        %dma_start3A_82 = arith.constant 0 : i32
        %dma_start3A_83 = tpu.memref_slice %arg2[%dma_start3A_81, %dma_start3A_82] : memref<10000x128xf32, #tpu.memory_space<hbm>> -> memref<10000x128xf32, #tpu.memory_space<hbm>>
        tpu.enqueue_indirect_dma source(%dma_start3A_83 : memref<10000x128xf32, #tpu.memory_space<hbm>>) target(%arg9 : memref<128x128xf32, #tpu.memory_space<vmem>>) offsets(%dma_start3A_80 : memref<128xi32, #tpu.memory_space<vmem>>) semaphore(%arg12 : memref<!tpu.dma_semaphore, #tpu.memory_space<semaphore_mem>>)
        %dma_wait3A = arith.constant 0 : i32
        %dma_wait3A_84 = tpu.memref_slice %arg6[%mul3A_75, %dma_wait3A] : memref<40x128xi32, #tpu.memory_space<vmem>> -> memref<1x128xi32, #tpu.memory_space<vmem>>
        %dma_wait3A_85 = tpu.memref_squeeze %dma_wait3A_84 : memref<1x128xi32, #tpu.memory_space<vmem>> -> memref<128xi32, #tpu.memory_space<vmem>>
        %dma_wait3A_86 = arith.constant 0 : i32
        %dma_wait3A_87 = arith.constant 0 : i32
        %dma_wait3A_88 = tpu.memref_slice %arg2[%dma_wait3A_86, %dma_wait3A_87] : memref<10000x128xf32, #tpu.memory_space<hbm>> -> memref<10000x128xf32, #tpu.memory_space<hbm>>
        tpu.wait_indirect_dma semaphore(%arg11 : memref<!tpu.dma_semaphore, #tpu.memory_space<semaphore_mem>>) src(%dma_wait3A_88 : memref<10000x128xf32, #tpu.memory_space<hbm>>) dst(%arg8 : memref<128x128xf32, #tpu.memory_space<vmem>>)
        "tpu.region"() ({
          %run_scoped3A = tpu.sem_alloc : memref<!tpu.dma_semaphore, #tpu.memory_space<semaphore_mem>>
          %dma_start3A_107 = arith.constant 0 : i32
          %dma_start3A_108 = tpu.memref_slice %arg7[%mul3A_75, %dma_start3A_107] : memref<40x128xi32, #tpu.memory_space<vmem>> -> memref<1x128xi32, #tpu.memory_space<vmem>>
          %dma_start3A_109 = tpu.memref_squeeze %dma_start3A_108 : memref<1x128xi32, #tpu.memory_space<vmem>> -> memref<128xi32, #tpu.memory_space<vmem>>
          %dma_start3A_110 = arith.constant 0 : i32
          %dma_start3A_111 = arith.constant 0 : i32
          %dma_start3A_112 = tpu.memref_slice %arg10[%dma_start3A_110, %dma_start3A_111] : memref<10240x128xf32, #tpu.memory_space<vmem_shared>> -> memref<10240x128xf32, #tpu.memory_space<vmem_shared>>
          tpu.enqueue_indirect_dma source(%arg8 : memref<128x128xf32, #tpu.memory_space<vmem>>) target(%dma_start3A_112 : memref<10240x128xf32, #tpu.memory_space<vmem_shared>>) offsets(%dma_start3A_109 : memref<128xi32, #tpu.memory_space<vmem>>) semaphore(%run_scoped3A : memref<!tpu.dma_semaphore, #tpu.memory_space<semaphore_mem>>) {add = true}
          %dma_wait3A_113 = arith.constant 0 : i32
          %dma_wait3A_114 = tpu.memref_slice %arg7[%mul3A_75, %dma_wait3A_113] : memref<40x128xi32, #tpu.memory_space<vmem>> -> memref<1x128xi32, #tpu.memory_space<vmem>>
          %dma_wait3A_115 = tpu.memref_squeeze %dma_wait3A_114 : memref<1x128xi32, #tpu.memory_space<vmem>> -> memref<128xi32, #tpu.memory_space<vmem>>
          %dma_wait3A_116 = arith.constant 0 : i32
          %dma_wait3A_117 = arith.constant 0 : i32
          %dma_wait3A_118 = tpu.memref_slice %arg10[%dma_wait3A_116, %dma_wait3A_117] : memref<10240x128xf32, #tpu.memory_space<vmem_shared>> -> memref<10240x128xf32, #tpu.memory_space<vmem_shared>>
          tpu.wait_indirect_dma semaphore(%run_scoped3A : memref<!tpu.dma_semaphore, #tpu.memory_space<semaphore_mem>>) src(%arg8 : memref<128x128xf32, #tpu.memory_space<vmem>>) dst(%dma_wait3A_118 : memref<10240x128xf32, #tpu.memory_space<vmem_shared>>)
          tpu.yield
        }) : () -> ()
        %add3A_89 = arith.constant 2 : i32
        %add3A_90 = arith.addi %mul3A_75, %add3A_89 : i32
        %lt3A_91 = arith.constant 40 : i32
        %lt3A_92 = arith.cmpi slt, %add3A_90, %lt3A_91 : i32
        %convert_element_type3A_93 = arith.extui %lt3A_92 : i1 to i32
        %cond3A_94 = arith.constant 0 : i32
        %cond3A_95 = arith.cmpi ne, %convert_element_type3A_93, %cond3A_94 : i32
        scf.if %cond3A_95 {
          %add3A_107 = arith.constant 2 : i32
          %add3A_108 = arith.addi %mul3A_75, %add3A_107 : i32
          %dma_start3A_109 = arith.constant 0 : i32
          %dma_start3A_110 = tpu.memref_slice %arg6[%add3A_108, %dma_start3A_109] : memref<40x128xi32, #tpu.memory_space<vmem>> -> memref<1x128xi32, #tpu.memory_space<vmem>>
          %dma_start3A_111 = tpu.memref_squeeze %dma_start3A_110 : memref<1x128xi32, #tpu.memory_space<vmem>> -> memref<128xi32, #tpu.memory_space<vmem>>
          %dma_start3A_112 = arith.constant 0 : i32
          %dma_start3A_113 = arith.constant 0 : i32
          %dma_start3A_114 = tpu.memref_slice %arg2[%dma_start3A_112, %dma_start3A_113] : memref<10000x128xf32, #tpu.memory_space<hbm>> -> memref<10000x128xf32, #tpu.memory_space<hbm>>
          tpu.enqueue_indirect_dma source(%dma_start3A_114 : memref<10000x128xf32, #tpu.memory_space<hbm>>) target(%arg8 : memref<128x128xf32, #tpu.memory_space<vmem>>) offsets(%dma_start3A_111 : memref<128xi32, #tpu.memory_space<vmem>>) semaphore(%arg11 : memref<!tpu.dma_semaphore, #tpu.memory_space<semaphore_mem>>)
        } else {
        }
        %add3A_96 = arith.constant 1 : i32
        %add3A_97 = arith.addi %mul3A_75, %add3A_96 : i32
        %dma_wait3A_98 = arith.constant 0 : i32
        %dma_wait3A_99 = tpu.memref_slice %arg6[%add3A_97, %dma_wait3A_98] : memref<40x128xi32, #tpu.memory_space<vmem>> -> memref<1x128xi32, #tpu.memory_space<vmem>>
        %dma_wait3A_100 = tpu.memref_squeeze %dma_wait3A_99 : memref<1x128xi32, #tpu.memory_space<vmem>> -> memref<128xi32, #tpu.memory_space<vmem>>
        %dma_wait3A_101 = arith.constant 0 : i32
        %dma_wait3A_102 = arith.constant 0 : i32
        %dma_wait3A_103 = tpu.memref_slice %arg2[%dma_wait3A_101, %dma_wait3A_102] : memref<10000x128xf32, #tpu.memory_space<hbm>> -> memref<10000x128xf32, #tpu.memory_space<hbm>>
        tpu.wait_indirect_dma semaphore(%arg12 : memref<!tpu.dma_semaphore, #tpu.memory_space<semaphore_mem>>) src(%dma_wait3A_103 : memref<10000x128xf32, #tpu.memory_space<hbm>>) dst(%arg9 : memref<128x128xf32, #tpu.memory_space<vmem>>)
        %add3A_104 = arith.constant 1 : i32
        %add3A_105 = arith.addi %mul3A_75, %add3A_104 : i32
        "tpu.region"() ({
          %run_scoped3A = tpu.sem_alloc : memref<!tpu.dma_semaphore, #tpu.memory_space<semaphore_mem>>
          %dma_start3A_107 = arith.constant 0 : i32
          %dma_start3A_108 = tpu.memref_slice %arg7[%add3A_105, %dma_start3A_107] : memref<40x128xi32, #tpu.memory_space<vmem>> -> memref<1x128xi32, #tpu.memory_space<vmem>>
          %dma_start3A_109 = tpu.memref_squeeze %dma_start3A_108 : memref<1x128xi32, #tpu.memory_space<vmem>> -> memref<128xi32, #tpu.memory_space<vmem>>
          %dma_start3A_110 = arith.constant 0 : i32
          %dma_start3A_111 = arith.constant 0 : i32
          %dma_start3A_112 = tpu.memref_slice %arg10[%dma_start3A_110, %dma_start3A_111] : memref<10240x128xf32, #tpu.memory_space<vmem_shared>> -> memref<10240x128xf32, #tpu.memory_space<vmem_shared>>
          tpu.enqueue_indirect_dma source(%arg9 : memref<128x128xf32, #tpu.memory_space<vmem>>) target(%dma_start3A_112 : memref<10240x128xf32, #tpu.memory_space<vmem_shared>>) offsets(%dma_start3A_109 : memref<128xi32, #tpu.memory_space<vmem>>) semaphore(%run_scoped3A : memref<!tpu.dma_semaphore, #tpu.memory_space<semaphore_mem>>) {add = true}
          %dma_wait3A_113 = arith.constant 0 : i32
          %dma_wait3A_114 = tpu.memref_slice %arg7[%add3A_105, %dma_wait3A_113] : memref<40x128xi32, #tpu.memory_space<vmem>> -> memref<1x128xi32, #tpu.memory_space<vmem>>
          %dma_wait3A_115 = tpu.memref_squeeze %dma_wait3A_114 : memref<1x128xi32, #tpu.memory_space<vmem>> -> memref<128xi32, #tpu.memory_space<vmem>>
          %dma_wait3A_116 = arith.constant 0 : i32
          %dma_wait3A_117 = arith.constant 0 : i32
          %dma_wait3A_118 = tpu.memref_slice %arg10[%dma_wait3A_116, %dma_wait3A_117] : memref<10240x128xf32, #tpu.memory_space<vmem_shared>> -> memref<10240x128xf32, #tpu.memory_space<vmem_shared>>
          tpu.wait_indirect_dma semaphore(%run_scoped3A : memref<!tpu.dma_semaphore, #tpu.memory_space<semaphore_mem>>) src(%arg9 : memref<128x128xf32, #tpu.memory_space<vmem>>) dst(%dma_wait3A_118 : memref<10240x128xf32, #tpu.memory_space<vmem_shared>>)
          tpu.yield
        }) : () -> ()
        %scan3A_106 = arith.constant 0 : i32
        scf.yield %scan3A_106 : i32
      }
      %scan3A_53 = arith.constant 20 : i32
      %mul3A_54 = arith.constant 80 : i32
      %mul3A_55 = arith.muli %mul3A_54, %add3A : i32
      %add3A_56 = arith.constant 40 : i32
      %add3A_57 = arith.addi %mul3A_55, %add3A_56 : i32
      "tpu.region"() ({
        %run_scoped3A = tpu.sem_alloc : memref<!tpu.dma_semaphore, #tpu.memory_space<semaphore_mem>>
        %dma_start3A_72 = arith.constant 0 : i32
        %dma_start3A_73 = arith.constant 0 : i32
        %dma_start3A_74 = tpu.memref_slice %arg6[%dma_start3A_72, %dma_start3A_73] : memref<40x128xi32, #tpu.memory_space<vmem>> -> memref<40x128xi32, #tpu.memory_space<vmem>>
        %dma_start3A_75 = arith.constant 0 : i32
        %dma_start3A_76 = tpu.memref_slice %arg3[%add3A_57, %dma_start3A_75] : memref<2500x128xi32, #tpu.memory_space<hbm>> -> memref<40x128xi32, #tpu.memory_space<hbm>>
        %dma_start3A_77 = arith.constant 0 : i32
        %dma_start3A_78 = arith.constant 0 : i32
        %dma_start3A_79 = tpu.memref_slice %arg6[%dma_start3A_77, %dma_start3A_78] : memref<40x128xi32, #tpu.memory_space<vmem>> -> memref<40x128xi32, #tpu.memory_space<vmem>>
        %dma_start3A_80 = arith.constant 0 : i32
        %dma_start3A_81 = tpu.memref_slice %arg3[%add3A_57, %dma_start3A_80] : memref<2500x128xi32, #tpu.memory_space<hbm>> -> memref<40x128xi32, #tpu.memory_space<hbm>>
        tpu.enqueue_dma source(%dma_start3A_81 : memref<40x128xi32, #tpu.memory_space<hbm>>) target(%dma_start3A_79 : memref<40x128xi32, #tpu.memory_space<vmem>>) target_semaphore(%run_scoped3A : memref<!tpu.dma_semaphore, #tpu.memory_space<semaphore_mem>>)
        %dma_wait3A = arith.constant 0 : i32
        %dma_wait3A_82 = arith.constant 0 : i32
        %dma_wait3A_83 = tpu.memref_slice %arg6[%dma_wait3A, %dma_wait3A_82] : memref<40x128xi32, #tpu.memory_space<vmem>> -> memref<40x128xi32, #tpu.memory_space<vmem>>
        %dma_wait3A_84 = arith.constant 0 : i32
        %dma_wait3A_85 = tpu.memref_slice %arg3[%add3A_57, %dma_wait3A_84] : memref<2500x128xi32, #tpu.memory_space<hbm>> -> memref<40x128xi32, #tpu.memory_space<hbm>>
        %dma_wait3A_86 = arith.constant 0 : i32
        %dma_wait3A_87 = arith.constant 0 : i32
        %dma_wait3A_88 = tpu.memref_slice %arg6[%dma_wait3A_86, %dma_wait3A_87] : memref<40x128xi32, #tpu.memory_space<vmem>> -> memref<40x128xi32, #tpu.memory_space<vmem>>
        %dma_wait3A_89 = arith.constant 0 : i32
        %dma_wait3A_90 = tpu.memref_slice %arg3[%add3A_57, %dma_wait3A_89] : memref<2500x128xi32, #tpu.memory_space<hbm>> -> memref<40x128xi32, #tpu.memory_space<hbm>>
        tpu.wait_dma2 semaphore(%run_scoped3A : memref<!tpu.dma_semaphore, #tpu.memory_space<semaphore_mem>>) src(%dma_wait3A_90 : memref<40x128xi32, #tpu.memory_space<hbm>>) dst(%dma_wait3A_88 : memref<40x128xi32, #tpu.memory_space<vmem>>)
        tpu.yield
      }) : () -> ()
      "tpu.region"() ({
        %run_scoped3A = tpu.sem_alloc : memref<!tpu.dma_semaphore, #tpu.memory_space<semaphore_mem>>
        %dma_start3A_72 = arith.constant 0 : i32
        %dma_start3A_73 = arith.constant 0 : i32
        %dma_start3A_74 = tpu.memref_slice %arg7[%dma_start3A_72, %dma_start3A_73] : memref<40x128xi32, #tpu.memory_space<vmem>> -> memref<40x128xi32, #tpu.memory_space<vmem>>
        %dma_start3A_75 = arith.constant 0 : i32
        %dma_start3A_76 = tpu.memref_slice %arg4[%add3A_57, %dma_start3A_75] : memref<2500x128xi32, #tpu.memory_space<hbm>> -> memref<40x128xi32, #tpu.memory_space<hbm>>
        %dma_start3A_77 = arith.constant 0 : i32
        %dma_start3A_78 = arith.constant 0 : i32
        %dma_start3A_79 = tpu.memref_slice %arg7[%dma_start3A_77, %dma_start3A_78] : memref<40x128xi32, #tpu.memory_space<vmem>> -> memref<40x128xi32, #tpu.memory_space<vmem>>
        %dma_start3A_80 = arith.constant 0 : i32
        %dma_start3A_81 = tpu.memref_slice %arg4[%add3A_57, %dma_start3A_80] : memref<2500x128xi32, #tpu.memory_space<hbm>> -> memref<40x128xi32, #tpu.memory_space<hbm>>
        tpu.enqueue_dma source(%dma_start3A_81 : memref<40x128xi32, #tpu.memory_space<hbm>>) target(%dma_start3A_79 : memref<40x128xi32, #tpu.memory_space<vmem>>) target_semaphore(%run_scoped3A : memref<!tpu.dma_semaphore, #tpu.memory_space<semaphore_mem>>)
        %dma_wait3A = arith.constant 0 : i32
        %dma_wait3A_82 = arith.constant 0 : i32
        %dma_wait3A_83 = tpu.memref_slice %arg7[%dma_wait3A, %dma_wait3A_82] : memref<40x128xi32, #tpu.memory_space<vmem>> -> memref<40x128xi32, #tpu.memory_space<vmem>>
        %dma_wait3A_84 = arith.constant 0 : i32
        %dma_wait3A_85 = tpu.memref_slice %arg4[%add3A_57, %dma_wait3A_84] : memref<2500x128xi32, #tpu.memory_space<hbm>> -> memref<40x128xi32, #tpu.memory_space<hbm>>
        %dma_wait3A_86 = arith.constant 0 : i32
        %dma_wait3A_87 = arith.constant 0 : i32
        %dma_wait3A_88 = tpu.memref_slice %arg7[%dma_wait3A_86, %dma_wait3A_87] : memref<40x128xi32, #tpu.memory_space<vmem>> -> memref<40x128xi32, #tpu.memory_space<vmem>>
        %dma_wait3A_89 = arith.constant 0 : i32
        %dma_wait3A_90 = tpu.memref_slice %arg4[%add3A_57, %dma_wait3A_89] : memref<2500x128xi32, #tpu.memory_space<hbm>> -> memref<40x128xi32, #tpu.memory_space<hbm>>
        tpu.wait_dma2 semaphore(%run_scoped3A : memref<!tpu.dma_semaphore, #tpu.memory_space<semaphore_mem>>) src(%dma_wait3A_90 : memref<40x128xi32, #tpu.memory_space<hbm>>) dst(%dma_wait3A_88 : memref<40x128xi32, #tpu.memory_space<vmem>>)
        tpu.yield
      }) : () -> ()
      %dma_start3A_58 = arith.constant 0 : i32
      %dma_start3A_59 = arith.constant 0 : i32
      %dma_start3A_60 = tpu.memref_slice %arg6[%dma_start3A_58, %dma_start3A_59] : memref<40x128xi32, #tpu.memory_space<vmem>> -> memref<1x128xi32, #tpu.memory_space<vmem>>
      %dma_start3A_61 = tpu.memref_squeeze %dma_start3A_60 : memref<1x128xi32, #tpu.memory_space<vmem>> -> memref<128xi32, #tpu.memory_space<vmem>>
      %dma_start3A_62 = arith.constant 0 : i32
      %dma_start3A_63 = arith.constant 0 : i32
      %dma_start3A_64 = tpu.memref_slice %arg2[%dma_start3A_62, %dma_start3A_63] : memref<10000x128xf32, #tpu.memory_space<hbm>> -> memref<10000x128xf32, #tpu.memory_space<hbm>>
      tpu.enqueue_indirect_dma source(%dma_start3A_64 : memref<10000x128xf32, #tpu.memory_space<hbm>>) target(%arg8 : memref<128x128xf32, #tpu.memory_space<vmem>>) offsets(%dma_start3A_61 : memref<128xi32, #tpu.memory_space<vmem>>) semaphore(%arg11 : memref<!tpu.dma_semaphore, #tpu.memory_space<semaphore_mem>>)
      %scan3A_65 = arith.constant 0 : i32
      %scan3A_66 = arith.constant 0 : i32
      %scan3A_67 = arith.constant 20 : i32
      %scan3A_68 = arith.addi %scan3A_66, %scan3A_67 : i32
      %scan3A_69 = arith.constant 1 : i32
      %scan3A_70 = scf.for %scan3A_72 = %scan3A_66 to %scan3A_68 step %scan3A_69 iter_args(%scan3A_73 = %scan3A_65) -> (i32)  : i32 {
        %mul3A_74 = arith.constant 2 : i32
        %mul3A_75 = arith.muli %scan3A_72, %mul3A_74 : i32
        %add3A_76 = arith.constant 1 : i32
        %add3A_77 = arith.addi %mul3A_75, %add3A_76 : i32
        %dma_start3A_78 = arith.constant 0 : i32
        %dma_start3A_79 = tpu.memref_slice %arg6[%add3A_77, %dma_start3A_78] : memref<40x128xi32, #tpu.memory_space<vmem>> -> memref<1x128xi32, #tpu.memory_space<vmem>>
        %dma_start3A_80 = tpu.memref_squeeze %dma_start3A_79 : memref<1x128xi32, #tpu.memory_space<vmem>> -> memref<128xi32, #tpu.memory_space<vmem>>
        %dma_start3A_81 = arith.constant 0 : i32
        %dma_start3A_82 = arith.constant 0 : i32
        %dma_start3A_83 = tpu.memref_slice %arg2[%dma_start3A_81, %dma_start3A_82] : memref<10000x128xf32, #tpu.memory_space<hbm>> -> memref<10000x128xf32, #tpu.memory_space<hbm>>
        tpu.enqueue_indirect_dma source(%dma_start3A_83 : memref<10000x128xf32, #tpu.memory_space<hbm>>) target(%arg9 : memref<128x128xf32, #tpu.memory_space<vmem>>) offsets(%dma_start3A_80 : memref<128xi32, #tpu.memory_space<vmem>>) semaphore(%arg12 : memref<!tpu.dma_semaphore, #tpu.memory_space<semaphore_mem>>)
        %dma_wait3A = arith.constant 0 : i32
        %dma_wait3A_84 = tpu.memref_slice %arg6[%mul3A_75, %dma_wait3A] : memref<40x128xi32, #tpu.memory_space<vmem>> -> memref<1x128xi32, #tpu.memory_space<vmem>>
        %dma_wait3A_85 = tpu.memref_squeeze %dma_wait3A_84 : memref<1x128xi32, #tpu.memory_space<vmem>> -> memref<128xi32, #tpu.memory_space<vmem>>
        %dma_wait3A_86 = arith.constant 0 : i32
        %dma_wait3A_87 = arith.constant 0 : i32
        %dma_wait3A_88 = tpu.memref_slice %arg2[%dma_wait3A_86, %dma_wait3A_87] : memref<10000x128xf32, #tpu.memory_space<hbm>> -> memref<10000x128xf32, #tpu.memory_space<hbm>>
        tpu.wait_indirect_dma semaphore(%arg11 : memref<!tpu.dma_semaphore, #tpu.memory_space<semaphore_mem>>) src(%dma_wait3A_88 : memref<10000x128xf32, #tpu.memory_space<hbm>>) dst(%arg8 : memref<128x128xf32, #tpu.memory_space<vmem>>)
        "tpu.region"() ({
          %run_scoped3A = tpu.sem_alloc : memref<!tpu.dma_semaphore, #tpu.memory_space<semaphore_mem>>
          %dma_start3A_107 = arith.constant 0 : i32
          %dma_start3A_108 = tpu.memref_slice %arg7[%mul3A_75, %dma_start3A_107] : memref<40x128xi32, #tpu.memory_space<vmem>> -> memref<1x128xi32, #tpu.memory_space<vmem>>
          %dma_start3A_109 = tpu.memref_squeeze %dma_start3A_108 : memref<1x128xi32, #tpu.memory_space<vmem>> -> memref<128xi32, #tpu.memory_space<vmem>>
          %dma_start3A_110 = arith.constant 0 : i32
          %dma_start3A_111 = arith.constant 0 : i32
          %dma_start3A_112 = tpu.memref_slice %arg10[%dma_start3A_110, %dma_start3A_111] : memref<10240x128xf32, #tpu.memory_space<vmem_shared>> -> memref<10240x128xf32, #tpu.memory_space<vmem_shared>>
          tpu.enqueue_indirect_dma source(%arg8 : memref<128x128xf32, #tpu.memory_space<vmem>>) target(%dma_start3A_112 : memref<10240x128xf32, #tpu.memory_space<vmem_shared>>) offsets(%dma_start3A_109 : memref<128xi32, #tpu.memory_space<vmem>>) semaphore(%run_scoped3A : memref<!tpu.dma_semaphore, #tpu.memory_space<semaphore_mem>>) {add = true}
          %dma_wait3A_113 = arith.constant 0 : i32
          %dma_wait3A_114 = tpu.memref_slice %arg7[%mul3A_75, %dma_wait3A_113] : memref<40x128xi32, #tpu.memory_space<vmem>> -> memref<1x128xi32, #tpu.memory_space<vmem>>
          %dma_wait3A_115 = tpu.memref_squeeze %dma_wait3A_114 : memref<1x128xi32, #tpu.memory_space<vmem>> -> memref<128xi32, #tpu.memory_space<vmem>>
          %dma_wait3A_116 = arith.constant 0 : i32
          %dma_wait3A_117 = arith.constant 0 : i32
          %dma_wait3A_118 = tpu.memref_slice %arg10[%dma_wait3A_116, %dma_wait3A_117] : memref<10240x128xf32, #tpu.memory_space<vmem_shared>> -> memref<10240x128xf32, #tpu.memory_space<vmem_shared>>
          tpu.wait_indirect_dma semaphore(%run_scoped3A : memref<!tpu.dma_semaphore, #tpu.memory_space<semaphore_mem>>) src(%arg8 : memref<128x128xf32, #tpu.memory_space<vmem>>) dst(%dma_wait3A_118 : memref<10240x128xf32, #tpu.memory_space<vmem_shared>>)
          tpu.yield
        }) : () -> ()
        %add3A_89 = arith.constant 2 : i32
        %add3A_90 = arith.addi %mul3A_75, %add3A_89 : i32
        %lt3A_91 = arith.constant 40 : i32
        %lt3A_92 = arith.cmpi slt, %add3A_90, %lt3A_91 : i32
        %convert_element_type3A_93 = arith.extui %lt3A_92 : i1 to i32
        %cond3A_94 = arith.constant 0 : i32
        %cond3A_95 = arith.cmpi ne, %convert_element_type3A_93, %cond3A_94 : i32
        scf.if %cond3A_95 {
          %add3A_107 = arith.constant 2 : i32
          %add3A_108 = arith.addi %mul3A_75, %add3A_107 : i32
          %dma_start3A_109 = arith.constant 0 : i32
          %dma_start3A_110 = tpu.memref_slice %arg6[%add3A_108, %dma_start3A_109] : memref<40x128xi32, #tpu.memory_space<vmem>> -> memref<1x128xi32, #tpu.memory_space<vmem>>
          %dma_start3A_111 = tpu.memref_squeeze %dma_start3A_110 : memref<1x128xi32, #tpu.memory_space<vmem>> -> memref<128xi32, #tpu.memory_space<vmem>>
          %dma_start3A_112 = arith.constant 0 : i32
          %dma_start3A_113 = arith.constant 0 : i32
          %dma_start3A_114 = tpu.memref_slice %arg2[%dma_start3A_112, %dma_start3A_113] : memref<10000x128xf32, #tpu.memory_space<hbm>> -> memref<10000x128xf32, #tpu.memory_space<hbm>>
          tpu.enqueue_indirect_dma source(%dma_start3A_114 : memref<10000x128xf32, #tpu.memory_space<hbm>>) target(%arg8 : memref<128x128xf32, #tpu.memory_space<vmem>>) offsets(%dma_start3A_111 : memref<128xi32, #tpu.memory_space<vmem>>) semaphore(%arg11 : memref<!tpu.dma_semaphore, #tpu.memory_space<semaphore_mem>>)
        } else {
        }
        %add3A_96 = arith.constant 1 : i32
        %add3A_97 = arith.addi %mul3A_75, %add3A_96 : i32
        %dma_wait3A_98 = arith.constant 0 : i32
        %dma_wait3A_99 = tpu.memref_slice %arg6[%add3A_97, %dma_wait3A_98] : memref<40x128xi32, #tpu.memory_space<vmem>> -> memref<1x128xi32, #tpu.memory_space<vmem>>
        %dma_wait3A_100 = tpu.memref_squeeze %dma_wait3A_99 : memref<1x128xi32, #tpu.memory_space<vmem>> -> memref<128xi32, #tpu.memory_space<vmem>>
        %dma_wait3A_101 = arith.constant 0 : i32
        %dma_wait3A_102 = arith.constant 0 : i32
        %dma_wait3A_103 = tpu.memref_slice %arg2[%dma_wait3A_101, %dma_wait3A_102] : memref<10000x128xf32, #tpu.memory_space<hbm>> -> memref<10000x128xf32, #tpu.memory_space<hbm>>
        tpu.wait_indirect_dma semaphore(%arg12 : memref<!tpu.dma_semaphore, #tpu.memory_space<semaphore_mem>>) src(%dma_wait3A_103 : memref<10000x128xf32, #tpu.memory_space<hbm>>) dst(%arg9 : memref<128x128xf32, #tpu.memory_space<vmem>>)
        %add3A_104 = arith.constant 1 : i32
        %add3A_105 = arith.addi %mul3A_75, %add3A_104 : i32
        "tpu.region"() ({
          %run_scoped3A = tpu.sem_alloc : memref<!tpu.dma_semaphore, #tpu.memory_space<semaphore_mem>>
          %dma_start3A_107 = arith.constant 0 : i32
          %dma_start3A_108 = tpu.memref_slice %arg7[%add3A_105, %dma_start3A_107] : memref<40x128xi32, #tpu.memory_space<vmem>> -> memref<1x128xi32, #tpu.memory_space<vmem>>
          %dma_start3A_109 = tpu.memref_squeeze %dma_start3A_108 : memref<1x128xi32, #tpu.memory_space<vmem>> -> memref<128xi32, #tpu.memory_space<vmem>>
          %dma_start3A_110 = arith.constant 0 : i32
          %dma_start3A_111 = arith.constant 0 : i32
          %dma_start3A_112 = tpu.memref_slice %arg10[%dma_start3A_110, %dma_start3A_111] : memref<10240x128xf32, #tpu.memory_space<vmem_shared>> -> memref<10240x128xf32, #tpu.memory_space<vmem_shared>>
          tpu.enqueue_indirect_dma source(%arg9 : memref<128x128xf32, #tpu.memory_space<vmem>>) target(%dma_start3A_112 : memref<10240x128xf32, #tpu.memory_space<vmem_shared>>) offsets(%dma_start3A_109 : memref<128xi32, #tpu.memory_space<vmem>>) semaphore(%run_scoped3A : memref<!tpu.dma_semaphore, #tpu.memory_space<semaphore_mem>>) {add = true}
          %dma_wait3A_113 = arith.constant 0 : i32
          %dma_wait3A_114 = tpu.memref_slice %arg7[%add3A_105, %dma_wait3A_113] : memref<40x128xi32, #tpu.memory_space<vmem>> -> memref<1x128xi32, #tpu.memory_space<vmem>>
          %dma_wait3A_115 = tpu.memref_squeeze %dma_wait3A_114 : memref<1x128xi32, #tpu.memory_space<vmem>> -> memref<128xi32, #tpu.memory_space<vmem>>
          %dma_wait3A_116 = arith.constant 0 : i32
          %dma_wait3A_117 = arith.constant 0 : i32
          %dma_wait3A_118 = tpu.memref_slice %arg10[%dma_wait3A_116, %dma_wait3A_117] : memref<10240x128xf32, #tpu.memory_space<vmem_shared>> -> memref<10240x128xf32, #tpu.memory_space<vmem_shared>>
          tpu.wait_indirect_dma semaphore(%run_scoped3A : memref<!tpu.dma_semaphore, #tpu.memory_space<semaphore_mem>>) src(%arg9 : memref<128x128xf32, #tpu.memory_space<vmem>>) dst(%dma_wait3A_118 : memref<10240x128xf32, #tpu.memory_space<vmem_shared>>)
          tpu.yield
        }) : () -> ()
        %scan3A_106 = arith.constant 0 : i32
        scf.yield %scan3A_106 : i32
      }
      %scan3A_71 = arith.constant 20 : i32
    } else {
    }
    %eq3A = arith.constant 31 : i32
    %eq3A_30 = arith.cmpi eq, %add3A, %eq3A : i32
    %convert_element_type3A_31 = arith.extui %eq3A_30 : i1 to i32
    %cond3A_32 = arith.constant 0 : i32
    %cond3A_33 = arith.cmpi ne, %convert_element_type3A_31, %cond3A_32 : i32
    scf.if %cond3A_33 {
      "tpu.region"() ({
        %run_scoped3A = tpu.sem_alloc : memref<!tpu.dma_semaphore, #tpu.memory_space<semaphore_mem>>
        %dma_start3A_52 = arith.constant 0 : i32
        %dma_start3A_53 = arith.constant 0 : i32
        %dma_start3A_54 = tpu.memref_slice %arg6[%dma_start3A_52, %dma_start3A_53] : memref<40x128xi32, #tpu.memory_space<vmem>> -> memref<20x128xi32, #tpu.memory_space<vmem>>
        %dma_start3A_55 = arith.constant 2480 : i32
        %dma_start3A_56 = arith.constant 0 : i32
        %dma_start3A_57 = tpu.memref_slice %arg3[%dma_start3A_55, %dma_start3A_56] : memref<2500x128xi32, #tpu.memory_space<hbm>> -> memref<20x128xi32, #tpu.memory_space<hbm>>
        %dma_start3A_58 = arith.constant 0 : i32
        %dma_start3A_59 = arith.constant 0 : i32
        %dma_start3A_60 = tpu.memref_slice %arg6[%dma_start3A_58, %dma_start3A_59] : memref<40x128xi32, #tpu.memory_space<vmem>> -> memref<20x128xi32, #tpu.memory_space<vmem>>
        %dma_start3A_61 = arith.constant 2480 : i32
        %dma_start3A_62 = arith.constant 0 : i32
        %dma_start3A_63 = tpu.memref_slice %arg3[%dma_start3A_61, %dma_start3A_62] : memref<2500x128xi32, #tpu.memory_space<hbm>> -> memref<20x128xi32, #tpu.memory_space<hbm>>
        tpu.enqueue_dma source(%dma_start3A_63 : memref<20x128xi32, #tpu.memory_space<hbm>>) target(%dma_start3A_60 : memref<20x128xi32, #tpu.memory_space<vmem>>) target_semaphore(%run_scoped3A : memref<!tpu.dma_semaphore, #tpu.memory_space<semaphore_mem>>)
        %dma_wait3A = arith.constant 0 : i32
        %dma_wait3A_64 = arith.constant 0 : i32
        %dma_wait3A_65 = tpu.memref_slice %arg6[%dma_wait3A, %dma_wait3A_64] : memref<40x128xi32, #tpu.memory_space<vmem>> -> memref<20x128xi32, #tpu.memory_space<vmem>>
        %dma_wait3A_66 = arith.constant 2480 : i32
        %dma_wait3A_67 = arith.constant 0 : i32
        %dma_wait3A_68 = tpu.memref_slice %arg3[%dma_wait3A_66, %dma_wait3A_67] : memref<2500x128xi32, #tpu.memory_space<hbm>> -> memref<20x128xi32, #tpu.memory_space<hbm>>
        %dma_wait3A_69 = arith.constant 0 : i32
        %dma_wait3A_70 = arith.constant 0 : i32
        %dma_wait3A_71 = tpu.memref_slice %arg6[%dma_wait3A_69, %dma_wait3A_70] : memref<40x128xi32, #tpu.memory_space<vmem>> -> memref<20x128xi32, #tpu.memory_space<vmem>>
        %dma_wait3A_72 = arith.constant 2480 : i32
        %dma_wait3A_73 = arith.constant 0 : i32
        %dma_wait3A_74 = tpu.memref_slice %arg3[%dma_wait3A_72, %dma_wait3A_73] : memref<2500x128xi32, #tpu.memory_space<hbm>> -> memref<20x128xi32, #tpu.memory_space<hbm>>
        tpu.wait_dma2 semaphore(%run_scoped3A : memref<!tpu.dma_semaphore, #tpu.memory_space<semaphore_mem>>) src(%dma_wait3A_74 : memref<20x128xi32, #tpu.memory_space<hbm>>) dst(%dma_wait3A_71 : memref<20x128xi32, #tpu.memory_space<vmem>>)
        tpu.yield
      }) : () -> ()
      "tpu.region"() ({
        %run_scoped3A = tpu.sem_alloc : memref<!tpu.dma_semaphore, #tpu.memory_space<semaphore_mem>>
        %dma_start3A_52 = arith.constant 0 : i32
        %dma_start3A_53 = arith.constant 0 : i32
        %dma_start3A_54 = tpu.memref_slice %arg7[%dma_start3A_52, %dma_start3A_53] : memref<40x128xi32, #tpu.memory_space<vmem>> -> memref<20x128xi32, #tpu.memory_space<vmem>>
        %dma_start3A_55 = arith.constant 2480 : i32
        %dma_start3A_56 = arith.constant 0 : i32
        %dma_start3A_57 = tpu.memref_slice %arg4[%dma_start3A_55, %dma_start3A_56] : memref<2500x128xi32, #tpu.memory_space<hbm>> -> memref<20x128xi32, #tpu.memory_space<hbm>>
        %dma_start3A_58 = arith.constant 0 : i32
        %dma_start3A_59 = arith.constant 0 : i32
        %dma_start3A_60 = tpu.memref_slice %arg7[%dma_start3A_58, %dma_start3A_59] : memref<40x128xi32, #tpu.memory_space<vmem>> -> memref<20x128xi32, #tpu.memory_space<vmem>>
        %dma_start3A_61 = arith.constant 2480 : i32
        %dma_start3A_62 = arith.constant 0 : i32
        %dma_start3A_63 = tpu.memref_slice %arg4[%dma_start3A_61, %dma_start3A_62] : memref<2500x128xi32, #tpu.memory_space<hbm>> -> memref<20x128xi32, #tpu.memory_space<hbm>>
        tpu.enqueue_dma source(%dma_start3A_63 : memref<20x128xi32, #tpu.memory_space<hbm>>) target(%dma_start3A_60 : memref<20x128xi32, #tpu.memory_space<vmem>>) target_semaphore(%run_scoped3A : memref<!tpu.dma_semaphore, #tpu.memory_space<semaphore_mem>>)
        %dma_wait3A = arith.constant 0 : i32
        %dma_wait3A_64 = arith.constant 0 : i32
        %dma_wait3A_65 = tpu.memref_slice %arg7[%dma_wait3A, %dma_wait3A_64] : memref<40x128xi32, #tpu.memory_space<vmem>> -> memref<20x128xi32, #tpu.memory_space<vmem>>
        %dma_wait3A_66 = arith.constant 2480 : i32
        %dma_wait3A_67 = arith.constant 0 : i32
        %dma_wait3A_68 = tpu.memref_slice %arg4[%dma_wait3A_66, %dma_wait3A_67] : memref<2500x128xi32, #tpu.memory_space<hbm>> -> memref<20x128xi32, #tpu.memory_space<hbm>>
        %dma_wait3A_69 = arith.constant 0 : i32
        %dma_wait3A_70 = arith.constant 0 : i32
        %dma_wait3A_71 = tpu.memref_slice %arg7[%dma_wait3A_69, %dma_wait3A_70] : memref<40x128xi32, #tpu.memory_space<vmem>> -> memref<20x128xi32, #tpu.memory_space<vmem>>
        %dma_wait3A_72 = arith.constant 2480 : i32
        %dma_wait3A_73 = arith.constant 0 : i32
        %dma_wait3A_74 = tpu.memref_slice %arg4[%dma_wait3A_72, %dma_wait3A_73] : memref<2500x128xi32, #tpu.memory_space<hbm>> -> memref<20x128xi32, #tpu.memory_space<hbm>>
        tpu.wait_dma2 semaphore(%run_scoped3A : memref<!tpu.dma_semaphore, #tpu.memory_space<semaphore_mem>>) src(%dma_wait3A_74 : memref<20x128xi32, #tpu.memory_space<hbm>>) dst(%dma_wait3A_71 : memref<20x128xi32, #tpu.memory_space<vmem>>)
        tpu.yield
      }) : () -> ()
      %dma_start3A = arith.constant 0 : i32
      %dma_start3A_39 = arith.constant 0 : i32
      %dma_start3A_40 = tpu.memref_slice %arg6[%dma_start3A, %dma_start3A_39] : memref<40x128xi32, #tpu.memory_space<vmem>> -> memref<1x128xi32, #tpu.memory_space<vmem>>
      %dma_start3A_41 = tpu.memref_squeeze %dma_start3A_40 : memref<1x128xi32, #tpu.memory_space<vmem>> -> memref<128xi32, #tpu.memory_space<vmem>>
      %dma_start3A_42 = arith.constant 0 : i32
      %dma_start3A_43 = arith.constant 0 : i32
      %dma_start3A_44 = tpu.memref_slice %arg2[%dma_start3A_42, %dma_start3A_43] : memref<10000x128xf32, #tpu.memory_space<hbm>> -> memref<10000x128xf32, #tpu.memory_space<hbm>>
      tpu.enqueue_indirect_dma source(%dma_start3A_44 : memref<10000x128xf32, #tpu.memory_space<hbm>>) target(%arg8 : memref<128x128xf32, #tpu.memory_space<vmem>>) offsets(%dma_start3A_41 : memref<128xi32, #tpu.memory_space<vmem>>) semaphore(%arg11 : memref<!tpu.dma_semaphore, #tpu.memory_space<semaphore_mem>>)
      %scan3A_45 = arith.constant 0 : i32
      %scan3A_46 = arith.constant 0 : i32
      %scan3A_47 = arith.constant 10 : i32
      %scan3A_48 = arith.addi %scan3A_46, %scan3A_47 : i32
      %scan3A_49 = arith.constant 1 : i32
      %scan3A_50 = scf.for %scan3A_52 = %scan3A_46 to %scan3A_48 step %scan3A_49 iter_args(%scan3A_53 = %scan3A_45) -> (i32)  : i32 {
        %mul3A_54 = arith.constant 2 : i32
        %mul3A_55 = arith.muli %scan3A_52, %mul3A_54 : i32
        %add3A_56 = arith.constant 1 : i32
        %add3A_57 = arith.addi %mul3A_55, %add3A_56 : i32
        %dma_start3A_58 = arith.constant 0 : i32
        %dma_start3A_59 = tpu.memref_slice %arg6[%add3A_57, %dma_start3A_58] : memref<40x128xi32, #tpu.memory_space<vmem>> -> memref<1x128xi32, #tpu.memory_space<vmem>>
        %dma_start3A_60 = tpu.memref_squeeze %dma_start3A_59 : memref<1x128xi32, #tpu.memory_space<vmem>> -> memref<128xi32, #tpu.memory_space<vmem>>
        %dma_start3A_61 = arith.constant 0 : i32
        %dma_start3A_62 = arith.constant 0 : i32
        %dma_start3A_63 = tpu.memref_slice %arg2[%dma_start3A_61, %dma_start3A_62] : memref<10000x128xf32, #tpu.memory_space<hbm>> -> memref<10000x128xf32, #tpu.memory_space<hbm>>
        tpu.enqueue_indirect_dma source(%dma_start3A_63 : memref<10000x128xf32, #tpu.memory_space<hbm>>) target(%arg9 : memref<128x128xf32, #tpu.memory_space<vmem>>) offsets(%dma_start3A_60 : memref<128xi32, #tpu.memory_space<vmem>>) semaphore(%arg12 : memref<!tpu.dma_semaphore, #tpu.memory_space<semaphore_mem>>)
        %dma_wait3A = arith.constant 0 : i32
        %dma_wait3A_64 = tpu.memref_slice %arg6[%mul3A_55, %dma_wait3A] : memref<40x128xi32, #tpu.memory_space<vmem>> -> memref<1x128xi32, #tpu.memory_space<vmem>>
        %dma_wait3A_65 = tpu.memref_squeeze %dma_wait3A_64 : memref<1x128xi32, #tpu.memory_space<vmem>> -> memref<128xi32, #tpu.memory_space<vmem>>
        %dma_wait3A_66 = arith.constant 0 : i32
        %dma_wait3A_67 = arith.constant 0 : i32
        %dma_wait3A_68 = tpu.memref_slice %arg2[%dma_wait3A_66, %dma_wait3A_67] : memref<10000x128xf32, #tpu.memory_space<hbm>> -> memref<10000x128xf32, #tpu.memory_space<hbm>>
        tpu.wait_indirect_dma semaphore(%arg11 : memref<!tpu.dma_semaphore, #tpu.memory_space<semaphore_mem>>) src(%dma_wait3A_68 : memref<10000x128xf32, #tpu.memory_space<hbm>>) dst(%arg8 : memref<128x128xf32, #tpu.memory_space<vmem>>)
        "tpu.region"() ({
          %run_scoped3A = tpu.sem_alloc : memref<!tpu.dma_semaphore, #tpu.memory_space<semaphore_mem>>
          %dma_start3A_87 = arith.constant 0 : i32
          %dma_start3A_88 = tpu.memref_slice %arg7[%mul3A_55, %dma_start3A_87] : memref<40x128xi32, #tpu.memory_space<vmem>> -> memref<1x128xi32, #tpu.memory_space<vmem>>
          %dma_start3A_89 = tpu.memref_squeeze %dma_start3A_88 : memref<1x128xi32, #tpu.memory_space<vmem>> -> memref<128xi32, #tpu.memory_space<vmem>>
          %dma_start3A_90 = arith.constant 0 : i32
          %dma_start3A_91 = arith.constant 0 : i32
          %dma_start3A_92 = tpu.memref_slice %arg10[%dma_start3A_90, %dma_start3A_91] : memref<10240x128xf32, #tpu.memory_space<vmem_shared>> -> memref<10240x128xf32, #tpu.memory_space<vmem_shared>>
          tpu.enqueue_indirect_dma source(%arg8 : memref<128x128xf32, #tpu.memory_space<vmem>>) target(%dma_start3A_92 : memref<10240x128xf32, #tpu.memory_space<vmem_shared>>) offsets(%dma_start3A_89 : memref<128xi32, #tpu.memory_space<vmem>>) semaphore(%run_scoped3A : memref<!tpu.dma_semaphore, #tpu.memory_space<semaphore_mem>>) {add = true}
          %dma_wait3A_93 = arith.constant 0 : i32
          %dma_wait3A_94 = tpu.memref_slice %arg7[%mul3A_55, %dma_wait3A_93] : memref<40x128xi32, #tpu.memory_space<vmem>> -> memref<1x128xi32, #tpu.memory_space<vmem>>
          %dma_wait3A_95 = tpu.memref_squeeze %dma_wait3A_94 : memref<1x128xi32, #tpu.memory_space<vmem>> -> memref<128xi32, #tpu.memory_space<vmem>>
          %dma_wait3A_96 = arith.constant 0 : i32
          %dma_wait3A_97 = arith.constant 0 : i32
          %dma_wait3A_98 = tpu.memref_slice %arg10[%dma_wait3A_96, %dma_wait3A_97] : memref<10240x128xf32, #tpu.memory_space<vmem_shared>> -> memref<10240x128xf32, #tpu.memory_space<vmem_shared>>
          tpu.wait_indirect_dma semaphore(%run_scoped3A : memref<!tpu.dma_semaphore, #tpu.memory_space<semaphore_mem>>) src(%arg8 : memref<128x128xf32, #tpu.memory_space<vmem>>) dst(%dma_wait3A_98 : memref<10240x128xf32, #tpu.memory_space<vmem_shared>>)
          tpu.yield
        }) : () -> ()
        %add3A_69 = arith.constant 2 : i32
        %add3A_70 = arith.addi %mul3A_55, %add3A_69 : i32
        %lt3A_71 = arith.constant 20 : i32
        %lt3A_72 = arith.cmpi slt, %add3A_70, %lt3A_71 : i32
        %convert_element_type3A_73 = arith.extui %lt3A_72 : i1 to i32
        %cond3A_74 = arith.constant 0 : i32
        %cond3A_75 = arith.cmpi ne, %convert_element_type3A_73, %cond3A_74 : i32
        scf.if %cond3A_75 {
          %add3A_87 = arith.constant 2 : i32
          %add3A_88 = arith.addi %mul3A_55, %add3A_87 : i32
          %dma_start3A_89 = arith.constant 0 : i32
          %dma_start3A_90 = tpu.memref_slice %arg6[%add3A_88, %dma_start3A_89] : memref<40x128xi32, #tpu.memory_space<vmem>> -> memref<1x128xi32, #tpu.memory_space<vmem>>
          %dma_start3A_91 = tpu.memref_squeeze %dma_start3A_90 : memref<1x128xi32, #tpu.memory_space<vmem>> -> memref<128xi32, #tpu.memory_space<vmem>>
          %dma_start3A_92 = arith.constant 0 : i32
          %dma_start3A_93 = arith.constant 0 : i32
          %dma_start3A_94 = tpu.memref_slice %arg2[%dma_start3A_92, %dma_start3A_93] : memref<10000x128xf32, #tpu.memory_space<hbm>> -> memref<10000x128xf32, #tpu.memory_space<hbm>>
          tpu.enqueue_indirect_dma source(%dma_start3A_94 : memref<10000x128xf32, #tpu.memory_space<hbm>>) target(%arg8 : memref<128x128xf32, #tpu.memory_space<vmem>>) offsets(%dma_start3A_91 : memref<128xi32, #tpu.memory_space<vmem>>) semaphore(%arg11 : memref<!tpu.dma_semaphore, #tpu.memory_space<semaphore_mem>>)
        } else {
        }
        %add3A_76 = arith.constant 1 : i32
        %add3A_77 = arith.addi %mul3A_55, %add3A_76 : i32
        %dma_wait3A_78 = arith.constant 0 : i32
        %dma_wait3A_79 = tpu.memref_slice %arg6[%add3A_77, %dma_wait3A_78] : memref<40x128xi32, #tpu.memory_space<vmem>> -> memref<1x128xi32, #tpu.memory_space<vmem>>
        %dma_wait3A_80 = tpu.memref_squeeze %dma_wait3A_79 : memref<1x128xi32, #tpu.memory_space<vmem>> -> memref<128xi32, #tpu.memory_space<vmem>>
        %dma_wait3A_81 = arith.constant 0 : i32
        %dma_wait3A_82 = arith.constant 0 : i32
        %dma_wait3A_83 = tpu.memref_slice %arg2[%dma_wait3A_81, %dma_wait3A_82] : memref<10000x128xf32, #tpu.memory_space<hbm>> -> memref<10000x128xf32, #tpu.memory_space<hbm>>
        tpu.wait_indirect_dma semaphore(%arg12 : memref<!tpu.dma_semaphore, #tpu.memory_space<semaphore_mem>>) src(%dma_wait3A_83 : memref<10000x128xf32, #tpu.memory_space<hbm>>) dst(%arg9 : memref<128x128xf32, #tpu.memory_space<vmem>>)
        %add3A_84 = arith.constant 1 : i32
        %add3A_85 = arith.addi %mul3A_55, %add3A_84 : i32
        "tpu.region"() ({
          %run_scoped3A = tpu.sem_alloc : memref<!tpu.dma_semaphore, #tpu.memory_space<semaphore_mem>>
          %dma_start3A_87 = arith.constant 0 : i32
          %dma_start3A_88 = tpu.memref_slice %arg7[%add3A_85, %dma_start3A_87] : memref<40x128xi32, #tpu.memory_space<vmem>> -> memref<1x128xi32, #tpu.memory_space<vmem>>
          %dma_start3A_89 = tpu.memref_squeeze %dma_start3A_88 : memref<1x128xi32, #tpu.memory_space<vmem>> -> memref<128xi32, #tpu.memory_space<vmem>>
          %dma_start3A_90 = arith.constant 0 : i32
          %dma_start3A_91 = arith.constant 0 : i32
          %dma_start3A_92 = tpu.memref_slice %arg10[%dma_start3A_90, %dma_start3A_91] : memref<10240x128xf32, #tpu.memory_space<vmem_shared>> -> memref<10240x128xf32, #tpu.memory_space<vmem_shared>>
          tpu.enqueue_indirect_dma source(%arg9 : memref<128x128xf32, #tpu.memory_space<vmem>>) target(%dma_start3A_92 : memref<10240x128xf32, #tpu.memory_space<vmem_shared>>) offsets(%dma_start3A_89 : memref<128xi32, #tpu.memory_space<vmem>>) semaphore(%run_scoped3A : memref<!tpu.dma_semaphore, #tpu.memory_space<semaphore_mem>>) {add = true}
          %dma_wait3A_93 = arith.constant 0 : i32
          %dma_wait3A_94 = tpu.memref_slice %arg7[%add3A_85, %dma_wait3A_93] : memref<40x128xi32, #tpu.memory_space<vmem>> -> memref<1x128xi32, #tpu.memory_space<vmem>>
          %dma_wait3A_95 = tpu.memref_squeeze %dma_wait3A_94 : memref<1x128xi32, #tpu.memory_space<vmem>> -> memref<128xi32, #tpu.memory_space<vmem>>
          %dma_wait3A_96 = arith.constant 0 : i32
          %dma_wait3A_97 = arith.constant 0 : i32
          %dma_wait3A_98 = tpu.memref_slice %arg10[%dma_wait3A_96, %dma_wait3A_97] : memref<10240x128xf32, #tpu.memory_space<vmem_shared>> -> memref<10240x128xf32, #tpu.memory_space<vmem_shared>>
          tpu.wait_indirect_dma semaphore(%run_scoped3A : memref<!tpu.dma_semaphore, #tpu.memory_space<semaphore_mem>>) src(%arg9 : memref<128x128xf32, #tpu.memory_space<vmem>>) dst(%dma_wait3A_98 : memref<10240x128xf32, #tpu.memory_space<vmem_shared>>)
          tpu.yield
        }) : () -> ()
        %scan3A_86 = arith.constant 0 : i32
        scf.yield %scan3A_86 : i32
      }
      %scan3A_51 = arith.constant 10 : i32
    } else {
    }
    %barrier3A_34 = arith.constant 0 : index
    tpu.barrier barrier_id(%barrier3A_34)
    %mul3A_35 = arith.constant 640 : i32
    %mul3A_36 = arith.muli %arg1, %mul3A_35 : i32
    %mul3A_37 = arith.constant 640 : i32
    %mul3A_38 = arith.muli %arg1, %mul3A_37 : i32
    "tpu.region"() ({
      %run_scoped3A = tpu.sem_alloc : memref<!tpu.dma_semaphore, #tpu.memory_space<semaphore_mem>>
      %dma_start3A = arith.constant 0 : i32
      %dma_start3A_39 = tpu.memref_slice %arg5[%arg0, %mul3A_38, %dma_start3A] : memref<2x10240x128xf32, #tpu.memory_space<hbm>> -> memref<1x640x128xf32, #tpu.memory_space<hbm>>
      %dma_start3A_40 = tpu.memref_squeeze %dma_start3A_39 : memref<1x640x128xf32, #tpu.memory_space<hbm>> -> memref<640x128xf32, #tpu.memory_space<hbm>>
      %dma_start3A_41 = arith.constant 0 : i32
      %dma_start3A_42 = tpu.memref_slice %arg10[%mul3A_36, %dma_start3A_41] : memref<10240x128xf32, #tpu.memory_space<vmem_shared>> -> memref<640x128xf32, #tpu.memory_space<vmem_shared>>
      tpu.enqueue_dma source(%dma_start3A_42 : memref<640x128xf32, #tpu.memory_space<vmem_shared>>) target(%dma_start3A_40 : memref<640x128xf32, #tpu.memory_space<hbm>>) target_semaphore(%run_scoped3A : memref<!tpu.dma_semaphore, #tpu.memory_space<semaphore_mem>>)
      %dma_wait3A = arith.constant 0 : i32
      %dma_wait3A_43 = tpu.memref_slice %arg5[%arg0, %mul3A_38, %dma_wait3A] : memref<2x10240x128xf32, #tpu.memory_space<hbm>> -> memref<1x640x128xf32, #tpu.memory_space<hbm>>
      %dma_wait3A_44 = tpu.memref_squeeze %dma_wait3A_43 : memref<1x640x128xf32, #tpu.memory_space<hbm>> -> memref<640x128xf32, #tpu.memory_space<hbm>>
      %dma_wait3A_45 = arith.constant 0 : i32
      %dma_wait3A_46 = tpu.memref_slice %arg10[%mul3A_36, %dma_wait3A_45] : memref<10240x128xf32, #tpu.memory_space<vmem_shared>> -> memref<640x128xf32, #tpu.memory_space<vmem_shared>>
      tpu.wait_dma2 semaphore(%run_scoped3A : memref<!tpu.dma_semaphore, #tpu.memory_space<semaphore_mem>>) src(%dma_wait3A_46 : memref<640x128xf32, #tpu.memory_space<vmem_shared>>) dst(%dma_wait3A_44 : memref<640x128xf32, #tpu.memory_space<hbm>>)
      tpu.yield
    }) : () -> ()
    return
  }
}

#map = affine_map<(d0, d1) -> (0, 0)>
#map1 = affine_map<(d0, d1) -> (0, 0, 0)>
module attributes {stable_mosaic.version = 14 : i64} {
  func.func @body(%arg0: i32, %arg1: i32, %arg2: memref<10000x128xf32, #tpu.memory_space<hbm>>, %arg3: memref<2500x128xi32, #tpu.memory_space<hbm>>, %arg4: memref<2500x128xi32, #tpu.memory_space<hbm>>, %arg5: memref<2x10240x128xf32, #tpu.memory_space<hbm>>, %arg6: memref<40x128xi32, #tpu.memory_space<vmem>>, %arg7: memref<40x128xi32, #tpu.memory_space<vmem>>, %arg8: memref<128x128xf32, #tpu.memory_space<vmem>>, %arg9: memref<128x128xf32, #tpu.memory_space<vmem>>, %arg10: memref<10240x128xf32, #tpu.memory_space<vmem_shared>>, %arg11: memref<!tpu.dma_semaphore, #tpu.memory_space<semaphore_mem>>, %arg12: memref<!tpu.dma_semaphore, #tpu.memory_space<semaphore_mem>>) attributes {dimension_semantics = [#tpu.dimension_semantics<core_parallel>, #tpu.dimension_semantics<subcore_parallel>], iteration_bounds = array<i64: 2, 16>, scalar_prefetch = 0 : i64, scratch_operands = 7 : i64, tpu.core_type = #tpu.core_type<sc_vector_subcore>, window_params = [{transform_indices = #map}, {transform_indices = #map}, {transform_indices = #map}, {transform_indices = #map1}]} {
    %mul3A = arith.constant 16 : i32
    %mul3A_0 = arith.muli %arg0, %mul3A : i32
    %add3A = arith.addi %mul3A_0, %arg1 : i32
    %broadcast_in_dim3A = arith.constant 0.000000e+00 : f32
    %broadcast_in_dim3A_1 = vector.broadcast %broadcast_in_dim3A : f32 to vector<16xf32>
    %scan3A = arith.constant 0 : i32
    %scan3A_2 = arith.constant 0 : i32
    %scan3A_3 = arith.constant 128 : i32
    %scan3A_4 = arith.addi %scan3A_2, %scan3A_3 : i32
    %scan3A_5 = arith.constant 1 : i32
    %scan3A_6 = scf.for %scan3A_39 = %scan3A_2 to %scan3A_4 step %scan3A_5 iter_args(%scan3A_40 = %scan3A) -> (i32)  : i32 {
      %swap3A = arith.index_cast %scan3A_39 : i32 to index
      %swap3A_41 = arith.constant 0 : index
      %swap3A_42 = tpu.vector_load %arg8[%swap3A, %swap3A_41] {strides = array<i32>} : memref<128x128xf32, #tpu.memory_space<vmem>>, vector<1x16xf32>,
      %swap3A_43 = vector.shape_cast %swap3A_42 : vector<1x16xf32> to vector<16xf32>
      %swap3A_44 = vector.shape_cast %broadcast_in_dim3A_1 : vector<16xf32> to vector<1x16xf32>
      tpu.vector_store %arg8[%swap3A, %swap3A_41], %swap3A_44 {strides = array<i32>} : memref<128x128xf32, #tpu.memory_space<vmem>>, vector<1x16xf32>,
      %swap3A_45 = arith.index_cast %scan3A_39 : i32 to index
      %swap3A_46 = arith.constant 16 : index
      %swap3A_47 = tpu.vector_load %arg8[%swap3A_45, %swap3A_46] {strides = array<i32>} : memref<128x128xf32, #tpu.memory_space<vmem>>, vector<1x16xf32>,
      %swap3A_48 = vector.shape_cast %swap3A_47 : vector<1x16xf32> to vector<16xf32>
      %swap3A_49 = vector.shape_cast %broadcast_in_dim3A_1 : vector<16xf32> to vector<1x16xf32>
      tpu.vector_store %arg8[%swap3A_45, %swap3A_46], %swap3A_49 {strides = array<i32>} : memref<128x128xf32, #tpu.memory_space<vmem>>, vector<1x16xf32>,
      %swap3A_50 = arith.index_cast %scan3A_39 : i32 to index
      %swap3A_51 = arith.constant 32 : index
      %swap3A_52 = tpu.vector_load %arg8[%swap3A_50, %swap3A_51] {strides = array<i32>} : memref<128x128xf32, #tpu.memory_space<vmem>>, vector<1x16xf32>,
      %swap3A_53 = vector.shape_cast %swap3A_52 : vector<1x16xf32> to vector<16xf32>
      %swap3A_54 = vector.shape_cast %broadcast_in_dim3A_1 : vector<16xf32> to vector<1x16xf32>
      tpu.vector_store %arg8[%swap3A_50, %swap3A_51], %swap3A_54 {strides = array<i32>} : memref<128x128xf32, #tpu.memory_space<vmem>>, vector<1x16xf32>,
      %swap3A_55 = arith.index_cast %scan3A_39 : i32 to index
      %swap3A_56 = arith.constant 48 : index
      %swap3A_57 = tpu.vector_load %arg8[%swap3A_55, %swap3A_56] {strides = array<i32>} : memref<128x128xf32, #tpu.memory_space<vmem>>, vector<1x16xf32>,
      %swap3A_58 = vector.shape_cast %swap3A_57 : vector<1x16xf32> to vector<16xf32>
      %swap3A_59 = vector.shape_cast %broadcast_in_dim3A_1 : vector<16xf32> to vector<1x16xf32>
      tpu.vector_store %arg8[%swap3A_55, %swap3A_56], %swap3A_59 {strides = array<i32>} : memref<128x128xf32, #tpu.memory_space<vmem>>, vector<1x16xf32>,
      %swap3A_60 = arith.index_cast %scan3A_39 : i32 to index
      %swap3A_61 = arith.constant 64 : index
      %swap3A_62 = tpu.vector_load %arg8[%swap3A_60, %swap3A_61] {strides = array<i32>} : memref<128x128xf32, #tpu.memory_space<vmem>>, vector<1x16xf32>,
      %swap3A_63 = vector.shape_cast %swap3A_62 : vector<1x16xf32> to vector<16xf32>
      %swap3A_64 = vector.shape_cast %broadcast_in_dim3A_1 : vector<16xf32> to vector<1x16xf32>
      tpu.vector_store %arg8[%swap3A_60, %swap3A_61], %swap3A_64 {strides = array<i32>} : memref<128x128xf32, #tpu.memory_space<vmem>>, vector<1x16xf32>,
      %swap3A_65 = arith.index_cast %scan3A_39 : i32 to index
      %swap3A_66 = arith.constant 80 : index
      %swap3A_67 = tpu.vector_load %arg8[%swap3A_65, %swap3A_66] {strides = array<i32>} : memref<128x128xf32, #tpu.memory_space<vmem>>, vector<1x16xf32>,
      %swap3A_68 = vector.shape_cast %swap3A_67 : vector<1x16xf32> to vector<16xf32>
      %swap3A_69 = vector.shape_cast %broadcast_in_dim3A_1 : vector<16xf32> to vector<1x16xf32>
      tpu.vector_store %arg8[%swap3A_65, %swap3A_66], %swap3A_69 {strides = array<i32>} : memref<128x128xf32, #tpu.memory_space<vmem>>, vector<1x16xf32>,
      %swap3A_70 = arith.index_cast %scan3A_39 : i32 to index
      %swap3A_71 = arith.constant 96 : index
      %swap3A_72 = tpu.vector_load %arg8[%swap3A_70, %swap3A_71] {strides = array<i32>} : memref<128x128xf32, #tpu.memory_space<vmem>>, vector<1x16xf32>,
      %swap3A_73 = vector.shape_cast %swap3A_72 : vector<1x16xf32> to vector<16xf32>
      %swap3A_74 = vector.shape_cast %broadcast_in_dim3A_1 : vector<16xf32> to vector<1x16xf32>
      tpu.vector_store %arg8[%swap3A_70, %swap3A_71], %swap3A_74 {strides = array<i32>} : memref<128x128xf32, #tpu.memory_space<vmem>>, vector<1x16xf32>,
      %swap3A_75 = arith.index_cast %scan3A_39 : i32 to index
      %swap3A_76 = arith.constant 112 : index
      %swap3A_77 = tpu.vector_load %arg8[%swap3A_75, %swap3A_76] {strides = array<i32>} : memref<128x128xf32, #tpu.memory_space<vmem>>, vector<1x16xf32>,
      %swap3A_78 = vector.shape_cast %swap3A_77 : vector<1x16xf32> to vector<16xf32>
      %swap3A_79 = vector.shape_cast %broadcast_in_dim3A_1 : vector<16xf32> to vector<1x16xf32>
      tpu.vector_store %arg8[%swap3A_75, %swap3A_76], %swap3A_79 {strides = array<i32>} : memref<128x128xf32, #tpu.memory_space<vmem>>, vector<1x16xf32>,
      %scan3A_80 = arith.constant 0 : i32
      scf.yield %scan3A_80 : i32
    }
    %scan3A_7 = arith.constant 128 : i32
    %mul3A_8 = arith.constant 640 : i32
    %mul3A_9 = arith.muli %arg1, %mul3A_8 : i32
    %add3A_10 = arith.constant 0 : i32
    %add3A_11 = arith.addi %mul3A_9, %add3A_10 : i32
    "tpu.region"() ({
      %run_scoped3A = tpu.sem_alloc : memref<!tpu.dma_semaphore, #tpu.memory_space<semaphore_mem>>
      %dma_start3A = arith.constant 0 : i32
      %dma_start3A_39 = tpu.memref_slice %arg10[%add3A_11, %dma_start3A] : memref<10240x128xf32, #tpu.memory_space<vmem_shared>> -> memref<128x128xf32, #tpu.memory_space<vmem_shared>>
      %dma_start3A_40 = arith.constant 0 : i32
      %dma_start3A_41 = tpu.memref_slice %arg10[%add3A_11, %dma_start3A_40] : memref<10240x128xf32, #tpu.memory_space<vmem_shared>> -> memref<128x128xf32, #tpu.memory_space<vmem_shared>>
      tpu.enqueue_dma source(%arg8 : memref<128x128xf32, #tpu.memory_space<vmem>>) target(%dma_start3A_41 : memref<128x128xf32, #tpu.memory_space<vmem_shared>>) target_semaphore(%run_scoped3A : memref<!tpu.dma_semaphore, #tpu.memory_space<semaphore_mem>>)
      %dma_wait3A = arith.constant 0 : i32
      %dma_wait3A_42 = tpu.memref_slice %arg10[%add3A_11, %dma_wait3A] : memref<10240x128xf32, #tpu.memory_space<vmem_shared>> -> memref<128x128xf32, #tpu.memory_space<vmem_shared>>
      %dma_wait3A_43 = arith.constant 0 : i32
      %dma_wait3A_44 = tpu.memref_slice %arg10[%add3A_11, %dma_wait3A_43] : memref<10240x128xf32, #tpu.memory_space<vmem_shared>> -> memref<128x128xf32, #tpu.memory_space<vmem_shared>>
      tpu.wait_dma2 semaphore(%run_scoped3A : memref<!tpu.dma_semaphore, #tpu.memory_space<semaphore_mem>>) src(%arg8 : memref<128x128xf32, #tpu.memory_space<vmem>>) dst(%dma_wait3A_44 : memref<128x128xf32, #tpu.memory_space<vmem_shared>>)
      tpu.yield
    }) : () -> ()
    %mul3A_12 = arith.constant 640 : i32
    %mul3A_13 = arith.muli %arg1, %mul3A_12 : i32
    %add3A_14 = arith.constant 128 : i32
    %add3A_15 = arith.addi %mul3A_13, %add3A_14 : i32
    "tpu.region"() ({
      %run_scoped3A = tpu.sem_alloc : memref<!tpu.dma_semaphore, #tpu.memory_space<semaphore_mem>>
      %dma_start3A = arith.constant 0 : i32
      %dma_start3A_39 = tpu.memref_slice %arg10[%add3A_15, %dma_start3A] : memref<10240x128xf32, #tpu.memory_space<vmem_shared>> -> memref<128x128xf32, #tpu.memory_space<vmem_shared>>
      %dma_start3A_40 = arith.constant 0 : i32
      %dma_start3A_41 = tpu.memref_slice %arg10[%add3A_15, %dma_start3A_40] : memref<10240x128xf32, #tpu.memory_space<vmem_shared>> -> memref<128x128xf32, #tpu.memory_space<vmem_shared>>
      tpu.enqueue_dma source(%arg8 : memref<128x128xf32, #tpu.memory_space<vmem>>) target(%dma_start3A_41 : memref<128x128xf32, #tpu.memory_space<vmem_shared>>) target_semaphore(%run_scoped3A : memref<!tpu.dma_semaphore, #tpu.memory_space<semaphore_mem>>)
      %dma_wait3A = arith.constant 0 : i32
      %dma_wait3A_42 = tpu.memref_slice %arg10[%add3A_15, %dma_wait3A] : memref<10240x128xf32, #tpu.memory_space<vmem_shared>> -> memref<128x128xf32, #tpu.memory_space<vmem_shared>>
      %dma_wait3A_43 = arith.constant 0 : i32
      %dma_wait3A_44 = tpu.memref_slice %arg10[%add3A_15, %dma_wait3A_43] : memref<10240x128xf32, #tpu.memory_space<vmem_shared>> -> memref<128x128xf32, #tpu.memory_space<vmem_shared>>
      tpu.wait_dma2 semaphore(%run_scoped3A : memref<!tpu.dma_semaphore, #tpu.memory_space<semaphore_mem>>) src(%arg8 : memref<128x128xf32, #tpu.memory_space<vmem>>) dst(%dma_wait3A_44 : memref<128x128xf32, #tpu.memory_space<vmem_shared>>)
      tpu.yield
    }) : () -> ()
    %mul3A_16 = arith.constant 640 : i32
    %mul3A_17 = arith.muli %arg1, %mul3A_16 : i32
    %add3A_18 = arith.constant 256 : i32
    %add3A_19 = arith.addi %mul3A_17, %add3A_18 : i32
    "tpu.region"() ({
      %run_scoped3A = tpu.sem_alloc : memref<!tpu.dma_semaphore, #tpu.memory_space<semaphore_mem>>
      %dma_start3A = arith.constant 0 : i32
      %dma_start3A_39 = tpu.memref_slice %arg10[%add3A_19, %dma_start3A] : memref<10240x128xf32, #tpu.memory_space<vmem_shared>> -> memref<128x128xf32, #tpu.memory_space<vmem_shared>>
      %dma_start3A_40 = arith.constant 0 : i32
      %dma_start3A_41 = tpu.memref_slice %arg10[%add3A_19, %dma_start3A_40] : memref<10240x128xf32, #tpu.memory_space<vmem_shared>> -> memref<128x128xf32, #tpu.memory_space<vmem_shared>>
      tpu.enqueue_dma source(%arg8 : memref<128x128xf32, #tpu.memory_space<vmem>>) target(%dma_start3A_41 : memref<128x128xf32, #tpu.memory_space<vmem_shared>>) target_semaphore(%run_scoped3A : memref<!tpu.dma_semaphore, #tpu.memory_space<semaphore_mem>>)
      %dma_wait3A = arith.constant 0 : i32
      %dma_wait3A_42 = tpu.memref_slice %arg10[%add3A_19, %dma_wait3A] : memref<10240x128xf32, #tpu.memory_space<vmem_shared>> -> memref<128x128xf32, #tpu.memory_space<vmem_shared>>
      %dma_wait3A_43 = arith.constant 0 : i32
      %dma_wait3A_44 = tpu.memref_slice %arg10[%add3A_19, %dma_wait3A_43] : memref<10240x128xf32, #tpu.memory_space<vmem_shared>> -> memref<128x128xf32, #tpu.memory_space<vmem_shared>>
      tpu.wait_dma2 semaphore(%run_scoped3A : memref<!tpu.dma_semaphore, #tpu.memory_space<semaphore_mem>>) src(%arg8 : memref<128x128xf32, #tpu.memory_space<vmem>>) dst(%dma_wait3A_44 : memref<128x128xf32, #tpu.memory_space<vmem_shared>>)
      tpu.yield
    }) : () -> ()
    %mul3A_20 = arith.constant 640 : i32
    %mul3A_21 = arith.muli %arg1, %mul3A_20 : i32
    %add3A_22 = arith.constant 384 : i32
    %add3A_23 = arith.addi %mul3A_21, %add3A_22 : i32
    "tpu.region"() ({
      %run_scoped3A = tpu.sem_alloc : memref<!tpu.dma_semaphore, #tpu.memory_space<semaphore_mem>>
      %dma_start3A = arith.constant 0 : i32
      %dma_start3A_39 = tpu.memref_slice %arg10[%add3A_23, %dma_start3A] : memref<10240x128xf32, #tpu.memory_space<vmem_shared>> -> memref<128x128xf32, #tpu.memory_space<vmem_shared>>
      %dma_start3A_40 = arith.constant 0 : i32
      %dma_start3A_41 = tpu.memref_slice %arg10[%add3A_23, %dma_start3A_40] : memref<10240x128xf32, #tpu.memory_space<vmem_shared>> -> memref<128x128xf32, #tpu.memory_space<vmem_shared>>
      tpu.enqueue_dma source(%arg8 : memref<128x128xf32, #tpu.memory_space<vmem>>) target(%dma_start3A_41 : memref<128x128xf32, #tpu.memory_space<vmem_shared>>) target_semaphore(%run_scoped3A : memref<!tpu.dma_semaphore, #tpu.memory_space<semaphore_mem>>)
      %dma_wait3A = arith.constant 0 : i32
      %dma_wait3A_42 = tpu.memref_slice %arg10[%add3A_23, %dma_wait3A] : memref<10240x128xf32, #tpu.memory_space<vmem_shared>> -> memref<128x128xf32, #tpu.memory_space<vmem_shared>>
      %dma_wait3A_43 = arith.constant 0 : i32
      %dma_wait3A_44 = tpu.memref_slice %arg10[%add3A_23, %dma_wait3A_43] : memref<10240x128xf32, #tpu.memory_space<vmem_shared>> -> memref<128x128xf32, #tpu.memory_space<vmem_shared>>
      tpu.wait_dma2 semaphore(%run_scoped3A : memref<!tpu.dma_semaphore, #tpu.memory_space<semaphore_mem>>) src(%arg8 : memref<128x128xf32, #tpu.memory_space<vmem>>) dst(%dma_wait3A_44 : memref<128x128xf32, #tpu.memory_space<vmem_shared>>)
      tpu.yield
    }) : () -> ()
    %mul3A_24 = arith.constant 640 : i32
    %mul3A_25 = arith.muli %arg1, %mul3A_24 : i32
    %add3A_26 = arith.constant 512 : i32
    %add3A_27 = arith.addi %mul3A_25, %add3A_26 : i32
    "tpu.region"() ({
      %run_scoped3A = tpu.sem_alloc : memref<!tpu.dma_semaphore, #tpu.memory_space<semaphore_mem>>
      %dma_start3A = arith.constant 0 : i32
      %dma_start3A_39 = tpu.memref_slice %arg10[%add3A_27, %dma_start3A] : memref<10240x128xf32, #tpu.memory_space<vmem_shared>> -> memref<128x128xf32, #tpu.memory_space<vmem_shared>>
      %dma_start3A_40 = arith.constant 0 : i32
      %dma_start3A_41 = tpu.memref_slice %arg10[%add3A_27, %dma_start3A_40] : memref<10240x128xf32, #tpu.memory_space<vmem_shared>> -> memref<128x128xf32, #tpu.memory_space<vmem_shared>>
      tpu.enqueue_dma source(%arg8 : memref<128x128xf32, #tpu.memory_space<vmem>>) target(%dma_start3A_41 : memref<128x128xf32, #tpu.memory_space<vmem_shared>>) target_semaphore(%run_scoped3A : memref<!tpu.dma_semaphore, #tpu.memory_space<semaphore_mem>>)
      %dma_wait3A = arith.constant 0 : i32
      %dma_wait3A_42 = tpu.memref_slice %arg10[%add3A_27, %dma_wait3A] : memref<10240x128xf32, #tpu.memory_space<vmem_shared>> -> memref<128x128xf32, #tpu.memory_space<vmem_shared>>
      %dma_wait3A_43 = arith.constant 0 : i32
      %dma_wait3A_44 = tpu.memref_slice %arg10[%add3A_27, %dma_wait3A_43] : memref<10240x128xf32, #tpu.memory_space<vmem_shared>> -> memref<128x128xf32, #tpu.memory_space<vmem_shared>>
      tpu.wait_dma2 semaphore(%run_scoped3A : memref<!tpu.dma_semaphore, #tpu.memory_space<semaphore_mem>>) src(%arg8 : memref<128x128xf32, #tpu.memory_space<vmem>>) dst(%dma_wait3A_44 : memref<128x128xf32, #tpu.memory_space<vmem_shared>>)
      tpu.yield
    }) : () -> ()
    %barrier3A = arith.constant 0 : index
    tpu.barrier barrier_id(%barrier3A)
    %lt3A = arith.constant 31 : i32
    %lt3A_28 = arith.cmpi slt, %add3A, %lt3A : i32
    %convert_element_type3A = arith.extui %lt3A_28 : i1 to i32
    %cond3A = arith.constant 0 : i32
    %cond3A_29 = arith.cmpi ne, %convert_element_type3A, %cond3A : i32
    scf.if %cond3A_29 {
      %mul3A_39 = arith.constant 80 : i32
      %mul3A_40 = arith.muli %mul3A_39, %add3A : i32
      "tpu.region"() ({
        %run_scoped3A = tpu.sem_alloc : memref<!tpu.dma_semaphore, #tpu.memory_space<semaphore_mem>>
        %dma_start3A_72 = arith.constant 0 : i32
        %dma_start3A_73 = arith.constant 0 : i32
        %dma_start3A_74 = tpu.memref_slice %arg6[%dma_start3A_72, %dma_start3A_73] : memref<40x128xi32, #tpu.memory_space<vmem>> -> memref<40x128xi32, #tpu.memory_space<vmem>>
        %dma_start3A_75 = arith.constant 0 : i32
        %dma_start3A_76 = tpu.memref_slice %arg3[%mul3A_40, %dma_start3A_75] : memref<2500x128xi32, #tpu.memory_space<hbm>> -> memref<40x128xi32, #tpu.memory_space<hbm>>
        %dma_start3A_77 = arith.constant 0 : i32
        %dma_start3A_78 = arith.constant 0 : i32
        %dma_start3A_79 = tpu.memref_slice %arg6[%dma_start3A_77, %dma_start3A_78] : memref<40x128xi32, #tpu.memory_space<vmem>> -> memref<40x128xi32, #tpu.memory_space<vmem>>
        %dma_start3A_80 = arith.constant 0 : i32
        %dma_start3A_81 = tpu.memref_slice %arg3[%mul3A_40, %dma_start3A_80] : memref<2500x128xi32, #tpu.memory_space<hbm>> -> memref<40x128xi32, #tpu.memory_space<hbm>>
        tpu.enqueue_dma source(%dma_start3A_81 : memref<40x128xi32, #tpu.memory_space<hbm>>) target(%dma_start3A_79 : memref<40x128xi32, #tpu.memory_space<vmem>>) target_semaphore(%run_scoped3A : memref<!tpu.dma_semaphore, #tpu.memory_space<semaphore_mem>>)
        %dma_wait3A = arith.constant 0 : i32
        %dma_wait3A_82 = arith.constant 0 : i32
        %dma_wait3A_83 = tpu.memref_slice %arg6[%dma_wait3A, %dma_wait3A_82] : memref<40x128xi32, #tpu.memory_space<vmem>> -> memref<40x128xi32, #tpu.memory_space<vmem>>
        %dma_wait3A_84 = arith.constant 0 : i32
        %dma_wait3A_85 = tpu.memref_slice %arg3[%mul3A_40, %dma_wait3A_84] : memref<2500x128xi32, #tpu.memory_space<hbm>> -> memref<40x128xi32, #tpu.memory_space<hbm>>
        %dma_wait3A_86 = arith.constant 0 : i32
        %dma_wait3A_87 = arith.constant 0 : i32
        %dma_wait3A_88 = tpu.memref_slice %arg6[%dma_wait3A_86, %dma_wait3A_87] : memref<40x128xi32, #tpu.memory_space<vmem>> -> memref<40x128xi32, #tpu.memory_space<vmem>>
        %dma_wait3A_89 = arith.constant 0 : i32
        %dma_wait3A_90 = tpu.memref_slice %arg3[%mul3A_40, %dma_wait3A_89] : memref<2500x128xi32, #tpu.memory_space<hbm>> -> memref<40x128xi32, #tpu.memory_space<hbm>>
        tpu.wait_dma2 semaphore(%run_scoped3A : memref<!tpu.dma_semaphore, #tpu.memory_space<semaphore_mem>>) src(%dma_wait3A_90 : memref<40x128xi32, #tpu.memory_space<hbm>>) dst(%dma_wait3A_88 : memref<40x128xi32, #tpu.memory_space<vmem>>)
        tpu.yield
      }) : () -> ()
      "tpu.region"() ({
        %run_scoped3A = tpu.sem_alloc : memref<!tpu.dma_semaphore, #tpu.memory_space<semaphore_mem>>
        %dma_start3A_72 = arith.constant 0 : i32
        %dma_start3A_73 = arith.constant 0 : i32
        %dma_start3A_74 = tpu.memref_slice %arg7[%dma_start3A_72, %dma_start3A_73] : memref<40x128xi32, #tpu.memory_space<vmem>> -> memref<40x128xi32, #tpu.memory_space<vmem>>
        %dma_start3A_75 = arith.constant 0 : i32
        %dma_start3A_76 = tpu.memref_slice %arg4[%mul3A_40, %dma_start3A_75] : memref<2500x128xi32, #tpu.memory_space<hbm>> -> memref<40x128xi32, #tpu.memory_space<hbm>>
        %dma_start3A_77 = arith.constant 0 : i32
        %dma_start3A_78 = arith.constant 0 : i32
        %dma_start3A_79 = tpu.memref_slice %arg7[%dma_start3A_77, %dma_start3A_78] : memref<40x128xi32, #tpu.memory_space<vmem>> -> memref<40x128xi32, #tpu.memory_space<vmem>>
        %dma_start3A_80 = arith.constant 0 : i32
        %dma_start3A_81 = tpu.memref_slice %arg4[%mul3A_40, %dma_start3A_80] : memref<2500x128xi32, #tpu.memory_space<hbm>> -> memref<40x128xi32, #tpu.memory_space<hbm>>
        tpu.enqueue_dma source(%dma_start3A_81 : memref<40x128xi32, #tpu.memory_space<hbm>>) target(%dma_start3A_79 : memref<40x128xi32, #tpu.memory_space<vmem>>) target_semaphore(%run_scoped3A : memref<!tpu.dma_semaphore, #tpu.memory_space<semaphore_mem>>)
        %dma_wait3A = arith.constant 0 : i32
        %dma_wait3A_82 = arith.constant 0 : i32
        %dma_wait3A_83 = tpu.memref_slice %arg7[%dma_wait3A, %dma_wait3A_82] : memref<40x128xi32, #tpu.memory_space<vmem>> -> memref<40x128xi32, #tpu.memory_space<vmem>>
        %dma_wait3A_84 = arith.constant 0 : i32
        %dma_wait3A_85 = tpu.memref_slice %arg4[%mul3A_40, %dma_wait3A_84] : memref<2500x128xi32, #tpu.memory_space<hbm>> -> memref<40x128xi32, #tpu.memory_space<hbm>>
        %dma_wait3A_86 = arith.constant 0 : i32
        %dma_wait3A_87 = arith.constant 0 : i32
        %dma_wait3A_88 = tpu.memref_slice %arg7[%dma_wait3A_86, %dma_wait3A_87] : memref<40x128xi32, #tpu.memory_space<vmem>> -> memref<40x128xi32, #tpu.memory_space<vmem>>
        %dma_wait3A_89 = arith.constant 0 : i32
        %dma_wait3A_90 = tpu.memref_slice %arg4[%mul3A_40, %dma_wait3A_89] : memref<2500x128xi32, #tpu.memory_space<hbm>> -> memref<40x128xi32, #tpu.memory_space<hbm>>
        tpu.wait_dma2 semaphore(%run_scoped3A : memref<!tpu.dma_semaphore, #tpu.memory_space<semaphore_mem>>) src(%dma_wait3A_90 : memref<40x128xi32, #tpu.memory_space<hbm>>) dst(%dma_wait3A_88 : memref<40x128xi32, #tpu.memory_space<vmem>>)
        tpu.yield
      }) : () -> ()
      %dma_start3A = arith.constant 0 : i32
      %dma_start3A_41 = arith.constant 0 : i32
      %dma_start3A_42 = tpu.memref_slice %arg6[%dma_start3A, %dma_start3A_41] : memref<40x128xi32, #tpu.memory_space<vmem>> -> memref<1x128xi32, #tpu.memory_space<vmem>>
      %dma_start3A_43 = tpu.memref_squeeze %dma_start3A_42 : memref<1x128xi32, #tpu.memory_space<vmem>> -> memref<128xi32, #tpu.memory_space<vmem>>
      %dma_start3A_44 = arith.constant 0 : i32
      %dma_start3A_45 = arith.constant 0 : i32
      %dma_start3A_46 = tpu.memref_slice %arg2[%dma_start3A_44, %dma_start3A_45] : memref<10000x128xf32, #tpu.memory_space<hbm>> -> memref<10000x128xf32, #tpu.memory_space<hbm>>
      tpu.enqueue_indirect_dma source(%dma_start3A_46 : memref<10000x128xf32, #tpu.memory_space<hbm>>) target(%arg8 : memref<128x128xf32, #tpu.memory_space<vmem>>) offsets(%dma_start3A_43 : memref<128xi32, #tpu.memory_space<vmem>>) semaphore(%arg11 : memref<!tpu.dma_semaphore, #tpu.memory_space<semaphore_mem>>)
      %scan3A_47 = arith.constant 0 : i32
      %scan3A_48 = arith.constant 0 : i32
      %scan3A_49 = arith.constant 20 : i32
      %scan3A_50 = arith.addi %scan3A_48, %scan3A_49 : i32
      %scan3A_51 = arith.constant 1 : i32
      %scan3A_52 = scf.for %scan3A_72 = %scan3A_48 to %scan3A_50 step %scan3A_51 iter_args(%scan3A_73 = %scan3A_47) -> (i32)  : i32 {
        %mul3A_74 = arith.constant 2 : i32
        %mul3A_75 = arith.muli %scan3A_72, %mul3A_74 : i32
        %add3A_76 = arith.constant 1 : i32
        %add3A_77 = arith.addi %mul3A_75, %add3A_76 : i32
        %dma_start3A_78 = arith.constant 0 : i32
        %dma_start3A_79 = tpu.memref_slice %arg6[%add3A_77, %dma_start3A_78] : memref<40x128xi32, #tpu.memory_space<vmem>> -> memref<1x128xi32, #tpu.memory_space<vmem>>
        %dma_start3A_80 = tpu.memref_squeeze %dma_start3A_79 : memref<1x128xi32, #tpu.memory_space<vmem>> -> memref<128xi32, #tpu.memory_space<vmem>>
        %dma_start3A_81 = arith.constant 0 : i32
        %dma_start3A_82 = arith.constant 0 : i32
        %dma_start3A_83 = tpu.memref_slice %arg2[%dma_start3A_81, %dma_start3A_82] : memref<10000x128xf32, #tpu.memory_space<hbm>> -> memref<10000x128xf32, #tpu.memory_space<hbm>>
        tpu.enqueue_indirect_dma source(%dma_start3A_83 : memref<10000x128xf32, #tpu.memory_space<hbm>>) target(%arg9 : memref<128x128xf32, #tpu.memory_space<vmem>>) offsets(%dma_start3A_80 : memref<128xi32, #tpu.memory_space<vmem>>) semaphore(%arg12 : memref<!tpu.dma_semaphore, #tpu.memory_space<semaphore_mem>>)
        %dma_wait3A = arith.constant 0 : i32
        %dma_wait3A_84 = tpu.memref_slice %arg6[%mul3A_75, %dma_wait3A] : memref<40x128xi32, #tpu.memory_space<vmem>> -> memref<1x128xi32, #tpu.memory_space<vmem>>
        %dma_wait3A_85 = tpu.memref_squeeze %dma_wait3A_84 : memref<1x128xi32, #tpu.memory_space<vmem>> -> memref<128xi32, #tpu.memory_space<vmem>>
        %dma_wait3A_86 = arith.constant 0 : i32
        %dma_wait3A_87 = arith.constant 0 : i32
        %dma_wait3A_88 = tpu.memref_slice %arg2[%dma_wait3A_86, %dma_wait3A_87] : memref<10000x128xf32, #tpu.memory_space<hbm>> -> memref<10000x128xf32, #tpu.memory_space<hbm>>
        tpu.wait_indirect_dma semaphore(%arg11 : memref<!tpu.dma_semaphore, #tpu.memory_space<semaphore_mem>>) src(%dma_wait3A_88 : memref<10000x128xf32, #tpu.memory_space<hbm>>) dst(%arg8 : memref<128x128xf32, #tpu.memory_space<vmem>>)
        "tpu.region"() ({
          %run_scoped3A = tpu.sem_alloc : memref<!tpu.dma_semaphore, #tpu.memory_space<semaphore_mem>>
          %dma_start3A_107 = arith.constant 0 : i32
          %dma_start3A_108 = tpu.memref_slice %arg7[%mul3A_75, %dma_start3A_107] : memref<40x128xi32, #tpu.memory_space<vmem>> -> memref<1x128xi32, #tpu.memory_space<vmem>>
          %dma_start3A_109 = tpu.memref_squeeze %dma_start3A_108 : memref<1x128xi32, #tpu.memory_space<vmem>> -> memref<128xi32, #tpu.memory_space<vmem>>
          %dma_start3A_110 = arith.constant 0 : i32
          %dma_start3A_111 = arith.constant 0 : i32
          %dma_start3A_112 = tpu.memref_slice %arg10[%dma_start3A_110, %dma_start3A_111] : memref<10240x128xf32, #tpu.memory_space<vmem_shared>> -> memref<10240x128xf32, #tpu.memory_space<vmem_shared>>
          tpu.enqueue_indirect_dma source(%arg8 : memref<128x128xf32, #tpu.memory_space<vmem>>) target(%dma_start3A_112 : memref<10240x128xf32, #tpu.memory_space<vmem_shared>>) offsets(%dma_start3A_109 : memref<128xi32, #tpu.memory_space<vmem>>) semaphore(%run_scoped3A : memref<!tpu.dma_semaphore, #tpu.memory_space<semaphore_mem>>) {add = true}
          %dma_wait3A_113 = arith.constant 0 : i32
          %dma_wait3A_114 = tpu.memref_slice %arg7[%mul3A_75, %dma_wait3A_113] : memref<40x128xi32, #tpu.memory_space<vmem>> -> memref<1x128xi32, #tpu.memory_space<vmem>>
          %dma_wait3A_115 = tpu.memref_squeeze %dma_wait3A_114 : memref<1x128xi32, #tpu.memory_space<vmem>> -> memref<128xi32, #tpu.memory_space<vmem>>
          %dma_wait3A_116 = arith.constant 0 : i32
          %dma_wait3A_117 = arith.constant 0 : i32
          %dma_wait3A_118 = tpu.memref_slice %arg10[%dma_wait3A_116, %dma_wait3A_117] : memref<10240x128xf32, #tpu.memory_space<vmem_shared>> -> memref<10240x128xf32, #tpu.memory_space<vmem_shared>>
          tpu.wait_indirect_dma semaphore(%run_scoped3A : memref<!tpu.dma_semaphore, #tpu.memory_space<semaphore_mem>>) src(%arg8 : memref<128x128xf32, #tpu.memory_space<vmem>>) dst(%dma_wait3A_118 : memref<10240x128xf32, #tpu.memory_space<vmem_shared>>)
          tpu.yield
        }) : () -> ()
        %add3A_89 = arith.constant 2 : i32
        %add3A_90 = arith.addi %mul3A_75, %add3A_89 : i32
        %lt3A_91 = arith.constant 40 : i32
        %lt3A_92 = arith.cmpi slt, %add3A_90, %lt3A_91 : i32
        %convert_element_type3A_93 = arith.extui %lt3A_92 : i1 to i32
        %cond3A_94 = arith.constant 0 : i32
        %cond3A_95 = arith.cmpi ne, %convert_element_type3A_93, %cond3A_94 : i32
        scf.if %cond3A_95 {
          %add3A_107 = arith.constant 2 : i32
          %add3A_108 = arith.addi %mul3A_75, %add3A_107 : i32
          %dma_start3A_109 = arith.constant 0 : i32
          %dma_start3A_110 = tpu.memref_slice %arg6[%add3A_108, %dma_start3A_109] : memref<40x128xi32, #tpu.memory_space<vmem>> -> memref<1x128xi32, #tpu.memory_space<vmem>>
          %dma_start3A_111 = tpu.memref_squeeze %dma_start3A_110 : memref<1x128xi32, #tpu.memory_space<vmem>> -> memref<128xi32, #tpu.memory_space<vmem>>
          %dma_start3A_112 = arith.constant 0 : i32
          %dma_start3A_113 = arith.constant 0 : i32
          %dma_start3A_114 = tpu.memref_slice %arg2[%dma_start3A_112, %dma_start3A_113] : memref<10000x128xf32, #tpu.memory_space<hbm>> -> memref<10000x128xf32, #tpu.memory_space<hbm>>
          tpu.enqueue_indirect_dma source(%dma_start3A_114 : memref<10000x128xf32, #tpu.memory_space<hbm>>) target(%arg8 : memref<128x128xf32, #tpu.memory_space<vmem>>) offsets(%dma_start3A_111 : memref<128xi32, #tpu.memory_space<vmem>>) semaphore(%arg11 : memref<!tpu.dma_semaphore, #tpu.memory_space<semaphore_mem>>)
        } else {
        }
        %add3A_96 = arith.constant 1 : i32
        %add3A_97 = arith.addi %mul3A_75, %add3A_96 : i32
        %dma_wait3A_98 = arith.constant 0 : i32
        %dma_wait3A_99 = tpu.memref_slice %arg6[%add3A_97, %dma_wait3A_98] : memref<40x128xi32, #tpu.memory_space<vmem>> -> memref<1x128xi32, #tpu.memory_space<vmem>>
        %dma_wait3A_100 = tpu.memref_squeeze %dma_wait3A_99 : memref<1x128xi32, #tpu.memory_space<vmem>> -> memref<128xi32, #tpu.memory_space<vmem>>
        %dma_wait3A_101 = arith.constant 0 : i32
        %dma_wait3A_102 = arith.constant 0 : i32
        %dma_wait3A_103 = tpu.memref_slice %arg2[%dma_wait3A_101, %dma_wait3A_102] : memref<10000x128xf32, #tpu.memory_space<hbm>> -> memref<10000x128xf32, #tpu.memory_space<hbm>>
        tpu.wait_indirect_dma semaphore(%arg12 : memref<!tpu.dma_semaphore, #tpu.memory_space<semaphore_mem>>) src(%dma_wait3A_103 : memref<10000x128xf32, #tpu.memory_space<hbm>>) dst(%arg9 : memref<128x128xf32, #tpu.memory_space<vmem>>)
        %add3A_104 = arith.constant 1 : i32
        %add3A_105 = arith.addi %mul3A_75, %add3A_104 : i32
        "tpu.region"() ({
          %run_scoped3A = tpu.sem_alloc : memref<!tpu.dma_semaphore, #tpu.memory_space<semaphore_mem>>
          %dma_start3A_107 = arith.constant 0 : i32
          %dma_start3A_108 = tpu.memref_slice %arg7[%add3A_105, %dma_start3A_107] : memref<40x128xi32, #tpu.memory_space<vmem>> -> memref<1x128xi32, #tpu.memory_space<vmem>>
          %dma_start3A_109 = tpu.memref_squeeze %dma_start3A_108 : memref<1x128xi32, #tpu.memory_space<vmem>> -> memref<128xi32, #tpu.memory_space<vmem>>
          %dma_start3A_110 = arith.constant 0 : i32
          %dma_start3A_111 = arith.constant 0 : i32
          %dma_start3A_112 = tpu.memref_slice %arg10[%dma_start3A_110, %dma_start3A_111] : memref<10240x128xf32, #tpu.memory_space<vmem_shared>> -> memref<10240x128xf32, #tpu.memory_space<vmem_shared>>
          tpu.enqueue_indirect_dma source(%arg9 : memref<128x128xf32, #tpu.memory_space<vmem>>) target(%dma_start3A_112 : memref<10240x128xf32, #tpu.memory_space<vmem_shared>>) offsets(%dma_start3A_109 : memref<128xi32, #tpu.memory_space<vmem>>) semaphore(%run_scoped3A : memref<!tpu.dma_semaphore, #tpu.memory_space<semaphore_mem>>) {add = true}
          %dma_wait3A_113 = arith.constant 0 : i32
          %dma_wait3A_114 = tpu.memref_slice %arg7[%add3A_105, %dma_wait3A_113] : memref<40x128xi32, #tpu.memory_space<vmem>> -> memref<1x128xi32, #tpu.memory_space<vmem>>
          %dma_wait3A_115 = tpu.memref_squeeze %dma_wait3A_114 : memref<1x128xi32, #tpu.memory_space<vmem>> -> memref<128xi32, #tpu.memory_space<vmem>>
          %dma_wait3A_116 = arith.constant 0 : i32
          %dma_wait3A_117 = arith.constant 0 : i32
          %dma_wait3A_118 = tpu.memref_slice %arg10[%dma_wait3A_116, %dma_wait3A_117] : memref<10240x128xf32, #tpu.memory_space<vmem_shared>> -> memref<10240x128xf32, #tpu.memory_space<vmem_shared>>
          tpu.wait_indirect_dma semaphore(%run_scoped3A : memref<!tpu.dma_semaphore, #tpu.memory_space<semaphore_mem>>) src(%arg9 : memref<128x128xf32, #tpu.memory_space<vmem>>) dst(%dma_wait3A_118 : memref<10240x128xf32, #tpu.memory_space<vmem_shared>>)
          tpu.yield
        }) : () -> ()
        %scan3A_106 = arith.constant 0 : i32
        scf.yield %scan3A_106 : i32
      }
      %scan3A_53 = arith.constant 20 : i32
      %mul3A_54 = arith.constant 80 : i32
      %mul3A_55 = arith.muli %mul3A_54, %add3A : i32
      %add3A_56 = arith.constant 40 : i32
      %add3A_57 = arith.addi %mul3A_55, %add3A_56 : i32
      "tpu.region"() ({
        %run_scoped3A = tpu.sem_alloc : memref<!tpu.dma_semaphore, #tpu.memory_space<semaphore_mem>>
        %dma_start3A_72 = arith.constant 0 : i32
        %dma_start3A_73 = arith.constant 0 : i32
        %dma_start3A_74 = tpu.memref_slice %arg6[%dma_start3A_72, %dma_start3A_73] : memref<40x128xi32, #tpu.memory_space<vmem>> -> memref<40x128xi32, #tpu.memory_space<vmem>>
        %dma_start3A_75 = arith.constant 0 : i32
        %dma_start3A_76 = tpu.memref_slice %arg3[%add3A_57, %dma_start3A_75] : memref<2500x128xi32, #tpu.memory_space<hbm>> -> memref<40x128xi32, #tpu.memory_space<hbm>>
        %dma_start3A_77 = arith.constant 0 : i32
        %dma_start3A_78 = arith.constant 0 : i32
        %dma_start3A_79 = tpu.memref_slice %arg6[%dma_start3A_77, %dma_start3A_78] : memref<40x128xi32, #tpu.memory_space<vmem>> -> memref<40x128xi32, #tpu.memory_space<vmem>>
        %dma_start3A_80 = arith.constant 0 : i32
        %dma_start3A_81 = tpu.memref_slice %arg3[%add3A_57, %dma_start3A_80] : memref<2500x128xi32, #tpu.memory_space<hbm>> -> memref<40x128xi32, #tpu.memory_space<hbm>>
        tpu.enqueue_dma source(%dma_start3A_81 : memref<40x128xi32, #tpu.memory_space<hbm>>) target(%dma_start3A_79 : memref<40x128xi32, #tpu.memory_space<vmem>>) target_semaphore(%run_scoped3A : memref<!tpu.dma_semaphore, #tpu.memory_space<semaphore_mem>>)
        %dma_wait3A = arith.constant 0 : i32
        %dma_wait3A_82 = arith.constant 0 : i32
        %dma_wait3A_83 = tpu.memref_slice %arg6[%dma_wait3A, %dma_wait3A_82] : memref<40x128xi32, #tpu.memory_space<vmem>> -> memref<40x128xi32, #tpu.memory_space<vmem>>
        %dma_wait3A_84 = arith.constant 0 : i32
        %dma_wait3A_85 = tpu.memref_slice %arg3[%add3A_57, %dma_wait3A_84] : memref<2500x128xi32, #tpu.memory_space<hbm>> -> memref<40x128xi32, #tpu.memory_space<hbm>>
        %dma_wait3A_86 = arith.constant 0 : i32
        %dma_wait3A_87 = arith.constant 0 : i32
        %dma_wait3A_88 = tpu.memref_slice %arg6[%dma_wait3A_86, %dma_wait3A_87] : memref<40x128xi32, #tpu.memory_space<vmem>> -> memref<40x128xi32, #tpu.memory_space<vmem>>
        %dma_wait3A_89 = arith.constant 0 : i32
        %dma_wait3A_90 = tpu.memref_slice %arg3[%add3A_57, %dma_wait3A_89] : memref<2500x128xi32, #tpu.memory_space<hbm>> -> memref<40x128xi32, #tpu.memory_space<hbm>>
        tpu.wait_dma2 semaphore(%run_scoped3A : memref<!tpu.dma_semaphore, #tpu.memory_space<semaphore_mem>>) src(%dma_wait3A_90 : memref<40x128xi32, #tpu.memory_space<hbm>>) dst(%dma_wait3A_88 : memref<40x128xi32, #tpu.memory_space<vmem>>)
        tpu.yield
      }) : () -> ()
      "tpu.region"() ({
        %run_scoped3A = tpu.sem_alloc : memref<!tpu.dma_semaphore, #tpu.memory_space<semaphore_mem>>
        %dma_start3A_72 = arith.constant 0 : i32
        %dma_start3A_73 = arith.constant 0 : i32
        %dma_start3A_74 = tpu.memref_slice %arg7[%dma_start3A_72, %dma_start3A_73] : memref<40x128xi32, #tpu.memory_space<vmem>> -> memref<40x128xi32, #tpu.memory_space<vmem>>
        %dma_start3A_75 = arith.constant 0 : i32
        %dma_start3A_76 = tpu.memref_slice %arg4[%add3A_57, %dma_start3A_75] : memref<2500x128xi32, #tpu.memory_space<hbm>> -> memref<40x128xi32, #tpu.memory_space<hbm>>
        %dma_start3A_77 = arith.constant 0 : i32
        %dma_start3A_78 = arith.constant 0 : i32
        %dma_start3A_79 = tpu.memref_slice %arg7[%dma_start3A_77, %dma_start3A_78] : memref<40x128xi32, #tpu.memory_space<vmem>> -> memref<40x128xi32, #tpu.memory_space<vmem>>
        %dma_start3A_80 = arith.constant 0 : i32
        %dma_start3A_81 = tpu.memref_slice %arg4[%add3A_57, %dma_start3A_80] : memref<2500x128xi32, #tpu.memory_space<hbm>> -> memref<40x128xi32, #tpu.memory_space<hbm>>
        tpu.enqueue_dma source(%dma_start3A_81 : memref<40x128xi32, #tpu.memory_space<hbm>>) target(%dma_start3A_79 : memref<40x128xi32, #tpu.memory_space<vmem>>) target_semaphore(%run_scoped3A : memref<!tpu.dma_semaphore, #tpu.memory_space<semaphore_mem>>)
        %dma_wait3A = arith.constant 0 : i32
        %dma_wait3A_82 = arith.constant 0 : i32
        %dma_wait3A_83 = tpu.memref_slice %arg7[%dma_wait3A, %dma_wait3A_82] : memref<40x128xi32, #tpu.memory_space<vmem>> -> memref<40x128xi32, #tpu.memory_space<vmem>>
        %dma_wait3A_84 = arith.constant 0 : i32
        %dma_wait3A_85 = tpu.memref_slice %arg4[%add3A_57, %dma_wait3A_84] : memref<2500x128xi32, #tpu.memory_space<hbm>> -> memref<40x128xi32, #tpu.memory_space<hbm>>
        %dma_wait3A_86 = arith.constant 0 : i32
        %dma_wait3A_87 = arith.constant 0 : i32
        %dma_wait3A_88 = tpu.memref_slice %arg7[%dma_wait3A_86, %dma_wait3A_87] : memref<40x128xi32, #tpu.memory_space<vmem>> -> memref<40x128xi32, #tpu.memory_space<vmem>>
        %dma_wait3A_89 = arith.constant 0 : i32
        %dma_wait3A_90 = tpu.memref_slice %arg4[%add3A_57, %dma_wait3A_89] : memref<2500x128xi32, #tpu.memory_space<hbm>> -> memref<40x128xi32, #tpu.memory_space<hbm>>
        tpu.wait_dma2 semaphore(%run_scoped3A : memref<!tpu.dma_semaphore, #tpu.memory_space<semaphore_mem>>) src(%dma_wait3A_90 : memref<40x128xi32, #tpu.memory_space<hbm>>) dst(%dma_wait3A_88 : memref<40x128xi32, #tpu.memory_space<vmem>>)
        tpu.yield
      }) : () -> ()
      %dma_start3A_58 = arith.constant 0 : i32
      %dma_start3A_59 = arith.constant 0 : i32
      %dma_start3A_60 = tpu.memref_slice %arg6[%dma_start3A_58, %dma_start3A_59] : memref<40x128xi32, #tpu.memory_space<vmem>> -> memref<1x128xi32, #tpu.memory_space<vmem>>
      %dma_start3A_61 = tpu.memref_squeeze %dma_start3A_60 : memref<1x128xi32, #tpu.memory_space<vmem>> -> memref<128xi32, #tpu.memory_space<vmem>>
      %dma_start3A_62 = arith.constant 0 : i32
      %dma_start3A_63 = arith.constant 0 : i32
      %dma_start3A_64 = tpu.memref_slice %arg2[%dma_start3A_62, %dma_start3A_63] : memref<10000x128xf32, #tpu.memory_space<hbm>> -> memref<10000x128xf32, #tpu.memory_space<hbm>>
      tpu.enqueue_indirect_dma source(%dma_start3A_64 : memref<10000x128xf32, #tpu.memory_space<hbm>>) target(%arg8 : memref<128x128xf32, #tpu.memory_space<vmem>>) offsets(%dma_start3A_61 : memref<128xi32, #tpu.memory_space<vmem>>) semaphore(%arg11 : memref<!tpu.dma_semaphore, #tpu.memory_space<semaphore_mem>>)
      %scan3A_65 = arith.constant 0 : i32
      %scan3A_66 = arith.constant 0 : i32
      %scan3A_67 = arith.constant 20 : i32
      %scan3A_68 = arith.addi %scan3A_66, %scan3A_67 : i32
      %scan3A_69 = arith.constant 1 : i32
      %scan3A_70 = scf.for %scan3A_72 = %scan3A_66 to %scan3A_68 step %scan3A_69 iter_args(%scan3A_73 = %scan3A_65) -> (i32)  : i32 {
        %mul3A_74 = arith.constant 2 : i32
        %mul3A_75 = arith.muli %scan3A_72, %mul3A_74 : i32
        %add3A_76 = arith.constant 1 : i32
        %add3A_77 = arith.addi %mul3A_75, %add3A_76 : i32
        %dma_start3A_78 = arith.constant 0 : i32
        %dma_start3A_79 = tpu.memref_slice %arg6[%add3A_77, %dma_start3A_78] : memref<40x128xi32, #tpu.memory_space<vmem>> -> memref<1x128xi32, #tpu.memory_space<vmem>>
        %dma_start3A_80 = tpu.memref_squeeze %dma_start3A_79 : memref<1x128xi32, #tpu.memory_space<vmem>> -> memref<128xi32, #tpu.memory_space<vmem>>
        %dma_start3A_81 = arith.constant 0 : i32
        %dma_start3A_82 = arith.constant 0 : i32
        %dma_start3A_83 = tpu.memref_slice %arg2[%dma_start3A_81, %dma_start3A_82] : memref<10000x128xf32, #tpu.memory_space<hbm>> -> memref<10000x128xf32, #tpu.memory_space<hbm>>
        tpu.enqueue_indirect_dma source(%dma_start3A_83 : memref<10000x128xf32, #tpu.memory_space<hbm>>) target(%arg9 : memref<128x128xf32, #tpu.memory_space<vmem>>) offsets(%dma_start3A_80 : memref<128xi32, #tpu.memory_space<vmem>>) semaphore(%arg12 : memref<!tpu.dma_semaphore, #tpu.memory_space<semaphore_mem>>)
        %dma_wait3A = arith.constant 0 : i32
        %dma_wait3A_84 = tpu.memref_slice %arg6[%mul3A_75, %dma_wait3A] : memref<40x128xi32, #tpu.memory_space<vmem>> -> memref<1x128xi32, #tpu.memory_space<vmem>>
        %dma_wait3A_85 = tpu.memref_squeeze %dma_wait3A_84 : memref<1x128xi32, #tpu.memory_space<vmem>> -> memref<128xi32, #tpu.memory_space<vmem>>
        %dma_wait3A_86 = arith.constant 0 : i32
        %dma_wait3A_87 = arith.constant 0 : i32
        %dma_wait3A_88 = tpu.memref_slice %arg2[%dma_wait3A_86, %dma_wait3A_87] : memref<10000x128xf32, #tpu.memory_space<hbm>> -> memref<10000x128xf32, #tpu.memory_space<hbm>>
        tpu.wait_indirect_dma semaphore(%arg11 : memref<!tpu.dma_semaphore, #tpu.memory_space<semaphore_mem>>) src(%dma_wait3A_88 : memref<10000x128xf32, #tpu.memory_space<hbm>>) dst(%arg8 : memref<128x128xf32, #tpu.memory_space<vmem>>)
        "tpu.region"() ({
          %run_scoped3A = tpu.sem_alloc : memref<!tpu.dma_semaphore, #tpu.memory_space<semaphore_mem>>
          %dma_start3A_107 = arith.constant 0 : i32
          %dma_start3A_108 = tpu.memref_slice %arg7[%mul3A_75, %dma_start3A_107] : memref<40x128xi32, #tpu.memory_space<vmem>> -> memref<1x128xi32, #tpu.memory_space<vmem>>
          %dma_start3A_109 = tpu.memref_squeeze %dma_start3A_108 : memref<1x128xi32, #tpu.memory_space<vmem>> -> memref<128xi32, #tpu.memory_space<vmem>>
          %dma_start3A_110 = arith.constant 0 : i32
          %dma_start3A_111 = arith.constant 0 : i32
          %dma_start3A_112 = tpu.memref_slice %arg10[%dma_start3A_110, %dma_start3A_111] : memref<10240x128xf32, #tpu.memory_space<vmem_shared>> -> memref<10240x128xf32, #tpu.memory_space<vmem_shared>>
          tpu.enqueue_indirect_dma source(%arg8 : memref<128x128xf32, #tpu.memory_space<vmem>>) target(%dma_start3A_112 : memref<10240x128xf32, #tpu.memory_space<vmem_shared>>) offsets(%dma_start3A_109 : memref<128xi32, #tpu.memory_space<vmem>>) semaphore(%run_scoped3A : memref<!tpu.dma_semaphore, #tpu.memory_space<semaphore_mem>>) {add = true}
          %dma_wait3A_113 = arith.constant 0 : i32
          %dma_wait3A_114 = tpu.memref_slice %arg7[%mul3A_75, %dma_wait3A_113] : memref<40x128xi32, #tpu.memory_space<vmem>> -> memref<1x128xi32, #tpu.memory_space<vmem>>
          %dma_wait3A_115 = tpu.memref_squeeze %dma_wait3A_114 : memref<1x128xi32, #tpu.memory_space<vmem>> -> memref<128xi32, #tpu.memory_space<vmem>>
          %dma_wait3A_116 = arith.constant 0 : i32
          %dma_wait3A_117 = arith.constant 0 : i32
          %dma_wait3A_118 = tpu.memref_slice %arg10[%dma_wait3A_116, %dma_wait3A_117] : memref<10240x128xf32, #tpu.memory_space<vmem_shared>> -> memref<10240x128xf32, #tpu.memory_space<vmem_shared>>
          tpu.wait_indirect_dma semaphore(%run_scoped3A : memref<!tpu.dma_semaphore, #tpu.memory_space<semaphore_mem>>) src(%arg8 : memref<128x128xf32, #tpu.memory_space<vmem>>) dst(%dma_wait3A_118 : memref<10240x128xf32, #tpu.memory_space<vmem_shared>>)
          tpu.yield
        }) : () -> ()
        %add3A_89 = arith.constant 2 : i32
        %add3A_90 = arith.addi %mul3A_75, %add3A_89 : i32
        %lt3A_91 = arith.constant 40 : i32
        %lt3A_92 = arith.cmpi slt, %add3A_90, %lt3A_91 : i32
        %convert_element_type3A_93 = arith.extui %lt3A_92 : i1 to i32
        %cond3A_94 = arith.constant 0 : i32
        %cond3A_95 = arith.cmpi ne, %convert_element_type3A_93, %cond3A_94 : i32
        scf.if %cond3A_95 {
          %add3A_107 = arith.constant 2 : i32
          %add3A_108 = arith.addi %mul3A_75, %add3A_107 : i32
          %dma_start3A_109 = arith.constant 0 : i32
          %dma_start3A_110 = tpu.memref_slice %arg6[%add3A_108, %dma_start3A_109] : memref<40x128xi32, #tpu.memory_space<vmem>> -> memref<1x128xi32, #tpu.memory_space<vmem>>
          %dma_start3A_111 = tpu.memref_squeeze %dma_start3A_110 : memref<1x128xi32, #tpu.memory_space<vmem>> -> memref<128xi32, #tpu.memory_space<vmem>>
          %dma_start3A_112 = arith.constant 0 : i32
          %dma_start3A_113 = arith.constant 0 : i32
          %dma_start3A_114 = tpu.memref_slice %arg2[%dma_start3A_112, %dma_start3A_113] : memref<10000x128xf32, #tpu.memory_space<hbm>> -> memref<10000x128xf32, #tpu.memory_space<hbm>>
          tpu.enqueue_indirect_dma source(%dma_start3A_114 : memref<10000x128xf32, #tpu.memory_space<hbm>>) target(%arg8 : memref<128x128xf32, #tpu.memory_space<vmem>>) offsets(%dma_start3A_111 : memref<128xi32, #tpu.memory_space<vmem>>) semaphore(%arg11 : memref<!tpu.dma_semaphore, #tpu.memory_space<semaphore_mem>>)
        } else {
        }
        %add3A_96 = arith.constant 1 : i32
        %add3A_97 = arith.addi %mul3A_75, %add3A_96 : i32
        %dma_wait3A_98 = arith.constant 0 : i32
        %dma_wait3A_99 = tpu.memref_slice %arg6[%add3A_97, %dma_wait3A_98] : memref<40x128xi32, #tpu.memory_space<vmem>> -> memref<1x128xi32, #tpu.memory_space<vmem>>
        %dma_wait3A_100 = tpu.memref_squeeze %dma_wait3A_99 : memref<1x128xi32, #tpu.memory_space<vmem>> -> memref<128xi32, #tpu.memory_space<vmem>>
        %dma_wait3A_101 = arith.constant 0 : i32
        %dma_wait3A_102 = arith.constant 0 : i32
        %dma_wait3A_103 = tpu.memref_slice %arg2[%dma_wait3A_101, %dma_wait3A_102] : memref<10000x128xf32, #tpu.memory_space<hbm>> -> memref<10000x128xf32, #tpu.memory_space<hbm>>
        tpu.wait_indirect_dma semaphore(%arg12 : memref<!tpu.dma_semaphore, #tpu.memory_space<semaphore_mem>>) src(%dma_wait3A_103 : memref<10000x128xf32, #tpu.memory_space<hbm>>) dst(%arg9 : memref<128x128xf32, #tpu.memory_space<vmem>>)
        %add3A_104 = arith.constant 1 : i32
        %add3A_105 = arith.addi %mul3A_75, %add3A_104 : i32
        "tpu.region"() ({
          %run_scoped3A = tpu.sem_alloc : memref<!tpu.dma_semaphore, #tpu.memory_space<semaphore_mem>>
          %dma_start3A_107 = arith.constant 0 : i32
          %dma_start3A_108 = tpu.memref_slice %arg7[%add3A_105, %dma_start3A_107] : memref<40x128xi32, #tpu.memory_space<vmem>> -> memref<1x128xi32, #tpu.memory_space<vmem>>
          %dma_start3A_109 = tpu.memref_squeeze %dma_start3A_108 : memref<1x128xi32, #tpu.memory_space<vmem>> -> memref<128xi32, #tpu.memory_space<vmem>>
          %dma_start3A_110 = arith.constant 0 : i32
          %dma_start3A_111 = arith.constant 0 : i32
          %dma_start3A_112 = tpu.memref_slice %arg10[%dma_start3A_110, %dma_start3A_111] : memref<10240x128xf32, #tpu.memory_space<vmem_shared>> -> memref<10240x128xf32, #tpu.memory_space<vmem_shared>>
          tpu.enqueue_indirect_dma source(%arg9 : memref<128x128xf32, #tpu.memory_space<vmem>>) target(%dma_start3A_112 : memref<10240x128xf32, #tpu.memory_space<vmem_shared>>) offsets(%dma_start3A_109 : memref<128xi32, #tpu.memory_space<vmem>>) semaphore(%run_scoped3A : memref<!tpu.dma_semaphore, #tpu.memory_space<semaphore_mem>>) {add = true}
          %dma_wait3A_113 = arith.constant 0 : i32
          %dma_wait3A_114 = tpu.memref_slice %arg7[%add3A_105, %dma_wait3A_113] : memref<40x128xi32, #tpu.memory_space<vmem>> -> memref<1x128xi32, #tpu.memory_space<vmem>>
          %dma_wait3A_115 = tpu.memref_squeeze %dma_wait3A_114 : memref<1x128xi32, #tpu.memory_space<vmem>> -> memref<128xi32, #tpu.memory_space<vmem>>
          %dma_wait3A_116 = arith.constant 0 : i32
          %dma_wait3A_117 = arith.constant 0 : i32
          %dma_wait3A_118 = tpu.memref_slice %arg10[%dma_wait3A_116, %dma_wait3A_117] : memref<10240x128xf32, #tpu.memory_space<vmem_shared>> -> memref<10240x128xf32, #tpu.memory_space<vmem_shared>>
          tpu.wait_indirect_dma semaphore(%run_scoped3A : memref<!tpu.dma_semaphore, #tpu.memory_space<semaphore_mem>>) src(%arg9 : memref<128x128xf32, #tpu.memory_space<vmem>>) dst(%dma_wait3A_118 : memref<10240x128xf32, #tpu.memory_space<vmem_shared>>)
          tpu.yield
        }) : () -> ()
        %scan3A_106 = arith.constant 0 : i32
        scf.yield %scan3A_106 : i32
      }
      %scan3A_71 = arith.constant 20 : i32
    } else {
    }
    %eq3A = arith.constant 31 : i32
    %eq3A_30 = arith.cmpi eq, %add3A, %eq3A : i32
    %convert_element_type3A_31 = arith.extui %eq3A_30 : i1 to i32
    %cond3A_32 = arith.constant 0 : i32
    %cond3A_33 = arith.cmpi ne, %convert_element_type3A_31, %cond3A_32 : i32
    scf.if %cond3A_33 {
      "tpu.region"() ({
        %run_scoped3A = tpu.sem_alloc : memref<!tpu.dma_semaphore, #tpu.memory_space<semaphore_mem>>
        %dma_start3A_52 = arith.constant 0 : i32
        %dma_start3A_53 = arith.constant 0 : i32
        %dma_start3A_54 = tpu.memref_slice %arg6[%dma_start3A_52, %dma_start3A_53] : memref<40x128xi32, #tpu.memory_space<vmem>> -> memref<20x128xi32, #tpu.memory_space<vmem>>
        %dma_start3A_55 = arith.constant 2480 : i32
        %dma_start3A_56 = arith.constant 0 : i32
        %dma_start3A_57 = tpu.memref_slice %arg3[%dma_start3A_55, %dma_start3A_56] : memref<2500x128xi32, #tpu.memory_space<hbm>> -> memref<20x128xi32, #tpu.memory_space<hbm>>
        %dma_start3A_58 = arith.constant 0 : i32
        %dma_start3A_59 = arith.constant 0 : i32
        %dma_start3A_60 = tpu.memref_slice %arg6[%dma_start3A_58, %dma_start3A_59] : memref<40x128xi32, #tpu.memory_space<vmem>> -> memref<20x128xi32, #tpu.memory_space<vmem>>
        %dma_start3A_61 = arith.constant 2480 : i32
        %dma_start3A_62 = arith.constant 0 : i32
        %dma_start3A_63 = tpu.memref_slice %arg3[%dma_start3A_61, %dma_start3A_62] : memref<2500x128xi32, #tpu.memory_space<hbm>> -> memref<20x128xi32, #tpu.memory_space<hbm>>
        tpu.enqueue_dma source(%dma_start3A_63 : memref<20x128xi32, #tpu.memory_space<hbm>>) target(%dma_start3A_60 : memref<20x128xi32, #tpu.memory_space<vmem>>) target_semaphore(%run_scoped3A : memref<!tpu.dma_semaphore, #tpu.memory_space<semaphore_mem>>)
        %dma_wait3A = arith.constant 0 : i32
        %dma_wait3A_64 = arith.constant 0 : i32
        %dma_wait3A_65 = tpu.memref_slice %arg6[%dma_wait3A, %dma_wait3A_64] : memref<40x128xi32, #tpu.memory_space<vmem>> -> memref<20x128xi32, #tpu.memory_space<vmem>>
        %dma_wait3A_66 = arith.constant 2480 : i32
        %dma_wait3A_67 = arith.constant 0 : i32
        %dma_wait3A_68 = tpu.memref_slice %arg3[%dma_wait3A_66, %dma_wait3A_67] : memref<2500x128xi32, #tpu.memory_space<hbm>> -> memref<20x128xi32, #tpu.memory_space<hbm>>
        %dma_wait3A_69 = arith.constant 0 : i32
        %dma_wait3A_70 = arith.constant 0 : i32
        %dma_wait3A_71 = tpu.memref_slice %arg6[%dma_wait3A_69, %dma_wait3A_70] : memref<40x128xi32, #tpu.memory_space<vmem>> -> memref<20x128xi32, #tpu.memory_space<vmem>>
        %dma_wait3A_72 = arith.constant 2480 : i32
        %dma_wait3A_73 = arith.constant 0 : i32
        %dma_wait3A_74 = tpu.memref_slice %arg3[%dma_wait3A_72, %dma_wait3A_73] : memref<2500x128xi32, #tpu.memory_space<hbm>> -> memref<20x128xi32, #tpu.memory_space<hbm>>
        tpu.wait_dma2 semaphore(%run_scoped3A : memref<!tpu.dma_semaphore, #tpu.memory_space<semaphore_mem>>) src(%dma_wait3A_74 : memref<20x128xi32, #tpu.memory_space<hbm>>) dst(%dma_wait3A_71 : memref<20x128xi32, #tpu.memory_space<vmem>>)
        tpu.yield
      }) : () -> ()
      "tpu.region"() ({
        %run_scoped3A = tpu.sem_alloc : memref<!tpu.dma_semaphore, #tpu.memory_space<semaphore_mem>>
        %dma_start3A_52 = arith.constant 0 : i32
        %dma_start3A_53 = arith.constant 0 : i32
        %dma_start3A_54 = tpu.memref_slice %arg7[%dma_start3A_52, %dma_start3A_53] : memref<40x128xi32, #tpu.memory_space<vmem>> -> memref<20x128xi32, #tpu.memory_space<vmem>>
        %dma_start3A_55 = arith.constant 2480 : i32
        %dma_start3A_56 = arith.constant 0 : i32
        %dma_start3A_57 = tpu.memref_slice %arg4[%dma_start3A_55, %dma_start3A_56] : memref<2500x128xi32, #tpu.memory_space<hbm>> -> memref<20x128xi32, #tpu.memory_space<hbm>>
        %dma_start3A_58 = arith.constant 0 : i32
        %dma_start3A_59 = arith.constant 0 : i32
        %dma_start3A_60 = tpu.memref_slice %arg7[%dma_start3A_58, %dma_start3A_59] : memref<40x128xi32, #tpu.memory_space<vmem>> -> memref<20x128xi32, #tpu.memory_space<vmem>>
        %dma_start3A_61 = arith.constant 2480 : i32
        %dma_start3A_62 = arith.constant 0 : i32
        %dma_start3A_63 = tpu.memref_slice %arg4[%dma_start3A_61, %dma_start3A_62] : memref<2500x128xi32, #tpu.memory_space<hbm>> -> memref<20x128xi32, #tpu.memory_space<hbm>>
        tpu.enqueue_dma source(%dma_start3A_63 : memref<20x128xi32, #tpu.memory_space<hbm>>) target(%dma_start3A_60 : memref<20x128xi32, #tpu.memory_space<vmem>>) target_semaphore(%run_scoped3A : memref<!tpu.dma_semaphore, #tpu.memory_space<semaphore_mem>>)
        %dma_wait3A = arith.constant 0 : i32
        %dma_wait3A_64 = arith.constant 0 : i32
        %dma_wait3A_65 = tpu.memref_slice %arg7[%dma_wait3A, %dma_wait3A_64] : memref<40x128xi32, #tpu.memory_space<vmem>> -> memref<20x128xi32, #tpu.memory_space<vmem>>
        %dma_wait3A_66 = arith.constant 2480 : i32
        %dma_wait3A_67 = arith.constant 0 : i32
        %dma_wait3A_68 = tpu.memref_slice %arg4[%dma_wait3A_66, %dma_wait3A_67] : memref<2500x128xi32, #tpu.memory_space<hbm>> -> memref<20x128xi32, #tpu.memory_space<hbm>>
        %dma_wait3A_69 = arith.constant 0 : i32
        %dma_wait3A_70 = arith.constant 0 : i32
        %dma_wait3A_71 = tpu.memref_slice %arg7[%dma_wait3A_69, %dma_wait3A_70] : memref<40x128xi32, #tpu.memory_space<vmem>> -> memref<20x128xi32, #tpu.memory_space<vmem>>
        %dma_wait3A_72 = arith.constant 2480 : i32
        %dma_wait3A_73 = arith.constant 0 : i32
        %dma_wait3A_74 = tpu.memref_slice %arg4[%dma_wait3A_72, %dma_wait3A_73] : memref<2500x128xi32, #tpu.memory_space<hbm>> -> memref<20x128xi32, #tpu.memory_space<hbm>>
        tpu.wait_dma2 semaphore(%run_scoped3A : memref<!tpu.dma_semaphore, #tpu.memory_space<semaphore_mem>>) src(%dma_wait3A_74 : memref<20x128xi32, #tpu.memory_space<hbm>>) dst(%dma_wait3A_71 : memref<20x128xi32, #tpu.memory_space<vmem>>)
        tpu.yield
      }) : () -> ()
      %dma_start3A = arith.constant 0 : i32
      %dma_start3A_39 = arith.constant 0 : i32
      %dma_start3A_40 = tpu.memref_slice %arg6[%dma_start3A, %dma_start3A_39] : memref<40x128xi32, #tpu.memory_space<vmem>> -> memref<1x128xi32, #tpu.memory_space<vmem>>
      %dma_start3A_41 = tpu.memref_squeeze %dma_start3A_40 : memref<1x128xi32, #tpu.memory_space<vmem>> -> memref<128xi32, #tpu.memory_space<vmem>>
      %dma_start3A_42 = arith.constant 0 : i32
      %dma_start3A_43 = arith.constant 0 : i32
      %dma_start3A_44 = tpu.memref_slice %arg2[%dma_start3A_42, %dma_start3A_43] : memref<10000x128xf32, #tpu.memory_space<hbm>> -> memref<10000x128xf32, #tpu.memory_space<hbm>>
      tpu.enqueue_indirect_dma source(%dma_start3A_44 : memref<10000x128xf32, #tpu.memory_space<hbm>>) target(%arg8 : memref<128x128xf32, #tpu.memory_space<vmem>>) offsets(%dma_start3A_41 : memref<128xi32, #tpu.memory_space<vmem>>) semaphore(%arg11 : memref<!tpu.dma_semaphore, #tpu.memory_space<semaphore_mem>>)
      %scan3A_45 = arith.constant 0 : i32
      %scan3A_46 = arith.constant 0 : i32
      %scan3A_47 = arith.constant 10 : i32
      %scan3A_48 = arith.addi %scan3A_46, %scan3A_47 : i32
      %scan3A_49 = arith.constant 1 : i32
      %scan3A_50 = scf.for %scan3A_52 = %scan3A_46 to %scan3A_48 step %scan3A_49 iter_args(%scan3A_53 = %scan3A_45) -> (i32)  : i32 {
        %mul3A_54 = arith.constant 2 : i32
        %mul3A_55 = arith.muli %scan3A_52, %mul3A_54 : i32
        %add3A_56 = arith.constant 1 : i32
        %add3A_57 = arith.addi %mul3A_55, %add3A_56 : i32
        %dma_start3A_58 = arith.constant 0 : i32
        %dma_start3A_59 = tpu.memref_slice %arg6[%add3A_57, %dma_start3A_58] : memref<40x128xi32, #tpu.memory_space<vmem>> -> memref<1x128xi32, #tpu.memory_space<vmem>>
        %dma_start3A_60 = tpu.memref_squeeze %dma_start3A_59 : memref<1x128xi32, #tpu.memory_space<vmem>> -> memref<128xi32, #tpu.memory_space<vmem>>
        %dma_start3A_61 = arith.constant 0 : i32
        %dma_start3A_62 = arith.constant 0 : i32
        %dma_start3A_63 = tpu.memref_slice %arg2[%dma_start3A_61, %dma_start3A_62] : memref<10000x128xf32, #tpu.memory_space<hbm>> -> memref<10000x128xf32, #tpu.memory_space<hbm>>
        tpu.enqueue_indirect_dma source(%dma_start3A_63 : memref<10000x128xf32, #tpu.memory_space<hbm>>) target(%arg9 : memref<128x128xf32, #tpu.memory_space<vmem>>) offsets(%dma_start3A_60 : memref<128xi32, #tpu.memory_space<vmem>>) semaphore(%arg12 : memref<!tpu.dma_semaphore, #tpu.memory_space<semaphore_mem>>)
        %dma_wait3A = arith.constant 0 : i32
        %dma_wait3A_64 = tpu.memref_slice %arg6[%mul3A_55, %dma_wait3A] : memref<40x128xi32, #tpu.memory_space<vmem>> -> memref<1x128xi32, #tpu.memory_space<vmem>>
        %dma_wait3A_65 = tpu.memref_squeeze %dma_wait3A_64 : memref<1x128xi32, #tpu.memory_space<vmem>> -> memref<128xi32, #tpu.memory_space<vmem>>
        %dma_wait3A_66 = arith.constant 0 : i32
        %dma_wait3A_67 = arith.constant 0 : i32
        %dma_wait3A_68 = tpu.memref_slice %arg2[%dma_wait3A_66, %dma_wait3A_67] : memref<10000x128xf32, #tpu.memory_space<hbm>> -> memref<10000x128xf32, #tpu.memory_space<hbm>>
        tpu.wait_indirect_dma semaphore(%arg11 : memref<!tpu.dma_semaphore, #tpu.memory_space<semaphore_mem>>) src(%dma_wait3A_68 : memref<10000x128xf32, #tpu.memory_space<hbm>>) dst(%arg8 : memref<128x128xf32, #tpu.memory_space<vmem>>)
        "tpu.region"() ({
          %run_scoped3A = tpu.sem_alloc : memref<!tpu.dma_semaphore, #tpu.memory_space<semaphore_mem>>
          %dma_start3A_87 = arith.constant 0 : i32
          %dma_start3A_88 = tpu.memref_slice %arg7[%mul3A_55, %dma_start3A_87] : memref<40x128xi32, #tpu.memory_space<vmem>> -> memref<1x128xi32, #tpu.memory_space<vmem>>
          %dma_start3A_89 = tpu.memref_squeeze %dma_start3A_88 : memref<1x128xi32, #tpu.memory_space<vmem>> -> memref<128xi32, #tpu.memory_space<vmem>>
          %dma_start3A_90 = arith.constant 0 : i32
          %dma_start3A_91 = arith.constant 0 : i32
          %dma_start3A_92 = tpu.memref_slice %arg10[%dma_start3A_90, %dma_start3A_91] : memref<10240x128xf32, #tpu.memory_space<vmem_shared>> -> memref<10240x128xf32, #tpu.memory_space<vmem_shared>>
          tpu.enqueue_indirect_dma source(%arg8 : memref<128x128xf32, #tpu.memory_space<vmem>>) target(%dma_start3A_92 : memref<10240x128xf32, #tpu.memory_space<vmem_shared>>) offsets(%dma_start3A_89 : memref<128xi32, #tpu.memory_space<vmem>>) semaphore(%run_scoped3A : memref<!tpu.dma_semaphore, #tpu.memory_space<semaphore_mem>>) {add = true}
          %dma_wait3A_93 = arith.constant 0 : i32
          %dma_wait3A_94 = tpu.memref_slice %arg7[%mul3A_55, %dma_wait3A_93] : memref<40x128xi32, #tpu.memory_space<vmem>> -> memref<1x128xi32, #tpu.memory_space<vmem>>
          %dma_wait3A_95 = tpu.memref_squeeze %dma_wait3A_94 : memref<1x128xi32, #tpu.memory_space<vmem>> -> memref<128xi32, #tpu.memory_space<vmem>>
          %dma_wait3A_96 = arith.constant 0 : i32
          %dma_wait3A_97 = arith.constant 0 : i32
          %dma_wait3A_98 = tpu.memref_slice %arg10[%dma_wait3A_96, %dma_wait3A_97] : memref<10240x128xf32, #tpu.memory_space<vmem_shared>> -> memref<10240x128xf32, #tpu.memory_space<vmem_shared>>
          tpu.wait_indirect_dma semaphore(%run_scoped3A : memref<!tpu.dma_semaphore, #tpu.memory_space<semaphore_mem>>) src(%arg8 : memref<128x128xf32, #tpu.memory_space<vmem>>) dst(%dma_wait3A_98 : memref<10240x128xf32, #tpu.memory_space<vmem_shared>>)
          tpu.yield
        }) : () -> ()
        %add3A_69 = arith.constant 2 : i32
        %add3A_70 = arith.addi %mul3A_55, %add3A_69 : i32
        %lt3A_71 = arith.constant 20 : i32
        %lt3A_72 = arith.cmpi slt, %add3A_70, %lt3A_71 : i32
        %convert_element_type3A_73 = arith.extui %lt3A_72 : i1 to i32
        %cond3A_74 = arith.constant 0 : i32
        %cond3A_75 = arith.cmpi ne, %convert_element_type3A_73, %cond3A_74 : i32
        scf.if %cond3A_75 {
          %add3A_87 = arith.constant 2 : i32
          %add3A_88 = arith.addi %mul3A_55, %add3A_87 : i32
          %dma_start3A_89 = arith.constant 0 : i32
          %dma_start3A_90 = tpu.memref_slice %arg6[%add3A_88, %dma_start3A_89] : memref<40x128xi32, #tpu.memory_space<vmem>> -> memref<1x128xi32, #tpu.memory_space<vmem>>
          %dma_start3A_91 = tpu.memref_squeeze %dma_start3A_90 : memref<1x128xi32, #tpu.memory_space<vmem>> -> memref<128xi32, #tpu.memory_space<vmem>>
          %dma_start3A_92 = arith.constant 0 : i32
          %dma_start3A_93 = arith.constant 0 : i32
          %dma_start3A_94 = tpu.memref_slice %arg2[%dma_start3A_92, %dma_start3A_93] : memref<10000x128xf32, #tpu.memory_space<hbm>> -> memref<10000x128xf32, #tpu.memory_space<hbm>>
          tpu.enqueue_indirect_dma source(%dma_start3A_94 : memref<10000x128xf32, #tpu.memory_space<hbm>>) target(%arg8 : memref<128x128xf32, #tpu.memory_space<vmem>>) offsets(%dma_start3A_91 : memref<128xi32, #tpu.memory_space<vmem>>) semaphore(%arg11 : memref<!tpu.dma_semaphore, #tpu.memory_space<semaphore_mem>>)
        } else {
        }
        %add3A_76 = arith.constant 1 : i32
        %add3A_77 = arith.addi %mul3A_55, %add3A_76 : i32
        %dma_wait3A_78 = arith.constant 0 : i32
        %dma_wait3A_79 = tpu.memref_slice %arg6[%add3A_77, %dma_wait3A_78] : memref<40x128xi32, #tpu.memory_space<vmem>> -> memref<1x128xi32, #tpu.memory_space<vmem>>
        %dma_wait3A_80 = tpu.memref_squeeze %dma_wait3A_79 : memref<1x128xi32, #tpu.memory_space<vmem>> -> memref<128xi32, #tpu.memory_space<vmem>>
        %dma_wait3A_81 = arith.constant 0 : i32
        %dma_wait3A_82 = arith.constant 0 : i32
        %dma_wait3A_83 = tpu.memref_slice %arg2[%dma_wait3A_81, %dma_wait3A_82] : memref<10000x128xf32, #tpu.memory_space<hbm>> -> memref<10000x128xf32, #tpu.memory_space<hbm>>
        tpu.wait_indirect_dma semaphore(%arg12 : memref<!tpu.dma_semaphore, #tpu.memory_space<semaphore_mem>>) src(%dma_wait3A_83 : memref<10000x128xf32, #tpu.memory_space<hbm>>) dst(%arg9 : memref<128x128xf32, #tpu.memory_space<vmem>>)
        %add3A_84 = arith.constant 1 : i32
        %add3A_85 = arith.addi %mul3A_55, %add3A_84 : i32
        "tpu.region"() ({
          %run_scoped3A = tpu.sem_alloc : memref<!tpu.dma_semaphore, #tpu.memory_space<semaphore_mem>>
          %dma_start3A_87 = arith.constant 0 : i32
          %dma_start3A_88 = tpu.memref_slice %arg7[%add3A_85, %dma_start3A_87] : memref<40x128xi32, #tpu.memory_space<vmem>> -> memref<1x128xi32, #tpu.memory_space<vmem>>
          %dma_start3A_89 = tpu.memref_squeeze %dma_start3A_88 : memref<1x128xi32, #tpu.memory_space<vmem>> -> memref<128xi32, #tpu.memory_space<vmem>>
          %dma_start3A_90 = arith.constant 0 : i32
          %dma_start3A_91 = arith.constant 0 : i32
          %dma_start3A_92 = tpu.memref_slice %arg10[%dma_start3A_90, %dma_start3A_91] : memref<10240x128xf32, #tpu.memory_space<vmem_shared>> -> memref<10240x128xf32, #tpu.memory_space<vmem_shared>>
          tpu.enqueue_indirect_dma source(%arg9 : memref<128x128xf32, #tpu.memory_space<vmem>>) target(%dma_start3A_92 : memref<10240x128xf32, #tpu.memory_space<vmem_shared>>) offsets(%dma_start3A_89 : memref<128xi32, #tpu.memory_space<vmem>>) semaphore(%run_scoped3A : memref<!tpu.dma_semaphore, #tpu.memory_space<semaphore_mem>>) {add = true}
          %dma_wait3A_93 = arith.constant 0 : i32
          %dma_wait3A_94 = tpu.memref_slice %arg7[%add3A_85, %dma_wait3A_93] : memref<40x128xi32, #tpu.memory_space<vmem>> -> memref<1x128xi32, #tpu.memory_space<vmem>>
          %dma_wait3A_95 = tpu.memref_squeeze %dma_wait3A_94 : memref<1x128xi32, #tpu.memory_space<vmem>> -> memref<128xi32, #tpu.memory_space<vmem>>
          %dma_wait3A_96 = arith.constant 0 : i32
          %dma_wait3A_97 = arith.constant 0 : i32
          %dma_wait3A_98 = tpu.memref_slice %arg10[%dma_wait3A_96, %dma_wait3A_97] : memref<10240x128xf32, #tpu.memory_space<vmem_shared>> -> memref<10240x128xf32, #tpu.memory_space<vmem_shared>>
          tpu.wait_indirect_dma semaphore(%run_scoped3A : memref<!tpu.dma_semaphore, #tpu.memory_space<semaphore_mem>>) src(%arg9 : memref<128x128xf32, #tpu.memory_space<vmem>>) dst(%dma_wait3A_98 : memref<10240x128xf32, #tpu.memory_space<vmem_shared>>)
          tpu.yield
        }) : () -> ()
        %scan3A_86 = arith.constant 0 : i32
        scf.yield %scan3A_86 : i32
      }
      %scan3A_51 = arith.constant 10 : i32
    } else {
    }
    %barrier3A_34 = arith.constant 0 : index
    tpu.barrier barrier_id(%barrier3A_34)
    %mul3A_35 = arith.constant 640 : i32
    %mul3A_36 = arith.muli %arg1, %mul3A_35 : i32
    %mul3A_37 = arith.constant 640 : i32
    %mul3A_38 = arith.muli %arg1, %mul3A_37 : i32
    "tpu.region"() ({
      %run_scoped3A = tpu.sem_alloc : memref<!tpu.dma_semaphore, #tpu.memory_space<semaphore_mem>>
      %dma_start3A = arith.constant 0 : i32
      %dma_start3A_39 = tpu.memref_slice %arg5[%arg0, %mul3A_38, %dma_start3A] : memref<2x10240x128xf32, #tpu.memory_space<hbm>> -> memref<1x640x128xf32, #tpu.memory_space<hbm>>
      %dma_start3A_40 = tpu.memref_squeeze %dma_start3A_39 : memref<1x640x128xf32, #tpu.memory_space<hbm>> -> memref<640x128xf32, #tpu.memory_space<hbm>>
      %dma_start3A_41 = arith.constant 0 : i32
      %dma_start3A_42 = tpu.memref_slice %arg10[%mul3A_36, %dma_start3A_41] : memref<10240x128xf32, #tpu.memory_space<vmem_shared>> -> memref<640x128xf32, #tpu.memory_space<vmem_shared>>
      tpu.enqueue_dma source(%dma_start3A_42 : memref<640x128xf32, #tpu.memory_space<vmem_shared>>) target(%dma_start3A_40 : memref<640x128xf32, #tpu.memory_space<hbm>>) target_semaphore(%run_scoped3A : memref<!tpu.dma_semaphore, #tpu.memory_space<semaphore_mem>>)
      %dma_wait3A = arith.constant 0 : i32
      %dma_wait3A_43 = tpu.memref_slice %arg5[%arg0, %mul3A_38, %dma_wait3A] : memref<2x10240x128xf32, #tpu.memory_space<hbm>> -> memref<1x640x128xf32, #tpu.memory_space<hbm>>
      %dma_wait3A_44 = tpu.memref_squeeze %dma_wait3A_43 : memref<1x640x128xf32, #tpu.memory_space<hbm>> -> memref<640x128xf32, #tpu.memory_space<hbm>>
      %dma_wait3A_45 = arith.constant 0 : i32
      %dma_wait3A_46 = tpu.memref_slice %arg10[%mul3A_36, %dma_wait3A_45] : memref<10240x128xf32, #tpu.memory_space<vmem_shared>> -> memref<640x128xf32, #tpu.memory_space<vmem_shared>>
      tpu.wait_dma2 semaphore(%run_scoped3A : memref<!tpu.dma_semaphore, #tpu.memory_space<semaphore_mem>>) src(%dma_wait3A_46 : memref<640x128xf32, #tpu.memory_space<vmem_shared>>) dst(%dma_wait3A_44 : memref<640x128xf32, #tpu.memory_space<hbm>>)
      tpu.yield
    }) : () -> ()
    return
  }
}

#map = affine_map<(d0, d1) -> (0, 0)>
module attributes {stable_mosaic.version = 14 : i64} {
  func.func @body(%arg0: i32, %arg1: i32, %arg2: memref<2500x128xi32, #tpu.memory_space<hbm>>, %arg3: memref<2500x128xi32, #tpu.memory_space<hbm>>, %arg4: memref<4x10240xf32, #tpu.memory_space<hbm>>, %arg5: memref<80x128xi32, #tpu.memory_space<vmem>>, %arg6: memref<80x128xi32, #tpu.memory_space<vmem>>, %arg7: memref<128xf32, #tpu.memory_space<vmem>>, %arg8: memref<640xf32, #tpu.memory_space<vmem>>, %arg9: memref<10240xf32, #tpu.memory_space<vmem_shared>>, %arg10: memref<10240xf32, #tpu.memory_space<vmem_shared>>, %arg11: memref<!tpu.dma_semaphore, #tpu.memory_space<semaphore_mem>>) attributes {dimension_semantics = [#tpu.dimension_semantics<core_parallel>, #tpu.dimension_semantics<subcore_parallel>], iteration_bounds = array<i64: 2, 16>, scalar_prefetch = 0 : i64, scratch_operands = 7 : i64, tpu.core_type = #tpu.core_type<sc_vector_subcore>, window_params = [{transform_indices = #map}, {transform_indices = #map}, {transform_indices = #map}]} {
    %mul3A = arith.constant 16 : i32
    %mul3A_0 = arith.muli %arg0, %mul3A : i32
    %add3A = arith.addi %mul3A_0, %arg1 : i32
    %broadcast_in_dim3A = arith.constant 0.000000e+00 : f32
    %broadcast_in_dim3A_1 = vector.broadcast %broadcast_in_dim3A : f32 to vector<16xf32>
    %broadcast_in_dim3A_2 = arith.constant 1.000000e+00 : f32
    %broadcast_in_dim3A_3 = vector.broadcast %broadcast_in_dim3A_2 : f32 to vector<16xf32>
    %scan3A = arith.constant 0 : i32
    %scan3A_4 = arith.constant 0 : i32
    %scan3A_5 = arith.constant 40 : i32
    %scan3A_6 = arith.addi %scan3A_4, %scan3A_5 : i32
    %scan3A_7 = arith.constant 1 : i32
    %scan3A_8 = scf.for %scan3A_66 = %scan3A_4 to %scan3A_6 step %scan3A_7 iter_args(%scan3A_67 = %scan3A) -> (i32)  : i32 {
      %mul3A_68 = arith.constant 16 : i32
      %mul3A_69 = arith.muli %scan3A_66, %mul3A_68 : i32
      %swap3A_70 = arith.index_cast %mul3A_69 : i32 to index
      %swap3A_71 = tpu.vector_load %arg8[%swap3A_70] {strides = array<i32>} : memref<640xf32, #tpu.memory_space<vmem>>, vector<16xf32>,
      %swap3A_72 = vector.shape_cast %swap3A_71 : vector<16xf32> to vector<16xf32>
      %swap3A_73 = vector.shape_cast %broadcast_in_dim3A_1 : vector<16xf32> to vector<16xf32>
      tpu.vector_store %arg8[%swap3A_70], %swap3A_73 {strides = array<i32>} : memref<640xf32, #tpu.memory_space<vmem>>, vector<16xf32>,
      %scan3A_74 = arith.constant 0 : i32
      scf.yield %scan3A_74 : i32
    }
    %scan3A_9 = arith.constant 40 : i32
    %swap3A = arith.constant 0 : index
    %swap3A_10 = tpu.vector_load %arg7[%swap3A] {strides = array<i32>} : memref<128xf32, #tpu.memory_space<vmem>>, vector<16xf32>,
    %swap3A_11 = vector.shape_cast %swap3A_10 : vector<16xf32> to vector<16xf32>
    %swap3A_12 = vector.shape_cast %broadcast_in_dim3A_3 : vector<16xf32> to vector<16xf32>
    tpu.vector_store %arg7[%swap3A], %swap3A_12 {strides = array<i32>} : memref<128xf32, #tpu.memory_space<vmem>>, vector<16xf32>,
    %swap3A_13 = arith.constant 16 : index
    %swap3A_14 = tpu.vector_load %arg7[%swap3A_13] {strides = array<i32>} : memref<128xf32, #tpu.memory_space<vmem>>, vector<16xf32>,
    %swap3A_15 = vector.shape_cast %swap3A_14 : vector<16xf32> to vector<16xf32>
    %swap3A_16 = vector.shape_cast %broadcast_in_dim3A_3 : vector<16xf32> to vector<16xf32>
    tpu.vector_store %arg7[%swap3A_13], %swap3A_16 {strides = array<i32>} : memref<128xf32, #tpu.memory_space<vmem>>, vector<16xf32>,
    %swap3A_17 = arith.constant 32 : index
    %swap3A_18 = tpu.vector_load %arg7[%swap3A_17] {strides = array<i32>} : memref<128xf32, #tpu.memory_space<vmem>>, vector<16xf32>,
    %swap3A_19 = vector.shape_cast %swap3A_18 : vector<16xf32> to vector<16xf32>
    %swap3A_20 = vector.shape_cast %broadcast_in_dim3A_3 : vector<16xf32> to vector<16xf32>
    tpu.vector_store %arg7[%swap3A_17], %swap3A_20 {strides = array<i32>} : memref<128xf32, #tpu.memory_space<vmem>>, vector<16xf32>,
    %swap3A_21 = arith.constant 48 : index
    %swap3A_22 = tpu.vector_load %arg7[%swap3A_21] {strides = array<i32>} : memref<128xf32, #tpu.memory_space<vmem>>, vector<16xf32>,
    %swap3A_23 = vector.shape_cast %swap3A_22 : vector<16xf32> to vector<16xf32>
    %swap3A_24 = vector.shape_cast %broadcast_in_dim3A_3 : vector<16xf32> to vector<16xf32>
    tpu.vector_store %arg7[%swap3A_21], %swap3A_24 {strides = array<i32>} : memref<128xf32, #tpu.memory_space<vmem>>, vector<16xf32>,
    %swap3A_25 = arith.constant 64 : index
    %swap3A_26 = tpu.vector_load %arg7[%swap3A_25] {strides = array<i32>} : memref<128xf32, #tpu.memory_space<vmem>>, vector<16xf32>,
    %swap3A_27 = vector.shape_cast %swap3A_26 : vector<16xf32> to vector<16xf32>
    %swap3A_28 = vector.shape_cast %broadcast_in_dim3A_3 : vector<16xf32> to vector<16xf32>
    tpu.vector_store %arg7[%swap3A_25], %swap3A_28 {strides = array<i32>} : memref<128xf32, #tpu.memory_space<vmem>>, vector<16xf32>,
    %swap3A_29 = arith.constant 80 : index
    %swap3A_30 = tpu.vector_load %arg7[%swap3A_29] {strides = array<i32>} : memref<128xf32, #tpu.memory_space<vmem>>, vector<16xf32>,
    %swap3A_31 = vector.shape_cast %swap3A_30 : vector<16xf32> to vector<16xf32>
    %swap3A_32 = vector.shape_cast %broadcast_in_dim3A_3 : vector<16xf32> to vector<16xf32>
    tpu.vector_store %arg7[%swap3A_29], %swap3A_32 {strides = array<i32>} : memref<128xf32, #tpu.memory_space<vmem>>, vector<16xf32>,
    %swap3A_33 = arith.constant 96 : index
    %swap3A_34 = tpu.vector_load %arg7[%swap3A_33] {strides = array<i32>} : memref<128xf32, #tpu.memory_space<vmem>>, vector<16xf32>,
    %swap3A_35 = vector.shape_cast %swap3A_34 : vector<16xf32> to vector<16xf32>
    %swap3A_36 = vector.shape_cast %broadcast_in_dim3A_3 : vector<16xf32> to vector<16xf32>
    tpu.vector_store %arg7[%swap3A_33], %swap3A_36 {strides = array<i32>} : memref<128xf32, #tpu.memory_space<vmem>>, vector<16xf32>,
    %swap3A_37 = arith.constant 112 : index
    %swap3A_38 = tpu.vector_load %arg7[%swap3A_37] {strides = array<i32>} : memref<128xf32, #tpu.memory_space<vmem>>, vector<16xf32>,
    %swap3A_39 = vector.shape_cast %swap3A_38 : vector<16xf32> to vector<16xf32>
    %swap3A_40 = vector.shape_cast %broadcast_in_dim3A_3 : vector<16xf32> to vector<16xf32>
    tpu.vector_store %arg7[%swap3A_37], %swap3A_40 {strides = array<i32>} : memref<128xf32, #tpu.memory_space<vmem>>, vector<16xf32>,
    %mul3A_41 = arith.constant 640 : i32
    %mul3A_42 = arith.muli %arg1, %mul3A_41 : i32
    "tpu.region"() ({
      %run_scoped3A = tpu.sem_alloc : memref<!tpu.dma_semaphore, #tpu.memory_space<semaphore_mem>>
      %dma_start3A = tpu.memref_slice %arg9[%mul3A_42] : memref<10240xf32, #tpu.memory_space<vmem_shared>> -> memref<640xf32, #tpu.memory_space<vmem_shared>>
      %dma_start3A_66 = tpu.memref_slice %arg9[%mul3A_42] : memref<10240xf32, #tpu.memory_space<vmem_shared>> -> memref<640xf32, #tpu.memory_space<vmem_shared>>
      tpu.enqueue_dma source(%arg8 : memref<640xf32, #tpu.memory_space<vmem>>) target(%dma_start3A_66 : memref<640xf32, #tpu.memory_space<vmem_shared>>) target_semaphore(%run_scoped3A : memref<!tpu.dma_semaphore, #tpu.memory_space<semaphore_mem>>)
      %dma_wait3A = tpu.memref_slice %arg9[%mul3A_42] : memref<10240xf32, #tpu.memory_space<vmem_shared>> -> memref<640xf32, #tpu.memory_space<vmem_shared>>
      %dma_wait3A_67 = tpu.memref_slice %arg9[%mul3A_42] : memref<10240xf32, #tpu.memory_space<vmem_shared>> -> memref<640xf32, #tpu.memory_space<vmem_shared>>
      tpu.wait_dma2 semaphore(%run_scoped3A : memref<!tpu.dma_semaphore, #tpu.memory_space<semaphore_mem>>) src(%arg8 : memref<640xf32, #tpu.memory_space<vmem>>) dst(%dma_wait3A_67 : memref<640xf32, #tpu.memory_space<vmem_shared>>)
      tpu.yield
    }) : () -> ()
    %mul3A_43 = arith.constant 640 : i32
    %mul3A_44 = arith.muli %arg1, %mul3A_43 : i32
    "tpu.region"() ({
      %run_scoped3A = tpu.sem_alloc : memref<!tpu.dma_semaphore, #tpu.memory_space<semaphore_mem>>
      %dma_start3A = tpu.memref_slice %arg10[%mul3A_44] : memref<10240xf32, #tpu.memory_space<vmem_shared>> -> memref<640xf32, #tpu.memory_space<vmem_shared>>
      %dma_start3A_66 = tpu.memref_slice %arg10[%mul3A_44] : memref<10240xf32, #tpu.memory_space<vmem_shared>> -> memref<640xf32, #tpu.memory_space<vmem_shared>>
      tpu.enqueue_dma source(%arg8 : memref<640xf32, #tpu.memory_space<vmem>>) target(%dma_start3A_66 : memref<640xf32, #tpu.memory_space<vmem_shared>>) target_semaphore(%run_scoped3A : memref<!tpu.dma_semaphore, #tpu.memory_space<semaphore_mem>>)
      %dma_wait3A = tpu.memref_slice %arg10[%mul3A_44] : memref<10240xf32, #tpu.memory_space<vmem_shared>> -> memref<640xf32, #tpu.memory_space<vmem_shared>>
      %dma_wait3A_67 = tpu.memref_slice %arg10[%mul3A_44] : memref<10240xf32, #tpu.memory_space<vmem_shared>> -> memref<640xf32, #tpu.memory_space<vmem_shared>>
      tpu.wait_dma2 semaphore(%run_scoped3A : memref<!tpu.dma_semaphore, #tpu.memory_space<semaphore_mem>>) src(%arg8 : memref<640xf32, #tpu.memory_space<vmem>>) dst(%dma_wait3A_67 : memref<640xf32, #tpu.memory_space<vmem_shared>>)
      tpu.yield
    }) : () -> ()
    %barrier3A = arith.constant 0 : index
    tpu.barrier barrier_id(%barrier3A)
    %lt3A = arith.constant 31 : i32
    %lt3A_45 = arith.cmpi slt, %add3A, %lt3A : i32
    %convert_element_type3A = arith.extui %lt3A_45 : i1 to i32
    %cond3A = arith.constant 0 : i32
    %cond3A_46 = arith.cmpi ne, %convert_element_type3A, %cond3A : i32
    scf.if %cond3A_46 {
      %mul3A_66 = arith.constant 80 : i32
      %mul3A_67 = arith.muli %mul3A_66, %add3A : i32
      "tpu.region"() ({
        %run_scoped3A = tpu.sem_alloc : memref<!tpu.dma_semaphore, #tpu.memory_space<semaphore_mem>>
        %dma_start3A = arith.constant 0 : i32
        %dma_start3A_75 = arith.constant 0 : i32
        %dma_start3A_76 = tpu.memref_slice %arg5[%dma_start3A, %dma_start3A_75] : memref<80x128xi32, #tpu.memory_space<vmem>> -> memref<80x128xi32, #tpu.memory_space<vmem>>
        %dma_start3A_77 = arith.constant 0 : i32
        %dma_start3A_78 = tpu.memref_slice %arg2[%mul3A_67, %dma_start3A_77] : memref<2500x128xi32, #tpu.memory_space<hbm>> -> memref<80x128xi32, #tpu.memory_space<hbm>>
        %dma_start3A_79 = arith.constant 0 : i32
        %dma_start3A_80 = arith.constant 0 : i32
        %dma_start3A_81 = tpu.memref_slice %arg5[%dma_start3A_79, %dma_start3A_80] : memref<80x128xi32, #tpu.memory_space<vmem>> -> memref<80x128xi32, #tpu.memory_space<vmem>>
        %dma_start3A_82 = arith.constant 0 : i32
        %dma_start3A_83 = tpu.memref_slice %arg2[%mul3A_67, %dma_start3A_82] : memref<2500x128xi32, #tpu.memory_space<hbm>> -> memref<80x128xi32, #tpu.memory_space<hbm>>
        tpu.enqueue_dma source(%dma_start3A_83 : memref<80x128xi32, #tpu.memory_space<hbm>>) target(%dma_start3A_81 : memref<80x128xi32, #tpu.memory_space<vmem>>) target_semaphore(%run_scoped3A : memref<!tpu.dma_semaphore, #tpu.memory_space<semaphore_mem>>)
        %dma_wait3A = arith.constant 0 : i32
        %dma_wait3A_84 = arith.constant 0 : i32
        %dma_wait3A_85 = tpu.memref_slice %arg5[%dma_wait3A, %dma_wait3A_84] : memref<80x128xi32, #tpu.memory_space<vmem>> -> memref<80x128xi32, #tpu.memory_space<vmem>>
        %dma_wait3A_86 = arith.constant 0 : i32
        %dma_wait3A_87 = tpu.memref_slice %arg2[%mul3A_67, %dma_wait3A_86] : memref<2500x128xi32, #tpu.memory_space<hbm>> -> memref<80x128xi32, #tpu.memory_space<hbm>>
        %dma_wait3A_88 = arith.constant 0 : i32
        %dma_wait3A_89 = arith.constant 0 : i32
        %dma_wait3A_90 = tpu.memref_slice %arg5[%dma_wait3A_88, %dma_wait3A_89] : memref<80x128xi32, #tpu.memory_space<vmem>> -> memref<80x128xi32, #tpu.memory_space<vmem>>
        %dma_wait3A_91 = arith.constant 0 : i32
        %dma_wait3A_92 = tpu.memref_slice %arg2[%mul3A_67, %dma_wait3A_91] : memref<2500x128xi32, #tpu.memory_space<hbm>> -> memref<80x128xi32, #tpu.memory_space<hbm>>
        tpu.wait_dma2 semaphore(%run_scoped3A : memref<!tpu.dma_semaphore, #tpu.memory_space<semaphore_mem>>) src(%dma_wait3A_92 : memref<80x128xi32, #tpu.memory_space<hbm>>) dst(%dma_wait3A_90 : memref<80x128xi32, #tpu.memory_space<vmem>>)
        tpu.yield
      }) : () -> ()
      "tpu.region"() ({
        %run_scoped3A = tpu.sem_alloc : memref<!tpu.dma_semaphore, #tpu.memory_space<semaphore_mem>>
        %dma_start3A = arith.constant 0 : i32
        %dma_start3A_75 = arith.constant 0 : i32
        %dma_start3A_76 = tpu.memref_slice %arg6[%dma_start3A, %dma_start3A_75] : memref<80x128xi32, #tpu.memory_space<vmem>> -> memref<80x128xi32, #tpu.memory_space<vmem>>
        %dma_start3A_77 = arith.constant 0 : i32
        %dma_start3A_78 = tpu.memref_slice %arg3[%mul3A_67, %dma_start3A_77] : memref<2500x128xi32, #tpu.memory_space<hbm>> -> memref<80x128xi32, #tpu.memory_space<hbm>>
        %dma_start3A_79 = arith.constant 0 : i32
        %dma_start3A_80 = arith.constant 0 : i32
        %dma_start3A_81 = tpu.memref_slice %arg6[%dma_start3A_79, %dma_start3A_80] : memref<80x128xi32, #tpu.memory_space<vmem>> -> memref<80x128xi32, #tpu.memory_space<vmem>>
        %dma_start3A_82 = arith.constant 0 : i32
        %dma_start3A_83 = tpu.memref_slice %arg3[%mul3A_67, %dma_start3A_82] : memref<2500x128xi32, #tpu.memory_space<hbm>> -> memref<80x128xi32, #tpu.memory_space<hbm>>
        tpu.enqueue_dma source(%dma_start3A_83 : memref<80x128xi32, #tpu.memory_space<hbm>>) target(%dma_start3A_81 : memref<80x128xi32, #tpu.memory_space<vmem>>) target_semaphore(%run_scoped3A : memref<!tpu.dma_semaphore, #tpu.memory_space<semaphore_mem>>)
        %dma_wait3A = arith.constant 0 : i32
        %dma_wait3A_84 = arith.constant 0 : i32
        %dma_wait3A_85 = tpu.memref_slice %arg6[%dma_wait3A, %dma_wait3A_84] : memref<80x128xi32, #tpu.memory_space<vmem>> -> memref<80x128xi32, #tpu.memory_space<vmem>>
        %dma_wait3A_86 = arith.constant 0 : i32
        %dma_wait3A_87 = tpu.memref_slice %arg3[%mul3A_67, %dma_wait3A_86] : memref<2500x128xi32, #tpu.memory_space<hbm>> -> memref<80x128xi32, #tpu.memory_space<hbm>>
        %dma_wait3A_88 = arith.constant 0 : i32
        %dma_wait3A_89 = arith.constant 0 : i32
        %dma_wait3A_90 = tpu.memref_slice %arg6[%dma_wait3A_88, %dma_wait3A_89] : memref<80x128xi32, #tpu.memory_space<vmem>> -> memref<80x128xi32, #tpu.memory_space<vmem>>
        %dma_wait3A_91 = arith.constant 0 : i32
        %dma_wait3A_92 = tpu.memref_slice %arg3[%mul3A_67, %dma_wait3A_91] : memref<2500x128xi32, #tpu.memory_space<hbm>> -> memref<80x128xi32, #tpu.memory_space<hbm>>
        tpu.wait_dma2 semaphore(%run_scoped3A : memref<!tpu.dma_semaphore, #tpu.memory_space<semaphore_mem>>) src(%dma_wait3A_92 : memref<80x128xi32, #tpu.memory_space<hbm>>) dst(%dma_wait3A_90 : memref<80x128xi32, #tpu.memory_space<vmem>>)
        tpu.yield
      }) : () -> ()
      %scan3A_68 = arith.constant 0 : i32
      %scan3A_69 = arith.constant 0 : i32
      %scan3A_70 = arith.constant 10 : i32
      %scan3A_71 = arith.addi %scan3A_69, %scan3A_70 : i32
      %scan3A_72 = arith.constant 1 : i32
      %scan3A_73 = scf.for %scan3A_75 = %scan3A_69 to %scan3A_71 step %scan3A_72 iter_args(%scan3A_76 = %scan3A_68) -> (i32)  : i32 {
        %mul3A_77 = arith.constant 8 : i32
        %mul3A_78 = arith.muli %scan3A_75, %mul3A_77 : i32
        %add3A_79 = arith.constant 0 : i32
        %add3A_80 = arith.addi %mul3A_78, %add3A_79 : i32
        %dma_start3A = arith.constant 0 : i32
        %dma_start3A_81 = tpu.memref_slice %arg5[%add3A_80, %dma_start3A] : memref<80x128xi32, #tpu.memory_space<vmem>> -> memref<1x128xi32, #tpu.memory_space<vmem>>
        %dma_start3A_82 = tpu.memref_squeeze %dma_start3A_81 : memref<1x128xi32, #tpu.memory_space<vmem>> -> memref<128xi32, #tpu.memory_space<vmem>>
        %dma_start3A_83 = arith.constant 0 : i32
        %dma_start3A_84 = tpu.memref_slice %arg9[%dma_start3A_83] : memref<10240xf32, #tpu.memory_space<vmem_shared>> -> memref<10240xf32, #tpu.memory_space<vmem_shared>>
        tpu.enqueue_indirect_dma source(%arg7 : memref<128xf32, #tpu.memory_space<vmem>>) target(%dma_start3A_84 : memref<10240xf32, #tpu.memory_space<vmem_shared>>) offsets(%dma_start3A_82 : memref<128xi32, #tpu.memory_space<vmem>>) semaphore(%arg11 : memref<!tpu.dma_semaphore, #tpu.memory_space<semaphore_mem>>) {add = true}
        %dma_start3A_85 = arith.constant 0 : i32
        %dma_start3A_86 = tpu.memref_slice %arg6[%add3A_80, %dma_start3A_85] : memref<80x128xi32, #tpu.memory_space<vmem>> -> memref<1x128xi32, #tpu.memory_space<vmem>>
        %dma_start3A_87 = tpu.memref_squeeze %dma_start3A_86 : memref<1x128xi32, #tpu.memory_space<vmem>> -> memref<128xi32, #tpu.memory_space<vmem>>
        %dma_start3A_88 = arith.constant 0 : i32
        %dma_start3A_89 = tpu.memref_slice %arg10[%dma_start3A_88] : memref<10240xf32, #tpu.memory_space<vmem_shared>> -> memref<10240xf32, #tpu.memory_space<vmem_shared>>
        tpu.enqueue_indirect_dma source(%arg7 : memref<128xf32, #tpu.memory_space<vmem>>) target(%dma_start3A_89 : memref<10240xf32, #tpu.memory_space<vmem_shared>>) offsets(%dma_start3A_87 : memref<128xi32, #tpu.memory_space<vmem>>) semaphore(%arg11 : memref<!tpu.dma_semaphore, #tpu.memory_space<semaphore_mem>>) {add = true}
        %mul3A_90 = arith.constant 8 : i32
        %mul3A_91 = arith.muli %scan3A_75, %mul3A_90 : i32
        %add3A_92 = arith.constant 1 : i32
        %add3A_93 = arith.addi %mul3A_91, %add3A_92 : i32
        %dma_start3A_94 = arith.constant 0 : i32
        %dma_start3A_95 = tpu.memref_slice %arg5[%add3A_93, %dma_start3A_94] : memref<80x128xi32, #tpu.memory_space<vmem>> -> memref<1x128xi32, #tpu.memory_space<vmem>>
        %dma_start3A_96 = tpu.memref_squeeze %dma_start3A_95 : memref<1x128xi32, #tpu.memory_space<vmem>> -> memref<128xi32, #tpu.memory_space<vmem>>
        %dma_start3A_97 = arith.constant 0 : i32
        %dma_start3A_98 = tpu.memref_slice %arg9[%dma_start3A_97] : memref<10240xf32, #tpu.memory_space<vmem_shared>> -> memref<10240xf32, #tpu.memory_space<vmem_shared>>
        tpu.enqueue_indirect_dma source(%arg7 : memref<128xf32, #tpu.memory_space<vmem>>) target(%dma_start3A_98 : memref<10240xf32, #tpu.memory_space<vmem_shared>>) offsets(%dma_start3A_96 : memref<128xi32, #tpu.memory_space<vmem>>) semaphore(%arg11 : memref<!tpu.dma_semaphore, #tpu.memory_space<semaphore_mem>>) {add = true}
        %dma_start3A_99 = arith.constant 0 : i32
        %dma_start3A_100 = tpu.memref_slice %arg6[%add3A_93, %dma_start3A_99] : memref<80x128xi32, #tpu.memory_space<vmem>> -> memref<1x128xi32, #tpu.memory_space<vmem>>
        %dma_start3A_101 = tpu.memref_squeeze %dma_start3A_100 : memref<1x128xi32, #tpu.memory_space<vmem>> -> memref<128xi32, #tpu.memory_space<vmem>>
        %dma_start3A_102 = arith.constant 0 : i32
        %dma_start3A_103 = tpu.memref_slice %arg10[%dma_start3A_102] : memref<10240xf32, #tpu.memory_space<vmem_shared>> -> memref<10240xf32, #tpu.memory_space<vmem_shared>>
        tpu.enqueue_indirect_dma source(%arg7 : memref<128xf32, #tpu.memory_space<vmem>>) target(%dma_start3A_103 : memref<10240xf32, #tpu.memory_space<vmem_shared>>) offsets(%dma_start3A_101 : memref<128xi32, #tpu.memory_space<vmem>>) semaphore(%arg11 : memref<!tpu.dma_semaphore, #tpu.memory_space<semaphore_mem>>) {add = true}
        %mul3A_104 = arith.constant 8 : i32
        %mul3A_105 = arith.muli %scan3A_75, %mul3A_104 : i32
        %add3A_106 = arith.constant 2 : i32
        %add3A_107 = arith.addi %mul3A_105, %add3A_106 : i32
        %dma_start3A_108 = arith.constant 0 : i32
        %dma_start3A_109 = tpu.memref_slice %arg5[%add3A_107, %dma_start3A_108] : memref<80x128xi32, #tpu.memory_space<vmem>> -> memref<1x128xi32, #tpu.memory_space<vmem>>
        %dma_start3A_110 = tpu.memref_squeeze %dma_start3A_109 : memref<1x128xi32, #tpu.memory_space<vmem>> -> memref<128xi32, #tpu.memory_space<vmem>>
        %dma_start3A_111 = arith.constant 0 : i32
        %dma_start3A_112 = tpu.memref_slice %arg9[%dma_start3A_111] : memref<10240xf32, #tpu.memory_space<vmem_shared>> -> memref<10240xf32, #tpu.memory_space<vmem_shared>>
        tpu.enqueue_indirect_dma source(%arg7 : memref<128xf32, #tpu.memory_space<vmem>>) target(%dma_start3A_112 : memref<10240xf32, #tpu.memory_space<vmem_shared>>) offsets(%dma_start3A_110 : memref<128xi32, #tpu.memory_space<vmem>>) semaphore(%arg11 : memref<!tpu.dma_semaphore, #tpu.memory_space<semaphore_mem>>) {add = true}
        %dma_start3A_113 = arith.constant 0 : i32
        %dma_start3A_114 = tpu.memref_slice %arg6[%add3A_107, %dma_start3A_113] : memref<80x128xi32, #tpu.memory_space<vmem>> -> memref<1x128xi32, #tpu.memory_space<vmem>>
        %dma_start3A_115 = tpu.memref_squeeze %dma_start3A_114 : memref<1x128xi32, #tpu.memory_space<vmem>> -> memref<128xi32, #tpu.memory_space<vmem>>
        %dma_start3A_116 = arith.constant 0 : i32
        %dma_start3A_117 = tpu.memref_slice %arg10[%dma_start3A_116] : memref<10240xf32, #tpu.memory_space<vmem_shared>> -> memref<10240xf32, #tpu.memory_space<vmem_shared>>
        tpu.enqueue_indirect_dma source(%arg7 : memref<128xf32, #tpu.memory_space<vmem>>) target(%dma_start3A_117 : memref<10240xf32, #tpu.memory_space<vmem_shared>>) offsets(%dma_start3A_115 : memref<128xi32, #tpu.memory_space<vmem>>) semaphore(%arg11 : memref<!tpu.dma_semaphore, #tpu.memory_space<semaphore_mem>>) {add = true}
        %mul3A_118 = arith.constant 8 : i32
        %mul3A_119 = arith.muli %scan3A_75, %mul3A_118 : i32
        %add3A_120 = arith.constant 3 : i32
        %add3A_121 = arith.addi %mul3A_119, %add3A_120 : i32
        %dma_start3A_122 = arith.constant 0 : i32
        %dma_start3A_123 = tpu.memref_slice %arg5[%add3A_121, %dma_start3A_122] : memref<80x128xi32, #tpu.memory_space<vmem>> -> memref<1x128xi32, #tpu.memory_space<vmem>>
        %dma_start3A_124 = tpu.memref_squeeze %dma_start3A_123 : memref<1x128xi32, #tpu.memory_space<vmem>> -> memref<128xi32, #tpu.memory_space<vmem>>
        %dma_start3A_125 = arith.constant 0 : i32
        %dma_start3A_126 = tpu.memref_slice %arg9[%dma_start3A_125] : memref<10240xf32, #tpu.memory_space<vmem_shared>> -> memref<10240xf32, #tpu.memory_space<vmem_shared>>
        tpu.enqueue_indirect_dma source(%arg7 : memref<128xf32, #tpu.memory_space<vmem>>) target(%dma_start3A_126 : memref<10240xf32, #tpu.memory_space<vmem_shared>>) offsets(%dma_start3A_124 : memref<128xi32, #tpu.memory_space<vmem>>) semaphore(%arg11 : memref<!tpu.dma_semaphore, #tpu.memory_space<semaphore_mem>>) {add = true}
        %dma_start3A_127 = arith.constant 0 : i32
        %dma_start3A_128 = tpu.memref_slice %arg6[%add3A_121, %dma_start3A_127] : memref<80x128xi32, #tpu.memory_space<vmem>> -> memref<1x128xi32, #tpu.memory_space<vmem>>
        %dma_start3A_129 = tpu.memref_squeeze %dma_start3A_128 : memref<1x128xi32, #tpu.memory_space<vmem>> -> memref<128xi32, #tpu.memory_space<vmem>>
        %dma_start3A_130 = arith.constant 0 : i32
        %dma_start3A_131 = tpu.memref_slice %arg10[%dma_start3A_130] : memref<10240xf32, #tpu.memory_space<vmem_shared>> -> memref<10240xf32, #tpu.memory_space<vmem_shared>>
        tpu.enqueue_indirect_dma source(%arg7 : memref<128xf32, #tpu.memory_space<vmem>>) target(%dma_start3A_131 : memref<10240xf32, #tpu.memory_space<vmem_shared>>) offsets(%dma_start3A_129 : memref<128xi32, #tpu.memory_space<vmem>>) semaphore(%arg11 : memref<!tpu.dma_semaphore, #tpu.memory_space<semaphore_mem>>) {add = true}
        %mul3A_132 = arith.constant 8 : i32
        %mul3A_133 = arith.muli %scan3A_75, %mul3A_132 : i32
        %add3A_134 = arith.constant 4 : i32
        %add3A_135 = arith.addi %mul3A_133, %add3A_134 : i32
        %dma_start3A_136 = arith.constant 0 : i32
        %dma_start3A_137 = tpu.memref_slice %arg5[%add3A_135, %dma_start3A_136] : memref<80x128xi32, #tpu.memory_space<vmem>> -> memref<1x128xi32, #tpu.memory_space<vmem>>
        %dma_start3A_138 = tpu.memref_squeeze %dma_start3A_137 : memref<1x128xi32, #tpu.memory_space<vmem>> -> memref<128xi32, #tpu.memory_space<vmem>>
        %dma_start3A_139 = arith.constant 0 : i32
        %dma_start3A_140 = tpu.memref_slice %arg9[%dma_start3A_139] : memref<10240xf32, #tpu.memory_space<vmem_shared>> -> memref<10240xf32, #tpu.memory_space<vmem_shared>>
        tpu.enqueue_indirect_dma source(%arg7 : memref<128xf32, #tpu.memory_space<vmem>>) target(%dma_start3A_140 : memref<10240xf32, #tpu.memory_space<vmem_shared>>) offsets(%dma_start3A_138 : memref<128xi32, #tpu.memory_space<vmem>>) semaphore(%arg11 : memref<!tpu.dma_semaphore, #tpu.memory_space<semaphore_mem>>) {add = true}
        %dma_start3A_141 = arith.constant 0 : i32
        %dma_start3A_142 = tpu.memref_slice %arg6[%add3A_135, %dma_start3A_141] : memref<80x128xi32, #tpu.memory_space<vmem>> -> memref<1x128xi32, #tpu.memory_space<vmem>>
        %dma_start3A_143 = tpu.memref_squeeze %dma_start3A_142 : memref<1x128xi32, #tpu.memory_space<vmem>> -> memref<128xi32, #tpu.memory_space<vmem>>
        %dma_start3A_144 = arith.constant 0 : i32
        %dma_start3A_145 = tpu.memref_slice %arg10[%dma_start3A_144] : memref<10240xf32, #tpu.memory_space<vmem_shared>> -> memref<10240xf32, #tpu.memory_space<vmem_shared>>
        tpu.enqueue_indirect_dma source(%arg7 : memref<128xf32, #tpu.memory_space<vmem>>) target(%dma_start3A_145 : memref<10240xf32, #tpu.memory_space<vmem_shared>>) offsets(%dma_start3A_143 : memref<128xi32, #tpu.memory_space<vmem>>) semaphore(%arg11 : memref<!tpu.dma_semaphore, #tpu.memory_space<semaphore_mem>>) {add = true}
        %mul3A_146 = arith.constant 8 : i32
        %mul3A_147 = arith.muli %scan3A_75, %mul3A_146 : i32
        %add3A_148 = arith.constant 5 : i32
        %add3A_149 = arith.addi %mul3A_147, %add3A_148 : i32
        %dma_start3A_150 = arith.constant 0 : i32
        %dma_start3A_151 = tpu.memref_slice %arg5[%add3A_149, %dma_start3A_150] : memref<80x128xi32, #tpu.memory_space<vmem>> -> memref<1x128xi32, #tpu.memory_space<vmem>>
        %dma_start3A_152 = tpu.memref_squeeze %dma_start3A_151 : memref<1x128xi32, #tpu.memory_space<vmem>> -> memref<128xi32, #tpu.memory_space<vmem>>
        %dma_start3A_153 = arith.constant 0 : i32
        %dma_start3A_154 = tpu.memref_slice %arg9[%dma_start3A_153] : memref<10240xf32, #tpu.memory_space<vmem_shared>> -> memref<10240xf32, #tpu.memory_space<vmem_shared>>
        tpu.enqueue_indirect_dma source(%arg7 : memref<128xf32, #tpu.memory_space<vmem>>) target(%dma_start3A_154 : memref<10240xf32, #tpu.memory_space<vmem_shared>>) offsets(%dma_start3A_152 : memref<128xi32, #tpu.memory_space<vmem>>) semaphore(%arg11 : memref<!tpu.dma_semaphore, #tpu.memory_space<semaphore_mem>>) {add = true}
        %dma_start3A_155 = arith.constant 0 : i32
        %dma_start3A_156 = tpu.memref_slice %arg6[%add3A_149, %dma_start3A_155] : memref<80x128xi32, #tpu.memory_space<vmem>> -> memref<1x128xi32, #tpu.memory_space<vmem>>
        %dma_start3A_157 = tpu.memref_squeeze %dma_start3A_156 : memref<1x128xi32, #tpu.memory_space<vmem>> -> memref<128xi32, #tpu.memory_space<vmem>>
        %dma_start3A_158 = arith.constant 0 : i32
        %dma_start3A_159 = tpu.memref_slice %arg10[%dma_start3A_158] : memref<10240xf32, #tpu.memory_space<vmem_shared>> -> memref<10240xf32, #tpu.memory_space<vmem_shared>>
        tpu.enqueue_indirect_dma source(%arg7 : memref<128xf32, #tpu.memory_space<vmem>>) target(%dma_start3A_159 : memref<10240xf32, #tpu.memory_space<vmem_shared>>) offsets(%dma_start3A_157 : memref<128xi32, #tpu.memory_space<vmem>>) semaphore(%arg11 : memref<!tpu.dma_semaphore, #tpu.memory_space<semaphore_mem>>) {add = true}
        %mul3A_160 = arith.constant 8 : i32
        %mul3A_161 = arith.muli %scan3A_75, %mul3A_160 : i32
        %add3A_162 = arith.constant 6 : i32
        %add3A_163 = arith.addi %mul3A_161, %add3A_162 : i32
        %dma_start3A_164 = arith.constant 0 : i32
        %dma_start3A_165 = tpu.memref_slice %arg5[%add3A_163, %dma_start3A_164] : memref<80x128xi32, #tpu.memory_space<vmem>> -> memref<1x128xi32, #tpu.memory_space<vmem>>
        %dma_start3A_166 = tpu.memref_squeeze %dma_start3A_165 : memref<1x128xi32, #tpu.memory_space<vmem>> -> memref<128xi32, #tpu.memory_space<vmem>>
        %dma_start3A_167 = arith.constant 0 : i32
        %dma_start3A_168 = tpu.memref_slice %arg9[%dma_start3A_167] : memref<10240xf32, #tpu.memory_space<vmem_shared>> -> memref<10240xf32, #tpu.memory_space<vmem_shared>>
        tpu.enqueue_indirect_dma source(%arg7 : memref<128xf32, #tpu.memory_space<vmem>>) target(%dma_start3A_168 : memref<10240xf32, #tpu.memory_space<vmem_shared>>) offsets(%dma_start3A_166 : memref<128xi32, #tpu.memory_space<vmem>>) semaphore(%arg11 : memref<!tpu.dma_semaphore, #tpu.memory_space<semaphore_mem>>) {add = true}
        %dma_start3A_169 = arith.constant 0 : i32
        %dma_start3A_170 = tpu.memref_slice %arg6[%add3A_163, %dma_start3A_169] : memref<80x128xi32, #tpu.memory_space<vmem>> -> memref<1x128xi32, #tpu.memory_space<vmem>>
        %dma_start3A_171 = tpu.memref_squeeze %dma_start3A_170 : memref<1x128xi32, #tpu.memory_space<vmem>> -> memref<128xi32, #tpu.memory_space<vmem>>
        %dma_start3A_172 = arith.constant 0 : i32
        %dma_start3A_173 = tpu.memref_slice %arg10[%dma_start3A_172] : memref<10240xf32, #tpu.memory_space<vmem_shared>> -> memref<10240xf32, #tpu.memory_space<vmem_shared>>
        tpu.enqueue_indirect_dma source(%arg7 : memref<128xf32, #tpu.memory_space<vmem>>) target(%dma_start3A_173 : memref<10240xf32, #tpu.memory_space<vmem_shared>>) offsets(%dma_start3A_171 : memref<128xi32, #tpu.memory_space<vmem>>) semaphore(%arg11 : memref<!tpu.dma_semaphore, #tpu.memory_space<semaphore_mem>>) {add = true}
        %mul3A_174 = arith.constant 8 : i32
        %mul3A_175 = arith.muli %scan3A_75, %mul3A_174 : i32
        %add3A_176 = arith.constant 7 : i32
        %add3A_177 = arith.addi %mul3A_175, %add3A_176 : i32
        %dma_start3A_178 = arith.constant 0 : i32
        %dma_start3A_179 = tpu.memref_slice %arg5[%add3A_177, %dma_start3A_178] : memref<80x128xi32, #tpu.memory_space<vmem>> -> memref<1x128xi32, #tpu.memory_space<vmem>>
        %dma_start3A_180 = tpu.memref_squeeze %dma_start3A_179 : memref<1x128xi32, #tpu.memory_space<vmem>> -> memref<128xi32, #tpu.memory_space<vmem>>
        %dma_start3A_181 = arith.constant 0 : i32
        %dma_start3A_182 = tpu.memref_slice %arg9[%dma_start3A_181] : memref<10240xf32, #tpu.memory_space<vmem_shared>> -> memref<10240xf32, #tpu.memory_space<vmem_shared>>
        tpu.enqueue_indirect_dma source(%arg7 : memref<128xf32, #tpu.memory_space<vmem>>) target(%dma_start3A_182 : memref<10240xf32, #tpu.memory_space<vmem_shared>>) offsets(%dma_start3A_180 : memref<128xi32, #tpu.memory_space<vmem>>) semaphore(%arg11 : memref<!tpu.dma_semaphore, #tpu.memory_space<semaphore_mem>>) {add = true}
        %dma_start3A_183 = arith.constant 0 : i32
        %dma_start3A_184 = tpu.memref_slice %arg6[%add3A_177, %dma_start3A_183] : memref<80x128xi32, #tpu.memory_space<vmem>> -> memref<1x128xi32, #tpu.memory_space<vmem>>
        %dma_start3A_185 = tpu.memref_squeeze %dma_start3A_184 : memref<1x128xi32, #tpu.memory_space<vmem>> -> memref<128xi32, #tpu.memory_space<vmem>>
        %dma_start3A_186 = arith.constant 0 : i32
        %dma_start3A_187 = tpu.memref_slice %arg10[%dma_start3A_186] : memref<10240xf32, #tpu.memory_space<vmem_shared>> -> memref<10240xf32, #tpu.memory_space<vmem_shared>>
        tpu.enqueue_indirect_dma source(%arg7 : memref<128xf32, #tpu.memory_space<vmem>>) target(%dma_start3A_187 : memref<10240xf32, #tpu.memory_space<vmem_shared>>) offsets(%dma_start3A_185 : memref<128xi32, #tpu.memory_space<vmem>>) semaphore(%arg11 : memref<!tpu.dma_semaphore, #tpu.memory_space<semaphore_mem>>) {add = true}
        %mul3A_188 = arith.constant 8 : i32
        %mul3A_189 = arith.muli %scan3A_75, %mul3A_188 : i32
        %add3A_190 = arith.constant 0 : i32
        %add3A_191 = arith.addi %mul3A_189, %add3A_190 : i32
        %dma_wait3A = arith.constant 0 : i32
        %dma_wait3A_192 = tpu.memref_slice %arg5[%add3A_191, %dma_wait3A] : memref<80x128xi32, #tpu.memory_space<vmem>> -> memref<1x128xi32, #tpu.memory_space<vmem>>
        %dma_wait3A_193 = tpu.memref_squeeze %dma_wait3A_192 : memref<1x128xi32, #tpu.memory_space<vmem>> -> memref<128xi32, #tpu.memory_space<vmem>>
        %dma_wait3A_194 = arith.constant 0 : i32
        %dma_wait3A_195 = tpu.memref_slice %arg9[%dma_wait3A_194] : memref<10240xf32, #tpu.memory_space<vmem_shared>> -> memref<10240xf32, #tpu.memory_space<vmem_shared>>
        tpu.wait_indirect_dma semaphore(%arg11 : memref<!tpu.dma_semaphore, #tpu.memory_space<semaphore_mem>>) src(%arg7 : memref<128xf32, #tpu.memory_space<vmem>>) dst(%dma_wait3A_195 : memref<10240xf32, #tpu.memory_space<vmem_shared>>)
        %dma_wait3A_196 = arith.constant 0 : i32
        %dma_wait3A_197 = tpu.memref_slice %arg6[%add3A_191, %dma_wait3A_196] : memref<80x128xi32, #tpu.memory_space<vmem>> -> memref<1x128xi32, #tpu.memory_space<vmem>>
        %dma_wait3A_198 = tpu.memref_squeeze %dma_wait3A_197 : memref<1x128xi32, #tpu.memory_space<vmem>> -> memref<128xi32, #tpu.memory_space<vmem>>
        %dma_wait3A_199 = arith.constant 0 : i32
        %dma_wait3A_200 = tpu.memref_slice %arg10[%dma_wait3A_199] : memref<10240xf32, #tpu.memory_space<vmem_shared>> -> memref<10240xf32, #tpu.memory_space<vmem_shared>>
        tpu.wait_indirect_dma semaphore(%arg11 : memref<!tpu.dma_semaphore, #tpu.memory_space<semaphore_mem>>) src(%arg7 : memref<128xf32, #tpu.memory_space<vmem>>) dst(%dma_wait3A_200 : memref<10240xf32, #tpu.memory_space<vmem_shared>>)
        %mul3A_201 = arith.constant 8 : i32
        %mul3A_202 = arith.muli %scan3A_75, %mul3A_201 : i32
        %add3A_203 = arith.constant 1 : i32
        %add3A_204 = arith.addi %mul3A_202, %add3A_203 : i32
        %dma_wait3A_205 = arith.constant 0 : i32
        %dma_wait3A_206 = tpu.memref_slice %arg5[%add3A_204, %dma_wait3A_205] : memref<80x128xi32, #tpu.memory_space<vmem>> -> memref<1x128xi32, #tpu.memory_space<vmem>>
        %dma_wait3A_207 = tpu.memref_squeeze %dma_wait3A_206 : memref<1x128xi32, #tpu.memory_space<vmem>> -> memref<128xi32, #tpu.memory_space<vmem>>
        %dma_wait3A_208 = arith.constant 0 : i32
        %dma_wait3A_209 = tpu.memref_slice %arg9[%dma_wait3A_208] : memref<10240xf32, #tpu.memory_space<vmem_shared>> -> memref<10240xf32, #tpu.memory_space<vmem_shared>>
        tpu.wait_indirect_dma semaphore(%arg11 : memref<!tpu.dma_semaphore, #tpu.memory_space<semaphore_mem>>) src(%arg7 : memref<128xf32, #tpu.memory_space<vmem>>) dst(%dma_wait3A_209 : memref<10240xf32, #tpu.memory_space<vmem_shared>>)
        %dma_wait3A_210 = arith.constant 0 : i32
        %dma_wait3A_211 = tpu.memref_slice %arg6[%add3A_204, %dma_wait3A_210] : memref<80x128xi32, #tpu.memory_space<vmem>> -> memref<1x128xi32, #tpu.memory_space<vmem>>
        %dma_wait3A_212 = tpu.memref_squeeze %dma_wait3A_211 : memref<1x128xi32, #tpu.memory_space<vmem>> -> memref<128xi32, #tpu.memory_space<vmem>>
        %dma_wait3A_213 = arith.constant 0 : i32
        %dma_wait3A_214 = tpu.memref_slice %arg10[%dma_wait3A_213] : memref<10240xf32, #tpu.memory_space<vmem_shared>> -> memref<10240xf32, #tpu.memory_space<vmem_shared>>
        tpu.wait_indirect_dma semaphore(%arg11 : memref<!tpu.dma_semaphore, #tpu.memory_space<semaphore_mem>>) src(%arg7 : memref<128xf32, #tpu.memory_space<vmem>>) dst(%dma_wait3A_214 : memref<10240xf32, #tpu.memory_space<vmem_shared>>)
        %mul3A_215 = arith.constant 8 : i32
        %mul3A_216 = arith.muli %scan3A_75, %mul3A_215 : i32
        %add3A_217 = arith.constant 2 : i32
        %add3A_218 = arith.addi %mul3A_216, %add3A_217 : i32
        %dma_wait3A_219 = arith.constant 0 : i32
        %dma_wait3A_220 = tpu.memref_slice %arg5[%add3A_218, %dma_wait3A_219] : memref<80x128xi32, #tpu.memory_space<vmem>> -> memref<1x128xi32, #tpu.memory_space<vmem>>
        %dma_wait3A_221 = tpu.memref_squeeze %dma_wait3A_220 : memref<1x128xi32, #tpu.memory_space<vmem>> -> memref<128xi32, #tpu.memory_space<vmem>>
        %dma_wait3A_222 = arith.constant 0 : i32
        %dma_wait3A_223 = tpu.memref_slice %arg9[%dma_wait3A_222] : memref<10240xf32, #tpu.memory_space<vmem_shared>> -> memref<10240xf32, #tpu.memory_space<vmem_shared>>
        tpu.wait_indirect_dma semaphore(%arg11 : memref<!tpu.dma_semaphore, #tpu.memory_space<semaphore_mem>>) src(%arg7 : memref<128xf32, #tpu.memory_space<vmem>>) dst(%dma_wait3A_223 : memref<10240xf32, #tpu.memory_space<vmem_shared>>)
        %dma_wait3A_224 = arith.constant 0 : i32
        %dma_wait3A_225 = tpu.memref_slice %arg6[%add3A_218, %dma_wait3A_224] : memref<80x128xi32, #tpu.memory_space<vmem>> -> memref<1x128xi32, #tpu.memory_space<vmem>>
        %dma_wait3A_226 = tpu.memref_squeeze %dma_wait3A_225 : memref<1x128xi32, #tpu.memory_space<vmem>> -> memref<128xi32, #tpu.memory_space<vmem>>
        %dma_wait3A_227 = arith.constant 0 : i32
        %dma_wait3A_228 = tpu.memref_slice %arg10[%dma_wait3A_227] : memref<10240xf32, #tpu.memory_space<vmem_shared>> -> memref<10240xf32, #tpu.memory_space<vmem_shared>>
        tpu.wait_indirect_dma semaphore(%arg11 : memref<!tpu.dma_semaphore, #tpu.memory_space<semaphore_mem>>) src(%arg7 : memref<128xf32, #tpu.memory_space<vmem>>) dst(%dma_wait3A_228 : memref<10240xf32, #tpu.memory_space<vmem_shared>>)
        %mul3A_229 = arith.constant 8 : i32
        %mul3A_230 = arith.muli %scan3A_75, %mul3A_229 : i32
        %add3A_231 = arith.constant 3 : i32
        %add3A_232 = arith.addi %mul3A_230, %add3A_231 : i32
        %dma_wait3A_233 = arith.constant 0 : i32
        %dma_wait3A_234 = tpu.memref_slice %arg5[%add3A_232, %dma_wait3A_233] : memref<80x128xi32, #tpu.memory_space<vmem>> -> memref<1x128xi32, #tpu.memory_space<vmem>>
        %dma_wait3A_235 = tpu.memref_squeeze %dma_wait3A_234 : memref<1x128xi32, #tpu.memory_space<vmem>> -> memref<128xi32, #tpu.memory_space<vmem>>
        %dma_wait3A_236 = arith.constant 0 : i32
        %dma_wait3A_237 = tpu.memref_slice %arg9[%dma_wait3A_236] : memref<10240xf32, #tpu.memory_space<vmem_shared>> -> memref<10240xf32, #tpu.memory_space<vmem_shared>>
        tpu.wait_indirect_dma semaphore(%arg11 : memref<!tpu.dma_semaphore, #tpu.memory_space<semaphore_mem>>) src(%arg7 : memref<128xf32, #tpu.memory_space<vmem>>) dst(%dma_wait3A_237 : memref<10240xf32, #tpu.memory_space<vmem_shared>>)
        %dma_wait3A_238 = arith.constant 0 : i32
        %dma_wait3A_239 = tpu.memref_slice %arg6[%add3A_232, %dma_wait3A_238] : memref<80x128xi32, #tpu.memory_space<vmem>> -> memref<1x128xi32, #tpu.memory_space<vmem>>
        %dma_wait3A_240 = tpu.memref_squeeze %dma_wait3A_239 : memref<1x128xi32, #tpu.memory_space<vmem>> -> memref<128xi32, #tpu.memory_space<vmem>>
        %dma_wait3A_241 = arith.constant 0 : i32
        %dma_wait3A_242 = tpu.memref_slice %arg10[%dma_wait3A_241] : memref<10240xf32, #tpu.memory_space<vmem_shared>> -> memref<10240xf32, #tpu.memory_space<vmem_shared>>
        tpu.wait_indirect_dma semaphore(%arg11 : memref<!tpu.dma_semaphore, #tpu.memory_space<semaphore_mem>>) src(%arg7 : memref<128xf32, #tpu.memory_space<vmem>>) dst(%dma_wait3A_242 : memref<10240xf32, #tpu.memory_space<vmem_shared>>)
        %mul3A_243 = arith.constant 8 : i32
        %mul3A_244 = arith.muli %scan3A_75, %mul3A_243 : i32
        %add3A_245 = arith.constant 4 : i32
        %add3A_246 = arith.addi %mul3A_244, %add3A_245 : i32
        %dma_wait3A_247 = arith.constant 0 : i32
        %dma_wait3A_248 = tpu.memref_slice %arg5[%add3A_246, %dma_wait3A_247] : memref<80x128xi32, #tpu.memory_space<vmem>> -> memref<1x128xi32, #tpu.memory_space<vmem>>
        %dma_wait3A_249 = tpu.memref_squeeze %dma_wait3A_248 : memref<1x128xi32, #tpu.memory_space<vmem>> -> memref<128xi32, #tpu.memory_space<vmem>>
        %dma_wait3A_250 = arith.constant 0 : i32
        %dma_wait3A_251 = tpu.memref_slice %arg9[%dma_wait3A_250] : memref<10240xf32, #tpu.memory_space<vmem_shared>> -> memref<10240xf32, #tpu.memory_space<vmem_shared>>
        tpu.wait_indirect_dma semaphore(%arg11 : memref<!tpu.dma_semaphore, #tpu.memory_space<semaphore_mem>>) src(%arg7 : memref<128xf32, #tpu.memory_space<vmem>>) dst(%dma_wait3A_251 : memref<10240xf32, #tpu.memory_space<vmem_shared>>)
        %dma_wait3A_252 = arith.constant 0 : i32
        %dma_wait3A_253 = tpu.memref_slice %arg6[%add3A_246, %dma_wait3A_252] : memref<80x128xi32, #tpu.memory_space<vmem>> -> memref<1x128xi32, #tpu.memory_space<vmem>>
        %dma_wait3A_254 = tpu.memref_squeeze %dma_wait3A_253 : memref<1x128xi32, #tpu.memory_space<vmem>> -> memref<128xi32, #tpu.memory_space<vmem>>
        %dma_wait3A_255 = arith.constant 0 : i32
        %dma_wait3A_256 = tpu.memref_slice %arg10[%dma_wait3A_255] : memref<10240xf32, #tpu.memory_space<vmem_shared>> -> memref<10240xf32, #tpu.memory_space<vmem_shared>>
        tpu.wait_indirect_dma semaphore(%arg11 : memref<!tpu.dma_semaphore, #tpu.memory_space<semaphore_mem>>) src(%arg7 : memref<128xf32, #tpu.memory_space<vmem>>) dst(%dma_wait3A_256 : memref<10240xf32, #tpu.memory_space<vmem_shared>>)
        %mul3A_257 = arith.constant 8 : i32
        %mul3A_258 = arith.muli %scan3A_75, %mul3A_257 : i32
        %add3A_259 = arith.constant 5 : i32
        %add3A_260 = arith.addi %mul3A_258, %add3A_259 : i32
        %dma_wait3A_261 = arith.constant 0 : i32
        %dma_wait3A_262 = tpu.memref_slice %arg5[%add3A_260, %dma_wait3A_261] : memref<80x128xi32, #tpu.memory_space<vmem>> -> memref<1x128xi32, #tpu.memory_space<vmem>>
        %dma_wait3A_263 = tpu.memref_squeeze %dma_wait3A_262 : memref<1x128xi32, #tpu.memory_space<vmem>> -> memref<128xi32, #tpu.memory_space<vmem>>
        %dma_wait3A_264 = arith.constant 0 : i32
        %dma_wait3A_265 = tpu.memref_slice %arg9[%dma_wait3A_264] : memref<10240xf32, #tpu.memory_space<vmem_shared>> -> memref<10240xf32, #tpu.memory_space<vmem_shared>>
        tpu.wait_indirect_dma semaphore(%arg11 : memref<!tpu.dma_semaphore, #tpu.memory_space<semaphore_mem>>) src(%arg7 : memref<128xf32, #tpu.memory_space<vmem>>) dst(%dma_wait3A_265 : memref<10240xf32, #tpu.memory_space<vmem_shared>>)
        %dma_wait3A_266 = arith.constant 0 : i32
        %dma_wait3A_267 = tpu.memref_slice %arg6[%add3A_260, %dma_wait3A_266] : memref<80x128xi32, #tpu.memory_space<vmem>> -> memref<1x128xi32, #tpu.memory_space<vmem>>
        %dma_wait3A_268 = tpu.memref_squeeze %dma_wait3A_267 : memref<1x128xi32, #tpu.memory_space<vmem>> -> memref<128xi32, #tpu.memory_space<vmem>>
        %dma_wait3A_269 = arith.constant 0 : i32
        %dma_wait3A_270 = tpu.memref_slice %arg10[%dma_wait3A_269] : memref<10240xf32, #tpu.memory_space<vmem_shared>> -> memref<10240xf32, #tpu.memory_space<vmem_shared>>
        tpu.wait_indirect_dma semaphore(%arg11 : memref<!tpu.dma_semaphore, #tpu.memory_space<semaphore_mem>>) src(%arg7 : memref<128xf32, #tpu.memory_space<vmem>>) dst(%dma_wait3A_270 : memref<10240xf32, #tpu.memory_space<vmem_shared>>)
        %mul3A_271 = arith.constant 8 : i32
        %mul3A_272 = arith.muli %scan3A_75, %mul3A_271 : i32
        %add3A_273 = arith.constant 6 : i32
        %add3A_274 = arith.addi %mul3A_272, %add3A_273 : i32
        %dma_wait3A_275 = arith.constant 0 : i32
        %dma_wait3A_276 = tpu.memref_slice %arg5[%add3A_274, %dma_wait3A_275] : memref<80x128xi32, #tpu.memory_space<vmem>> -> memref<1x128xi32, #tpu.memory_space<vmem>>
        %dma_wait3A_277 = tpu.memref_squeeze %dma_wait3A_276 : memref<1x128xi32, #tpu.memory_space<vmem>> -> memref<128xi32, #tpu.memory_space<vmem>>
        %dma_wait3A_278 = arith.constant 0 : i32
        %dma_wait3A_279 = tpu.memref_slice %arg9[%dma_wait3A_278] : memref<10240xf32, #tpu.memory_space<vmem_shared>> -> memref<10240xf32, #tpu.memory_space<vmem_shared>>
        tpu.wait_indirect_dma semaphore(%arg11 : memref<!tpu.dma_semaphore, #tpu.memory_space<semaphore_mem>>) src(%arg7 : memref<128xf32, #tpu.memory_space<vmem>>) dst(%dma_wait3A_279 : memref<10240xf32, #tpu.memory_space<vmem_shared>>)
        %dma_wait3A_280 = arith.constant 0 : i32
        %dma_wait3A_281 = tpu.memref_slice %arg6[%add3A_274, %dma_wait3A_280] : memref<80x128xi32, #tpu.memory_space<vmem>> -> memref<1x128xi32, #tpu.memory_space<vmem>>
        %dma_wait3A_282 = tpu.memref_squeeze %dma_wait3A_281 : memref<1x128xi32, #tpu.memory_space<vmem>> -> memref<128xi32, #tpu.memory_space<vmem>>
        %dma_wait3A_283 = arith.constant 0 : i32
        %dma_wait3A_284 = tpu.memref_slice %arg10[%dma_wait3A_283] : memref<10240xf32, #tpu.memory_space<vmem_shared>> -> memref<10240xf32, #tpu.memory_space<vmem_shared>>
        tpu.wait_indirect_dma semaphore(%arg11 : memref<!tpu.dma_semaphore, #tpu.memory_space<semaphore_mem>>) src(%arg7 : memref<128xf32, #tpu.memory_space<vmem>>) dst(%dma_wait3A_284 : memref<10240xf32, #tpu.memory_space<vmem_shared>>)
        %mul3A_285 = arith.constant 8 : i32
        %mul3A_286 = arith.muli %scan3A_75, %mul3A_285 : i32
        %add3A_287 = arith.constant 7 : i32
        %add3A_288 = arith.addi %mul3A_286, %add3A_287 : i32
        %dma_wait3A_289 = arith.constant 0 : i32
        %dma_wait3A_290 = tpu.memref_slice %arg5[%add3A_288, %dma_wait3A_289] : memref<80x128xi32, #tpu.memory_space<vmem>> -> memref<1x128xi32, #tpu.memory_space<vmem>>
        %dma_wait3A_291 = tpu.memref_squeeze %dma_wait3A_290 : memref<1x128xi32, #tpu.memory_space<vmem>> -> memref<128xi32, #tpu.memory_space<vmem>>
        %dma_wait3A_292 = arith.constant 0 : i32
        %dma_wait3A_293 = tpu.memref_slice %arg9[%dma_wait3A_292] : memref<10240xf32, #tpu.memory_space<vmem_shared>> -> memref<10240xf32, #tpu.memory_space<vmem_shared>>
        tpu.wait_indirect_dma semaphore(%arg11 : memref<!tpu.dma_semaphore, #tpu.memory_space<semaphore_mem>>) src(%arg7 : memref<128xf32, #tpu.memory_space<vmem>>) dst(%dma_wait3A_293 : memref<10240xf32, #tpu.memory_space<vmem_shared>>)
        %dma_wait3A_294 = arith.constant 0 : i32
        %dma_wait3A_295 = tpu.memref_slice %arg6[%add3A_288, %dma_wait3A_294] : memref<80x128xi32, #tpu.memory_space<vmem>> -> memref<1x128xi32, #tpu.memory_space<vmem>>
        %dma_wait3A_296 = tpu.memref_squeeze %dma_wait3A_295 : memref<1x128xi32, #tpu.memory_space<vmem>> -> memref<128xi32, #tpu.memory_space<vmem>>
        %dma_wait3A_297 = arith.constant 0 : i32
        %dma_wait3A_298 = tpu.memref_slice %arg10[%dma_wait3A_297] : memref<10240xf32, #tpu.memory_space<vmem_shared>> -> memref<10240xf32, #tpu.memory_space<vmem_shared>>
        tpu.wait_indirect_dma semaphore(%arg11 : memref<!tpu.dma_semaphore, #tpu.memory_space<semaphore_mem>>) src(%arg7 : memref<128xf32, #tpu.memory_space<vmem>>) dst(%dma_wait3A_298 : memref<10240xf32, #tpu.memory_space<vmem_shared>>)
        %scan3A_299 = arith.constant 0 : i32
        scf.yield %scan3A_299 : i32
      }
      %scan3A_74 = arith.constant 10 : i32
    } else {
    }
    %eq3A = arith.constant 31 : i32
    %eq3A_47 = arith.cmpi eq, %add3A, %eq3A : i32
    %convert_element_type3A_48 = arith.extui %eq3A_47 : i1 to i32
    %cond3A_49 = arith.constant 0 : i32
    %cond3A_50 = arith.cmpi ne, %convert_element_type3A_48, %cond3A_49 : i32
    scf.if %cond3A_50 {
      "tpu.region"() ({
        %run_scoped3A = tpu.sem_alloc : memref<!tpu.dma_semaphore, #tpu.memory_space<semaphore_mem>>
        %dma_start3A = arith.constant 0 : i32
        %dma_start3A_73 = arith.constant 0 : i32
        %dma_start3A_74 = tpu.memref_slice %arg5[%dma_start3A, %dma_start3A_73] : memref<80x128xi32, #tpu.memory_space<vmem>> -> memref<20x128xi32, #tpu.memory_space<vmem>>
        %dma_start3A_75 = arith.constant 2480 : i32
        %dma_start3A_76 = arith.constant 0 : i32
        %dma_start3A_77 = tpu.memref_slice %arg2[%dma_start3A_75, %dma_start3A_76] : memref<2500x128xi32, #tpu.memory_space<hbm>> -> memref<20x128xi32, #tpu.memory_space<hbm>>
        %dma_start3A_78 = arith.constant 0 : i32
        %dma_start3A_79 = arith.constant 0 : i32
        %dma_start3A_80 = tpu.memref_slice %arg5[%dma_start3A_78, %dma_start3A_79] : memref<80x128xi32, #tpu.memory_space<vmem>> -> memref<20x128xi32, #tpu.memory_space<vmem>>
        %dma_start3A_81 = arith.constant 2480 : i32
        %dma_start3A_82 = arith.constant 0 : i32
        %dma_start3A_83 = tpu.memref_slice %arg2[%dma_start3A_81, %dma_start3A_82] : memref<2500x128xi32, #tpu.memory_space<hbm>> -> memref<20x128xi32, #tpu.memory_space<hbm>>
        tpu.enqueue_dma source(%dma_start3A_83 : memref<20x128xi32, #tpu.memory_space<hbm>>) target(%dma_start3A_80 : memref<20x128xi32, #tpu.memory_space<vmem>>) target_semaphore(%run_scoped3A : memref<!tpu.dma_semaphore, #tpu.memory_space<semaphore_mem>>)
        %dma_wait3A = arith.constant 0 : i32
        %dma_wait3A_84 = arith.constant 0 : i32
        %dma_wait3A_85 = tpu.memref_slice %arg5[%dma_wait3A, %dma_wait3A_84] : memref<80x128xi32, #tpu.memory_space<vmem>> -> memref<20x128xi32, #tpu.memory_space<vmem>>
        %dma_wait3A_86 = arith.constant 2480 : i32
        %dma_wait3A_87 = arith.constant 0 : i32
        %dma_wait3A_88 = tpu.memref_slice %arg2[%dma_wait3A_86, %dma_wait3A_87] : memref<2500x128xi32, #tpu.memory_space<hbm>> -> memref<20x128xi32, #tpu.memory_space<hbm>>
        %dma_wait3A_89 = arith.constant 0 : i32
        %dma_wait3A_90 = arith.constant 0 : i32
        %dma_wait3A_91 = tpu.memref_slice %arg5[%dma_wait3A_89, %dma_wait3A_90] : memref<80x128xi32, #tpu.memory_space<vmem>> -> memref<20x128xi32, #tpu.memory_space<vmem>>
        %dma_wait3A_92 = arith.constant 2480 : i32
        %dma_wait3A_93 = arith.constant 0 : i32
        %dma_wait3A_94 = tpu.memref_slice %arg2[%dma_wait3A_92, %dma_wait3A_93] : memref<2500x128xi32, #tpu.memory_space<hbm>> -> memref<20x128xi32, #tpu.memory_space<hbm>>
        tpu.wait_dma2 semaphore(%run_scoped3A : memref<!tpu.dma_semaphore, #tpu.memory_space<semaphore_mem>>) src(%dma_wait3A_94 : memref<20x128xi32, #tpu.memory_space<hbm>>) dst(%dma_wait3A_91 : memref<20x128xi32, #tpu.memory_space<vmem>>)
        tpu.yield
      }) : () -> ()
      "tpu.region"() ({
        %run_scoped3A = tpu.sem_alloc : memref<!tpu.dma_semaphore, #tpu.memory_space<semaphore_mem>>
        %dma_start3A = arith.constant 0 : i32
        %dma_start3A_73 = arith.constant 0 : i32
        %dma_start3A_74 = tpu.memref_slice %arg6[%dma_start3A, %dma_start3A_73] : memref<80x128xi32, #tpu.memory_space<vmem>> -> memref<20x128xi32, #tpu.memory_space<vmem>>
        %dma_start3A_75 = arith.constant 2480 : i32
        %dma_start3A_76 = arith.constant 0 : i32
        %dma_start3A_77 = tpu.memref_slice %arg3[%dma_start3A_75, %dma_start3A_76] : memref<2500x128xi32, #tpu.memory_space<hbm>> -> memref<20x128xi32, #tpu.memory_space<hbm>>
        %dma_start3A_78 = arith.constant 0 : i32
        %dma_start3A_79 = arith.constant 0 : i32
        %dma_start3A_80 = tpu.memref_slice %arg6[%dma_start3A_78, %dma_start3A_79] : memref<80x128xi32, #tpu.memory_space<vmem>> -> memref<20x128xi32, #tpu.memory_space<vmem>>
        %dma_start3A_81 = arith.constant 2480 : i32
        %dma_start3A_82 = arith.constant 0 : i32
        %dma_start3A_83 = tpu.memref_slice %arg3[%dma_start3A_81, %dma_start3A_82] : memref<2500x128xi32, #tpu.memory_space<hbm>> -> memref<20x128xi32, #tpu.memory_space<hbm>>
        tpu.enqueue_dma source(%dma_start3A_83 : memref<20x128xi32, #tpu.memory_space<hbm>>) target(%dma_start3A_80 : memref<20x128xi32, #tpu.memory_space<vmem>>) target_semaphore(%run_scoped3A : memref<!tpu.dma_semaphore, #tpu.memory_space<semaphore_mem>>)
        %dma_wait3A = arith.constant 0 : i32
        %dma_wait3A_84 = arith.constant 0 : i32
        %dma_wait3A_85 = tpu.memref_slice %arg6[%dma_wait3A, %dma_wait3A_84] : memref<80x128xi32, #tpu.memory_space<vmem>> -> memref<20x128xi32, #tpu.memory_space<vmem>>
        %dma_wait3A_86 = arith.constant 2480 : i32
        %dma_wait3A_87 = arith.constant 0 : i32
        %dma_wait3A_88 = tpu.memref_slice %arg3[%dma_wait3A_86, %dma_wait3A_87] : memref<2500x128xi32, #tpu.memory_space<hbm>> -> memref<20x128xi32, #tpu.memory_space<hbm>>
        %dma_wait3A_89 = arith.constant 0 : i32
        %dma_wait3A_90 = arith.constant 0 : i32
        %dma_wait3A_91 = tpu.memref_slice %arg6[%dma_wait3A_89, %dma_wait3A_90] : memref<80x128xi32, #tpu.memory_space<vmem>> -> memref<20x128xi32, #tpu.memory_space<vmem>>
        %dma_wait3A_92 = arith.constant 2480 : i32
        %dma_wait3A_93 = arith.constant 0 : i32
        %dma_wait3A_94 = tpu.memref_slice %arg3[%dma_wait3A_92, %dma_wait3A_93] : memref<2500x128xi32, #tpu.memory_space<hbm>> -> memref<20x128xi32, #tpu.memory_space<hbm>>
        tpu.wait_dma2 semaphore(%run_scoped3A : memref<!tpu.dma_semaphore, #tpu.memory_space<semaphore_mem>>) src(%dma_wait3A_94 : memref<20x128xi32, #tpu.memory_space<hbm>>) dst(%dma_wait3A_91 : memref<20x128xi32, #tpu.memory_space<vmem>>)
        tpu.yield
      }) : () -> ()
      %scan3A_66 = arith.constant 0 : i32
      %scan3A_67 = arith.constant 0 : i32
      %scan3A_68 = arith.constant 5 : i32
      %scan3A_69 = arith.addi %scan3A_67, %scan3A_68 : i32
      %scan3A_70 = arith.constant 1 : i32
      %scan3A_71 = scf.for %scan3A_73 = %scan3A_67 to %scan3A_69 step %scan3A_70 iter_args(%scan3A_74 = %scan3A_66) -> (i32)  : i32 {
        %mul3A_75 = arith.constant 4 : i32
        %mul3A_76 = arith.muli %scan3A_73, %mul3A_75 : i32
        %add3A_77 = arith.constant 0 : i32
        %add3A_78 = arith.addi %mul3A_76, %add3A_77 : i32
        %dma_start3A = arith.constant 0 : i32
        %dma_start3A_79 = tpu.memref_slice %arg5[%add3A_78, %dma_start3A] : memref<80x128xi32, #tpu.memory_space<vmem>> -> memref<1x128xi32, #tpu.memory_space<vmem>>
        %dma_start3A_80 = tpu.memref_squeeze %dma_start3A_79 : memref<1x128xi32, #tpu.memory_space<vmem>> -> memref<128xi32, #tpu.memory_space<vmem>>
        %dma_start3A_81 = arith.constant 0 : i32
        %dma_start3A_82 = tpu.memref_slice %arg9[%dma_start3A_81] : memref<10240xf32, #tpu.memory_space<vmem_shared>> -> memref<10240xf32, #tpu.memory_space<vmem_shared>>
        tpu.enqueue_indirect_dma source(%arg7 : memref<128xf32, #tpu.memory_space<vmem>>) target(%dma_start3A_82 : memref<10240xf32, #tpu.memory_space<vmem_shared>>) offsets(%dma_start3A_80 : memref<128xi32, #tpu.memory_space<vmem>>) semaphore(%arg11 : memref<!tpu.dma_semaphore, #tpu.memory_space<semaphore_mem>>) {add = true}
        %dma_start3A_83 = arith.constant 0 : i32
        %dma_start3A_84 = tpu.memref_slice %arg6[%add3A_78, %dma_start3A_83] : memref<80x128xi32, #tpu.memory_space<vmem>> -> memref<1x128xi32, #tpu.memory_space<vmem>>
        %dma_start3A_85 = tpu.memref_squeeze %dma_start3A_84 : memref<1x128xi32, #tpu.memory_space<vmem>> -> memref<128xi32, #tpu.memory_space<vmem>>
        %dma_start3A_86 = arith.constant 0 : i32
        %dma_start3A_87 = tpu.memref_slice %arg10[%dma_start3A_86] : memref<10240xf32, #tpu.memory_space<vmem_shared>> -> memref<10240xf32, #tpu.memory_space<vmem_shared>>
        tpu.enqueue_indirect_dma source(%arg7 : memref<128xf32, #tpu.memory_space<vmem>>) target(%dma_start3A_87 : memref<10240xf32, #tpu.memory_space<vmem_shared>>) offsets(%dma_start3A_85 : memref<128xi32, #tpu.memory_space<vmem>>) semaphore(%arg11 : memref<!tpu.dma_semaphore, #tpu.memory_space<semaphore_mem>>) {add = true}
        %mul3A_88 = arith.constant 4 : i32
        %mul3A_89 = arith.muli %scan3A_73, %mul3A_88 : i32
        %add3A_90 = arith.constant 1 : i32
        %add3A_91 = arith.addi %mul3A_89, %add3A_90 : i32
        %dma_start3A_92 = arith.constant 0 : i32
        %dma_start3A_93 = tpu.memref_slice %arg5[%add3A_91, %dma_start3A_92] : memref<80x128xi32, #tpu.memory_space<vmem>> -> memref<1x128xi32, #tpu.memory_space<vmem>>
        %dma_start3A_94 = tpu.memref_squeeze %dma_start3A_93 : memref<1x128xi32, #tpu.memory_space<vmem>> -> memref<128xi32, #tpu.memory_space<vmem>>
        %dma_start3A_95 = arith.constant 0 : i32
        %dma_start3A_96 = tpu.memref_slice %arg9[%dma_start3A_95] : memref<10240xf32, #tpu.memory_space<vmem_shared>> -> memref<10240xf32, #tpu.memory_space<vmem_shared>>
        tpu.enqueue_indirect_dma source(%arg7 : memref<128xf32, #tpu.memory_space<vmem>>) target(%dma_start3A_96 : memref<10240xf32, #tpu.memory_space<vmem_shared>>) offsets(%dma_start3A_94 : memref<128xi32, #tpu.memory_space<vmem>>) semaphore(%arg11 : memref<!tpu.dma_semaphore, #tpu.memory_space<semaphore_mem>>) {add = true}
        %dma_start3A_97 = arith.constant 0 : i32
        %dma_start3A_98 = tpu.memref_slice %arg6[%add3A_91, %dma_start3A_97] : memref<80x128xi32, #tpu.memory_space<vmem>> -> memref<1x128xi32, #tpu.memory_space<vmem>>
        %dma_start3A_99 = tpu.memref_squeeze %dma_start3A_98 : memref<1x128xi32, #tpu.memory_space<vmem>> -> memref<128xi32, #tpu.memory_space<vmem>>
        %dma_start3A_100 = arith.constant 0 : i32
        %dma_start3A_101 = tpu.memref_slice %arg10[%dma_start3A_100] : memref<10240xf32, #tpu.memory_space<vmem_shared>> -> memref<10240xf32, #tpu.memory_space<vmem_shared>>
        tpu.enqueue_indirect_dma source(%arg7 : memref<128xf32, #tpu.memory_space<vmem>>) target(%dma_start3A_101 : memref<10240xf32, #tpu.memory_space<vmem_shared>>) offsets(%dma_start3A_99 : memref<128xi32, #tpu.memory_space<vmem>>) semaphore(%arg11 : memref<!tpu.dma_semaphore, #tpu.memory_space<semaphore_mem>>) {add = true}
        %mul3A_102 = arith.constant 4 : i32
        %mul3A_103 = arith.muli %scan3A_73, %mul3A_102 : i32
        %add3A_104 = arith.constant 2 : i32
        %add3A_105 = arith.addi %mul3A_103, %add3A_104 : i32
        %dma_start3A_106 = arith.constant 0 : i32
        %dma_start3A_107 = tpu.memref_slice %arg5[%add3A_105, %dma_start3A_106] : memref<80x128xi32, #tpu.memory_space<vmem>> -> memref<1x128xi32, #tpu.memory_space<vmem>>
        %dma_start3A_108 = tpu.memref_squeeze %dma_start3A_107 : memref<1x128xi32, #tpu.memory_space<vmem>> -> memref<128xi32, #tpu.memory_space<vmem>>
        %dma_start3A_109 = arith.constant 0 : i32
        %dma_start3A_110 = tpu.memref_slice %arg9[%dma_start3A_109] : memref<10240xf32, #tpu.memory_space<vmem_shared>> -> memref<10240xf32, #tpu.memory_space<vmem_shared>>
        tpu.enqueue_indirect_dma source(%arg7 : memref<128xf32, #tpu.memory_space<vmem>>) target(%dma_start3A_110 : memref<10240xf32, #tpu.memory_space<vmem_shared>>) offsets(%dma_start3A_108 : memref<128xi32, #tpu.memory_space<vmem>>) semaphore(%arg11 : memref<!tpu.dma_semaphore, #tpu.memory_space<semaphore_mem>>) {add = true}
        %dma_start3A_111 = arith.constant 0 : i32
        %dma_start3A_112 = tpu.memref_slice %arg6[%add3A_105, %dma_start3A_111] : memref<80x128xi32, #tpu.memory_space<vmem>> -> memref<1x128xi32, #tpu.memory_space<vmem>>
        %dma_start3A_113 = tpu.memref_squeeze %dma_start3A_112 : memref<1x128xi32, #tpu.memory_space<vmem>> -> memref<128xi32, #tpu.memory_space<vmem>>
        %dma_start3A_114 = arith.constant 0 : i32
        %dma_start3A_115 = tpu.memref_slice %arg10[%dma_start3A_114] : memref<10240xf32, #tpu.memory_space<vmem_shared>> -> memref<10240xf32, #tpu.memory_space<vmem_shared>>
        tpu.enqueue_indirect_dma source(%arg7 : memref<128xf32, #tpu.memory_space<vmem>>) target(%dma_start3A_115 : memref<10240xf32, #tpu.memory_space<vmem_shared>>) offsets(%dma_start3A_113 : memref<128xi32, #tpu.memory_space<vmem>>) semaphore(%arg11 : memref<!tpu.dma_semaphore, #tpu.memory_space<semaphore_mem>>) {add = true}
        %mul3A_116 = arith.constant 4 : i32
        %mul3A_117 = arith.muli %scan3A_73, %mul3A_116 : i32
        %add3A_118 = arith.constant 3 : i32
        %add3A_119 = arith.addi %mul3A_117, %add3A_118 : i32
        %dma_start3A_120 = arith.constant 0 : i32
        %dma_start3A_121 = tpu.memref_slice %arg5[%add3A_119, %dma_start3A_120] : memref<80x128xi32, #tpu.memory_space<vmem>> -> memref<1x128xi32, #tpu.memory_space<vmem>>
        %dma_start3A_122 = tpu.memref_squeeze %dma_start3A_121 : memref<1x128xi32, #tpu.memory_space<vmem>> -> memref<128xi32, #tpu.memory_space<vmem>>
        %dma_start3A_123 = arith.constant 0 : i32
        %dma_start3A_124 = tpu.memref_slice %arg9[%dma_start3A_123] : memref<10240xf32, #tpu.memory_space<vmem_shared>> -> memref<10240xf32, #tpu.memory_space<vmem_shared>>
        tpu.enqueue_indirect_dma source(%arg7 : memref<128xf32, #tpu.memory_space<vmem>>) target(%dma_start3A_124 : memref<10240xf32, #tpu.memory_space<vmem_shared>>) offsets(%dma_start3A_122 : memref<128xi32, #tpu.memory_space<vmem>>) semaphore(%arg11 : memref<!tpu.dma_semaphore, #tpu.memory_space<semaphore_mem>>) {add = true}
        %dma_start3A_125 = arith.constant 0 : i32
        %dma_start3A_126 = tpu.memref_slice %arg6[%add3A_119, %dma_start3A_125] : memref<80x128xi32, #tpu.memory_space<vmem>> -> memref<1x128xi32, #tpu.memory_space<vmem>>
        %dma_start3A_127 = tpu.memref_squeeze %dma_start3A_126 : memref<1x128xi32, #tpu.memory_space<vmem>> -> memref<128xi32, #tpu.memory_space<vmem>>
        %dma_start3A_128 = arith.constant 0 : i32
        %dma_start3A_129 = tpu.memref_slice %arg10[%dma_start3A_128] : memref<10240xf32, #tpu.memory_space<vmem_shared>> -> memref<10240xf32, #tpu.memory_space<vmem_shared>>
        tpu.enqueue_indirect_dma source(%arg7 : memref<128xf32, #tpu.memory_space<vmem>>) target(%dma_start3A_129 : memref<10240xf32, #tpu.memory_space<vmem_shared>>) offsets(%dma_start3A_127 : memref<128xi32, #tpu.memory_space<vmem>>) semaphore(%arg11 : memref<!tpu.dma_semaphore, #tpu.memory_space<semaphore_mem>>) {add = true}
        %mul3A_130 = arith.constant 4 : i32
        %mul3A_131 = arith.muli %scan3A_73, %mul3A_130 : i32
        %add3A_132 = arith.constant 0 : i32
        %add3A_133 = arith.addi %mul3A_131, %add3A_132 : i32
        %dma_wait3A = arith.constant 0 : i32
        %dma_wait3A_134 = tpu.memref_slice %arg5[%add3A_133, %dma_wait3A] : memref<80x128xi32, #tpu.memory_space<vmem>> -> memref<1x128xi32, #tpu.memory_space<vmem>>
        %dma_wait3A_135 = tpu.memref_squeeze %dma_wait3A_134 : memref<1x128xi32, #tpu.memory_space<vmem>> -> memref<128xi32, #tpu.memory_space<vmem>>
        %dma_wait3A_136 = arith.constant 0 : i32
        %dma_wait3A_137 = tpu.memref_slice %arg9[%dma_wait3A_136] : memref<10240xf32, #tpu.memory_space<vmem_shared>> -> memref<10240xf32, #tpu.memory_space<vmem_shared>>
        tpu.wait_indirect_dma semaphore(%arg11 : memref<!tpu.dma_semaphore, #tpu.memory_space<semaphore_mem>>) src(%arg7 : memref<128xf32, #tpu.memory_space<vmem>>) dst(%dma_wait3A_137 : memref<10240xf32, #tpu.memory_space<vmem_shared>>)
        %dma_wait3A_138 = arith.constant 0 : i32
        %dma_wait3A_139 = tpu.memref_slice %arg6[%add3A_133, %dma_wait3A_138] : memref<80x128xi32, #tpu.memory_space<vmem>> -> memref<1x128xi32, #tpu.memory_space<vmem>>
        %dma_wait3A_140 = tpu.memref_squeeze %dma_wait3A_139 : memref<1x128xi32, #tpu.memory_space<vmem>> -> memref<128xi32, #tpu.memory_space<vmem>>
        %dma_wait3A_141 = arith.constant 0 : i32
        %dma_wait3A_142 = tpu.memref_slice %arg10[%dma_wait3A_141] : memref<10240xf32, #tpu.memory_space<vmem_shared>> -> memref<10240xf32, #tpu.memory_space<vmem_shared>>
        tpu.wait_indirect_dma semaphore(%arg11 : memref<!tpu.dma_semaphore, #tpu.memory_space<semaphore_mem>>) src(%arg7 : memref<128xf32, #tpu.memory_space<vmem>>) dst(%dma_wait3A_142 : memref<10240xf32, #tpu.memory_space<vmem_shared>>)
        %mul3A_143 = arith.constant 4 : i32
        %mul3A_144 = arith.muli %scan3A_73, %mul3A_143 : i32
        %add3A_145 = arith.constant 1 : i32
        %add3A_146 = arith.addi %mul3A_144, %add3A_145 : i32
        %dma_wait3A_147 = arith.constant 0 : i32
        %dma_wait3A_148 = tpu.memref_slice %arg5[%add3A_146, %dma_wait3A_147] : memref<80x128xi32, #tpu.memory_space<vmem>> -> memref<1x128xi32, #tpu.memory_space<vmem>>
        %dma_wait3A_149 = tpu.memref_squeeze %dma_wait3A_148 : memref<1x128xi32, #tpu.memory_space<vmem>> -> memref<128xi32, #tpu.memory_space<vmem>>
        %dma_wait3A_150 = arith.constant 0 : i32
        %dma_wait3A_151 = tpu.memref_slice %arg9[%dma_wait3A_150] : memref<10240xf32, #tpu.memory_space<vmem_shared>> -> memref<10240xf32, #tpu.memory_space<vmem_shared>>
        tpu.wait_indirect_dma semaphore(%arg11 : memref<!tpu.dma_semaphore, #tpu.memory_space<semaphore_mem>>) src(%arg7 : memref<128xf32, #tpu.memory_space<vmem>>) dst(%dma_wait3A_151 : memref<10240xf32, #tpu.memory_space<vmem_shared>>)
        %dma_wait3A_152 = arith.constant 0 : i32
        %dma_wait3A_153 = tpu.memref_slice %arg6[%add3A_146, %dma_wait3A_152] : memref<80x128xi32, #tpu.memory_space<vmem>> -> memref<1x128xi32, #tpu.memory_space<vmem>>
        %dma_wait3A_154 = tpu.memref_squeeze %dma_wait3A_153 : memref<1x128xi32, #tpu.memory_space<vmem>> -> memref<128xi32, #tpu.memory_space<vmem>>
        %dma_wait3A_155 = arith.constant 0 : i32
        %dma_wait3A_156 = tpu.memref_slice %arg10[%dma_wait3A_155] : memref<10240xf32, #tpu.memory_space<vmem_shared>> -> memref<10240xf32, #tpu.memory_space<vmem_shared>>
        tpu.wait_indirect_dma semaphore(%arg11 : memref<!tpu.dma_semaphore, #tpu.memory_space<semaphore_mem>>) src(%arg7 : memref<128xf32, #tpu.memory_space<vmem>>) dst(%dma_wait3A_156 : memref<10240xf32, #tpu.memory_space<vmem_shared>>)
        %mul3A_157 = arith.constant 4 : i32
        %mul3A_158 = arith.muli %scan3A_73, %mul3A_157 : i32
        %add3A_159 = arith.constant 2 : i32
        %add3A_160 = arith.addi %mul3A_158, %add3A_159 : i32
        %dma_wait3A_161 = arith.constant 0 : i32
        %dma_wait3A_162 = tpu.memref_slice %arg5[%add3A_160, %dma_wait3A_161] : memref<80x128xi32, #tpu.memory_space<vmem>> -> memref<1x128xi32, #tpu.memory_space<vmem>>
        %dma_wait3A_163 = tpu.memref_squeeze %dma_wait3A_162 : memref<1x128xi32, #tpu.memory_space<vmem>> -> memref<128xi32, #tpu.memory_space<vmem>>
        %dma_wait3A_164 = arith.constant 0 : i32
        %dma_wait3A_165 = tpu.memref_slice %arg9[%dma_wait3A_164] : memref<10240xf32, #tpu.memory_space<vmem_shared>> -> memref<10240xf32, #tpu.memory_space<vmem_shared>>
        tpu.wait_indirect_dma semaphore(%arg11 : memref<!tpu.dma_semaphore, #tpu.memory_space<semaphore_mem>>) src(%arg7 : memref<128xf32, #tpu.memory_space<vmem>>) dst(%dma_wait3A_165 : memref<10240xf32, #tpu.memory_space<vmem_shared>>)
        %dma_wait3A_166 = arith.constant 0 : i32
        %dma_wait3A_167 = tpu.memref_slice %arg6[%add3A_160, %dma_wait3A_166] : memref<80x128xi32, #tpu.memory_space<vmem>> -> memref<1x128xi32, #tpu.memory_space<vmem>>
        %dma_wait3A_168 = tpu.memref_squeeze %dma_wait3A_167 : memref<1x128xi32, #tpu.memory_space<vmem>> -> memref<128xi32, #tpu.memory_space<vmem>>
        %dma_wait3A_169 = arith.constant 0 : i32
        %dma_wait3A_170 = tpu.memref_slice %arg10[%dma_wait3A_169] : memref<10240xf32, #tpu.memory_space<vmem_shared>> -> memref<10240xf32, #tpu.memory_space<vmem_shared>>
        tpu.wait_indirect_dma semaphore(%arg11 : memref<!tpu.dma_semaphore, #tpu.memory_space<semaphore_mem>>) src(%arg7 : memref<128xf32, #tpu.memory_space<vmem>>) dst(%dma_wait3A_170 : memref<10240xf32, #tpu.memory_space<vmem_shared>>)
        %mul3A_171 = arith.constant 4 : i32
        %mul3A_172 = arith.muli %scan3A_73, %mul3A_171 : i32
        %add3A_173 = arith.constant 3 : i32
        %add3A_174 = arith.addi %mul3A_172, %add3A_173 : i32
        %dma_wait3A_175 = arith.constant 0 : i32
        %dma_wait3A_176 = tpu.memref_slice %arg5[%add3A_174, %dma_wait3A_175] : memref<80x128xi32, #tpu.memory_space<vmem>> -> memref<1x128xi32, #tpu.memory_space<vmem>>
        %dma_wait3A_177 = tpu.memref_squeeze %dma_wait3A_176 : memref<1x128xi32, #tpu.memory_space<vmem>> -> memref<128xi32, #tpu.memory_space<vmem>>
        %dma_wait3A_178 = arith.constant 0 : i32
        %dma_wait3A_179 = tpu.memref_slice %arg9[%dma_wait3A_178] : memref<10240xf32, #tpu.memory_space<vmem_shared>> -> memref<10240xf32, #tpu.memory_space<vmem_shared>>
        tpu.wait_indirect_dma semaphore(%arg11 : memref<!tpu.dma_semaphore, #tpu.memory_space<semaphore_mem>>) src(%arg7 : memref<128xf32, #tpu.memory_space<vmem>>) dst(%dma_wait3A_179 : memref<10240xf32, #tpu.memory_space<vmem_shared>>)
        %dma_wait3A_180 = arith.constant 0 : i32
        %dma_wait3A_181 = tpu.memref_slice %arg6[%add3A_174, %dma_wait3A_180] : memref<80x128xi32, #tpu.memory_space<vmem>> -> memref<1x128xi32, #tpu.memory_space<vmem>>
        %dma_wait3A_182 = tpu.memref_squeeze %dma_wait3A_181 : memref<1x128xi32, #tpu.memory_space<vmem>> -> memref<128xi32, #tpu.memory_space<vmem>>
        %dma_wait3A_183 = arith.constant 0 : i32
        %dma_wait3A_184 = tpu.memref_slice %arg10[%dma_wait3A_183] : memref<10240xf32, #tpu.memory_space<vmem_shared>> -> memref<10240xf32, #tpu.memory_space<vmem_shared>>
        tpu.wait_indirect_dma semaphore(%arg11 : memref<!tpu.dma_semaphore, #tpu.memory_space<semaphore_mem>>) src(%arg7 : memref<128xf32, #tpu.memory_space<vmem>>) dst(%dma_wait3A_184 : memref<10240xf32, #tpu.memory_space<vmem_shared>>)
        %scan3A_185 = arith.constant 0 : i32
        scf.yield %scan3A_185 : i32
      }
      %scan3A_72 = arith.constant 5 : i32
    } else {
    }
    %barrier3A_51 = arith.constant 0 : index
    tpu.barrier barrier_id(%barrier3A_51)
    %mul3A_52 = arith.constant 640 : i32
    %mul3A_53 = arith.muli %arg1, %mul3A_52 : i32
    %mul3A_54 = arith.constant 2 : i32
    %mul3A_55 = arith.muli %mul3A_54, %arg0 : i32
    %mul3A_56 = arith.constant 640 : i32
    %mul3A_57 = arith.muli %arg1, %mul3A_56 : i32
    "tpu.region"() ({
      %run_scoped3A = tpu.sem_alloc : memref<!tpu.dma_semaphore, #tpu.memory_space<semaphore_mem>>
      %dma_start3A = tpu.memref_slice %arg4[%mul3A_55, %mul3A_57] : memref<4x10240xf32, #tpu.memory_space<hbm>> -> memref<1x640xf32, #tpu.memory_space<hbm>>
      %dma_start3A_66 = tpu.memref_squeeze %dma_start3A : memref<1x640xf32, #tpu.memory_space<hbm>> -> memref<640xf32, #tpu.memory_space<hbm>>
      %dma_start3A_67 = tpu.memref_slice %arg9[%mul3A_53] : memref<10240xf32, #tpu.memory_space<vmem_shared>> -> memref<640xf32, #tpu.memory_space<vmem_shared>>
      tpu.enqueue_dma source(%dma_start3A_67 : memref<640xf32, #tpu.memory_space<vmem_shared>>) target(%dma_start3A_66 : memref<640xf32, #tpu.memory_space<hbm>>) target_semaphore(%run_scoped3A : memref<!tpu.dma_semaphore, #tpu.memory_space<semaphore_mem>>)
      %dma_wait3A = tpu.memref_slice %arg4[%mul3A_55, %mul3A_57] : memref<4x10240xf32, #tpu.memory_space<hbm>> -> memref<1x640xf32, #tpu.memory_space<hbm>>
      %dma_wait3A_68 = tpu.memref_squeeze %dma_wait3A : memref<1x640xf32, #tpu.memory_space<hbm>> -> memref<640xf32, #tpu.memory_space<hbm>>
      %dma_wait3A_69 = tpu.memref_slice %arg9[%mul3A_53] : memref<10240xf32, #tpu.memory_space<vmem_shared>> -> memref<640xf32, #tpu.memory_space<vmem_shared>>
      tpu.wait_dma2 semaphore(%run_scoped3A : memref<!tpu.dma_semaphore, #tpu.memory_space<semaphore_mem>>) src(%dma_wait3A_69 : memref<640xf32, #tpu.memory_space<vmem_shared>>) dst(%dma_wait3A_68 : memref<640xf32, #tpu.memory_space<hbm>>)
      tpu.yield
    }) : () -> ()
    %mul3A_58 = arith.constant 640 : i32
    %mul3A_59 = arith.muli %arg1, %mul3A_58 : i32
    %mul3A_60 = arith.constant 2 : i32
    %mul3A_61 = arith.muli %mul3A_60, %arg0 : i32
    %add3A_62 = arith.constant 1 : i32
    %add3A_63 = arith.addi %mul3A_61, %add3A_62 : i32
    %mul3A_64 = arith.constant 640 : i32
    %mul3A_65 = arith.muli %arg1, %mul3A_64 : i32
    "tpu.region"() ({
      %run_scoped3A = tpu.sem_alloc : memref<!tpu.dma_semaphore, #tpu.memory_space<semaphore_mem>>
      %dma_start3A = tpu.memref_slice %arg4[%add3A_63, %mul3A_65] : memref<4x10240xf32, #tpu.memory_space<hbm>> -> memref<1x640xf32, #tpu.memory_space<hbm>>
      %dma_start3A_66 = tpu.memref_squeeze %dma_start3A : memref<1x640xf32, #tpu.memory_space<hbm>> -> memref<640xf32, #tpu.memory_space<hbm>>
      %dma_start3A_67 = tpu.memref_slice %arg10[%mul3A_59] : memref<10240xf32, #tpu.memory_space<vmem_shared>> -> memref<640xf32, #tpu.memory_space<vmem_shared>>
      tpu.enqueue_dma source(%dma_start3A_67 : memref<640xf32, #tpu.memory_space<vmem_shared>>) target(%dma_start3A_66 : memref<640xf32, #tpu.memory_space<hbm>>) target_semaphore(%run_scoped3A : memref<!tpu.dma_semaphore, #tpu.memory_space<semaphore_mem>>)
      %dma_wait3A = tpu.memref_slice %arg4[%add3A_63, %mul3A_65] : memref<4x10240xf32, #tpu.memory_space<hbm>> -> memref<1x640xf32, #tpu.memory_space<hbm>>
      %dma_wait3A_68 = tpu.memref_squeeze %dma_wait3A : memref<1x640xf32, #tpu.memory_space<hbm>> -> memref<640xf32, #tpu.memory_space<hbm>>
      %dma_wait3A_69 = tpu.memref_slice %arg10[%mul3A_59] : memref<10240xf32, #tpu.memory_space<vmem_shared>> -> memref<640xf32, #tpu.memory_space<vmem_shared>>
      tpu.wait_dma2 semaphore(%run_scoped3A : memref<!tpu.dma_semaphore, #tpu.memory_space<semaphore_mem>>) src(%dma_wait3A_69 : memref<640xf32, #tpu.memory_space<vmem_shared>>) dst(%dma_wait3A_68 : memref<640xf32, #tpu.memory_space<hbm>>)
      tpu.yield
    }) : () -> ()
    return
  }
}

module attributes {stable_mosaic.version = 14 : i64} {
  func.func @_post_body(%arg0: i32, %arg1: memref<2x5000x128xf32, #tpu.memory_space<vmem>>, %arg2: memref<5000x4xf32, #tpu.memory_space<vmem>>, %arg3: memref<128x128xf32, #tpu.memory_space<vmem>>, %arg4: memref<1x128xf32, #tpu.memory_space<vmem>>, %arg5: memref<5000x128xf32, #tpu.memory_space<vmem>>) attributes {dimension_semantics = [#tpu.dimension_semantics<arbitrary>], iteration_bounds = array<i64: 2>, scalar_prefetch = 0 : i64, scratch_operands = 0 : i64, tpu.core_type = #tpu.core_type<tc>, window_params = [{transform_indices = @transform_0, window_bounds = array<i64: 2, 5000, 128>}, {transform_indices = @transform_1, window_bounds = array<i64: 5000, 4>}, {pipeline_mode = #tpu.pipeline_mode<synchronous>, transform_indices = @transform_2, window_bounds = array<i64: 128, 128>}, {pipeline_mode = #tpu.pipeline_mode<synchronous>, transform_indices = @transform_3, window_bounds = array<i64: 1, 128>}, {transform_indices = @transform_4, window_bounds = array<i64: 5000, 128>}]} {
    %get3A = arith.constant 0 : index
    %get3A_0 = arith.constant 0 : index
    %get3A_1 = arith.constant 0 : index
    %get3A_2 = vector.load %arg1[%get3A, %get3A_0, %get3A_1] : memref<2x5000x128xf32, #tpu.memory_space<vmem>>, vector<1x5000x128xf32>
    %get3A_3 = vector.shape_cast %get3A_2 : vector<1x5000x128xf32> to vector<5000x128xf32>
    %get3A_4 = arith.constant 1 : index
    %get3A_5 = arith.constant 0 : index
    %get3A_6 = arith.constant 0 : index
    %get3A_7 = vector.load %arg1[%get3A_4, %get3A_5, %get3A_6] : memref<2x5000x128xf32, #tpu.memory_space<vmem>>, vector<1x5000x128xf32>
    %get3A_8 = vector.shape_cast %get3A_7 : vector<1x5000x128xf32> to vector<5000x128xf32>
    %add3A = arith.addf %get3A_3, %get3A_8 : vector<5000x128xf32>
    %get3A_9 = arith.constant 0 : index
    %get3A_10 = arith.constant 1 : index
    %get3A_11 = vector.load %arg2[%get3A_9, %get3A_10] : memref<5000x4xf32, #tpu.memory_space<vmem>>, vector<5000x1xf32>
    %get3A_12 = arith.constant 0 : index
    %get3A_13 = arith.constant 3 : index
    %get3A_14 = vector.load %arg2[%get3A_12, %get3A_13] : memref<5000x4xf32, #tpu.memory_space<vmem>>, vector<5000x1xf32>
    %add3A_15 = arith.addf %get3A_11, %get3A_14 : vector<5000x1xf32>
    %gt3A = arith.constant 0.000000e+00 : f32
    %gt3A_16 = vector.broadcast %gt3A : f32 to vector<5000x1xf32>
    %gt3A_17 = arith.cmpf ogt, %add3A_15, %gt3A_16 : vector<5000x1xf32>
    %max3A = arith.constant 1.000000e+00 : f32
    %max3A_18 = vector.broadcast %max3A : f32 to vector<5000x1xf32>
    %max3A_19 = arith.maximumf %add3A_15, %max3A_18 : vector<5000x1xf32>
    %rsqrt3A = math.rsqrt %max3A_19 : vector<5000x1xf32>
    %jit3A = arith.constant 0.000000e+00 : f32
    %broadcast_in_dim3A = vector.broadcast %jit3A : f32 to vector<5000x1xf32>
    %select_n3A = arith.select %gt3A_17, %rsqrt3A, %broadcast_in_dim3A : vector<5000x1xi1>, vector<5000x1xf32>
    %mul3A = vector.broadcast %select_n3A : vector<5000x1xf32> to vector<5000x128xf32>
    %mul3A_20 = arith.mulf %add3A, %mul3A : vector<5000x128xf32>
    %get3A_21 = arith.constant 0 : index
    %get3A_22 = arith.constant 0 : index
    %get3A_23 = vector.load %arg3[%get3A_21, %get3A_22] : memref<128x128xf32, #tpu.memory_space<vmem>>, vector<128x128xf32>
    %dot_general3A = arith.constant dense<0.000000e+00> : vector<5000x128xf32>
    %dot_general3A_24 = tpu.matmul %mul3A_20, %get3A_23, %dot_general3A {dimension_numbers = #tpu.dot_dimension_numbers<[1], [0], [0], [1], [0, 0, 1, 1], [], []>, transpose_lhs_hint = false} : vector<5000x128xf32>, vector<128x128xf32>, vector<5000x128xf32> -> vector<5000x128xf32>
    %get3A_25 = arith.constant 0 : index
    %get3A_26 = arith.constant 0 : index
    %get3A_27 = vector.load %arg4[%get3A_25, %get3A_26] : memref<1x128xf32, #tpu.memory_space<vmem>>, vector<1x128xf32>
    %add3A_28 = vector.broadcast %get3A_27 : vector<1x128xf32> to vector<5000x128xf32>
    %add3A_29 = arith.addf %dot_general3A_24, %add3A_28 : vector<5000x128xf32>
    %max3A_30 = arith.constant 0.000000e+00 : f32
    %max3A_31 = vector.broadcast %max3A_30 : f32 to vector<5000x128xf32>
    %max3A_32 = arith.maximumf %add3A_29, %max3A_31 : vector<5000x128xf32>
    %get3A_33 = arith.constant 0 : index
    %get3A_34 = arith.constant 0 : index
    %get3A_35 = vector.load %arg2[%get3A_33, %get3A_34] : memref<5000x4xf32, #tpu.memory_space<vmem>>, vector<5000x1xf32>
    %get3A_36 = arith.constant 0 : index
    %get3A_37 = arith.constant 2 : index
    %get3A_38 = vector.load %arg2[%get3A_36, %get3A_37] : memref<5000x4xf32, #tpu.memory_space<vmem>>, vector<5000x1xf32>
    %add3A_39 = arith.addf %get3A_35, %get3A_38 : vector<5000x1xf32>
    %gt3A_40 = arith.constant 0.000000e+00 : f32
    %gt3A_41 = vector.broadcast %gt3A_40 : f32 to vector<5000x1xf32>
    %gt3A_42 = arith.cmpf ogt, %add3A_39, %gt3A_41 : vector<5000x1xf32>
    %max3A_43 = arith.constant 1.000000e+00 : f32
    %max3A_44 = vector.broadcast %max3A_43 : f32 to vector<5000x1xf32>
    %max3A_45 = arith.maximumf %add3A_39, %max3A_44 : vector<5000x1xf32>
    %rsqrt3A_46 = math.rsqrt %max3A_45 : vector<5000x1xf32>
    %jit3A_47 = arith.constant 0.000000e+00 : f32
    %broadcast_in_dim3A_48 = vector.broadcast %jit3A_47 : f32 to vector<5000x1xf32>
    %select_n3A_49 = arith.select %gt3A_42, %rsqrt3A_46, %broadcast_in_dim3A_48 : vector<5000x1xi1>, vector<5000x1xf32>
    %mul3A_50 = vector.broadcast %select_n3A_49 : vector<5000x1xf32> to vector<5000x128xf32>
    %mul3A_51 = arith.mulf %max3A_32, %mul3A_50 : vector<5000x128xf32>
    %swap3A = arith.constant 0 : index
    %swap3A_52 = arith.constant 0 : index
    %swap3A_53 = vector.load %arg5[%swap3A, %swap3A_52] : memref<5000x128xf32, #tpu.memory_space<vmem>>, vector<5000x128xf32>
    tpu.vector_store %arg5[%swap3A, %swap3A_52], %mul3A_51 {strides = array<i32>} : memref<5000x128xf32, #tpu.memory_space<vmem>>, vector<5000x128xf32>,
    return
  }
  func.func @transform_0(%arg0: i32) -> (i32, i32, i32) {
    %c0_i32 = arith.constant 0 : i32
    %c0_i32_0 = arith.constant 0 : i32
    %c0_i32_1 = arith.constant 0 : i32
    return %c0_i32, %arg0, %c0_i32_0 : i32, i32, i32
  }
  func.func @transform_1(%arg0: i32) -> (i32, i32) {
    %c0_i32 = arith.constant 0 : i32
    %c0_i32_0 = arith.constant 0 : i32
    return %arg0, %c0_i32 : i32, i32
  }
  func.func @transform_2(%arg0: i32) -> (i32, i32) {
    %c0_i32 = arith.constant 0 : i32
    %c0_i32_0 = arith.constant 0 : i32
    %c0_i32_1 = arith.constant 0 : i32
    return %c0_i32, %c0_i32_0 : i32, i32
  }
  func.func @transform_3(%arg0: i32) -> (i32, i32) {
    %c0_i32 = arith.constant 0 : i32
    %c0_i32_0 = arith.constant 0 : i32
    %c0_i32_1 = arith.constant 0 : i32
    return %c0_i32, %c0_i32_0 : i32, i32
  }
  func.func @transform_4(%arg0: i32) -> (i32, i32) {
    %c0_i32 = arith.constant 0 : i32
    %c0_i32_0 = arith.constant 0 : i32
    return %arg0, %c0_i32 : i32, i32
  }
}

module attributes {stable_mosaic.version = 14 : i64} {
  func.func @body(%arg0: memref<2x320000xi32, #tpu.memory_space<vmem>>, %arg1: memref<2500x128xi32, #tpu.memory_space<vmem>>, %arg2: memref<2500x128xi32, #tpu.memory_space<vmem>>) attributes {dimension_semantics = [], scalar_prefetch = 0 : i64, scratch_operands = 0 : i64, tpu.core_type = #tpu.core_type<tc>} {
    %get3A = arith.constant 0 : index
    %get3A_0 = arith.constant 0 : index
    %get3A_1 = vector.load %arg0[%get3A, %get3A_0] : memref<2x320000xi32, #tpu.memory_space<vmem>>, vector<1x320000xi32>
    %get3A_2 = vector.shape_cast %get3A_1 : vector<1x320000xi32> to vector<320000xi32>
    %reshape3A = vector.shape_cast %get3A_2 : vector<320000xi32> to vector<2500x128xi32>
    %swap3A = arith.constant 0 : index
    %swap3A_3 = arith.constant 0 : index
    %swap3A_4 = vector.load %arg1[%swap3A, %swap3A_3] : memref<2500x128xi32, #tpu.memory_space<vmem>>, vector<2500x128xi32>
    tpu.vector_store %arg1[%swap3A, %swap3A_3], %reshape3A {strides = array<i32>} : memref<2500x128xi32, #tpu.memory_space<vmem>>, vector<2500x128xi32>,
    %get3A_5 = arith.constant 1 : index
    %get3A_6 = arith.constant 0 : index
    %get3A_7 = vector.load %arg0[%get3A_5, %get3A_6] : memref<2x320000xi32, #tpu.memory_space<vmem>>, vector<1x320000xi32>
    %get3A_8 = vector.shape_cast %get3A_7 : vector<1x320000xi32> to vector<320000xi32>
    %reshape3A_9 = vector.shape_cast %get3A_8 : vector<320000xi32> to vector<2500x128xi32>
    %swap3A_10 = arith.constant 0 : index
    %swap3A_11 = arith.constant 0 : index
    %swap3A_12 = vector.load %arg2[%swap3A_10, %swap3A_11] : memref<2500x128xi32, #tpu.memory_space<vmem>>, vector<2500x128xi32>
    tpu.vector_store %arg2[%swap3A_10, %swap3A_11], %reshape3A_9 {strides = array<i32>} : memref<2500x128xi32, #tpu.memory_space<vmem>>, vector<2500x128xi32>,
    return
  }
}

module attributes {stable_mosaic.version = 14 : i64} {
  func.func @_pre_body(%arg0: i32, %arg1: memref<5000x128xf32, #tpu.memory_space<vmem>>, %arg2: memref<5000x4xf32, #tpu.memory_space<vmem>>, %arg3: memref<5000x128xf32, #tpu.memory_space<vmem>>) attributes {dimension_semantics = [#tpu.dimension_semantics<arbitrary>], iteration_bounds = array<i64: 2>, scalar_prefetch = 0 : i64, scratch_operands = 0 : i64, tpu.core_type = #tpu.core_type<tc>, window_params = [{transform_indices = @transform_0, window_bounds = array<i64: 5000, 128>}, {transform_indices = @transform_1, window_bounds = array<i64: 5000, 4>}, {transform_indices = @transform_2, window_bounds = array<i64: 5000, 128>}]} {
    %get3A = arith.constant 0 : index
    %get3A_0 = arith.constant 0 : index
    %get3A_1 = vector.load %arg2[%get3A, %get3A_0] : memref<5000x4xf32, #tpu.memory_space<vmem>>, vector<5000x1xf32>
    %get3A_2 = arith.constant 0 : index
    %get3A_3 = arith.constant 2 : index
    %get3A_4 = vector.load %arg2[%get3A_2, %get3A_3] : memref<5000x4xf32, #tpu.memory_space<vmem>>, vector<5000x1xf32>
    %add3A = arith.addf %get3A_1, %get3A_4 : vector<5000x1xf32>
    %get3A_5 = arith.constant 0 : index
    %get3A_6 = arith.constant 0 : index
    %get3A_7 = vector.load %arg1[%get3A_5, %get3A_6] : memref<5000x128xf32, #tpu.memory_space<vmem>>, vector<5000x128xf32>
    %gt3A = arith.constant 0.000000e+00 : f32
    %gt3A_8 = vector.broadcast %gt3A : f32 to vector<5000x1xf32>
    %gt3A_9 = arith.cmpf ogt, %add3A, %gt3A_8 : vector<5000x1xf32>
    %max3A = arith.constant 1.000000e+00 : f32
    %max3A_10 = vector.broadcast %max3A : f32 to vector<5000x1xf32>
    %max3A_11 = arith.maximumf %add3A, %max3A_10 : vector<5000x1xf32>
    %rsqrt3A = math.rsqrt %max3A_11 : vector<5000x1xf32>
    %jit3A = arith.constant 0.000000e+00 : f32
    %broadcast_in_dim3A = vector.broadcast %jit3A : f32 to vector<5000x1xf32>
    %select_n3A = arith.select %gt3A_9, %rsqrt3A, %broadcast_in_dim3A : vector<5000x1xi1>, vector<5000x1xf32>
    %mul3A = vector.broadcast %select_n3A : vector<5000x1xf32> to vector<5000x128xf32>
    %mul3A_12 = arith.mulf %get3A_7, %mul3A : vector<5000x128xf32>
    %swap3A = arith.constant 0 : index
    %swap3A_13 = arith.constant 0 : index
    %swap3A_14 = vector.load %arg3[%swap3A, %swap3A_13] : memref<5000x128xf32, #tpu.memory_space<vmem>>, vector<5000x128xf32>
    tpu.vector_store %arg3[%swap3A, %swap3A_13], %mul3A_12 {strides = array<i32>} : memref<5000x128xf32, #tpu.memory_space<vmem>>, vector<5000x128xf32>,
    return
  }
  func.func @transform_0(%arg0: i32) -> (i32, i32) {
    %c0_i32 = arith.constant 0 : i32
    %c0_i32_0 = arith.constant 0 : i32
    return %arg0, %c0_i32 : i32, i32
  }
  func.func @transform_1(%arg0: i32) -> (i32, i32) {
    %c0_i32 = arith.constant 0 : i32
    %c0_i32_0 = arith.constant 0 : i32
    return %arg0, %c0_i32 : i32, i32
  }
  func.func @transform_2(%arg0: i32) -> (i32, i32) {
    %c0_i32 = arith.constant 0 : i32
    %c0_i32_0 = arith.constant 0 : i32
    return %arg0, %c0_i32 : i32, i32
  }
}

module attributes {stable_mosaic.version = 14 : i64} {
  func.func @_post_body(%arg0: i32, %arg1: memref<2x5000x128xf32, #tpu.memory_space<vmem>>, %arg2: memref<5000x4xf32, #tpu.memory_space<vmem>>, %arg3: memref<128x128xf32, #tpu.memory_space<vmem>>, %arg4: memref<1x128xf32, #tpu.memory_space<vmem>>, %arg5: memref<5000x128xf32, #tpu.memory_space<vmem>>) attributes {dimension_semantics = [#tpu.dimension_semantics<arbitrary>], iteration_bounds = array<i64: 2>, scalar_prefetch = 0 : i64, scratch_operands = 0 : i64, tpu.core_type = #tpu.core_type<tc>, window_params = [{transform_indices = @transform_0, window_bounds = array<i64: 2, 5000, 128>}, {transform_indices = @transform_1, window_bounds = array<i64: 5000, 4>}, {pipeline_mode = #tpu.pipeline_mode<synchronous>, transform_indices = @transform_2, window_bounds = array<i64: 128, 128>}, {pipeline_mode = #tpu.pipeline_mode<synchronous>, transform_indices = @transform_3, window_bounds = array<i64: 1, 128>}, {transform_indices = @transform_4, window_bounds = array<i64: 5000, 128>}]} {
    %get3A = arith.constant 0 : index
    %get3A_0 = arith.constant 0 : index
    %get3A_1 = arith.constant 0 : index
    %get3A_2 = vector.load %arg1[%get3A, %get3A_0, %get3A_1] : memref<2x5000x128xf32, #tpu.memory_space<vmem>>, vector<1x5000x128xf32>
    %get3A_3 = vector.shape_cast %get3A_2 : vector<1x5000x128xf32> to vector<5000x128xf32>
    %get3A_4 = arith.constant 1 : index
    %get3A_5 = arith.constant 0 : index
    %get3A_6 = arith.constant 0 : index
    %get3A_7 = vector.load %arg1[%get3A_4, %get3A_5, %get3A_6] : memref<2x5000x128xf32, #tpu.memory_space<vmem>>, vector<1x5000x128xf32>
    %get3A_8 = vector.shape_cast %get3A_7 : vector<1x5000x128xf32> to vector<5000x128xf32>
    %add3A = arith.addf %get3A_3, %get3A_8 : vector<5000x128xf32>
    %get3A_9 = arith.constant 0 : index
    %get3A_10 = arith.constant 1 : index
    %get3A_11 = vector.load %arg2[%get3A_9, %get3A_10] : memref<5000x4xf32, #tpu.memory_space<vmem>>, vector<5000x1xf32>
    %get3A_12 = arith.constant 0 : index
    %get3A_13 = arith.constant 3 : index
    %get3A_14 = vector.load %arg2[%get3A_12, %get3A_13] : memref<5000x4xf32, #tpu.memory_space<vmem>>, vector<5000x1xf32>
    %add3A_15 = arith.addf %get3A_11, %get3A_14 : vector<5000x1xf32>
    %gt3A = arith.constant 0.000000e+00 : f32
    %gt3A_16 = vector.broadcast %gt3A : f32 to vector<5000x1xf32>
    %gt3A_17 = arith.cmpf ogt, %add3A_15, %gt3A_16 : vector<5000x1xf32>
    %max3A = arith.constant 1.000000e+00 : f32
    %max3A_18 = vector.broadcast %max3A : f32 to vector<5000x1xf32>
    %max3A_19 = arith.maximumf %add3A_15, %max3A_18 : vector<5000x1xf32>
    %rsqrt3A = math.rsqrt %max3A_19 : vector<5000x1xf32>
    %jit3A = arith.constant 0.000000e+00 : f32
    %broadcast_in_dim3A = vector.broadcast %jit3A : f32 to vector<5000x1xf32>
    %select_n3A = arith.select %gt3A_17, %rsqrt3A, %broadcast_in_dim3A : vector<5000x1xi1>, vector<5000x1xf32>
    %mul3A = vector.broadcast %select_n3A : vector<5000x1xf32> to vector<5000x128xf32>
    %mul3A_20 = arith.mulf %add3A, %mul3A : vector<5000x128xf32>
    %get3A_21 = arith.constant 0 : index
    %get3A_22 = arith.constant 0 : index
    %get3A_23 = vector.load %arg3[%get3A_21, %get3A_22] : memref<128x128xf32, #tpu.memory_space<vmem>>, vector<128x128xf32>
    %dot_general3A = arith.constant dense<0.000000e+00> : vector<5000x128xf32>
    %dot_general3A_24 = tpu.matmul %mul3A_20, %get3A_23, %dot_general3A {dimension_numbers = #tpu.dot_dimension_numbers<[1], [0], [0], [1], [0, 0, 1, 1], [], []>, transpose_lhs_hint = false} : vector<5000x128xf32>, vector<128x128xf32>, vector<5000x128xf32> -> vector<5000x128xf32>
    %get3A_25 = arith.constant 0 : index
    %get3A_26 = arith.constant 0 : index
    %get3A_27 = vector.load %arg4[%get3A_25, %get3A_26] : memref<1x128xf32, #tpu.memory_space<vmem>>, vector<1x128xf32>
    %add3A_28 = vector.broadcast %get3A_27 : vector<1x128xf32> to vector<5000x128xf32>
    %add3A_29 = arith.addf %dot_general3A_24, %add3A_28 : vector<5000x128xf32>
    %swap3A = arith.constant 0 : index
    %swap3A_30 = arith.constant 0 : index
    %swap3A_31 = vector.load %arg5[%swap3A, %swap3A_30] : memref<5000x128xf32, #tpu.memory_space<vmem>>, vector<5000x128xf32>
    tpu.vector_store %arg5[%swap3A, %swap3A_30], %add3A_29 {strides = array<i32>} : memref<5000x128xf32, #tpu.memory_space<vmem>>, vector<5000x128xf32>,
    return
  }
  func.func @transform_0(%arg0: i32) -> (i32, i32, i32) {
    %c0_i32 = arith.constant 0 : i32
    %c0_i32_0 = arith.constant 0 : i32
    %c0_i32_1 = arith.constant 0 : i32
    return %c0_i32, %arg0, %c0_i32_0 : i32, i32, i32
  }
  func.func @transform_1(%arg0: i32) -> (i32, i32) {
    %c0_i32 = arith.constant 0 : i32
    %c0_i32_0 = arith.constant 0 : i32
    return %arg0, %c0_i32 : i32, i32
  }
  func.func @transform_2(%arg0: i32) -> (i32, i32) {
    %c0_i32 = arith.constant 0 : i32
    %c0_i32_0 = arith.constant 0 : i32
    %c0_i32_1 = arith.constant 0 : i32
    return %c0_i32, %c0_i32_0 : i32, i32
  }
  func.func @transform_3(%arg0: i32) -> (i32, i32) {
    %c0_i32 = arith.constant 0 : i32
    %c0_i32_0 = arith.constant 0 : i32
    %c0_i32_1 = arith.constant 0 : i32
    return %c0_i32, %c0_i32_0 : i32, i32
  }
  func.func @transform_4(%arg0: i32) -> (i32, i32) {
    %c0_i32 = arith.constant 0 : i32
    %c0_i32_0 = arith.constant 0 : i32
    return %arg0, %c0_i32 : i32, i32
  }
}

</mosaic_0001>

<sc_bundles>
// kernel: kernel.12.cloned.1.call-start
scs
__scs_entry_jumppad:
0x0: {  	(pc) =	sbr.rel $0x88, $3  }
0x1: {  	(tag) =	ssettag $0x0;
	lr =	simm.s32 $0x1  }
0x2: {  	[smem:$0x3F9B] =	sst lr;
	_ =	strace $0xD0000000  }
0x3: {  	_ = 	snop  }
0x4: {  	_ = 	snop  }
0x5: {  	_ = 	snop  }
0x6: {  	_ = 	snop  }
0x7: {  	_ = 	snop  }
__scs_overlays_trampoline_lowered:
0x8: {  	[smem:$0x3FAA] =	sst s0  }
0x9: {  	[smem:$0x3FAB] =	sst s1  }
0xa: {  	[smem:$0x3FAC] =	sst s2  }
0xb: {  	[smem:$0x3FAD] =	sst s3  }
0xc: {  	[smem:$0x3FAE] =	sst s4  }
0xd: {  	[smem:$0x3FAF] =	sst s5  }
0xe: {  	[smem:$0x3FB0] =	sst s6  }
0xf: {  	[smem:$0x3FB1] =	sst s7  }
0x10: {  	[smem:$0x3FB2] =	sst s8  }
0x11: {  	[smem:$0x3FB3] =	sst s9;
	s0 =	simm.s32 @!p0 $0x0  }
0x12: {  	s1 =	sld [smem:$0x3F99];
	s0 =	simm.s32 @p0 $0x1  }
0x13: {  	[smem:$0x3FB4] =	sst s0;
	s0 =	simm.s32 @!p1 $0x0  }
0x14: {  	s2 =	sld [smem:$0x3F98];
	s0 =	simm.s32 @p1 $0x1  }
0x15: {  	[smem:$0x3FB5] =	sst s0;
	s0 =	simm.s32 @!p2 $0x0  }
0x16: {  	s3 =	sld [smem:$0x3FDB];
	s0 =	simm.s32 @p2 $0x1  }
0x17: {  	s4 =	simm.s32 $0x1BF5;
	[smem:$0x3FB7] =	sst s0  }
0x18: {  	s0 =	sld [smem:$0x3F9A];
	_ =	swait.ge [sflag:s4], $0x0  }
0x19: {  	s7 =	sld [smem:$0x3F9B]  }
0x1a: {  	s8 =	sadd.s32 $0xFFFFE003, lr  }
0x1b: {  	s9 =	sadd.s32 $0xFFFFFEF7, lr;
	s5 =	simm.s32 $0xFFFFFFFF;
	p2 =	slt.u32 s8, $0xFFFFF086  }
0x1c: {  	p1 =	slt.u32 s9, $0xF7A;
	s5 =	simm.s32 @!p2 $0x0  }
0x1d: {  	s5 =	simm.s32 @p1 $0x1;
	p0 =	seq.s32 s7, s2  }
0x1e: {  	s7 =	smul.u32 @!p0 $0xF7A, s2;
	p2 =	seq.s32 @!p0 s5, $0x0  }
0x1f: {  	s9 =	smul.u32 $0xF7A, s1;
	s8 =	simm.s32 @!p0 $0x1BF5;
	p2 =	por !p2, p0  }
0x20: {  	[sflag:s8] =	ssyncset.s32 @!p0 $0xFFFFF086;
	s6 =	sadd.s32 @!p0 s3, s7;
	s7 =	simm.s32 @!p0 $0x108  }
0x21: {  	s3 =	sadd.s32 s3, s9;
	s6 =	sadd.s32 @!p0 $0x88, s6;
	s7 =	simm.s32 @p2 $0x1082  }
0x22: {  	[simem:s7], [sflag:s8] =	dma.local @!p0 [hbm:s6], $0xF7A  }
0x23: {  	s9 =	sor.u32 $0xD0000000, s2;
	s6 =	simm.s32 $0x108;
	_ =	swait.ge @!p0 [sflag:s8], $0x0  }
0x24: {  	s3 =	sadd.s32 $0x88, s3;
	s6 =	simm.s32 @!p1 $0x1082;
	[sflag:s4] =	ssyncset.s32 $0xFFFFF086  }
0x25: {  	[simem:s6], [sflag:s4] =	dma.local [hbm:s3], $0xF7A  }
0x26: {  	[smem:$0x3F9B] =	sst s1;
	(tag) =	ssettag s2;
	_ =	strace s9  }
0x27: {  	s1 =	sld [smem:$0x3FAB]  }
0x28: {  	s2 =	sld [smem:$0x3FAC]  }
0x29: {  	s4 =	sld [smem:$0x3FAE]  }
0x2a: {  	p0 =	seq.s32 s5, $0x0;
	s5 =	sld [smem:$0x3FAF]  }
0x2b: {  	s6 =	sld [smem:$0x3FB0]  }
0x2c: {  	s7 =	sld [smem:$0x3FB1]  }
0x2d: {  	s3 =	simm.s32 $0x108;
	s8 =	sld [smem:$0x3FB2]  }
0x2e: {  	s3 =	simm.s32 @!p0 $0x1082;
	s9 =	sld [smem:$0x3FB3]  }
0x2f: {  	lr =	sadd.s32 s0, s3;
	s0 =	sld [smem:$0x3FAA]  }
0x30: {  	s3 =	sld [smem:$0x3FAD]  }
0x31: {  	[smem:$0x3FB6] =	sst s10  }
0x32: {  	s10 =	sld [smem:$0x3FB4];
	_ =	sdelay $0x3  }
0x33: {  	p0 =	seq.s32 s10, $0x1;
	s10 =	sld [smem:$0x3FB6];
	_ =	sdelay $0x3  }
0x34: {  	[smem:$0x3FB6] =	sst s10  }
0x35: {  	s10 =	sld [smem:$0x3FB5];
	_ =	sdelay $0x3  }
0x36: {  	p1 =	seq.s32 s10, $0x1;
	s10 =	sld [smem:$0x3FB6];
	_ =	sdelay $0x3  }
0x37: {  	[smem:$0x3FB6] =	sst s10  }
0x38: {  	s10 =	sld [smem:$0x3FB7]  }
0x39: {  	_ = 	snop;
	(pc) =	sbr.ind lr, $3  }
0x3a: {  	_ = 	snop  }
0x3b: {  	_ = 	snop  }
0x3c: {  	p2 =	seq.s32 s10, $0x1;
	s10 =	sld [smem:$0x3FB6]  }
0x3d: {  	_ =	shalt  }
0x3e: {  	_ =	shalt  }
0x3f: {  	_ =	shalt  }
0x40: {  	_ =	shalt  }
0x41: {  	_ =	shalt  }
0x42: {  	_ =	shalt  }
0x43: {  	_ =	shalt  }
0x44: {  	_ =	shalt  }
0x45: {  	_ =	shalt  }
0x46: {  	_ =	shalt  }
0x47: {  	_ =	shalt  }
0x48: {  	_ =	shalt  }
0x49: {  	_ =	shalt  }
0x4a: {  	_ =	shalt  }
0x4b: {  	_ =	shalt  }
0x4c: {  	_ =	shalt  }
0x4d: {  	_ =	shalt  }
0x4e: {  	_ =	shalt  }
0x4f: {  	_ =	shalt  }
0x50: {  	_ =	shalt  }
0x51: {  	_ =	shalt  }
0x52: {  	_ =	shalt  }
0x53: {  	_ =	shalt  }
0x54: {  	_ =	shalt  }
0x55: {  	_ =	shalt  }
0x56: {  	_ =	shalt  }
0x57: {  	_ =	shalt  }
0x58: {  	_ =	shalt  }
0x59: {  	_ =	shalt  }
0x5a: {  	_ =	shalt  }
0x5b: {  	_ =	shalt  }
0x5c: {  	_ =	shalt  }
0x5d: {  	_ =	shalt  }
0x5e: {  	_ =	shalt  }
0x5f: {  	_ =	shalt  }
0x60: {  	_ =	shalt  }
0x61: {  	_ =	shalt  }
0x62: {  	_ =	shalt  }
0x63: {  	_ =	shalt  }
0x64: {  	_ =	shalt  }
0x65: {  	_ =	shalt  }
0x66: {  	_ =	shalt  }
0x67: {  	_ =	shalt  }
0x68: {  	_ =	shalt  }
0x69: {  	_ =	shalt  }
0x6a: {  	_ =	shalt  }
0x6b: {  	_ =	shalt  }
0x6c: {  	_ =	shalt  }
0x6d: {  	_ =	shalt  }
0x6e: {  	_ =	shalt  }
0x6f: {  	_ =	shalt  }
0x70: {  	_ =	shalt  }
0x71: {  	_ =	shalt  }
0x72: {  	_ =	shalt  }
0x73: {  	_ =	shalt  }
0x74: {  	_ =	shalt  }
0x75: {  	_ =	shalt  }
0x76: {  	_ =	shalt  }
0x77: {  	_ =	shalt  }
0x78: {  	_ =	shalt  }
0x79: {  	_ =	shalt  }
0x7a: {  	_ =	shalt  }
0x7b: {  	_ =	shalt  }
0x7c: {  	_ =	shalt  }
0x7d: {  	_ =	shalt  }
0x7e: {  	_ =	shalt  }
0x7f: {  	_ =	shalt  }
0x80: {  	_ =	shalt  }
0x81: {  	_ =	shalt  }
0x82: {  	_ =	shalt  }
0x83: {  	_ =	shalt  }
0x84: {  	_ =	shalt  }
0x85: {  	_ =	shalt  }
0x86: {  	_ =	shalt  }
0x87: {  	_ =	shalt  }
.Lfunc_end0:
.L_simem_size_0:
called_computation.1_lowered:
.L_overlay_start_0:
0x88: {  	s2 =	sld [smem:$0x3FD9]  }
0x89: {  	s3 =	sld [smem:$0x3FFE];
	_ =	sdelay $0x1  }
0x8a: {  	s1 =	srdreg.scid  }
0x8b: {  	s0 =	sand.u32 $0x1, s1  }
0x8c: {  	s17 =	sshll.u32 s0, $0xA;
	s2 =	sadd.s32 s3, s2  }
0x8d: {  	s2 =	sadd.s32 s2, s17  }
0x8e: {  	[smem:$0x3FC2] =	sst s2  }
0x8f: {  	_ = 	snop  }
0x90: {  	s2 =	sld [smem:$0x3FD0];
	(tm) =	ssettm $0x1  }
0x91: {  	s18 =	sld [smem:$0x3FFB];
	_ =	sdelay $0x3  }
0x92: {  	_ =	strace s18  }
0x93: {  	s3 =	sld [smem:$0x3FFC];
	_ =	sdelay $0x3  }
0x94: {  	_ =	strace s3  }
0x95: {  	s3 =	sld [smem:$0x3FFD];
	_ =	sdelay $0x3  }
0x96: {  	_ =	strace s3  }
0x97: {  	_ =	strace $0x8FFFFFFF  }
0x98: {  	s19 =	sld [smem:$0x3FDB];
	_ =	sdelay $0x1  }
0x99: {  	s4 =	simm.s32 $_scs_section_size  }
0x9a: {  	s5 =	simm.s32 $_size__tile_overlayer_lowered;
	s6 =	simm.s32 $_tile_overlayer_lowered  }
0x9b: {  	s22 =	simm.s32 $0x1BFF;
	s21 =	sshll.u32 s6, $0x1;
	s3 =	sadd.s32 s4, s19  }
0x9c: {  	s7 =	simm.s32 $0x0;
	s20 =	sshll.u32 s5, $0x1;
	s5 =	sadd.s32 s21, s3  }
0x9d: {  	[timem:s7], [sflag:s22] =	dma.local [hbm:s5], s20  }
0x9e: {  	_ =	swait.ge [sflag:s22], s20  }
0x9f: {  	s4 =	ssub.s32 $0x0, s20;
	[sflag:s22] =	ssyncset.done $0x0  }
0xa0: {  	[sflag:s22] =	ssyncadd.s32 s4;
	_ =	sdelay $0x1  }
0xa1: {  	s23 =	simm.s32 $0x1B8B  }
0xa2: {  	_ =	swait.ge [sflag:s23], $0x1  }
0xa3: {  	[sflag:s23] =	ssyncset.done $0x0  }
0xa4: {  	s25 =	simm.s32 $0x1B8E;
	s24 =	sld [smem:$0x3FFE];
	[sflag:s23] =	ssyncadd.s32 $0xFFFFFFFF  }
0xa5: {  	s26 =	simm.s32 $execute0_lowered;
	[smem:$0x3FD2] =	sst s25  }
0xa6: {  	s5 =	sshll.u32 s26, $0x1;
	_ =	strace $0x80000049;
	[dreg:$0x1] =	wrdreg $0xFFFFFFFF  }
0xa7: {  	s28 =	simm.s32 $_size_execute0_lowered;
	s3 =	sadd.s32 s3, s5;
	[dreg:$0x0] =	wrdreg $0x0  }
0xa8: {  	s5 =	sshll.u32 s28, $0x1;
	[dreg:$0x2] =	wrdreg s3  }
0xa9: {  	[dreg:$0x3] =	wrdreg s5  }
0xaa: {  	[dreg:$0x4] =	wrdreg $0xC0  }
0xab: {  	_ =	task [dreg:s7], $0x5FFFF  }
0xac: {  	[dreg:$0x1] =	wrdreg $0xFFFFFFFF  }
0xad: {  	[dreg:$0x0] =	wrdreg $0x60  }
0xae: {  	[dreg:$0x2] =	wrdreg s2  }
0xaf: {  	[dreg:$0x3] =	wrdreg s24  }
0xb0: {  	[dreg:$0x4] =	wrdreg $0xA8000  }
0xb1: {  	[dreg:$0x5] =	wrdreg $0x9  }
0xb2: {  	_ =	task.clear_ibuf [dreg:s7], $0x6FFFF;
	_ =	strace $0x90000049  }
0xb3: {  	s29 =	simm.s32 $0x9;
	_ =	strace $0x8000004B  }
0xb4: {  	_ =	swait.ge [sflag:s29], $0x1  }
0xb5: {  	[sflag:s29] =	ssyncadd.s32 $0xFFFFFFFF  }
0xb6: {  	_ =	strace $0x9000004B  }
0xb7: {  	_ =	sfence  }
0xb8: {  	s30 =	sld [smem:$0x0];
	_ =	sdelay $0x2  }
0xb9: {  	s31 =	sshll.u32 s1, $0xD;
	s1 =	sshrl.u32 s1, $0x2  }
0xba: {  	s3 =	sand.u32 $0x4000, s31;
	s1 =	sadd.s32 s1, s30  }
0xbb: {  	s0 =	sor.u32 s3, s0;
	s1 =	sshll.u32 s1, $0x11  }
0xbc: {  	s0 =	sor.u32 s1, s0  }
0xbd: {  	s0 =	sadd.s32 $0x8F2B, s0  }
0xbe: {  	[sflag:s0] =	ssyncadd.remote.s32 $0x1  }
0xbf: {  	_ =	sfence.sel $0xFFFF  }
0xc0: {  	[dreg:$0x0] =	wrdreg $0xFFFFFFFF;
	(pc) =	sbr.abs _section_cstart, $3  }
0xc1: {  	[dreg:$0x1] =	wrdreg $0xFFFFFFFF  }
0xc2: {  	_ =	task.clear_ibuf [dreg:s7], $0x2FFFF;
	_ =	strace $0x9FFFFFFF  }
0xc3: {  	(tm) =	ssettm $0x7FFFFFFF  }
tec
execute0_lowered:
.L_overlay_start_1:
0x0: {  	(tag) =	ssettag $0x1  }
0x1: {  	s1 =	rddreg [dreg:$0x0]  }
0x2: {  	s0 =	rddreg [dreg:$0x1]  }
0x3: {  	s2 =	rddreg [dreg:$0x2]  }
0x4: {  	s3 =	srdreg.scid;
	s4 =	simm.s32 $0x0;
	s19 =	simm.s32 $0x3  }
0x5: {  	s20 =	simm.s32 $0x1400;
	s21 =	simm.s32 $0x80;
	s22 =	simm.s32 $0x6800  }
0x6: {  	s23 =	simm.s32 $0x1;
	s25 =	simm.s32 $0x2;
	s26 =	simm.s32 $0x2780  }
0x7: {  	s28 =	simm.s32 $0x0;
	s5 =	sand.u32 $0x1, s3;
	s3 =	stileid.u32  }
0x8: {  	[smem:$0x7FF] =	sst s4;
	s12 =	sadd.s32 $0x2C00, s0;
	s6 =	smul.u32 $0x140000, s5  }
0x9: {  	s13 =	sadd.s32 $0xCA00, s0;
	s15 =	sadd.s32 $0x16500, s0;
	s7 =	smul.u32 $0x14000, s3  }
0xa: {  	s29 =	smul.u32 $0x50000, s3;
	s8 =	sshll.u32 s5, $0x4;
	s9 =	ssub.s32 $0x2, s5  }
0xb: {  	_ =	strace $0x8000004A;
	s18 =	sor.u32 s3, s8;
	s31 =	sshrl.u32 s9, $0x1  }
0xc: {  	s6 =	sadd.s32 s7, s6;
	s30 =	sshrl.u32 s29, $0x2;
	s8 =	smul.u32 $0x2800, s18  }
0xd: {  	s17 =	ssub.s32 s9, s31;
	s11 =	smul.u32 $0x500, s18;
	p0 =	seq.s32 s18, $0x1F  }
0xe: {  	s18 =	simm.s32 $0x2800;
	s6 =	sshrl.u32 s6, $0x3;
	s5 =	sadd.s32 s30, s2  }
.Ltmp0:
0xf: {  	s17 =	smax.u32 s17, $0x1;
	s16 =	sadd.s32 s6, s0;
	(pc) =	sbr.rel .LBB2_1-.Ltmp0, $4  }
0x10: {  	s6 =	sadd.s32 $0x4000, s5;
	s7 =	sadd.s32 $0x8000, s5;
	s10 =	sshrl.u32 s8, $0x3  }
0x11: {  	s8 =	sadd.s32 $0xC000, s5;
	s9 =	sadd.s32 $0x10000, s5;
	s14 =	sadd.s32 $0x280, s10  }
0x12: {  	s10 =	sadd.s32 s12, s11;
	s11 =	sadd.s32 s13, s11;
	s16 =	sadd.s32 $0x16800, s16  }
0x13: {  	v0 =	vimm.f32 $0.0e+00;
	s12 =	sadd.s32 s12, s14;
	s13 =	sadd.s32 s13, s14;
	s14 =	sadd.s32 $0xC700, s0  }
.LBB2_10:
0x14: {  	[tilespmem:s4], [sflag:$0x3] =	stream.linear.gather [hbm4b:s14+s4], $0xA00, $0x38;
	[tilespmem:$0x1E800] =	vst v63  }
0x15: {  	_ =	swait.ge [sflag:s19], $0xA00  }
0x16: {  	[sflag:s19] =	ssyncset.done $0x0  }
0x17: {  	[sflag:s19] =	ssyncadd.s32 $0xFFFFF600  }
0x18: {  	[tilespmem:s20], [sflag:$0x3] =	stream.linear.gather [hbm4b:s15+s4], $0xA00, $0x38;
	[tilespmem:$0x1E800] =	vst v63  }
0x19: {  	_ =	swait.ge [sflag:s19], $0xA00  }
0x1a: {  	[sflag:s19] =	ssyncset.done $0x0  }
0x1b: {  	[sflag:s19] =	ssyncadd.s32 $0xFFFFF600  }
0x1c: {  	[tilespmem:s18], [sflag:$0x1] =	stream.indirect.gather [hbm4b:s1+s21], $0x80, s4, s21, $0xb8;
	[tilespmem:$0x1E800] =	vst v63  }
0x1d: {  	_ = 	snop  }
0x1e: {  	[tilespmem:s22], [sflag:$0x2] =	stream.indirect.gather [hbm4b:s1+s21], $0x80, s21, s21, $0xb8;
	[tilespmem:$0x1E800] =	vst v63  }
0x1f: {  	_ =	swait.ge [sflag:s23], $0x4000  }
0x20: {  	[sflag:s23] =	ssyncset.done $0x0  }
0x21: {  	[sflag:s23] =	ssyncadd.s32 $0xFFFFC000  }
0x22: {  	[spmem:s2] =	stream.indirect.scatter.add.f32 [tilespmem:s18], [sflag:$0x3], $0x80, s20, s21, $0xb8;
	[tilespmem:$0x1E800] =	vst v63  }
0x23: {  	_ =	swait.ge [sflag:s19], $0x4000  }
0x24: {  	[sflag:s19] =	ssyncset.done $0x0  }
0x25: {  	s0 =	simm.s32 $0x100;
	[sflag:s19] =	ssyncadd.s32 $0xFFFFC000  }
0x26: {  	[tilespmem:s18], [sflag:$0x1] =	stream.indirect.gather [hbm4b:s1+s21], $0x80, s0, s21, $0xb8;
	[tilespmem:$0x1E800] =	vst v63  }
0x27: {  	_ =	swait.ge [sflag:s25], $0x4000  }
0x28: {  	[sflag:s25] =	ssyncset.done $0x0  }
0x29: {  	s24 =	simm.s32 $0x1480;
	[sflag:s25] =	ssyncadd.s32 $0xFFFFC000  }
0x2a: {  	[spmem:s2] =	stream.indirect.scatter.add.f32 [tilespmem:s22], [sflag:$0x3], $0x80, s24, s21, $0xb8;
	[tilespmem:$0x1E800] =	vst v63  }
0x2b: {  	_ =	swait.ge [sflag:s19], $0x4000  }
0x2c: {  	[sflag:s19] =	ssyncset.done $0x0  }
0x2d: {  	s24 =	simm.s32 $0x180;
	[sflag:s19] =	ssyncadd.s32 $0xFFFFC000  }
0x2e: {  	[tilespmem:s22], [sflag:$0x2] =	stream.indirect.gather [hbm4b:s1+s21], $0x80, s24, s21, $0xb8;
	[tilespmem:$0x1E800] =	vst v63  }
0x2f: {  	_ =	swait.ge [sflag:s23], $0x4000  }
0x30: {  	[sflag:s23] =	ssyncset.done $0x0  }
0x31: {  	s24 =	simm.s32 $0x1500;
	[sflag:s23] =	ssyncadd.s32 $0xFFFFC000  }
0x32: {  	[spmem:s2] =	stream.indirect.scatter.add.f32 [tilespmem:s18], [sflag:$0x3], $0x80, s24, s21, $0xb8;
	[tilespmem:$0x1E800] =	vst v63  }
0x33: {  	_ =	swait.ge [sflag:s19], $0x4000  }
0x34: {  	[sflag:s19] =	ssyncset.done $0x0  }
0x35: {  	s24 =	simm.s32 $0x200;
	[sflag:s19] =	ssyncadd.s32 $0xFFFFC000  }
0x36: {  	[tilespmem:s18], [sflag:$0x1] =	stream.indirect.gather [hbm4b:s1+s21], $0x80, s24, s21, $0xb8;
	[tilespmem:$0x1E800] =	vst v63  }
0x37: {  	_ =	swait.ge [sflag:s25], $0x4000  }
0x38: {  	[sflag:s25] =	ssyncset.done $0x0  }
0x39: {  	s24 =	simm.s32 $0x1580;
	[sflag:s25] =	ssyncadd.s32 $0xFFFFC000  }
0x3a: {  	[spmem:s2] =	stream.indirect.scatter.add.f32 [tilespmem:s22], [sflag:$0x3], $0x80, s24, s21, $0xb8;
	[tilespmem:$0x1E800] =	vst v63  }
0x3b: {  	_ =	swait.ge [sflag:s19], $0x4000  }
0x3c: {  	[sflag:s19] =	ssyncset.done $0x0  }
0x3d: {  	s24 =	simm.s32 $0x280;
	[sflag:s19] =	ssyncadd.s32 $0xFFFFC000  }
0x3e: {  	[tilespmem:s22], [sflag:$0x2] =	stream.indirect.gather [hbm4b:s1+s21], $0x80, s24, s21, $0xb8;
	[tilespmem:$0x1E800] =	vst v63  }
0x3f: {  	_ =	swait.ge [sflag:s23], $0x4000  }
0x40: {  	[sflag:s23] =	ssyncset.done $0x0  }
0x41: {  	s24 =	simm.s32 $0x1600;
	[sflag:s23] =	ssyncadd.s32 $0xFFFFC000  }
0x42: {  	[spmem:s2] =	stream.indirect.scatter.add.f32 [tilespmem:s18], [sflag:$0x3], $0x80, s24, s21, $0xb8;
	[tilespmem:$0x1E800] =	vst v63  }
0x43: {  	_ =	swait.ge [sflag:s19], $0x4000  }
0x44: {  	[sflag:s19] =	ssyncset.done $0x0  }
0x45: {  	s24 =	simm.s32 $0x300;
	[sflag:s19] =	ssyncadd.s32 $0xFFFFC000  }
0x46: {  	[tilespmem:s18], [sflag:$0x1] =	stream.indirect.gather [hbm4b:s1+s21], $0x80, s24, s21, $0xb8;
	[tilespmem:$0x1E800] =	vst v63  }
0x47: {  	_ =	swait.ge [sflag:s25], $0x4000  }
0x48: {  	[sflag:s25] =	ssyncset.done $0x0  }
0x49: {  	s24 =	simm.s32 $0x1680;
	[sflag:s25] =	ssyncadd.s32 $0xFFFFC000  }
0x4a: {  	[spmem:s2] =	stream.indirect.scatter.add.f32 [tilespmem:s22], [sflag:$0x3], $0x80, s24, s21, $0xb8;
	[tilespmem:$0x1E800] =	vst v63  }
0x4b: {  	_ =	swait.ge [sflag:s19], $0x4000  }
0x4c: {  	[sflag:s19] =	ssyncset.done $0x0  }
0x4d: {  	s24 =	simm.s32 $0x380;
	[sflag:s19] =	ssyncadd.s32 $0xFFFFC000  }
0x4e: {  	[tilespmem:s22], [sflag:$0x2] =	stream.indirect.gather [hbm4b:s1+s21], $0x80, s24, s21, $0xb8;
	[tilespmem:$0x1E800] =	vst v63  }
0x4f: {  	_ =	swait.ge [sflag:s23], $0x4000  }
0x50: {  	[sflag:s23] =	ssyncset.done $0x0  }
0x51: {  	s24 =	simm.s32 $0x1700;
	[sflag:s23] =	ssyncadd.s32 $0xFFFFC000  }
0x52: {  	[spmem:s2] =	stream.indirect.scatter.add.f32 [tilespmem:s18], [sflag:$0x3], $0x80, s24, s21, $0xb8;
	[tilespmem:$0x1E800] =	vst v63  }
0x53: {  	_ =	swait.ge [sflag:s19], $0x4000  }
0x54: {  	[sflag:s19] =	ssyncset.done $0x0  }
0x55: {  	s24 =	simm.s32 $0x400;
	[sflag:s19] =	ssyncadd.s32 $0xFFFFC000  }
0x56: {  	[tilespmem:s18], [sflag:$0x1] =	stream.indirect.gather [hbm4b:s1+s21], $0x80, s24, s21, $0xb8;
	[tilespmem:$0x1E800] =	vst v63  }
0x57: {  	_ =	swait.ge [sflag:s25], $0x4000  }
0x58: {  	[sflag:s25] =	ssyncset.done $0x0  }
0x59: {  	s24 =	simm.s32 $0x1780;
	[sflag:s25] =	ssyncadd.s32 $0xFFFFC000  }
0x5a: {  	[spmem:s2] =	stream.indirect.scatter.add.f32 [tilespmem:s22], [sflag:$0x3], $0x80, s24, s21, $0xb8;
	[tilespmem:$0x1E800] =	vst v63  }
0x5b: {  	_ =	swait.ge [sflag:s19], $0x4000  }
0x5c: {  	[sflag:s19] =	ssyncset.done $0x0  }
0x5d: {  	s24 =	simm.s32 $0x480;
	[sflag:s19] =	ssyncadd.s32 $0xFFFFC000  }
0x5e: {  	[tilespmem:s22], [sflag:$0x2] =	stream.indirect.gather [hbm4b:s1+s21], $0x80, s24, s21, $0xb8;
	[tilespmem:$0x1E800] =	vst v63  }
0x5f: {  	_ =	swait.ge [sflag:s23], $0x4000  }
0x60: {  	[sflag:s23] =	ssyncset.done $0x0  }
0x61: {  	s24 =	simm.s32 $0x1800;
	[sflag:s23] =	ssyncadd.s32 $0xFFFFC000  }
0x62: {  	[spmem:s2] =	stream.indirect.scatter.add.f32 [tilespmem:s18], [sflag:$0x3], $0x80, s24, s21, $0xb8;
	[tilespmem:$0x1E800] =	vst v63  }
0x63: {  	_ =	swait.ge [sflag:s19], $0x4000  }
0x64: {  	[sflag:s19] =	ssyncset.done $0x0  }
0x65: {  	s24 =	simm.s32 $0x500;
	[sflag:s19] =	ssyncadd.s32 $0xFFFFC000  }
0x66: {  	[tilespmem:s18], [sflag:$0x1] =	stream.indirect.gather [hbm4b:s1+s21], $0x80, s24, s21, $0xb8;
	[tilespmem:$0x1E800] =	vst v63  }
0x67: {  	_ =	swait.ge [sflag:s25], $0x4000  }
0x68: {  	[sflag:s25] =	ssyncset.done $0x0  }
0x69: {  	s24 =	simm.s32 $0x1880;
	[sflag:s25] =	ssyncadd.s32 $0xFFFFC000  }
0x6a: {  	[spmem:s2] =	stream.indirect.scatter.add.f32 [tilespmem:s22], [sflag:$0x3], $0x80, s24, s21, $0xb8;
	[tilespmem:$0x1E800] =	vst v63  }
0x6b: {  	_ =	swait.ge [sflag:s19], $0x4000  }
0x6c: {  	[sflag:s19] =	ssyncset.done $0x0  }
0x6d: {  	s24 =	simm.s32 $0x580;
	[sflag:s19] =	ssyncadd.s32 $0xFFFFC000  }
0x6e: {  	[tilespmem:s22], [sflag:$0x2] =	stream.indirect.gather [hbm4b:s1+s21], $0x80, s24, s21, $0xb8;
	[tilespmem:$0x1E800] =	vst v63  }
0x6f: {  	_ =	swait.ge [sflag:s23], $0x4000  }
0x70: {  	[sflag:s23] =	ssyncset.done $0x0  }
0x71: {  	s24 =	simm.s32 $0x1900;
	[sflag:s23] =	ssyncadd.s32 $0xFFFFC000  }
0x72: {  	[spmem:s2] =	stream.indirect.scatter.add.f32 [tilespmem:s18], [sflag:$0x3], $0x80, s24, s21, $0xb8;
	[tilespmem:$0x1E800] =	vst v63  }
0x73: {  	_ =	swait.ge [sflag:s19], $0x4000  }
0x74: {  	[sflag:s19] =	ssyncset.done $0x0  }
0x75: {  	s24 =	simm.s32 $0x600;
	[sflag:s19] =	ssyncadd.s32 $0xFFFFC000  }
0x76: {  	[tilespmem:s18], [sflag:$0x1] =	stream.indirect.gather [hbm4b:s1+s21], $0x80, s24, s21, $0xb8;
	[tilespmem:$0x1E800] =	vst v63  }
0x77: {  	_ =	swait.ge [sflag:s25], $0x4000  }
0x78: {  	[sflag:s25] =	ssyncset.done $0x0  }
0x79: {  	s24 =	simm.s32 $0x1980;
	[sflag:s25] =	ssyncadd.s32 $0xFFFFC000  }
0x7a: {  	[spmem:s2] =	stream.indirect.scatter.add.f32 [tilespmem:s22], [sflag:$0x3], $0x80, s24, s21, $0xb8;
	[tilespmem:$0x1E800] =	vst v63  }
0x7b: {  	_ =	swait.ge [sflag:s19], $0x4000  }
0x7c: {  	[sflag:s19] =	ssyncset.done $0x0  }
0x7d: {  	s24 =	simm.s32 $0x680;
	[sflag:s19] =	ssyncadd.s32 $0xFFFFC000  }
0x7e: {  	[tilespmem:s22], [sflag:$0x2] =	stream.indirect.gather [hbm4b:s1+s21], $0x80, s24, s21, $0xb8;
	[tilespmem:$0x1E800] =	vst v63  }
0x7f: {  	_ =	swait.ge [sflag:s23], $0x4000  }
0x80: {  	[sflag:s23] =	ssyncset.done $0x0  }
0x81: {  	s24 =	simm.s32 $0x1A00;
	[sflag:s23] =	ssyncadd.s32 $0xFFFFC000  }
0x82: {  	[spmem:s2] =	stream.indirect.scatter.add.f32 [tilespmem:s18], [sflag:$0x3], $0x80, s24, s21, $0xb8;
	[tilespmem:$0x1E800] =	vst v63  }
0x83: {  	_ =	swait.ge [sflag:s19], $0x4000  }
0x84: {  	[sflag:s19] =	ssyncset.done $0x0  }
0x85: {  	s24 =	simm.s32 $0x700;
	[sflag:s19] =	ssyncadd.s32 $0xFFFFC000  }
0x86: {  	[tilespmem:s18], [sflag:$0x1] =	stream.indirect.gather [hbm4b:s1+s21], $0x80, s24, s21, $0xb8;
	[tilespmem:$0x1E800] =	vst v63  }
0x87: {  	_ =	swait.ge [sflag:s25], $0x4000  }
0x88: {  	[sflag:s25] =	ssyncset.done $0x0  }
0x89: {  	s24 =	simm.s32 $0x1A80;
	[sflag:s25] =	ssyncadd.s32 $0xFFFFC000  }
0x8a: {  	[spmem:s2] =	stream.indirect.scatter.add.f32 [tilespmem:s22], [sflag:$0x3], $0x80, s24, s21, $0xb8;
	[tilespmem:$0x1E800] =	vst v63  }
0x8b: {  	_ =	swait.ge [sflag:s19], $0x4000  }
0x8c: {  	[sflag:s19] =	ssyncset.done $0x0  }
0x8d: {  	s24 =	simm.s32 $0x780;
	[sflag:s19] =	ssyncadd.s32 $0xFFFFC000  }
0x8e: {  	[tilespmem:s22], [sflag:$0x2] =	stream.indirect.gather [hbm4b:s1+s21], $0x80, s24, s21, $0xb8;
	[tilespmem:$0x1E800] =	vst v63  }
0x8f: {  	_ =	swait.ge [sflag:s23], $0x4000  }
0x90: {  	[sflag:s23] =	ssyncset.done $0x0  }
0x91: {  	s24 =	simm.s32 $0x1B00;
	[sflag:s23] =	ssyncadd.s32 $0xFFFFC000  }
0x92: {  	[spmem:s2] =	stream.indirect.scatter.add.f32 [tilespmem:s18], [sflag:$0x3], $0x80, s24, s21, $0xb8;
	[tilespmem:$0x1E800] =	vst v63  }
0x93: {  	_ =	swait.ge [sflag:s19], $0x4000  }
0x94: {  	[sflag:s19] =	ssyncset.done $0x0  }
0x95: {  	s24 =	simm.s32 $0x800;
	[sflag:s19] =	ssyncadd.s32 $0xFFFFC000  }
0x96: {  	[tilespmem:s18], [sflag:$0x1] =	stream.indirect.gather [hbm4b:s1+s21], $0x80, s24, s21, $0xb8;
	[tilespmem:$0x1E800] =	vst v63  }
0x97: {  	_ =	swait.ge [sflag:s25], $0x4000  }
0x98: {  	[sflag:s25] =	ssyncset.done $0x0  }
0x99: {  	s24 =	simm.s32 $0x1B80;
	[sflag:s25] =	ssyncadd.s32 $0xFFFFC000  }
0x9a: {  	[spmem:s2] =	stream.indirect.scatter.add.f32 [tilespmem:s22], [sflag:$0x3], $0x80, s24, s21, $0xb8;
	[tilespmem:$0x1E800] =	vst v63  }
0x9b: {  	_ =	swait.ge [sflag:s19], $0x4000  }
0x9c: {  	[sflag:s19] =	ssyncset.done $0x0  }
0x9d: {  	s24 =	simm.s32 $0x880;
	[sflag:s19] =	ssyncadd.s32 $0xFFFFC000  }
0x9e: {  	[tilespmem:s22], [sflag:$0x2] =	stream.indirect.gather [hbm4b:s1+s21], $0x80, s24, s21, $0xb8;
	[tilespmem:$0x1E800] =	vst v63  }
0x9f: {  	_ =	swait.ge [sflag:s23], $0x4000  }
0xa0: {  	[sflag:s23] =	ssyncset.done $0x0  }
0xa1: {  	s24 =	simm.s32 $0x1C00;
	[sflag:s23] =	ssyncadd.s32 $0xFFFFC000  }
0xa2: {  	[spmem:s2] =	stream.indirect.scatter.add.f32 [tilespmem:s18], [sflag:$0x3], $0x80, s24, s21, $0xb8;
	[tilespmem:$0x1E800] =	vst v63  }
0xa3: {  	_ =	swait.ge [sflag:s19], $0x4000  }
0xa4: {  	[sflag:s19] =	ssyncset.done $0x0  }
0xa5: {  	s24 =	simm.s32 $0x900;
	[sflag:s19] =	ssyncadd.s32 $0xFFFFC000  }
0xa6: {  	[tilespmem:s18], [sflag:$0x1] =	stream.indirect.gather [hbm4b:s1+s21], $0x80, s24, s21, $0xb8;
	[tilespmem:$0x1E800] =	vst v63  }
0xa7: {  	_ =	swait.ge [sflag:s25], $0x4000  }
0xa8: {  	[sflag:s25] =	ssyncset.done $0x0  }
0xa9: {  	s24 =	simm.s32 $0x1C80;
	[sflag:s25] =	ssyncadd.s32 $0xFFFFC000  }
0xaa: {  	[spmem:s2] =	stream.indirect.scatter.add.f32 [tilespmem:s22], [sflag:$0x3], $0x80, s24, s21, $0xb8;
	[tilespmem:$0x1E800] =	vst v63  }
0xab: {  	_ =	swait.ge [sflag:s19], $0x4000  }
0xac: {  	s29 =	simm.s32 $0x1D80;
	[sflag:s19] =	ssyncset.done $0x0  }
0xad: {  	s30 =	simm.s32 $0x1D00;
	s31 =	simm.s32 $0x980;
	[sflag:s19] =	ssyncadd.s32 $0xFFFFC000  }
.LBB2_11:
0xae: {  	[tilespmem:s22], [sflag:$0x2] =	stream.indirect.gather [hbm4b:s1+s21], $0x80, s31, s21, $0xb8;
	[tilespmem:$0x1E800] =	vst v63  }
0xaf: {  	_ =	swait.ge [sflag:s23], $0x4000  }
0xb0: {  	[sflag:s23] =	ssyncset.done $0x0  }
0xb1: {  	[sflag:s23] =	ssyncadd.s32 $0xFFFFC000  }
0xb2: {  	[spmem:s2] =	stream.indirect.scatter.add.f32 [tilespmem:s18], [sflag:$0x3], $0x80, s30, s21, $0xb8;
	[tilespmem:$0x1E800] =	vst v63  }
0xb3: {  	_ =	swait.ge [sflag:s19], $0x4000  }
0xb4: {  	[sflag:s19] =	ssyncset.done $0x0  }
0xb5: {  	[sflag:s19] =	ssyncadd.s32 $0xFFFFC000  }
0xb6: {  	_ =	swait.ge [sflag:s25], $0x4000  }
0xb7: {  	[sflag:s25] =	ssyncset.done $0x0  }
0xb8: {  	[sflag:s25] =	ssyncadd.s32 $0xFFFFC000  }
0xb9: {  	[spmem:s2] =	stream.indirect.scatter.add.f32 [tilespmem:s22], [sflag:$0x3], $0x80, s29, s21, $0xb8;
	[tilespmem:$0x1E800] =	vst v63  }
0xba: {  	_ =	swait.ge [sflag:s19], $0x4000  }
0xbb: {  	s0 =	sshll.u32 s3, $0x6;
	s28 =	sadd.s32 $0x1, s28;
	[sflag:s19] =	ssyncset.done $0x0  }
0xbc: {  	s24 =	sshrl.u32 s5, $0x3;
	p1 =	sne.s32 s28, s17;
	[sflag:s19] =	ssyncadd.s32 $0xFFFFC000  }
.Ltmp1:
0xbd: {  	s0 =	sor.u32 $0x1C03, s0;
	[bflag:$0x0] =	sbarrier.arrive $0xFFFF;
	(pc) =	sbr.rel @!p1 .LBB2_12-.Ltmp1, $4  }
0xbe: {  	[hbm:s16], [sflag:s0] =	dma.local [spmem:s24], $0x2800  }
0xbf: {  	_ =	swait.ge [sflag:s19], $0x2800  }
0xc0: {  	[sflag:s19] =	ssyncset.done $0x0  }
0xc1: {  	[sflag:s19] =	ssyncadd.s32 $0xFFFFD800  }
.LBB2_1:
0xc2: {  	s29 =	simm.s32 $0x0;
	s30 =	simm.s32 $0x200  }
.LBB2_2:
0xc3: {  	p1 =	sne.s32 s30, $0xFE00;
	[tilespmem:s29+$0x2870] =	vst v0  }
0xc4: {  	[tilespmem:s29+$0x2800] =	vst v0  }
0xc5: {  	[tilespmem:s29+$0x2810] =	vst v0  }
.Ltmp2:
0xc6: {  	[tilespmem:s29+$0x2820] =	vst v0;
	(pc) =	sbr.rel @p1 .LBB2_2-.Ltmp2, $4  }
0xc7: {  	[tilespmem:s29+$0x2830] =	vst v0  }
0xc8: {  	[tilespmem:s29+$0x2840] =	vst v0  }
0xc9: {  	[tilespmem:s29+$0x2850] =	vst v0  }
0xca: {  	[tilespmem:s29+$0x2860] =	vst v0;
	s29 =	sshra.s32 s30, $0x2;
	s30 =	sadd.s32 $0x200, s30  }
0xcb: {  	[tilespmem:s29+$0x2870] =	vst v0  }
0xcc: {  	[tilespmem:s29+$0x2800] =	vst v0  }
0xcd: {  	[tilespmem:s29+$0x2810] =	vst v0  }
0xce: {  	[tilespmem:s29+$0x2820] =	vst v0  }
0xcf: {  	[tilespmem:s29+$0x2830] =	vst v0  }
0xd0: {  	[tilespmem:s29+$0x2840] =	vst v0  }
0xd1: {  	[tilespmem:s29+$0x2850] =	vst v0  }
0xd2: {  	[tilespmem:s29+$0x2860] =	vst v0  }
0xd3: {  	[spmem:s5] =	stream.linear.scatter [tilespmem:s18], [sflag:$0x3], $0x4000, $0x38;
	[tilespmem:$0x1E800] =	vst v63  }
0xd4: {  	_ =	swait.ge [sflag:s19], $0x4000  }
0xd5: {  	[sflag:s19] =	ssyncset.done $0x0  }
0xd6: {  	[sflag:s19] =	ssyncadd.s32 $0xFFFFC000  }
0xd7: {  	[spmem:s6] =	stream.linear.scatter [tilespmem:s18], [sflag:$0x3], $0x4000, $0x38;
	[tilespmem:$0x1E800] =	vst v63  }
0xd8: {  	_ =	swait.ge [sflag:s19], $0x4000  }
0xd9: {  	[sflag:s19] =	ssyncset.done $0x0  }
0xda: {  	[sflag:s19] =	ssyncadd.s32 $0xFFFFC000  }
0xdb: {  	[spmem:s7] =	stream.linear.scatter [tilespmem:s18], [sflag:$0x3], $0x4000, $0x38;
	[tilespmem:$0x1E800] =	vst v63  }
0xdc: {  	_ =	swait.ge [sflag:s19], $0x4000  }
0xdd: {  	[sflag:s19] =	ssyncset.done $0x0  }
0xde: {  	[sflag:s19] =	ssyncadd.s32 $0xFFFFC000  }
0xdf: {  	[spmem:s8] =	stream.linear.scatter [tilespmem:s18], [sflag:$0x3], $0x4000, $0x38;
	[tilespmem:$0x1E800] =	vst v63  }
0xe0: {  	_ =	swait.ge [sflag:s19], $0x4000  }
0xe1: {  	[sflag:s19] =	ssyncset.done $0x0  }
0xe2: {  	[sflag:s19] =	ssyncadd.s32 $0xFFFFC000  }
0xe3: {  	[spmem:s9] =	stream.linear.scatter [tilespmem:s18], [sflag:$0x3], $0x4000, $0x38;
	[tilespmem:$0x1E800] =	vst v63  }
.Ltmp3:
0xe4: {  	_ =	swait.ge [sflag:s19], $0x4000;
	(pc) =	sbr.rel @p0 .LBB2_10-.Ltmp3, $3  }
0xe5: {  	[sflag:s19] =	ssyncset.done $0x0  }
0xe6: {  	[sflag:s19] =	ssyncadd.s32 $0xFFFFC000  }
0xe7: {  	[bflag:$0x0] =	sbarrier.arrive $0xFFFF;
	_ =	sdelay $0x1  }
0xe8: {  	s29 =	simm.s32 $0x0  }
0xe9: {  	[tilespmem:s29], [sflag:$0x3] =	stream.linear.gather [hbm4b:s10+s29], $0x1400, $0x38;
	[tilespmem:$0x1E800] =	vst v63  }
0xea: {  	_ =	swait.ge [sflag:s19], $0x1400  }
0xeb: {  	[sflag:s19] =	ssyncset.done $0x0  }
0xec: {  	[sflag:s19] =	ssyncadd.s32 $0xFFFFEC00  }
0xed: {  	[tilespmem:s20], [sflag:$0x3] =	stream.linear.gather [hbm4b:s11+s29], $0x1400, $0x38;
	[tilespmem:$0x1E800] =	vst v63  }
0xee: {  	_ =	swait.ge [sflag:s19], $0x1400  }
0xef: {  	[sflag:s19] =	ssyncset.done $0x0  }
0xf0: {  	[sflag:s19] =	ssyncadd.s32 $0xFFFFEC00  }
0xf1: {  	[tilespmem:s18], [sflag:$0x1] =	stream.indirect.gather [hbm4b:s1+s21], $0x80, s29, s21, $0xb8;
	[tilespmem:$0x1E800] =	vst v63  }
0xf2: {  	s29 =	simm.s32 $0x80  }
0xf3: {  	[tilespmem:s22], [sflag:$0x2] =	stream.indirect.gather [hbm4b:s1+s21], $0x80, s29, s21, $0xb8;
	[tilespmem:$0x1E800] =	vst v63  }
0xf4: {  	_ =	swait.ge [sflag:s23], $0x4000  }
0xf5: {  	[sflag:s23] =	ssyncset.done $0x0  }
0xf6: {  	s29 =	simm.s32 $0x1400;
	[sflag:s23] =	ssyncadd.s32 $0xFFFFC000  }
0xf7: {  	[spmem:s2] =	stream.indirect.scatter.add.f32 [tilespmem:s18], [sflag:$0x3], $0x80, s29, s21, $0xb8;
	[tilespmem:$0x1E800] =	vst v63  }
0xf8: {  	_ =	swait.ge [sflag:s19], $0x4000  }
0xf9: {  	[sflag:s19] =	ssyncset.done $0x0  }
0xfa: {  	s29 =	simm.s32 $0x100;
	[sflag:s19] =	ssyncadd.s32 $0xFFFFC000  }
0xfb: {  	[tilespmem:s18], [sflag:$0x1] =	stream.indirect.gather [hbm4b:s1+s21], $0x80, s29, s21, $0xb8;
	[tilespmem:$0x1E800] =	vst v63  }
0xfc: {  	_ =	swait.ge [sflag:s25], $0x4000  }
0xfd: {  	[sflag:s25] =	ssyncset.done $0x0  }
0xfe: {  	s29 =	simm.s32 $0x1480;
	[sflag:s25] =	ssyncadd.s32 $0xFFFFC000  }
0xff: {  	[spmem:s2] =	stream.indirect.scatter.add.f32 [tilespmem:s22], [sflag:$0x3], $0x80, s29, s21, $0xb8;
	[tilespmem:$0x1E800] =	vst v63  }
0x100: {  	_ =	swait.ge [sflag:s19], $0x4000  }
0x101: {  	s30 =	simm.s32 $0x800;
	s29 =	simm.s32 $0x100;
	[sflag:s19] =	ssyncset.done $0x0  }
.LBB2_5:
0x102: {  	s31 =	sadd.s32 $0x80, s29  }
0x103: {  	[sflag:s19] =	ssyncadd.s32 $0xFFFFC000;
	s0 =	smov.u32 s30;
	s24 =	sadd.s32 $0x400, s30  }
0x104: {  	[tilespmem:s22], [sflag:$0x2] =	stream.indirect.gather [hbm4b:s1+s21], $0x80, s31, s21, $0xb8;
	[tilespmem:$0x1E800] =	vst v63  }
0x105: {  	p1 =	sne.s32 s30, $0x4800;
	_ =	swait.ge [sflag:s23], $0x4000  }
0x106: {  	[sflag:s23] =	ssyncset.done $0x0  }
0x107: {  	s30 =	sadd.s32 $0x1400, s29;
	[sflag:s23] =	ssyncadd.s32 $0xFFFFC000  }
0x108: {  	[spmem:s2] =	stream.indirect.scatter.add.f32 [tilespmem:s18], [sflag:$0x3], $0x80, s30, s21, $0xb8;
	[tilespmem:$0x1E800] =	vst v63  }
0x109: {  	_ =	swait.ge [sflag:s19], $0x4000  }
0x10a: {  	[sflag:s19] =	ssyncset.done $0x0  }
0x10b: {  	s30 =	sadd.s32 $0x100, s29;
	[sflag:s19] =	ssyncadd.s32 $0xFFFFC000  }
0x10c: {  	[tilespmem:s18], [sflag:$0x1] =	stream.indirect.gather [hbm4b:s1+s21], $0x80, s30, s21, $0xb8;
	[tilespmem:$0x1E800] =	vst v63  }
0x10d: {  	_ =	swait.ge [sflag:s25], $0x4000  }
.Ltmp4:
0x10e: {  	[sflag:s25] =	ssyncset.done $0x0;
	(pc) =	sbr.rel @p1 .LBB2_5-.Ltmp4, $4  }
0x10f: {  	s29 =	sadd.s32 $0x1480, s29;
	[sflag:s25] =	ssyncadd.s32 $0xFFFFC000  }
0x110: {  	[spmem:s2] =	stream.indirect.scatter.add.f32 [tilespmem:s22], [sflag:$0x3], $0x80, s29, s21, $0xb8;
	[tilespmem:$0x1E800] =	vst v63  }
0x111: {  	_ =	swait.ge [sflag:s19], $0x4000  }
0x112: {  	s30 =	smov.u32 s24;
	s29 =	sshra.s32 s0, $0x2;
	[sflag:s19] =	ssyncset.done $0x0  }
0x113: {  	s0 =	sadd.s32 $0x80, s29;
	[sflag:s19] =	ssyncadd.s32 $0xFFFFC000  }
0x114: {  	[tilespmem:s22], [sflag:$0x2] =	stream.indirect.gather [hbm4b:s1+s21], $0x80, s0, s21, $0xb8;
	[tilespmem:$0x1E800] =	vst v63  }
0x115: {  	_ =	swait.ge [sflag:s23], $0x4000  }
0x116: {  	[sflag:s23] =	ssyncset.done $0x0  }
0x117: {  	s24 =	sadd.s32 $0x1400, s29;
	[sflag:s23] =	ssyncadd.s32 $0xFFFFC000  }
0x118: {  	[spmem:s2] =	stream.indirect.scatter.add.f32 [tilespmem:s18], [sflag:$0x3], $0x80, s24, s21, $0xb8;
	[tilespmem:$0x1E800] =	vst v63  }
0x119: {  	_ =	swait.ge [sflag:s19], $0x4000  }
0x11a: {  	[sflag:s19] =	ssyncset.done $0x0  }
0x11b: {  	s30 =	sadd.s32 $0x100, s29;
	[sflag:s19] =	ssyncadd.s32 $0xFFFFC000  }
0x11c: {  	[tilespmem:s18], [sflag:$0x1] =	stream.indirect.gather [hbm4b:s1+s21], $0x80, s30, s21, $0xb8;
	[tilespmem:$0x1E800] =	vst v63  }
0x11d: {  	_ =	swait.ge [sflag:s25], $0x4000  }
0x11e: {  	[sflag:s25] =	ssyncset.done $0x0  }
0x11f: {  	s31 =	sadd.s32 $0x1480, s29;
	[sflag:s25] =	ssyncadd.s32 $0xFFFFC000  }
0x120: {  	[spmem:s2] =	stream.indirect.scatter.add.f32 [tilespmem:s22], [sflag:$0x3], $0x80, s31, s21, $0xb8;
	[tilespmem:$0x1E800] =	vst v63  }
0x121: {  	_ =	swait.ge [sflag:s19], $0x4000  }
0x122: {  	[sflag:s19] =	ssyncset.done $0x0  }
0x123: {  	s24 =	simm.s32 $0x1380;
	[sflag:s19] =	ssyncadd.s32 $0xFFFFC000  }
0x124: {  	[tilespmem:s22], [sflag:$0x2] =	stream.indirect.gather [hbm4b:s1+s21], $0x80, s24, s21, $0xb8;
	[tilespmem:$0x1E800] =	vst v63  }
0x125: {  	_ =	swait.ge [sflag:s23], $0x4000  }
0x126: {  	[sflag:s23] =	ssyncset.done $0x0  }
0x127: {  	s30 =	simm.s32 $0x2700;
	[sflag:s23] =	ssyncadd.s32 $0xFFFFC000  }
0x128: {  	[spmem:s2] =	stream.indirect.scatter.add.f32 [tilespmem:s18], [sflag:$0x3], $0x80, s30, s21, $0xb8;
	[tilespmem:$0x1E800] =	vst v63  }
0x129: {  	_ =	swait.ge [sflag:s19], $0x4000  }
0x12a: {  	[sflag:s19] =	ssyncset.done $0x0  }
0x12b: {  	[sflag:s19] =	ssyncadd.s32 $0xFFFFC000  }
0x12c: {  	_ =	swait.ge [sflag:s25], $0x4000  }
0x12d: {  	[sflag:s25] =	ssyncset.done $0x0  }
0x12e: {  	[sflag:s25] =	ssyncadd.s32 $0xFFFFC000  }
0x12f: {  	[spmem:s2] =	stream.indirect.scatter.add.f32 [tilespmem:s22], [sflag:$0x3], $0x80, s26, s21, $0xb8;
	[tilespmem:$0x1E800] =	vst v63  }
0x130: {  	_ =	swait.ge [sflag:s19], $0x4000  }
0x131: {  	[sflag:s19] =	ssyncset.done $0x0  }
0x132: {  	s31 =	simm.s32 $0x0;
	[sflag:s19] =	ssyncadd.s32 $0xFFFFC000  }
0x133: {  	[tilespmem:s31], [sflag:$0x3] =	stream.linear.gather [hbm4b:s12+s31], $0x1400, $0x38;
	[tilespmem:$0x1E800] =	vst v63  }
0x134: {  	_ =	swait.ge [sflag:s19], $0x1400  }
0x135: {  	[sflag:s19] =	ssyncset.done $0x0  }
0x136: {  	p2 =	por $0x0, $0x0;
	[sflag:s19] =	ssyncadd.s32 $0xFFFFEC00  }
0x137: {  	[tilespmem:s20], [sflag:$0x3] =	stream.linear.gather [hbm4b:s13+s31], $0x1400, $0x38;
	[tilespmem:$0x1E800] =	vst v63  }
.Ltmp5:
0x138: {  	_ = 	snop;
	(pc) =	sbr.rel @p2 .LBB2_9-.Ltmp5, $4  }
0x139: {  	_ =	swait.ge [sflag:s19], $0x1400  }
0x13a: {  	[sflag:s19] =	ssyncset.done $0x0  }
0x13b: {  	s29 =	simm.s32 $0x0;
	p1 =	por $0x0, $0x0;
	[sflag:s19] =	ssyncadd.s32 $0xFFFFEC00  }
0x13c: {  	[tilespmem:s18], [sflag:$0x1] =	stream.indirect.gather [hbm4b:s1+s21], $0x80, s31, s21, $0xb8;
	[tilespmem:$0x1E800] =	vst v63  }
0x13d: {  	s0 =	simm.s32 $0x80  }
0x13e: {  	[tilespmem:s22], [sflag:$0x2] =	stream.indirect.gather [hbm4b:s1+s21], $0x80, s0, s21, $0xb8;
	[tilespmem:$0x1E800] =	vst v63  }
0x13f: {  	_ =	swait.ge [sflag:s23], $0x4000  }
0x140: {  	[sflag:s23] =	ssyncset.done $0x0  }
0x141: {  	s31 =	simm.s32 $0x1400;
	[sflag:s23] =	ssyncadd.s32 $0xFFFFC000  }
0x142: {  	[spmem:s2] =	stream.indirect.scatter.add.f32 [tilespmem:s18], [sflag:$0x3], $0x80, s31, s21, $0xb8;
	[tilespmem:$0x1E800] =	vst v63  }
0x143: {  	_ =	swait.ge [sflag:s19], $0x4000  }
0x144: {  	[sflag:s19] =	ssyncset.done $0x0  }
0x145: {  	s24 =	simm.s32 $0x100;
	[sflag:s19] =	ssyncadd.s32 $0xFFFFC000  }
0x146: {  	[tilespmem:s18], [sflag:$0x1] =	stream.indirect.gather [hbm4b:s1+s21], $0x80, s24, s21, $0xb8;
	[tilespmem:$0x1E800] =	vst v63  }
0x147: {  	p2 =	por $0x0, $0x0;
	_ =	swait.ge [sflag:s25], $0x4000  }
.Ltmp6:
0x148: {  	[sflag:s25] =	ssyncset.done $0x0;
	(pc) =	sbr.rel @p2 .LBB2_9-.Ltmp6, $4  }
0x149: {  	s31 =	simm.s32 $0x1480;
	[sflag:s25] =	ssyncadd.s32 $0xFFFFC000  }
0x14a: {  	[spmem:s2] =	stream.indirect.scatter.add.f32 [tilespmem:s22], [sflag:$0x3], $0x80, s31, s21, $0xb8;
	[tilespmem:$0x1E800] =	vst v63  }
0x14b: {  	s30 =	simm.s32 $0x800;
	_ =	swait.ge [sflag:s19], $0x4000  }
0x14c: {  	s29 =	simm.s32 $0x100;
	p1 =	por $0x1, $0x1;
	[sflag:s19] =	ssyncset.done $0x0  }
.LBB2_8:
0x14d: {  	s0 =	sadd.s32 $0x80, s29  }
0x14e: {  	[sflag:s19] =	ssyncadd.s32 $0xFFFFC000;
	s24 =	smov.u32 s30;
	s31 =	sadd.s32 $0x400, s30  }
0x14f: {  	[tilespmem:s22], [sflag:$0x2] =	stream.indirect.gather [hbm4b:s1+s21], $0x80, s0, s21, $0xb8;
	[tilespmem:$0x1E800] =	vst v63  }
0x150: {  	p2 =	seq.s32 s30, $0x4800;
	_ =	swait.ge [sflag:s23], $0x4000  }
0x151: {  	[sflag:s23] =	ssyncset.done $0x0  }
0x152: {  	s0 =	sadd.s32 $0x1400, s29;
	[sflag:s23] =	ssyncadd.s32 $0xFFFFC000  }
0x153: {  	[spmem:s2] =	stream.indirect.scatter.add.f32 [tilespmem:s18], [sflag:$0x3], $0x80, s0, s21, $0xb8;
	[tilespmem:$0x1E800] =	vst v63  }
0x154: {  	_ =	swait.ge [sflag:s19], $0x4000  }
0x155: {  	[sflag:s19] =	ssyncset.done $0x0  }
0x156: {  	s0 =	sadd.s32 $0x100, s29;
	[sflag:s19] =	ssyncadd.s32 $0xFFFFC000  }
0x157: {  	[tilespmem:s18], [sflag:$0x1] =	stream.indirect.gather [hbm4b:s1+s21], $0x80, s0, s21, $0xb8;
	[tilespmem:$0x1E800] =	vst v63  }
0x158: {  	_ =	swait.ge [sflag:s25], $0x4000  }
.Ltmp7:
0x159: {  	[sflag:s25] =	ssyncset.done $0x0;
	(pc) =	sbr.rel @!p2 .LBB2_8-.Ltmp7, $4  }
0x15a: {  	s0 =	sadd.s32 $0x1480, s29;
	[sflag:s25] =	ssyncadd.s32 $0xFFFFC000  }
0x15b: {  	[spmem:s2] =	stream.indirect.scatter.add.f32 [tilespmem:s22], [sflag:$0x3], $0x80, s0, s21, $0xb8;
	[tilespmem:$0x1E800] =	vst v63  }
0x15c: {  	_ =	swait.ge [sflag:s19], $0x4000  }
0x15d: {  	s30 =	smov.u32 s31;
	s29 =	sshra.s32 s24, $0x2;
	[sflag:s19] =	ssyncset.done $0x0  }
.LBB2_9:
0x15e: {  	s0 =	sadd.s32 $0x80, s29;
	[sflag:s19] =	ssyncadd.s32 @p1 $0xFFFFC000  }
0x15f: {  	[tilespmem:s22], [sflag:$0x2] =	stream.indirect.gather [hbm4b:s1+s21], $0x80, s0, s21, $0xb8;
	[tilespmem:$0x1E800] =	vst v63  }
0x160: {  	_ =	swait.ge [sflag:s23], $0x4000  }
0x161: {  	[sflag:s23] =	ssyncset.done $0x0  }
0x162: {  	s24 =	sadd.s32 $0x1400, s29;
	[sflag:s23] =	ssyncadd.s32 $0xFFFFC000  }
0x163: {  	[spmem:s2] =	stream.indirect.scatter.add.f32 [tilespmem:s18], [sflag:$0x3], $0x80, s24, s21, $0xb8;
	[tilespmem:$0x1E800] =	vst v63  }
0x164: {  	_ =	swait.ge [sflag:s19], $0x4000  }
0x165: {  	[sflag:s19] =	ssyncset.done $0x0  }
0x166: {  	s24 =	sadd.s32 $0x100, s29;
	[sflag:s19] =	ssyncadd.s32 $0xFFFFC000  }
0x167: {  	[tilespmem:s18], [sflag:$0x1] =	stream.indirect.gather [hbm4b:s1+s21], $0x80, s24, s21, $0xb8;
	[tilespmem:$0x1E800] =	vst v63  }
0x168: {  	_ =	swait.ge [sflag:s25], $0x4000  }
0x169: {  	[sflag:s25] =	ssyncset.done $0x0  }
.Ltmp8:
0x16a: {  	s24 =	sadd.s32 $0x1480, s29;
	[sflag:s25] =	ssyncadd.s32 $0xFFFFC000;
	(pc) =	sbr.rel .LBB2_11-.Ltmp8, $4  }
0x16b: {  	[spmem:s2] =	stream.indirect.scatter.add.f32 [tilespmem:s22], [sflag:$0x3], $0x80, s24, s21, $0xb8;
	[tilespmem:$0x1E800] =	vst v63  }
0x16c: {  	_ =	swait.ge [sflag:s19], $0x4000  }
0x16d: {  	s30 =	simm.s32 $0x2700;
	[sflag:s19] =	ssyncset.done $0x0  }
0x16e: {  	s31 =	simm.s32 $0x1380;
	s29 =	simm.s32 $0x2780;
	[sflag:s19] =	ssyncadd.s32 $0xFFFFC000  }
.LBB2_12:
0x16f: {  	_ =	sfence.sel $0x180000  }
0x170: {  	[bflag:$0x0] =	sbarrier.arrive $0xFFFF  }
0x171: {  	_ =	strace $0x9000004A  }
0x172: {  	[bflag:$0x2] =	sbarrier.arrive $0xFFFF  }
0x173: {  	p0 =	sne.s32 s3, $0x0;
	s0 =	rddreg [dreg:$0x3]  }
0x174: {  	s0 =	sadd.s32 @!p0 $0x100000, s0  }
0x175: {  	[sflag:s0] =	ssyncadd.tile.s32 @!p0 $0x1;
	_ =	shalt  }
.Lfunc_end2:
_tile_overlayer_lowered:
.L_overlay_start_2:
0x176: {  	(tag) =	ssettag $0x2  }
0x177: {  	s0 =	rddreg [dreg:$0x0];
	s2 =	stileid.u32  }
0x178: {  	s1 =	rddreg [dreg:$0x1];
	p0 =	sne.s32 s2, $0x0  }
0x179: {  	s3 =	rddreg [dreg:$0x2];
	[bflag:$0x3] =	sbarrier.arrive $0xFFFF;
	s2 =	simm.s32 @!p0 $0x1C03  }
0x17a: {  	[timem:s3], [sflag:s2] =	dma.local @!p0 [hbm:s0], s1  }
0x17b: {  	s0 =	simm.s32 @!p0 $0x3  }
0x17c: {  	_ =	swait.ge @!p0 [sflag:s0], s1  }
0x17d: {  	s1 =	ssub.s32 @!p0 $0x0, s1;
	[sflag:s0] =	ssyncset.done @!p0 $0x0  }
0x17e: {  	[sflag:s0] =	ssyncadd.s32 @!p0 s1  }
0x17f: {  	[bflag:$0x3] =	sbarrier.arrive $0xFFFF  }
0x180: {  	_ =	shalt  }

// kernel: kernel.15.cloned.1.call-start
scs
__scs_entry_jumppad:
0x0: {  	(pc) =	sbr.rel $0x88, $3  }
0x1: {  	(tag) =	ssettag $0x0;
	lr =	simm.s32 $0x1  }
0x2: {  	[smem:$0x3F9B] =	sst lr;
	_ =	strace $0xD0000000  }
0x3: {  	_ = 	snop  }
0x4: {  	_ = 	snop  }
0x5: {  	_ = 	snop  }
0x6: {  	_ = 	snop  }
0x7: {  	_ = 	snop  }
__scs_overlays_trampoline_lowered:
0x8: {  	[smem:$0x3FAA] =	sst s0  }
0x9: {  	[smem:$0x3FAB] =	sst s1  }
0xa: {  	[smem:$0x3FAC] =	sst s2  }
0xb: {  	[smem:$0x3FAD] =	sst s3  }
0xc: {  	[smem:$0x3FAE] =	sst s4  }
0xd: {  	[smem:$0x3FAF] =	sst s5  }
0xe: {  	[smem:$0x3FB0] =	sst s6  }
0xf: {  	[smem:$0x3FB1] =	sst s7  }
0x10: {  	[smem:$0x3FB2] =	sst s8  }
0x11: {  	[smem:$0x3FB3] =	sst s9;
	s0 =	simm.s32 @!p0 $0x0  }
0x12: {  	s1 =	sld [smem:$0x3F99];
	s0 =	simm.s32 @p0 $0x1  }
0x13: {  	[smem:$0x3FB4] =	sst s0;
	s0 =	simm.s32 @!p1 $0x0  }
0x14: {  	s2 =	sld [smem:$0x3F98];
	s0 =	simm.s32 @p1 $0x1  }
0x15: {  	[smem:$0x3FB5] =	sst s0;
	s0 =	simm.s32 @!p2 $0x0  }
0x16: {  	s3 =	sld [smem:$0x3FDB];
	s0 =	simm.s32 @p2 $0x1  }
0x17: {  	s4 =	simm.s32 $0x1BF5;
	[smem:$0x3FB7] =	sst s0  }
0x18: {  	s0 =	sld [smem:$0x3F9A];
	_ =	swait.ge [sflag:s4], $0x0  }
0x19: {  	s7 =	sld [smem:$0x3F9B]  }
0x1a: {  	s8 =	sadd.s32 $0xFFFFE003, lr  }
0x1b: {  	s9 =	sadd.s32 $0xFFFFFEF7, lr;
	s5 =	simm.s32 $0xFFFFFFFF;
	p2 =	slt.u32 s8, $0xFFFFF086  }
0x1c: {  	p1 =	slt.u32 s9, $0xF7A;
	s5 =	simm.s32 @!p2 $0x0  }
0x1d: {  	s5 =	simm.s32 @p1 $0x1;
	p0 =	seq.s32 s7, s2  }
0x1e: {  	s7 =	smul.u32 @!p0 $0xF7A, s2;
	p2 =	seq.s32 @!p0 s5, $0x0  }
0x1f: {  	s9 =	smul.u32 $0xF7A, s1;
	s8 =	simm.s32 @!p0 $0x1BF5;
	p2 =	por !p2, p0  }
0x20: {  	[sflag:s8] =	ssyncset.s32 @!p0 $0xFFFFF086;
	s6 =	sadd.s32 @!p0 s3, s7;
	s7 =	simm.s32 @!p0 $0x108  }
0x21: {  	s3 =	sadd.s32 s3, s9;
	s6 =	sadd.s32 @!p0 $0x88, s6;
	s7 =	simm.s32 @p2 $0x1082  }
0x22: {  	[simem:s7], [sflag:s8] =	dma.local @!p0 [hbm:s6], $0xF7A  }
0x23: {  	s9 =	sor.u32 $0xD0000000, s2;
	s6 =	simm.s32 $0x108;
	_ =	swait.ge @!p0 [sflag:s8], $0x0  }
0x24: {  	s3 =	sadd.s32 $0x88, s3;
	s6 =	simm.s32 @!p1 $0x1082;
	[sflag:s4] =	ssyncset.s32 $0xFFFFF086  }
0x25: {  	[simem:s6], [sflag:s4] =	dma.local [hbm:s3], $0xF7A  }
0x26: {  	[smem:$0x3F9B] =	sst s1;
	(tag) =	ssettag s2;
	_ =	strace s9  }
0x27: {  	s1 =	sld [smem:$0x3FAB]  }
0x28: {  	s2 =	sld [smem:$0x3FAC]  }
0x29: {  	s4 =	sld [smem:$0x3FAE]  }
0x2a: {  	p0 =	seq.s32 s5, $0x0;
	s5 =	sld [smem:$0x3FAF]  }
0x2b: {  	s6 =	sld [smem:$0x3FB0]  }
0x2c: {  	s7 =	sld [smem:$0x3FB1]  }
0x2d: {  	s3 =	simm.s32 $0x108;
	s8 =	sld [smem:$0x3FB2]  }
0x2e: {  	s3 =	simm.s32 @!p0 $0x1082;
	s9 =	sld [smem:$0x3FB3]  }
0x2f: {  	lr =	sadd.s32 s0, s3;
	s0 =	sld [smem:$0x3FAA]  }
0x30: {  	s3 =	sld [smem:$0x3FAD]  }
0x31: {  	[smem:$0x3FB6] =	sst s10  }
0x32: {  	s10 =	sld [smem:$0x3FB4];
	_ =	sdelay $0x3  }
0x33: {  	p0 =	seq.s32 s10, $0x1;
	s10 =	sld [smem:$0x3FB6];
	_ =	sdelay $0x3  }
0x34: {  	[smem:$0x3FB6] =	sst s10  }
0x35: {  	s10 =	sld [smem:$0x3FB5];
	_ =	sdelay $0x3  }
0x36: {  	p1 =	seq.s32 s10, $0x1;
	s10 =	sld [smem:$0x3FB6];
	_ =	sdelay $0x3  }
0x37: {  	[smem:$0x3FB6] =	sst s10  }
0x38: {  	s10 =	sld [smem:$0x3FB7]  }
0x39: {  	_ = 	snop;
	(pc) =	sbr.ind lr, $3  }
0x3a: {  	_ = 	snop  }
0x3b: {  	_ = 	snop  }
0x3c: {  	p2 =	seq.s32 s10, $0x1;
	s10 =	sld [smem:$0x3FB6]  }
0x3d: {  	_ =	shalt  }
0x3e: {  	_ =	shalt  }
0x3f: {  	_ =	shalt  }
0x40: {  	_ =	shalt  }
0x41: {  	_ =	shalt  }
0x42: {  	_ =	shalt  }
0x43: {  	_ =	shalt  }
0x44: {  	_ =	shalt  }
0x45: {  	_ =	shalt  }
0x46: {  	_ =	shalt  }
0x47: {  	_ =	shalt  }
0x48: {  	_ =	shalt  }
0x49: {  	_ =	shalt  }
0x4a: {  	_ =	shalt  }
0x4b: {  	_ =	shalt  }
0x4c: {  	_ =	shalt  }
0x4d: {  	_ =	shalt  }
0x4e: {  	_ =	shalt  }
0x4f: {  	_ =	shalt  }
0x50: {  	_ =	shalt  }
0x51: {  	_ =	shalt  }
0x52: {  	_ =	shalt  }
0x53: {  	_ =	shalt  }
0x54: {  	_ =	shalt  }
0x55: {  	_ =	shalt  }
0x56: {  	_ =	shalt  }
0x57: {  	_ =	shalt  }
0x58: {  	_ =	shalt  }
0x59: {  	_ =	shalt  }
0x5a: {  	_ =	shalt  }
0x5b: {  	_ =	shalt  }
0x5c: {  	_ =	shalt  }
0x5d: {  	_ =	shalt  }
0x5e: {  	_ =	shalt  }
0x5f: {  	_ =	shalt  }
0x60: {  	_ =	shalt  }
0x61: {  	_ =	shalt  }
0x62: {  	_ =	shalt  }
0x63: {  	_ =	shalt  }
0x64: {  	_ =	shalt  }
0x65: {  	_ =	shalt  }
0x66: {  	_ =	shalt  }
0x67: {  	_ =	shalt  }
0x68: {  	_ =	shalt  }
0x69: {  	_ =	shalt  }
0x6a: {  	_ =	shalt  }
0x6b: {  	_ =	shalt  }
0x6c: {  	_ =	shalt  }
0x6d: {  	_ =	shalt  }
0x6e: {  	_ =	shalt  }
0x6f: {  	_ =	shalt  }
0x70: {  	_ =	shalt  }
0x71: {  	_ =	shalt  }
0x72: {  	_ =	shalt  }
0x73: {  	_ =	shalt  }
0x74: {  	_ =	shalt  }
0x75: {  	_ =	shalt  }
0x76: {  	_ =	shalt  }
0x77: {  	_ =	shalt  }
0x78: {  	_ =	shalt  }
0x79: {  	_ =	shalt  }
0x7a: {  	_ =	shalt  }
0x7b: {  	_ =	shalt  }
0x7c: {  	_ =	shalt  }
0x7d: {  	_ =	shalt  }
0x7e: {  	_ =	shalt  }
0x7f: {  	_ =	shalt  }
0x80: {  	_ =	shalt  }
0x81: {  	_ =	shalt  }
0x82: {  	_ =	shalt  }
0x83: {  	_ =	shalt  }
0x84: {  	_ =	shalt  }
0x85: {  	_ =	shalt  }
0x86: {  	_ =	shalt  }
0x87: {  	_ =	shalt  }
.Lfunc_end0:
.L_simem_size_0:
called_computation.2_lowered:
.L_overlay_start_0:
0x88: {  	s2 =	sld [smem:$0x3FD9]  }
0x89: {  	s3 =	sld [smem:$0x3FFE];
	_ =	sdelay $0x1  }
0x8a: {  	s1 =	srdreg.scid  }
0x8b: {  	s0 =	sand.u32 $0x1, s1  }
0x8c: {  	s17 =	sshll.u32 s0, $0xA;
	s2 =	sadd.s32 s3, s2  }
0x8d: {  	s2 =	sadd.s32 s2, s17  }
0x8e: {  	[smem:$0x3FC2] =	sst s2  }
0x8f: {  	_ = 	snop  }
0x90: {  	s2 =	sld [smem:$0x3FD0];
	(tm) =	ssettm $0x1  }
0x91: {  	s18 =	sld [smem:$0x3FFB];
	_ =	sdelay $0x3  }
0x92: {  	_ =	strace s18  }
0x93: {  	s3 =	sld [smem:$0x3FFC];
	_ =	sdelay $0x3  }
0x94: {  	_ =	strace s3  }
0x95: {  	s3 =	sld [smem:$0x3FFD];
	_ =	sdelay $0x3  }
0x96: {  	_ =	strace s3  }
0x97: {  	_ =	strace $0x8FFFFFFF  }
0x98: {  	s19 =	sld [smem:$0x3FDB];
	_ =	sdelay $0x1  }
0x99: {  	s4 =	simm.s32 $_scs_section_size  }
0x9a: {  	s5 =	simm.s32 $_size__tile_overlayer_lowered;
	s6 =	simm.s32 $_tile_overlayer_lowered  }
0x9b: {  	s22 =	simm.s32 $0x1BFF;
	s21 =	sshll.u32 s6, $0x1;
	s3 =	sadd.s32 s4, s19  }
0x9c: {  	s7 =	simm.s32 $0x0;
	s20 =	sshll.u32 s5, $0x1;
	s5 =	sadd.s32 s21, s3  }
0x9d: {  	[timem:s7], [sflag:s22] =	dma.local [hbm:s5], s20  }
0x9e: {  	_ =	swait.ge [sflag:s22], s20  }
0x9f: {  	s4 =	ssub.s32 $0x0, s20;
	[sflag:s22] =	ssyncset.done $0x0  }
0xa0: {  	[sflag:s22] =	ssyncadd.s32 s4;
	_ =	sdelay $0x1  }
0xa1: {  	s23 =	simm.s32 $0x1B8B  }
0xa2: {  	_ =	swait.ge [sflag:s23], $0x1  }
0xa3: {  	[sflag:s23] =	ssyncset.done $0x0  }
0xa4: {  	s25 =	simm.s32 $0x1B8E;
	s24 =	sld [smem:$0x3FFE];
	[sflag:s23] =	ssyncadd.s32 $0xFFFFFFFF  }
0xa5: {  	s26 =	simm.s32 $execute0_lowered;
	[smem:$0x3FD2] =	sst s25  }
0xa6: {  	s5 =	sshll.u32 s26, $0x1;
	_ =	strace $0x8000004C;
	[dreg:$0x1] =	wrdreg $0xFFFFFFFF  }
0xa7: {  	s28 =	simm.s32 $_size_execute0_lowered;
	s3 =	sadd.s32 s3, s5;
	[dreg:$0x0] =	wrdreg $0x0  }
0xa8: {  	s5 =	sshll.u32 s28, $0x1;
	[dreg:$0x2] =	wrdreg s3  }
0xa9: {  	[dreg:$0x3] =	wrdreg s5  }
0xaa: {  	[dreg:$0x4] =	wrdreg $0xC0  }
0xab: {  	_ =	task [dreg:s7], $0x5FFFF  }
0xac: {  	[dreg:$0x1] =	wrdreg $0xFFFFFFFF  }
0xad: {  	[dreg:$0x0] =	wrdreg $0x60  }
0xae: {  	[dreg:$0x2] =	wrdreg s2  }
0xaf: {  	[dreg:$0x3] =	wrdreg s24  }
0xb0: {  	[dreg:$0x4] =	wrdreg $0xA8000  }
0xb1: {  	[dreg:$0x5] =	wrdreg $0x9  }
0xb2: {  	_ =	task.clear_ibuf [dreg:s7], $0x6FFFF;
	_ =	strace $0x9000004C  }
0xb3: {  	s29 =	simm.s32 $0x9;
	_ =	strace $0x8000004E  }
0xb4: {  	_ =	swait.ge [sflag:s29], $0x1  }
0xb5: {  	[sflag:s29] =	ssyncadd.s32 $0xFFFFFFFF  }
0xb6: {  	_ =	strace $0x9000004E  }
0xb7: {  	_ =	sfence  }
0xb8: {  	s30 =	sld [smem:$0x0];
	_ =	sdelay $0x2  }
0xb9: {  	s31 =	sshll.u32 s1, $0xD;
	s1 =	sshrl.u32 s1, $0x2  }
0xba: {  	s3 =	sand.u32 $0x4000, s31;
	s1 =	sadd.s32 s1, s30  }
0xbb: {  	s0 =	sor.u32 s3, s0;
	s1 =	sshll.u32 s1, $0x11  }
0xbc: {  	s0 =	sor.u32 s1, s0  }
0xbd: {  	s0 =	sadd.s32 $0x8F2B, s0  }
0xbe: {  	[sflag:s0] =	ssyncadd.remote.s32 $0x1  }
0xbf: {  	_ =	sfence.sel $0xFFFF  }
0xc0: {  	[dreg:$0x0] =	wrdreg $0xFFFFFFFF;
	(pc) =	sbr.abs _section_cstart, $3  }
0xc1: {  	[dreg:$0x1] =	wrdreg $0xFFFFFFFF  }
0xc2: {  	_ =	task.clear_ibuf [dreg:s7], $0x2FFFF;
	_ =	strace $0x9FFFFFFF  }
0xc3: {  	(tm) =	ssettm $0x7FFFFFFF  }
tec
execute0_lowered:
.L_overlay_start_1:
0x0: {  	(tag) =	ssettag $0x1  }
0x1: {  	s1 =	rddreg [dreg:$0x0]  }
0x2: {  	s0 =	rddreg [dreg:$0x1]  }
0x3: {  	s2 =	rddreg [dreg:$0x2]  }
0x4: {  	s3 =	srdreg.scid;
	s4 =	simm.s32 $0x0;
	s19 =	simm.s32 $0x3  }
0x5: {  	s20 =	simm.s32 $0x1400;
	s21 =	simm.s32 $0x80;
	s22 =	simm.s32 $0x6800  }
0x6: {  	s23 =	simm.s32 $0x1;
	s25 =	simm.s32 $0x2;
	s26 =	simm.s32 $0x2780  }
0x7: {  	s28 =	simm.s32 $0x0;
	s5 =	sand.u32 $0x1, s3;
	s3 =	stileid.u32  }
0x8: {  	[smem:$0x7FF] =	sst s4;
	s12 =	sadd.s32 $0x2C00, s0;
	s6 =	smul.u32 $0x140000, s5  }
0x9: {  	s13 =	sadd.s32 $0xCA00, s0;
	s15 =	sadd.s32 $0x16500, s0;
	s7 =	smul.u32 $0x14000, s3  }
0xa: {  	s29 =	smul.u32 $0x50000, s3;
	s8 =	sshll.u32 s5, $0x4;
	s9 =	ssub.s32 $0x2, s5  }
0xb: {  	_ =	strace $0x8000004D;
	s18 =	sor.u32 s3, s8;
	s31 =	sshrl.u32 s9, $0x1  }
0xc: {  	s6 =	sadd.s32 s7, s6;
	s30 =	sshrl.u32 s29, $0x2;
	s8 =	smul.u32 $0x2800, s18  }
0xd: {  	s17 =	ssub.s32 s9, s31;
	s11 =	smul.u32 $0x500, s18;
	p0 =	seq.s32 s18, $0x1F  }
0xe: {  	s18 =	simm.s32 $0x2800;
	s6 =	sshrl.u32 s6, $0x3;
	s5 =	sadd.s32 s30, s2  }
.Ltmp0:
0xf: {  	s17 =	smax.u32 s17, $0x1;
	s16 =	sadd.s32 s6, s0;
	(pc) =	sbr.rel .LBB2_1-.Ltmp0, $4  }
0x10: {  	s6 =	sadd.s32 $0x4000, s5;
	s7 =	sadd.s32 $0x8000, s5;
	s10 =	sshrl.u32 s8, $0x3  }
0x11: {  	s8 =	sadd.s32 $0xC000, s5;
	s9 =	sadd.s32 $0x10000, s5;
	s14 =	sadd.s32 $0x280, s10  }
0x12: {  	s10 =	sadd.s32 s12, s11;
	s11 =	sadd.s32 s13, s11;
	s16 =	sadd.s32 $0x16800, s16  }
0x13: {  	v0 =	vimm.f32 $0.0e+00;
	s12 =	sadd.s32 s12, s14;
	s13 =	sadd.s32 s13, s14;
	s14 =	sadd.s32 $0xC700, s0  }
.LBB2_10:
0x14: {  	[tilespmem:s4], [sflag:$0x3] =	stream.linear.gather [hbm4b:s14+s4], $0xA00, $0x38;
	[tilespmem:$0x1E800] =	vst v63  }
0x15: {  	_ =	swait.ge [sflag:s19], $0xA00  }
0x16: {  	[sflag:s19] =	ssyncset.done $0x0  }
0x17: {  	[sflag:s19] =	ssyncadd.s32 $0xFFFFF600  }
0x18: {  	[tilespmem:s20], [sflag:$0x3] =	stream.linear.gather [hbm4b:s15+s4], $0xA00, $0x38;
	[tilespmem:$0x1E800] =	vst v63  }
0x19: {  	_ =	swait.ge [sflag:s19], $0xA00  }
0x1a: {  	[sflag:s19] =	ssyncset.done $0x0  }
0x1b: {  	[sflag:s19] =	ssyncadd.s32 $0xFFFFF600  }
0x1c: {  	[tilespmem:s18], [sflag:$0x1] =	stream.indirect.gather [hbm4b:s1+s21], $0x80, s4, s21, $0xb8;
	[tilespmem:$0x1E800] =	vst v63  }
0x1d: {  	_ = 	snop  }
0x1e: {  	[tilespmem:s22], [sflag:$0x2] =	stream.indirect.gather [hbm4b:s1+s21], $0x80, s21, s21, $0xb8;
	[tilespmem:$0x1E800] =	vst v63  }
0x1f: {  	_ =	swait.ge [sflag:s23], $0x4000  }
0x20: {  	[sflag:s23] =	ssyncset.done $0x0  }
0x21: {  	[sflag:s23] =	ssyncadd.s32 $0xFFFFC000  }
0x22: {  	[spmem:s2] =	stream.indirect.scatter.add.f32 [tilespmem:s18], [sflag:$0x3], $0x80, s20, s21, $0xb8;
	[tilespmem:$0x1E800] =	vst v63  }
0x23: {  	_ =	swait.ge [sflag:s19], $0x4000  }
0x24: {  	[sflag:s19] =	ssyncset.done $0x0  }
0x25: {  	s0 =	simm.s32 $0x100;
	[sflag:s19] =	ssyncadd.s32 $0xFFFFC000  }
0x26: {  	[tilespmem:s18], [sflag:$0x1] =	stream.indirect.gather [hbm4b:s1+s21], $0x80, s0, s21, $0xb8;
	[tilespmem:$0x1E800] =	vst v63  }
0x27: {  	_ =	swait.ge [sflag:s25], $0x4000  }
0x28: {  	[sflag:s25] =	ssyncset.done $0x0  }
0x29: {  	s24 =	simm.s32 $0x1480;
	[sflag:s25] =	ssyncadd.s32 $0xFFFFC000  }
0x2a: {  	[spmem:s2] =	stream.indirect.scatter.add.f32 [tilespmem:s22], [sflag:$0x3], $0x80, s24, s21, $0xb8;
	[tilespmem:$0x1E800] =	vst v63  }
0x2b: {  	_ =	swait.ge [sflag:s19], $0x4000  }
0x2c: {  	[sflag:s19] =	ssyncset.done $0x0  }
0x2d: {  	s24 =	simm.s32 $0x180;
	[sflag:s19] =	ssyncadd.s32 $0xFFFFC000  }
0x2e: {  	[tilespmem:s22], [sflag:$0x2] =	stream.indirect.gather [hbm4b:s1+s21], $0x80, s24, s21, $0xb8;
	[tilespmem:$0x1E800] =	vst v63  }
0x2f: {  	_ =	swait.ge [sflag:s23], $0x4000  }
0x30: {  	[sflag:s23] =	ssyncset.done $0x0  }
0x31: {  	s24 =	simm.s32 $0x1500;
	[sflag:s23] =	ssyncadd.s32 $0xFFFFC000  }
0x32: {  	[spmem:s2] =	stream.indirect.scatter.add.f32 [tilespmem:s18], [sflag:$0x3], $0x80, s24, s21, $0xb8;
	[tilespmem:$0x1E800] =	vst v63  }
0x33: {  	_ =	swait.ge [sflag:s19], $0x4000  }
0x34: {  	[sflag:s19] =	ssyncset.done $0x0  }
0x35: {  	s24 =	simm.s32 $0x200;
	[sflag:s19] =	ssyncadd.s32 $0xFFFFC000  }
0x36: {  	[tilespmem:s18], [sflag:$0x1] =	stream.indirect.gather [hbm4b:s1+s21], $0x80, s24, s21, $0xb8;
	[tilespmem:$0x1E800] =	vst v63  }
0x37: {  	_ =	swait.ge [sflag:s25], $0x4000  }
0x38: {  	[sflag:s25] =	ssyncset.done $0x0  }
0x39: {  	s24 =	simm.s32 $0x1580;
	[sflag:s25] =	ssyncadd.s32 $0xFFFFC000  }
0x3a: {  	[spmem:s2] =	stream.indirect.scatter.add.f32 [tilespmem:s22], [sflag:$0x3], $0x80, s24, s21, $0xb8;
	[tilespmem:$0x1E800] =	vst v63  }
0x3b: {  	_ =	swait.ge [sflag:s19], $0x4000  }
0x3c: {  	[sflag:s19] =	ssyncset.done $0x0  }
0x3d: {  	s24 =	simm.s32 $0x280;
	[sflag:s19] =	ssyncadd.s32 $0xFFFFC000  }
0x3e: {  	[tilespmem:s22], [sflag:$0x2] =	stream.indirect.gather [hbm4b:s1+s21], $0x80, s24, s21, $0xb8;
	[tilespmem:$0x1E800] =	vst v63  }
0x3f: {  	_ =	swait.ge [sflag:s23], $0x4000  }
0x40: {  	[sflag:s23] =	ssyncset.done $0x0  }
0x41: {  	s24 =	simm.s32 $0x1600;
	[sflag:s23] =	ssyncadd.s32 $0xFFFFC000  }
0x42: {  	[spmem:s2] =	stream.indirect.scatter.add.f32 [tilespmem:s18], [sflag:$0x3], $0x80, s24, s21, $0xb8;
	[tilespmem:$0x1E800] =	vst v63  }
0x43: {  	_ =	swait.ge [sflag:s19], $0x4000  }
0x44: {  	[sflag:s19] =	ssyncset.done $0x0  }
0x45: {  	s24 =	simm.s32 $0x300;
	[sflag:s19] =	ssyncadd.s32 $0xFFFFC000  }
0x46: {  	[tilespmem:s18], [sflag:$0x1] =	stream.indirect.gather [hbm4b:s1+s21], $0x80, s24, s21, $0xb8;
	[tilespmem:$0x1E800] =	vst v63  }
0x47: {  	_ =	swait.ge [sflag:s25], $0x4000  }
0x48: {  	[sflag:s25] =	ssyncset.done $0x0  }
0x49: {  	s24 =	simm.s32 $0x1680;
	[sflag:s25] =	ssyncadd.s32 $0xFFFFC000  }
0x4a: {  	[spmem:s2] =	stream.indirect.scatter.add.f32 [tilespmem:s22], [sflag:$0x3], $0x80, s24, s21, $0xb8;
	[tilespmem:$0x1E800] =	vst v63  }
0x4b: {  	_ =	swait.ge [sflag:s19], $0x4000  }
0x4c: {  	[sflag:s19] =	ssyncset.done $0x0  }
0x4d: {  	s24 =	simm.s32 $0x380;
	[sflag:s19] =	ssyncadd.s32 $0xFFFFC000  }
0x4e: {  	[tilespmem:s22], [sflag:$0x2] =	stream.indirect.gather [hbm4b:s1+s21], $0x80, s24, s21, $0xb8;
	[tilespmem:$0x1E800] =	vst v63  }
0x4f: {  	_ =	swait.ge [sflag:s23], $0x4000  }
0x50: {  	[sflag:s23] =	ssyncset.done $0x0  }
0x51: {  	s24 =	simm.s32 $0x1700;
	[sflag:s23] =	ssyncadd.s32 $0xFFFFC000  }
0x52: {  	[spmem:s2] =	stream.indirect.scatter.add.f32 [tilespmem:s18], [sflag:$0x3], $0x80, s24, s21, $0xb8;
	[tilespmem:$0x1E800] =	vst v63  }
0x53: {  	_ =	swait.ge [sflag:s19], $0x4000  }
0x54: {  	[sflag:s19] =	ssyncset.done $0x0  }
0x55: {  	s24 =	simm.s32 $0x400;
	[sflag:s19] =	ssyncadd.s32 $0xFFFFC000  }
0x56: {  	[tilespmem:s18], [sflag:$0x1] =	stream.indirect.gather [hbm4b:s1+s21], $0x80, s24, s21, $0xb8;
	[tilespmem:$0x1E800] =	vst v63  }
0x57: {  	_ =	swait.ge [sflag:s25], $0x4000  }
0x58: {  	[sflag:s25] =	ssyncset.done $0x0  }
0x59: {  	s24 =	simm.s32 $0x1780;
	[sflag:s25] =	ssyncadd.s32 $0xFFFFC000  }
0x5a: {  	[spmem:s2] =	stream.indirect.scatter.add.f32 [tilespmem:s22], [sflag:$0x3], $0x80, s24, s21, $0xb8;
	[tilespmem:$0x1E800] =	vst v63  }
0x5b: {  	_ =	swait.ge [sflag:s19], $0x4000  }
0x5c: {  	[sflag:s19] =	ssyncset.done $0x0  }
0x5d: {  	s24 =	simm.s32 $0x480;
	[sflag:s19] =	ssyncadd.s32 $0xFFFFC000  }
0x5e: {  	[tilespmem:s22], [sflag:$0x2] =	stream.indirect.gather [hbm4b:s1+s21], $0x80, s24, s21, $0xb8;
	[tilespmem:$0x1E800] =	vst v63  }
0x5f: {  	_ =	swait.ge [sflag:s23], $0x4000  }
0x60: {  	[sflag:s23] =	ssyncset.done $0x0  }
0x61: {  	s24 =	simm.s32 $0x1800;
	[sflag:s23] =	ssyncadd.s32 $0xFFFFC000  }
0x62: {  	[spmem:s2] =	stream.indirect.scatter.add.f32 [tilespmem:s18], [sflag:$0x3], $0x80, s24, s21, $0xb8;
	[tilespmem:$0x1E800] =	vst v63  }
0x63: {  	_ =	swait.ge [sflag:s19], $0x4000  }
0x64: {  	[sflag:s19] =	ssyncset.done $0x0  }
0x65: {  	s24 =	simm.s32 $0x500;
	[sflag:s19] =	ssyncadd.s32 $0xFFFFC000  }
0x66: {  	[tilespmem:s18], [sflag:$0x1] =	stream.indirect.gather [hbm4b:s1+s21], $0x80, s24, s21, $0xb8;
	[tilespmem:$0x1E800] =	vst v63  }
0x67: {  	_ =	swait.ge [sflag:s25], $0x4000  }
0x68: {  	[sflag:s25] =	ssyncset.done $0x0  }
0x69: {  	s24 =	simm.s32 $0x1880;
	[sflag:s25] =	ssyncadd.s32 $0xFFFFC000  }
0x6a: {  	[spmem:s2] =	stream.indirect.scatter.add.f32 [tilespmem:s22], [sflag:$0x3], $0x80, s24, s21, $0xb8;
	[tilespmem:$0x1E800] =	vst v63  }
0x6b: {  	_ =	swait.ge [sflag:s19], $0x4000  }
0x6c: {  	[sflag:s19] =	ssyncset.done $0x0  }
0x6d: {  	s24 =	simm.s32 $0x580;
	[sflag:s19] =	ssyncadd.s32 $0xFFFFC000  }
0x6e: {  	[tilespmem:s22], [sflag:$0x2] =	stream.indirect.gather [hbm4b:s1+s21], $0x80, s24, s21, $0xb8;
	[tilespmem:$0x1E800] =	vst v63  }
0x6f: {  	_ =	swait.ge [sflag:s23], $0x4000  }
0x70: {  	[sflag:s23] =	ssyncset.done $0x0  }
0x71: {  	s24 =	simm.s32 $0x1900;
	[sflag:s23] =	ssyncadd.s32 $0xFFFFC000  }
0x72: {  	[spmem:s2] =	stream.indirect.scatter.add.f32 [tilespmem:s18], [sflag:$0x3], $0x80, s24, s21, $0xb8;
	[tilespmem:$0x1E800] =	vst v63  }
0x73: {  	_ =	swait.ge [sflag:s19], $0x4000  }
0x74: {  	[sflag:s19] =	ssyncset.done $0x0  }
0x75: {  	s24 =	simm.s32 $0x600;
	[sflag:s19] =	ssyncadd.s32 $0xFFFFC000  }
0x76: {  	[tilespmem:s18], [sflag:$0x1] =	stream.indirect.gather [hbm4b:s1+s21], $0x80, s24, s21, $0xb8;
	[tilespmem:$0x1E800] =	vst v63  }
0x77: {  	_ =	swait.ge [sflag:s25], $0x4000  }
0x78: {  	[sflag:s25] =	ssyncset.done $0x0  }
0x79: {  	s24 =	simm.s32 $0x1980;
	[sflag:s25] =	ssyncadd.s32 $0xFFFFC000  }
0x7a: {  	[spmem:s2] =	stream.indirect.scatter.add.f32 [tilespmem:s22], [sflag:$0x3], $0x80, s24, s21, $0xb8;
	[tilespmem:$0x1E800] =	vst v63  }
0x7b: {  	_ =	swait.ge [sflag:s19], $0x4000  }
0x7c: {  	[sflag:s19] =	ssyncset.done $0x0  }
0x7d: {  	s24 =	simm.s32 $0x680;
	[sflag:s19] =	ssyncadd.s32 $0xFFFFC000  }
0x7e: {  	[tilespmem:s22], [sflag:$0x2] =	stream.indirect.gather [hbm4b:s1+s21], $0x80, s24, s21, $0xb8;
	[tilespmem:$0x1E800] =	vst v63  }
0x7f: {  	_ =	swait.ge [sflag:s23], $0x4000  }
0x80: {  	[sflag:s23] =	ssyncset.done $0x0  }
0x81: {  	s24 =	simm.s32 $0x1A00;
	[sflag:s23] =	ssyncadd.s32 $0xFFFFC000  }
0x82: {  	[spmem:s2] =	stream.indirect.scatter.add.f32 [tilespmem:s18], [sflag:$0x3], $0x80, s24, s21, $0xb8;
	[tilespmem:$0x1E800] =	vst v63  }
0x83: {  	_ =	swait.ge [sflag:s19], $0x4000  }
0x84: {  	[sflag:s19] =	ssyncset.done $0x0  }
0x85: {  	s24 =	simm.s32 $0x700;
	[sflag:s19] =	ssyncadd.s32 $0xFFFFC000  }
0x86: {  	[tilespmem:s18], [sflag:$0x1] =	stream.indirect.gather [hbm4b:s1+s21], $0x80, s24, s21, $0xb8;
	[tilespmem:$0x1E800] =	vst v63  }
0x87: {  	_ =	swait.ge [sflag:s25], $0x4000  }
0x88: {  	[sflag:s25] =	ssyncset.done $0x0  }
0x89: {  	s24 =	simm.s32 $0x1A80;
	[sflag:s25] =	ssyncadd.s32 $0xFFFFC000  }
0x8a: {  	[spmem:s2] =	stream.indirect.scatter.add.f32 [tilespmem:s22], [sflag:$0x3], $0x80, s24, s21, $0xb8;
	[tilespmem:$0x1E800] =	vst v63  }
0x8b: {  	_ =	swait.ge [sflag:s19], $0x4000  }
0x8c: {  	[sflag:s19] =	ssyncset.done $0x0  }
0x8d: {  	s24 =	simm.s32 $0x780;
	[sflag:s19] =	ssyncadd.s32 $0xFFFFC000  }
0x8e: {  	[tilespmem:s22], [sflag:$0x2] =	stream.indirect.gather [hbm4b:s1+s21], $0x80, s24, s21, $0xb8;
	[tilespmem:$0x1E800] =	vst v63  }
0x8f: {  	_ =	swait.ge [sflag:s23], $0x4000  }
0x90: {  	[sflag:s23] =	ssyncset.done $0x0  }
0x91: {  	s24 =	simm.s32 $0x1B00;
	[sflag:s23] =	ssyncadd.s32 $0xFFFFC000  }
0x92: {  	[spmem:s2] =	stream.indirect.scatter.add.f32 [tilespmem:s18], [sflag:$0x3], $0x80, s24, s21, $0xb8;
	[tilespmem:$0x1E800] =	vst v63  }
0x93: {  	_ =	swait.ge [sflag:s19], $0x4000  }
0x94: {  	[sflag:s19] =	ssyncset.done $0x0  }
0x95: {  	s24 =	simm.s32 $0x800;
	[sflag:s19] =	ssyncadd.s32 $0xFFFFC000  }
0x96: {  	[tilespmem:s18], [sflag:$0x1] =	stream.indirect.gather [hbm4b:s1+s21], $0x80, s24, s21, $0xb8;
	[tilespmem:$0x1E800] =	vst v63  }
0x97: {  	_ =	swait.ge [sflag:s25], $0x4000  }
0x98: {  	[sflag:s25] =	ssyncset.done $0x0  }
0x99: {  	s24 =	simm.s32 $0x1B80;
	[sflag:s25] =	ssyncadd.s32 $0xFFFFC000  }
0x9a: {  	[spmem:s2] =	stream.indirect.scatter.add.f32 [tilespmem:s22], [sflag:$0x3], $0x80, s24, s21, $0xb8;
	[tilespmem:$0x1E800] =	vst v63  }
0x9b: {  	_ =	swait.ge [sflag:s19], $0x4000  }
0x9c: {  	[sflag:s19] =	ssyncset.done $0x0  }
0x9d: {  	s24 =	simm.s32 $0x880;
	[sflag:s19] =	ssyncadd.s32 $0xFFFFC000  }
0x9e: {  	[tilespmem:s22], [sflag:$0x2] =	stream.indirect.gather [hbm4b:s1+s21], $0x80, s24, s21, $0xb8;
	[tilespmem:$0x1E800] =	vst v63  }
0x9f: {  	_ =	swait.ge [sflag:s23], $0x4000  }
0xa0: {  	[sflag:s23] =	ssyncset.done $0x0  }
0xa1: {  	s24 =	simm.s32 $0x1C00;
	[sflag:s23] =	ssyncadd.s32 $0xFFFFC000  }
0xa2: {  	[spmem:s2] =	stream.indirect.scatter.add.f32 [tilespmem:s18], [sflag:$0x3], $0x80, s24, s21, $0xb8;
	[tilespmem:$0x1E800] =	vst v63  }
0xa3: {  	_ =	swait.ge [sflag:s19], $0x4000  }
0xa4: {  	[sflag:s19] =	ssyncset.done $0x0  }
0xa5: {  	s24 =	simm.s32 $0x900;
	[sflag:s19] =	ssyncadd.s32 $0xFFFFC000  }
0xa6: {  	[tilespmem:s18], [sflag:$0x1] =	stream.indirect.gather [hbm4b:s1+s21], $0x80, s24, s21, $0xb8;
	[tilespmem:$0x1E800] =	vst v63  }
0xa7: {  	_ =	swait.ge [sflag:s25], $0x4000  }
0xa8: {  	[sflag:s25] =	ssyncset.done $0x0  }
0xa9: {  	s24 =	simm.s32 $0x1C80;
	[sflag:s25] =	ssyncadd.s32 $0xFFFFC000  }
0xaa: {  	[spmem:s2] =	stream.indirect.scatter.add.f32 [tilespmem:s22], [sflag:$0x3], $0x80, s24, s21, $0xb8;
	[tilespmem:$0x1E800] =	vst v63  }
0xab: {  	_ =	swait.ge [sflag:s19], $0x4000  }
0xac: {  	s29 =	simm.s32 $0x1D80;
	[sflag:s19] =	ssyncset.done $0x0  }
0xad: {  	s30 =	simm.s32 $0x1D00;
	s31 =	simm.s32 $0x980;
	[sflag:s19] =	ssyncadd.s32 $0xFFFFC000  }
.LBB2_11:
0xae: {  	[tilespmem:s22], [sflag:$0x2] =	stream.indirect.gather [hbm4b:s1+s21], $0x80, s31, s21, $0xb8;
	[tilespmem:$0x1E800] =	vst v63  }
0xaf: {  	_ =	swait.ge [sflag:s23], $0x4000  }
0xb0: {  	[sflag:s23] =	ssyncset.done $0x0  }
0xb1: {  	[sflag:s23] =	ssyncadd.s32 $0xFFFFC000  }
0xb2: {  	[spmem:s2] =	stream.indirect.scatter.add.f32 [tilespmem:s18], [sflag:$0x3], $0x80, s30, s21, $0xb8;
	[tilespmem:$0x1E800] =	vst v63  }
0xb3: {  	_ =	swait.ge [sflag:s19], $0x4000  }
0xb4: {  	[sflag:s19] =	ssyncset.done $0x0  }
0xb5: {  	[sflag:s19] =	ssyncadd.s32 $0xFFFFC000  }
0xb6: {  	_ =	swait.ge [sflag:s25], $0x4000  }
0xb7: {  	[sflag:s25] =	ssyncset.done $0x0  }
0xb8: {  	[sflag:s25] =	ssyncadd.s32 $0xFFFFC000  }
0xb9: {  	[spmem:s2] =	stream.indirect.scatter.add.f32 [tilespmem:s22], [sflag:$0x3], $0x80, s29, s21, $0xb8;
	[tilespmem:$0x1E800] =	vst v63  }
0xba: {  	_ =	swait.ge [sflag:s19], $0x4000  }
0xbb: {  	s0 =	sshll.u32 s3, $0x6;
	s28 =	sadd.s32 $0x1, s28;
	[sflag:s19] =	ssyncset.done $0x0  }
0xbc: {  	s24 =	sshrl.u32 s5, $0x3;
	p1 =	sne.s32 s28, s17;
	[sflag:s19] =	ssyncadd.s32 $0xFFFFC000  }
.Ltmp1:
0xbd: {  	s0 =	sor.u32 $0x1C03, s0;
	[bflag:$0x0] =	sbarrier.arrive $0xFFFF;
	(pc) =	sbr.rel @!p1 .LBB2_12-.Ltmp1, $4  }
0xbe: {  	[hbm:s16], [sflag:s0] =	dma.local [spmem:s24], $0x2800  }
0xbf: {  	_ =	swait.ge [sflag:s19], $0x2800  }
0xc0: {  	[sflag:s19] =	ssyncset.done $0x0  }
0xc1: {  	[sflag:s19] =	ssyncadd.s32 $0xFFFFD800  }
.LBB2_1:
0xc2: {  	s29 =	simm.s32 $0x0;
	s30 =	simm.s32 $0x200  }
.LBB2_2:
0xc3: {  	p1 =	sne.s32 s30, $0xFE00;
	[tilespmem:s29+$0x2870] =	vst v0  }
0xc4: {  	[tilespmem:s29+$0x2800] =	vst v0  }
0xc5: {  	[tilespmem:s29+$0x2810] =	vst v0  }
.Ltmp2:
0xc6: {  	[tilespmem:s29+$0x2820] =	vst v0;
	(pc) =	sbr.rel @p1 .LBB2_2-.Ltmp2, $4  }
0xc7: {  	[tilespmem:s29+$0x2830] =	vst v0  }
0xc8: {  	[tilespmem:s29+$0x2840] =	vst v0  }
0xc9: {  	[tilespmem:s29+$0x2850] =	vst v0  }
0xca: {  	[tilespmem:s29+$0x2860] =	vst v0;
	s29 =	sshra.s32 s30, $0x2;
	s30 =	sadd.s32 $0x200, s30  }
0xcb: {  	[tilespmem:s29+$0x2870] =	vst v0  }
0xcc: {  	[tilespmem:s29+$0x2800] =	vst v0  }
0xcd: {  	[tilespmem:s29+$0x2810] =	vst v0  }
0xce: {  	[tilespmem:s29+$0x2820] =	vst v0  }
0xcf: {  	[tilespmem:s29+$0x2830] =	vst v0  }
0xd0: {  	[tilespmem:s29+$0x2840] =	vst v0  }
0xd1: {  	[tilespmem:s29+$0x2850] =	vst v0  }
0xd2: {  	[tilespmem:s29+$0x2860] =	vst v0  }
0xd3: {  	[spmem:s5] =	stream.linear.scatter [tilespmem:s18], [sflag:$0x3], $0x4000, $0x38;
	[tilespmem:$0x1E800] =	vst v63  }
0xd4: {  	_ =	swait.ge [sflag:s19], $0x4000  }
0xd5: {  	[sflag:s19] =	ssyncset.done $0x0  }
0xd6: {  	[sflag:s19] =	ssyncadd.s32 $0xFFFFC000  }
0xd7: {  	[spmem:s6] =	stream.linear.scatter [tilespmem:s18], [sflag:$0x3], $0x4000, $0x38;
	[tilespmem:$0x1E800] =	vst v63  }
0xd8: {  	_ =	swait.ge [sflag:s19], $0x4000  }
0xd9: {  	[sflag:s19] =	ssyncset.done $0x0  }
0xda: {  	[sflag:s19] =	ssyncadd.s32 $0xFFFFC000  }
0xdb: {  	[spmem:s7] =	stream.linear.scatter [tilespmem:s18], [sflag:$0x3], $0x4000, $0x38;
	[tilespmem:$0x1E800] =	vst v63  }
0xdc: {  	_ =	swait.ge [sflag:s19], $0x4000  }
0xdd: {  	[sflag:s19] =	ssyncset.done $0x0  }
0xde: {  	[sflag:s19] =	ssyncadd.s32 $0xFFFFC000  }
0xdf: {  	[spmem:s8] =	stream.linear.scatter [tilespmem:s18], [sflag:$0x3], $0x4000, $0x38;
	[tilespmem:$0x1E800] =	vst v63  }
0xe0: {  	_ =	swait.ge [sflag:s19], $0x4000  }
0xe1: {  	[sflag:s19] =	ssyncset.done $0x0  }
0xe2: {  	[sflag:s19] =	ssyncadd.s32 $0xFFFFC000  }
0xe3: {  	[spmem:s9] =	stream.linear.scatter [tilespmem:s18], [sflag:$0x3], $0x4000, $0x38;
	[tilespmem:$0x1E800] =	vst v63  }
.Ltmp3:
0xe4: {  	_ =	swait.ge [sflag:s19], $0x4000;
	(pc) =	sbr.rel @p0 .LBB2_10-.Ltmp3, $3  }
0xe5: {  	[sflag:s19] =	ssyncset.done $0x0  }
0xe6: {  	[sflag:s19] =	ssyncadd.s32 $0xFFFFC000  }
0xe7: {  	[bflag:$0x0] =	sbarrier.arrive $0xFFFF;
	_ =	sdelay $0x1  }
0xe8: {  	s29 =	simm.s32 $0x0  }
0xe9: {  	[tilespmem:s29], [sflag:$0x3] =	stream.linear.gather [hbm4b:s10+s29], $0x1400, $0x38;
	[tilespmem:$0x1E800] =	vst v63  }
0xea: {  	_ =	swait.ge [sflag:s19], $0x1400  }
0xeb: {  	[sflag:s19] =	ssyncset.done $0x0  }
0xec: {  	[sflag:s19] =	ssyncadd.s32 $0xFFFFEC00  }
0xed: {  	[tilespmem:s20], [sflag:$0x3] =	stream.linear.gather [hbm4b:s11+s29], $0x1400, $0x38;
	[tilespmem:$0x1E800] =	vst v63  }
0xee: {  	_ =	swait.ge [sflag:s19], $0x1400  }
0xef: {  	[sflag:s19] =	ssyncset.done $0x0  }
0xf0: {  	[sflag:s19] =	ssyncadd.s32 $0xFFFFEC00  }
0xf1: {  	[tilespmem:s18], [sflag:$0x1] =	stream.indirect.gather [hbm4b:s1+s21], $0x80, s29, s21, $0xb8;
	[tilespmem:$0x1E800] =	vst v63  }
0xf2: {  	s29 =	simm.s32 $0x80  }
0xf3: {  	[tilespmem:s22], [sflag:$0x2] =	stream.indirect.gather [hbm4b:s1+s21], $0x80, s29, s21, $0xb8;
	[tilespmem:$0x1E800] =	vst v63  }
0xf4: {  	_ =	swait.ge [sflag:s23], $0x4000  }
0xf5: {  	[sflag:s23] =	ssyncset.done $0x0  }
0xf6: {  	s29 =	simm.s32 $0x1400;
	[sflag:s23] =	ssyncadd.s32 $0xFFFFC000  }
0xf7: {  	[spmem:s2] =	stream.indirect.scatter.add.f32 [tilespmem:s18], [sflag:$0x3], $0x80, s29, s21, $0xb8;
	[tilespmem:$0x1E800] =	vst v63  }
0xf8: {  	_ =	swait.ge [sflag:s19], $0x4000  }
0xf9: {  	[sflag:s19] =	ssyncset.done $0x0  }
0xfa: {  	s29 =	simm.s32 $0x100;
	[sflag:s19] =	ssyncadd.s32 $0xFFFFC000  }
0xfb: {  	[tilespmem:s18], [sflag:$0x1] =	stream.indirect.gather [hbm4b:s1+s21], $0x80, s29, s21, $0xb8;
	[tilespmem:$0x1E800] =	vst v63  }
0xfc: {  	_ =	swait.ge [sflag:s25], $0x4000  }
0xfd: {  	[sflag:s25] =	ssyncset.done $0x0  }
0xfe: {  	s29 =	simm.s32 $0x1480;
	[sflag:s25] =	ssyncadd.s32 $0xFFFFC000  }
0xff: {  	[spmem:s2] =	stream.indirect.scatter.add.f32 [tilespmem:s22], [sflag:$0x3], $0x80, s29, s21, $0xb8;
	[tilespmem:$0x1E800] =	vst v63  }
0x100: {  	_ =	swait.ge [sflag:s19], $0x4000  }
0x101: {  	s30 =	simm.s32 $0x800;
	s29 =	simm.s32 $0x100;
	[sflag:s19] =	ssyncset.done $0x0  }
.LBB2_5:
0x102: {  	s31 =	sadd.s32 $0x80, s29  }
0x103: {  	[sflag:s19] =	ssyncadd.s32 $0xFFFFC000;
	s0 =	smov.u32 s30;
	s24 =	sadd.s32 $0x400, s30  }
0x104: {  	[tilespmem:s22], [sflag:$0x2] =	stream.indirect.gather [hbm4b:s1+s21], $0x80, s31, s21, $0xb8;
	[tilespmem:$0x1E800] =	vst v63  }
0x105: {  	p1 =	sne.s32 s30, $0x4800;
	_ =	swait.ge [sflag:s23], $0x4000  }
0x106: {  	[sflag:s23] =	ssyncset.done $0x0  }
0x107: {  	s30 =	sadd.s32 $0x1400, s29;
	[sflag:s23] =	ssyncadd.s32 $0xFFFFC000  }
0x108: {  	[spmem:s2] =	stream.indirect.scatter.add.f32 [tilespmem:s18], [sflag:$0x3], $0x80, s30, s21, $0xb8;
	[tilespmem:$0x1E800] =	vst v63  }
0x109: {  	_ =	swait.ge [sflag:s19], $0x4000  }
0x10a: {  	[sflag:s19] =	ssyncset.done $0x0  }
0x10b: {  	s30 =	sadd.s32 $0x100, s29;
	[sflag:s19] =	ssyncadd.s32 $0xFFFFC000  }
0x10c: {  	[tilespmem:s18], [sflag:$0x1] =	stream.indirect.gather [hbm4b:s1+s21], $0x80, s30, s21, $0xb8;
	[tilespmem:$0x1E800] =	vst v63  }
0x10d: {  	_ =	swait.ge [sflag:s25], $0x4000  }
.Ltmp4:
0x10e: {  	[sflag:s25] =	ssyncset.done $0x0;
	(pc) =	sbr.rel @p1 .LBB2_5-.Ltmp4, $4  }
0x10f: {  	s29 =	sadd.s32 $0x1480, s29;
	[sflag:s25] =	ssyncadd.s32 $0xFFFFC000  }
0x110: {  	[spmem:s2] =	stream.indirect.scatter.add.f32 [tilespmem:s22], [sflag:$0x3], $0x80, s29, s21, $0xb8;
	[tilespmem:$0x1E800] =	vst v63  }
0x111: {  	_ =	swait.ge [sflag:s19], $0x4000  }
0x112: {  	s30 =	smov.u32 s24;
	s29 =	sshra.s32 s0, $0x2;
	[sflag:s19] =	ssyncset.done $0x0  }
0x113: {  	s0 =	sadd.s32 $0x80, s29;
	[sflag:s19] =	ssyncadd.s32 $0xFFFFC000  }
0x114: {  	[tilespmem:s22], [sflag:$0x2] =	stream.indirect.gather [hbm4b:s1+s21], $0x80, s0, s21, $0xb8;
	[tilespmem:$0x1E800] =	vst v63  }
0x115: {  	_ =	swait.ge [sflag:s23], $0x4000  }
0x116: {  	[sflag:s23] =	ssyncset.done $0x0  }
0x117: {  	s24 =	sadd.s32 $0x1400, s29;
	[sflag:s23] =	ssyncadd.s32 $0xFFFFC000  }
0x118: {  	[spmem:s2] =	stream.indirect.scatter.add.f32 [tilespmem:s18], [sflag:$0x3], $0x80, s24, s21, $0xb8;
	[tilespmem:$0x1E800] =	vst v63  }
0x119: {  	_ =	swait.ge [sflag:s19], $0x4000  }
0x11a: {  	[sflag:s19] =	ssyncset.done $0x0  }
0x11b: {  	s30 =	sadd.s32 $0x100, s29;
	[sflag:s19] =	ssyncadd.s32 $0xFFFFC000  }
0x11c: {  	[tilespmem:s18], [sflag:$0x1] =	stream.indirect.gather [hbm4b:s1+s21], $0x80, s30, s21, $0xb8;
	[tilespmem:$0x1E800] =	vst v63  }
0x11d: {  	_ =	swait.ge [sflag:s25], $0x4000  }
0x11e: {  	[sflag:s25] =	ssyncset.done $0x0  }
0x11f: {  	s31 =	sadd.s32 $0x1480, s29;
	[sflag:s25] =	ssyncadd.s32 $0xFFFFC000  }
0x120: {  	[spmem:s2] =	stream.indirect.scatter.add.f32 [tilespmem:s22], [sflag:$0x3], $0x80, s31, s21, $0xb8;
	[tilespmem:$0x1E800] =	vst v63  }
0x121: {  	_ =	swait.ge [sflag:s19], $0x4000  }
0x122: {  	[sflag:s19] =	ssyncset.done $0x0  }
0x123: {  	s24 =	simm.s32 $0x1380;
	[sflag:s19] =	ssyncadd.s32 $0xFFFFC000  }
0x124: {  	[tilespmem:s22], [sflag:$0x2] =	stream.indirect.gather [hbm4b:s1+s21], $0x80, s24, s21, $0xb8;
	[tilespmem:$0x1E800] =	vst v63  }
0x125: {  	_ =	swait.ge [sflag:s23], $0x4000  }
0x126: {  	[sflag:s23] =	ssyncset.done $0x0  }
0x127: {  	s30 =	simm.s32 $0x2700;
	[sflag:s23] =	ssyncadd.s32 $0xFFFFC000  }
0x128: {  	[spmem:s2] =	stream.indirect.scatter.add.f32 [tilespmem:s18], [sflag:$0x3], $0x80, s30, s21, $0xb8;
	[tilespmem:$0x1E800] =	vst v63  }
0x129: {  	_ =	swait.ge [sflag:s19], $0x4000  }
0x12a: {  	[sflag:s19] =	ssyncset.done $0x0  }
0x12b: {  	[sflag:s19] =	ssyncadd.s32 $0xFFFFC000  }
0x12c: {  	_ =	swait.ge [sflag:s25], $0x4000  }
0x12d: {  	[sflag:s25] =	ssyncset.done $0x0  }
0x12e: {  	[sflag:s25] =	ssyncadd.s32 $0xFFFFC000  }
0x12f: {  	[spmem:s2] =	stream.indirect.scatter.add.f32 [tilespmem:s22], [sflag:$0x3], $0x80, s26, s21, $0xb8;
	[tilespmem:$0x1E800] =	vst v63  }
0x130: {  	_ =	swait.ge [sflag:s19], $0x4000  }
0x131: {  	[sflag:s19] =	ssyncset.done $0x0  }
0x132: {  	s31 =	simm.s32 $0x0;
	[sflag:s19] =	ssyncadd.s32 $0xFFFFC000  }
0x133: {  	[tilespmem:s31], [sflag:$0x3] =	stream.linear.gather [hbm4b:s12+s31], $0x1400, $0x38;
	[tilespmem:$0x1E800] =	vst v63  }
0x134: {  	_ =	swait.ge [sflag:s19], $0x1400  }
0x135: {  	[sflag:s19] =	ssyncset.done $0x0  }
0x136: {  	p2 =	por $0x0, $0x0;
	[sflag:s19] =	ssyncadd.s32 $0xFFFFEC00  }
0x137: {  	[tilespmem:s20], [sflag:$0x3] =	stream.linear.gather [hbm4b:s13+s31], $0x1400, $0x38;
	[tilespmem:$0x1E800] =	vst v63  }
.Ltmp5:
0x138: {  	_ = 	snop;
	(pc) =	sbr.rel @p2 .LBB2_9-.Ltmp5, $4  }
0x139: {  	_ =	swait.ge [sflag:s19], $0x1400  }
0x13a: {  	[sflag:s19] =	ssyncset.done $0x0  }
0x13b: {  	s29 =	simm.s32 $0x0;
	p1 =	por $0x0, $0x0;
	[sflag:s19] =	ssyncadd.s32 $0xFFFFEC00  }
0x13c: {  	[tilespmem:s18], [sflag:$0x1] =	stream.indirect.gather [hbm4b:s1+s21], $0x80, s31, s21, $0xb8;
	[tilespmem:$0x1E800] =	vst v63  }
0x13d: {  	s0 =	simm.s32 $0x80  }
0x13e: {  	[tilespmem:s22], [sflag:$0x2] =	stream.indirect.gather [hbm4b:s1+s21], $0x80, s0, s21, $0xb8;
	[tilespmem:$0x1E800] =	vst v63  }
0x13f: {  	_ =	swait.ge [sflag:s23], $0x4000  }
0x140: {  	[sflag:s23] =	ssyncset.done $0x0  }
0x141: {  	s31 =	simm.s32 $0x1400;
	[sflag:s23] =	ssyncadd.s32 $0xFFFFC000  }
0x142: {  	[spmem:s2] =	stream.indirect.scatter.add.f32 [tilespmem:s18], [sflag:$0x3], $0x80, s31, s21, $0xb8;
	[tilespmem:$0x1E800] =	vst v63  }
0x143: {  	_ =	swait.ge [sflag:s19], $0x4000  }
0x144: {  	[sflag:s19] =	ssyncset.done $0x0  }
0x145: {  	s24 =	simm.s32 $0x100;
	[sflag:s19] =	ssyncadd.s32 $0xFFFFC000  }
0x146: {  	[tilespmem:s18], [sflag:$0x1] =	stream.indirect.gather [hbm4b:s1+s21], $0x80, s24, s21, $0xb8;
	[tilespmem:$0x1E800] =	vst v63  }
0x147: {  	p2 =	por $0x0, $0x0;
	_ =	swait.ge [sflag:s25], $0x4000  }
.Ltmp6:
0x148: {  	[sflag:s25] =	ssyncset.done $0x0;
	(pc) =	sbr.rel @p2 .LBB2_9-.Ltmp6, $4  }
0x149: {  	s31 =	simm.s32 $0x1480;
	[sflag:s25] =	ssyncadd.s32 $0xFFFFC000  }
0x14a: {  	[spmem:s2] =	stream.indirect.scatter.add.f32 [tilespmem:s22], [sflag:$0x3], $0x80, s31, s21, $0xb8;
	[tilespmem:$0x1E800] =	vst v63  }
0x14b: {  	s30 =	simm.s32 $0x800;
	_ =	swait.ge [sflag:s19], $0x4000  }
0x14c: {  	s29 =	simm.s32 $0x100;
	p1 =	por $0x1, $0x1;
	[sflag:s19] =	ssyncset.done $0x0  }
.LBB2_8:
0x14d: {  	s0 =	sadd.s32 $0x80, s29  }
0x14e: {  	[sflag:s19] =	ssyncadd.s32 $0xFFFFC000;
	s24 =	smov.u32 s30;
	s31 =	sadd.s32 $0x400, s30  }
0x14f: {  	[tilespmem:s22], [sflag:$0x2] =	stream.indirect.gather [hbm4b:s1+s21], $0x80, s0, s21, $0xb8;
	[tilespmem:$0x1E800] =	vst v63  }
0x150: {  	p2 =	seq.s32 s30, $0x4800;
	_ =	swait.ge [sflag:s23], $0x4000  }
0x151: {  	[sflag:s23] =	ssyncset.done $0x0  }
0x152: {  	s0 =	sadd.s32 $0x1400, s29;
	[sflag:s23] =	ssyncadd.s32 $0xFFFFC000  }
0x153: {  	[spmem:s2] =	stream.indirect.scatter.add.f32 [tilespmem:s18], [sflag:$0x3], $0x80, s0, s21, $0xb8;
	[tilespmem:$0x1E800] =	vst v63  }
0x154: {  	_ =	swait.ge [sflag:s19], $0x4000  }
0x155: {  	[sflag:s19] =	ssyncset.done $0x0  }
0x156: {  	s0 =	sadd.s32 $0x100, s29;
	[sflag:s19] =	ssyncadd.s32 $0xFFFFC000  }
0x157: {  	[tilespmem:s18], [sflag:$0x1] =	stream.indirect.gather [hbm4b:s1+s21], $0x80, s0, s21, $0xb8;
	[tilespmem:$0x1E800] =	vst v63  }
0x158: {  	_ =	swait.ge [sflag:s25], $0x4000  }
.Ltmp7:
0x159: {  	[sflag:s25] =	ssyncset.done $0x0;
	(pc) =	sbr.rel @!p2 .LBB2_8-.Ltmp7, $4  }
0x15a: {  	s0 =	sadd.s32 $0x1480, s29;
	[sflag:s25] =	ssyncadd.s32 $0xFFFFC000  }
0x15b: {  	[spmem:s2] =	stream.indirect.scatter.add.f32 [tilespmem:s22], [sflag:$0x3], $0x80, s0, s21, $0xb8;
	[tilespmem:$0x1E800] =	vst v63  }
0x15c: {  	_ =	swait.ge [sflag:s19], $0x4000  }
0x15d: {  	s30 =	smov.u32 s31;
	s29 =	sshra.s32 s24, $0x2;
	[sflag:s19] =	ssyncset.done $0x0  }
.LBB2_9:
0x15e: {  	s0 =	sadd.s32 $0x80, s29;
	[sflag:s19] =	ssyncadd.s32 @p1 $0xFFFFC000  }
0x15f: {  	[tilespmem:s22], [sflag:$0x2] =	stream.indirect.gather [hbm4b:s1+s21], $0x80, s0, s21, $0xb8;
	[tilespmem:$0x1E800] =	vst v63  }
0x160: {  	_ =	swait.ge [sflag:s23], $0x4000  }
0x161: {  	[sflag:s23] =	ssyncset.done $0x0  }
0x162: {  	s24 =	sadd.s32 $0x1400, s29;
	[sflag:s23] =	ssyncadd.s32 $0xFFFFC000  }
0x163: {  	[spmem:s2] =	stream.indirect.scatter.add.f32 [tilespmem:s18], [sflag:$0x3], $0x80, s24, s21, $0xb8;
	[tilespmem:$0x1E800] =	vst v63  }
0x164: {  	_ =	swait.ge [sflag:s19], $0x4000  }
0x165: {  	[sflag:s19] =	ssyncset.done $0x0  }
0x166: {  	s24 =	sadd.s32 $0x100, s29;
	[sflag:s19] =	ssyncadd.s32 $0xFFFFC000  }
0x167: {  	[tilespmem:s18], [sflag:$0x1] =	stream.indirect.gather [hbm4b:s1+s21], $0x80, s24, s21, $0xb8;
	[tilespmem:$0x1E800] =	vst v63  }
0x168: {  	_ =	swait.ge [sflag:s25], $0x4000  }
0x169: {  	[sflag:s25] =	ssyncset.done $0x0  }
.Ltmp8:
0x16a: {  	s24 =	sadd.s32 $0x1480, s29;
	[sflag:s25] =	ssyncadd.s32 $0xFFFFC000;
	(pc) =	sbr.rel .LBB2_11-.Ltmp8, $4  }
0x16b: {  	[spmem:s2] =	stream.indirect.scatter.add.f32 [tilespmem:s22], [sflag:$0x3], $0x80, s24, s21, $0xb8;
	[tilespmem:$0x1E800] =	vst v63  }
0x16c: {  	_ =	swait.ge [sflag:s19], $0x4000  }
0x16d: {  	s30 =	simm.s32 $0x2700;
	[sflag:s19] =	ssyncset.done $0x0  }
0x16e: {  	s31 =	simm.s32 $0x1380;
	s29 =	simm.s32 $0x2780;
	[sflag:s19] =	ssyncadd.s32 $0xFFFFC000  }
.LBB2_12:
0x16f: {  	_ =	sfence.sel $0x180000  }
0x170: {  	[bflag:$0x0] =	sbarrier.arrive $0xFFFF  }
0x171: {  	_ =	strace $0x9000004D  }
0x172: {  	[bflag:$0x2] =	sbarrier.arrive $0xFFFF  }
0x173: {  	p0 =	sne.s32 s3, $0x0;
	s0 =	rddreg [dreg:$0x3]  }
0x174: {  	s0 =	sadd.s32 @!p0 $0x100000, s0  }
0x175: {  	[sflag:s0] =	ssyncadd.tile.s32 @!p0 $0x1;
	_ =	shalt  }
.Lfunc_end2:
_tile_overlayer_lowered:
.L_overlay_start_2:
0x176: {  	(tag) =	ssettag $0x2  }
0x177: {  	s0 =	rddreg [dreg:$0x0];
	s2 =	stileid.u32  }
0x178: {  	s1 =	rddreg [dreg:$0x1];
	p0 =	sne.s32 s2, $0x0  }
0x179: {  	s3 =	rddreg [dreg:$0x2];
	[bflag:$0x3] =	sbarrier.arrive $0xFFFF;
	s2 =	simm.s32 @!p0 $0x1C03  }
0x17a: {  	[timem:s3], [sflag:s2] =	dma.local @!p0 [hbm:s0], s1  }
0x17b: {  	s0 =	simm.s32 @!p0 $0x3  }
0x17c: {  	_ =	swait.ge @!p0 [sflag:s0], s1  }
0x17d: {  	s1 =	ssub.s32 @!p0 $0x0, s1;
	[sflag:s0] =	ssyncset.done @!p0 $0x0  }
0x17e: {  	[sflag:s0] =	ssyncadd.s32 @!p0 s1  }
0x17f: {  	[bflag:$0x3] =	sbarrier.arrive $0xFFFF  }
0x180: {  	_ =	shalt  }

// kernel: kernel.9.cloned.1.call-start
scs
__scs_entry_jumppad:
0x0: {  	(pc) =	sbr.rel $0x88, $3  }
0x1: {  	(tag) =	ssettag $0x0;
	lr =	simm.s32 $0x1  }
0x2: {  	[smem:$0x3F9B] =	sst lr;
	_ =	strace $0xD0000000  }
0x3: {  	_ = 	snop  }
0x4: {  	_ = 	snop  }
0x5: {  	_ = 	snop  }
0x6: {  	_ = 	snop  }
0x7: {  	_ = 	snop  }
__scs_overlays_trampoline_lowered:
0x8: {  	[smem:$0x3FAA] =	sst s0  }
0x9: {  	[smem:$0x3FAB] =	sst s1  }
0xa: {  	[smem:$0x3FAC] =	sst s2  }
0xb: {  	[smem:$0x3FAD] =	sst s3  }
0xc: {  	[smem:$0x3FAE] =	sst s4  }
0xd: {  	[smem:$0x3FAF] =	sst s5  }
0xe: {  	[smem:$0x3FB0] =	sst s6  }
0xf: {  	[smem:$0x3FB1] =	sst s7  }
0x10: {  	[smem:$0x3FB2] =	sst s8  }
0x11: {  	[smem:$0x3FB3] =	sst s9;
	s0 =	simm.s32 @!p0 $0x0  }
0x12: {  	s1 =	sld [smem:$0x3F99];
	s0 =	simm.s32 @p0 $0x1  }
0x13: {  	[smem:$0x3FB4] =	sst s0;
	s0 =	simm.s32 @!p1 $0x0  }
0x14: {  	s2 =	sld [smem:$0x3F98];
	s0 =	simm.s32 @p1 $0x1  }
0x15: {  	[smem:$0x3FB5] =	sst s0;
	s0 =	simm.s32 @!p2 $0x0  }
0x16: {  	s3 =	sld [smem:$0x3FDB];
	s0 =	simm.s32 @p2 $0x1  }
0x17: {  	s4 =	simm.s32 $0x1BF5;
	[smem:$0x3FB7] =	sst s0  }
0x18: {  	s0 =	sld [smem:$0x3F9A];
	_ =	swait.ge [sflag:s4], $0x0  }
0x19: {  	s7 =	sld [smem:$0x3F9B]  }
0x1a: {  	s8 =	sadd.s32 $0xFFFFE003, lr  }
0x1b: {  	s9 =	sadd.s32 $0xFFFFFEF7, lr;
	s5 =	simm.s32 $0xFFFFFFFF;
	p2 =	slt.u32 s8, $0xFFFFF086  }
0x1c: {  	p1 =	slt.u32 s9, $0xF7A;
	s5 =	simm.s32 @!p2 $0x0  }
0x1d: {  	s5 =	simm.s32 @p1 $0x1;
	p0 =	seq.s32 s7, s2  }
0x1e: {  	s7 =	smul.u32 @!p0 $0xF7A, s2;
	p2 =	seq.s32 @!p0 s5, $0x0  }
0x1f: {  	s9 =	smul.u32 $0xF7A, s1;
	s8 =	simm.s32 @!p0 $0x1BF5;
	p2 =	por !p2, p0  }
0x20: {  	[sflag:s8] =	ssyncset.s32 @!p0 $0xFFFFF086;
	s6 =	sadd.s32 @!p0 s3, s7;
	s7 =	simm.s32 @!p0 $0x108  }
0x21: {  	s3 =	sadd.s32 s3, s9;
	s6 =	sadd.s32 @!p0 $0x88, s6;
	s7 =	simm.s32 @p2 $0x1082  }
0x22: {  	[simem:s7], [sflag:s8] =	dma.local @!p0 [hbm:s6], $0xF7A  }
0x23: {  	s9 =	sor.u32 $0xD0000000, s2;
	s6 =	simm.s32 $0x108;
	_ =	swait.ge @!p0 [sflag:s8], $0x0  }
0x24: {  	s3 =	sadd.s32 $0x88, s3;
	s6 =	simm.s32 @!p1 $0x1082;
	[sflag:s4] =	ssyncset.s32 $0xFFFFF086  }
0x25: {  	[simem:s6], [sflag:s4] =	dma.local [hbm:s3], $0xF7A  }
0x26: {  	[smem:$0x3F9B] =	sst s1;
	(tag) =	ssettag s2;
	_ =	strace s9  }
0x27: {  	s1 =	sld [smem:$0x3FAB]  }
0x28: {  	s2 =	sld [smem:$0x3FAC]  }
0x29: {  	s4 =	sld [smem:$0x3FAE]  }
0x2a: {  	p0 =	seq.s32 s5, $0x0;
	s5 =	sld [smem:$0x3FAF]  }
0x2b: {  	s6 =	sld [smem:$0x3FB0]  }
0x2c: {  	s7 =	sld [smem:$0x3FB1]  }
0x2d: {  	s3 =	simm.s32 $0x108;
	s8 =	sld [smem:$0x3FB2]  }
0x2e: {  	s3 =	simm.s32 @!p0 $0x1082;
	s9 =	sld [smem:$0x3FB3]  }
0x2f: {  	lr =	sadd.s32 s0, s3;
	s0 =	sld [smem:$0x3FAA]  }
0x30: {  	s3 =	sld [smem:$0x3FAD]  }
0x31: {  	[smem:$0x3FB6] =	sst s10  }
0x32: {  	s10 =	sld [smem:$0x3FB4];
	_ =	sdelay $0x3  }
0x33: {  	p0 =	seq.s32 s10, $0x1;
	s10 =	sld [smem:$0x3FB6];
	_ =	sdelay $0x3  }
0x34: {  	[smem:$0x3FB6] =	sst s10  }
0x35: {  	s10 =	sld [smem:$0x3FB5];
	_ =	sdelay $0x3  }
0x36: {  	p1 =	seq.s32 s10, $0x1;
	s10 =	sld [smem:$0x3FB6];
	_ =	sdelay $0x3  }
0x37: {  	[smem:$0x3FB6] =	sst s10  }
0x38: {  	s10 =	sld [smem:$0x3FB7]  }
0x39: {  	_ = 	snop;
	(pc) =	sbr.ind lr, $3  }
0x3a: {  	_ = 	snop  }
0x3b: {  	_ = 	snop  }
0x3c: {  	p2 =	seq.s32 s10, $0x1;
	s10 =	sld [smem:$0x3FB6]  }
0x3d: {  	_ =	shalt  }
0x3e: {  	_ =	shalt  }
0x3f: {  	_ =	shalt  }
0x40: {  	_ =	shalt  }
0x41: {  	_ =	shalt  }
0x42: {  	_ =	shalt  }
0x43: {  	_ =	shalt  }
0x44: {  	_ =	shalt  }
0x45: {  	_ =	shalt  }
0x46: {  	_ =	shalt  }
0x47: {  	_ =	shalt  }
0x48: {  	_ =	shalt  }
0x49: {  	_ =	shalt  }
0x4a: {  	_ =	shalt  }
0x4b: {  	_ =	shalt  }
0x4c: {  	_ =	shalt  }
0x4d: {  	_ =	shalt  }
0x4e: {  	_ =	shalt  }
0x4f: {  	_ =	shalt  }
0x50: {  	_ =	shalt  }
0x51: {  	_ =	shalt  }
0x52: {  	_ =	shalt  }
0x53: {  	_ =	shalt  }
0x54: {  	_ =	shalt  }
0x55: {  	_ =	shalt  }
0x56: {  	_ =	shalt  }
0x57: {  	_ =	shalt  }
0x58: {  	_ =	shalt  }
0x59: {  	_ =	shalt  }
0x5a: {  	_ =	shalt  }
0x5b: {  	_ =	shalt  }
0x5c: {  	_ =	shalt  }
0x5d: {  	_ =	shalt  }
0x5e: {  	_ =	shalt  }
0x5f: {  	_ =	shalt  }
0x60: {  	_ =	shalt  }
0x61: {  	_ =	shalt  }
0x62: {  	_ =	shalt  }
0x63: {  	_ =	shalt  }
0x64: {  	_ =	shalt  }
0x65: {  	_ =	shalt  }
0x66: {  	_ =	shalt  }
0x67: {  	_ =	shalt  }
0x68: {  	_ =	shalt  }
0x69: {  	_ =	shalt  }
0x6a: {  	_ =	shalt  }
0x6b: {  	_ =	shalt  }
0x6c: {  	_ =	shalt  }
0x6d: {  	_ =	shalt  }
0x6e: {  	_ =	shalt  }
0x6f: {  	_ =	shalt  }
0x70: {  	_ =	shalt  }
0x71: {  	_ =	shalt  }
0x72: {  	_ =	shalt  }
0x73: {  	_ =	shalt  }
0x74: {  	_ =	shalt  }
0x75: {  	_ =	shalt  }
0x76: {  	_ =	shalt  }
0x77: {  	_ =	shalt  }
0x78: {  	_ =	shalt  }
0x79: {  	_ =	shalt  }
0x7a: {  	_ =	shalt  }
0x7b: {  	_ =	shalt  }
0x7c: {  	_ =	shalt  }
0x7d: {  	_ =	shalt  }
0x7e: {  	_ =	shalt  }
0x7f: {  	_ =	shalt  }
0x80: {  	_ =	shalt  }
0x81: {  	_ =	shalt  }
0x82: {  	_ =	shalt  }
0x83: {  	_ =	shalt  }
0x84: {  	_ =	shalt  }
0x85: {  	_ =	shalt  }
0x86: {  	_ =	shalt  }
0x87: {  	_ =	shalt  }
.Lfunc_end0:
.L_simem_size_0:
called_computation_lowered:
.L_overlay_start_0:
0x88: {  	s2 =	sld [smem:$0x3FD9]  }
0x89: {  	s3 =	sld [smem:$0x3FFE];
	_ =	sdelay $0x1  }
0x8a: {  	s1 =	srdreg.scid  }
0x8b: {  	s0 =	sand.u32 $0x1, s1  }
0x8c: {  	s17 =	sshll.u32 s0, $0xA;
	s2 =	sadd.s32 s3, s2  }
0x8d: {  	s2 =	sadd.s32 s2, s17  }
0x8e: {  	[smem:$0x3FC2] =	sst s2  }
0x8f: {  	_ = 	snop  }
0x90: {  	s2 =	sld [smem:$0x3FD0];
	(tm) =	ssettm $0x1  }
0x91: {  	s18 =	sld [smem:$0x3FFB];
	_ =	sdelay $0x3  }
0x92: {  	_ =	strace s18  }
0x93: {  	s3 =	sld [smem:$0x3FFC];
	_ =	sdelay $0x3  }
0x94: {  	_ =	strace s3  }
0x95: {  	s3 =	sld [smem:$0x3FFD];
	_ =	sdelay $0x3  }
0x96: {  	_ =	strace s3  }
0x97: {  	_ =	strace $0x8FFFFFFF  }
0x98: {  	s19 =	sld [smem:$0x3FDB];
	_ =	sdelay $0x1  }
0x99: {  	s4 =	simm.s32 $_scs_section_size  }
0x9a: {  	s5 =	simm.s32 $_size__tile_overlayer_lowered;
	s6 =	simm.s32 $_tile_overlayer_lowered  }
0x9b: {  	s22 =	simm.s32 $0x1BFF;
	s21 =	sshll.u32 s6, $0x1;
	s3 =	sadd.s32 s4, s19  }
0x9c: {  	s7 =	simm.s32 $0x0;
	s20 =	sshll.u32 s5, $0x1;
	s5 =	sadd.s32 s21, s3  }
0x9d: {  	[timem:s7], [sflag:s22] =	dma.local [hbm:s5], s20  }
0x9e: {  	_ =	swait.ge [sflag:s22], s20  }
0x9f: {  	s4 =	ssub.s32 $0x0, s20;
	[sflag:s22] =	ssyncset.done $0x0  }
0xa0: {  	[sflag:s22] =	ssyncadd.s32 s4;
	_ =	sdelay $0x1  }
0xa1: {  	s23 =	simm.s32 $0x1B8B  }
0xa2: {  	_ =	swait.ge [sflag:s23], $0x1  }
0xa3: {  	[sflag:s23] =	ssyncset.done $0x0  }
0xa4: {  	s25 =	simm.s32 $0x1B8E;
	s24 =	sld [smem:$0x3FFE];
	[sflag:s23] =	ssyncadd.s32 $0xFFFFFFFF  }
0xa5: {  	s26 =	simm.s32 $execute0_lowered;
	[smem:$0x3FD2] =	sst s25  }
0xa6: {  	s5 =	sshll.u32 s26, $0x1;
	_ =	strace $0x80000046;
	[dreg:$0x1] =	wrdreg $0xFFFFFFFF  }
0xa7: {  	s28 =	simm.s32 $_size_execute0_lowered;
	s3 =	sadd.s32 s3, s5;
	[dreg:$0x0] =	wrdreg $0x0  }
0xa8: {  	s5 =	sshll.u32 s28, $0x1;
	[dreg:$0x2] =	wrdreg s3  }
0xa9: {  	[dreg:$0x3] =	wrdreg s5  }
0xaa: {  	[dreg:$0x4] =	wrdreg $0xC0  }
0xab: {  	_ =	task [dreg:s7], $0x5FFFF  }
0xac: {  	[dreg:$0x1] =	wrdreg $0xFFFFFFFF  }
0xad: {  	[dreg:$0x0] =	wrdreg $0x60  }
0xae: {  	[dreg:$0x2] =	wrdreg s24  }
0xaf: {  	[dreg:$0x3] =	wrdreg s2  }
0xb0: {  	[dreg:$0x4] =	wrdreg $0x53000  }
0xb1: {  	[dreg:$0x5] =	wrdreg $0x55800  }
0xb2: {  	[dreg:$0x6] =	wrdreg $0x9  }
0xb3: {  	_ =	task.clear_ibuf [dreg:s7], $0x7FFFF;
	_ =	strace $0x90000046  }
0xb4: {  	s29 =	simm.s32 $0x9;
	_ =	strace $0x80000048  }
0xb5: {  	_ =	swait.ge [sflag:s29], $0x1  }
0xb6: {  	[sflag:s29] =	ssyncadd.s32 $0xFFFFFFFF  }
0xb7: {  	_ =	strace $0x90000048  }
0xb8: {  	_ =	sfence  }
0xb9: {  	s30 =	sld [smem:$0x0];
	_ =	sdelay $0x2  }
0xba: {  	s31 =	sshll.u32 s1, $0xD;
	s1 =	sshrl.u32 s1, $0x2  }
0xbb: {  	s3 =	sand.u32 $0x4000, s31;
	s1 =	sadd.s32 s1, s30  }
0xbc: {  	s0 =	sor.u32 s3, s0;
	s1 =	sshll.u32 s1, $0x11  }
0xbd: {  	s0 =	sor.u32 s1, s0  }
0xbe: {  	s0 =	sadd.s32 $0x8F2B, s0  }
0xbf: {  	[sflag:s0] =	ssyncadd.remote.s32 $0x1  }
0xc0: {  	_ =	sfence.sel $0xFFFF  }
0xc1: {  	[dreg:$0x0] =	wrdreg $0xFFFFFFFF;
	(pc) =	sbr.abs _section_cstart, $3  }
0xc2: {  	[dreg:$0x1] =	wrdreg $0xFFFFFFFF  }
0xc3: {  	_ =	task.clear_ibuf [dreg:s7], $0x2FFFF;
	_ =	strace $0x9FFFFFFF  }
0xc4: {  	(tm) =	ssettm $0x7FFFFFFF  }
0xc5: {  	_ =	shalt  }
tec
execute0_lowered:
.L_overlay_start_1:
0x0: {  	(tag) =	ssettag $0x1  }
0x1: {  	s0 =	rddreg [dreg:$0x0]  }
0x2: {  	s9 =	rddreg [dreg:$0x1]  }
0x3: {  	s2 =	rddreg [dreg:$0x2]  }
0x4: {  	s1 =	srdreg.scid;
	s3 =	rddreg [dreg:$0x3]  }
0x5: {  	s4 =	simm.s32 $0x0;
	s15 =	simm.s32 $0x2;
	s16 =	simm.s32 $0x2800  }
0x6: {  	s17 =	simm.s32 $0x80;
	s18 =	simm.s32 $0x5000;
	s24 =	simm.s32 $0x1  }
0x7: {  	s29 =	simm.s32 $0x3080;
	s30 =	simm.s32 $0x900;
	s31 =	simm.s32 $0x3100  }
0x8: {  	s19 =	simm.s32 $0x3180;
	s20 =	simm.s32 $0x40;
	s21 =	simm.s32 $0x10  }
0x9: {  	s22 =	simm.s32 $0x0;
	s5 =	sand.u32 $0x1, s1;
	s1 =	stileid.u32  }
0xa: {  	[smem:$0x7FF] =	sst s4;
	s6 =	sshll.u32 s5, $0x4;
	s8 =	smul.u32 $0xA00, s1  }
0xb: {  	_ =	strace $0x80000047;
	s7 =	ssub.s32 $0x2, s5;
	s11 =	smul.u32 $0x280, s1  }
0xc: {  	s5 =	sshll.u32 s5, $0x8;
	s14 =	sor.u32 s1, s6;
	s10 =	sshrl.u32 s7, $0x1  }
0xd: {  	s6 =	smul.u32 $0x500, s14;
	s13 =	ssub.s32 s7, s10;
	s26 =	sor.u32 s5, s8  }
.Ltmp0:
0xe: {  	s5 =	sadd.s32 s11, s2;
	s10 =	sadd.s32 $0xC700, s0;
	(pc) =	sbr.rel .LBB2_1-.Ltmp0, $4  }
0xf: {  	p0 =	seq.s32 s14, $0x1F;
	s14 =	simm.s32 $0x5080;
	s28 =	sshrl.u32 s26, $0x3  }
0x10: {  	s13 =	smax.u32 s13, $0x1;
	s12 =	sadd.s32 s6, s0;
	s6 =	sadd.s32 s11, s3  }
0x11: {  	s9 =	sadd.s32 s9, s28;
	s11 =	sadd.s32 $0x16500, s0;
	s0 =	simm.s32 $0x980  }
0x12: {  	v0 =	vimm.f32 $0.0e+00;
	v1 =	vimm.f32 $1.000000000e+00;
	s7 =	sadd.s32 $0x2C00, s12;
	s8 =	sadd.s32 $0xCA00, s12;
	s12 =	sadd.s32 $0x10, s9  }
.LBB2_5:
0x13: {  	[tilespmem:s4], [sflag:$0x2] =	stream.linear.gather [hbm4b:s10+s4], $0xA00, $0x38;
	[tilespmem:$0x5800] =	vst v63  }
0x14: {  	_ =	swait.ge [sflag:s15], $0xA00  }
0x15: {  	[sflag:s15] =	ssyncset.done $0x0  }
0x16: {  	[sflag:s15] =	ssyncadd.s32 $0xFFFFF600  }
0x17: {  	[tilespmem:s16], [sflag:$0x2] =	stream.linear.gather [hbm4b:s11+s4], $0xA00, $0x38;
	[tilespmem:$0x5800] =	vst v63  }
0x18: {  	_ =	swait.ge [sflag:s15], $0xA00  }
0x19: {  	[sflag:s15] =	ssyncset.done $0x0  }
0x1a: {  	[sflag:s15] =	ssyncadd.s32 $0xFFFFF600  }
0x1b: {  	[spmem:s2] =	stream.indirect.scatter.add.f32 [tilespmem:s18], [sflag:$0x1], $0x1, s4, s17, $0xb8;
	[tilespmem:$0x5800] =	vst v63  }
0x1c: {  	_ = 	snop  }
0x1d: {  	[spmem:s3] =	stream.indirect.scatter.add.f32 [tilespmem:s18], [sflag:$0x1], $0x1, s16, s17, $0xb8;
	[tilespmem:$0x5800] =	vst v63  }
0x1e: {  	_ = 	snop  }
0x1f: {  	[spmem:s2] =	stream.indirect.scatter.add.f32 [tilespmem:s18], [sflag:$0x1], $0x1, s17, s17, $0xb8;
	[tilespmem:$0x5800] =	vst v63  }
0x20: {  	s23 =	simm.s32 $0x2880  }
0x21: {  	[spmem:s3] =	stream.indirect.scatter.add.f32 [tilespmem:s18], [sflag:$0x1], $0x1, s23, s17, $0xb8;
	[tilespmem:$0x5800] =	vst v63  }
0x22: {  	s28 =	simm.s32 $0x100  }
0x23: {  	[spmem:s2] =	stream.indirect.scatter.add.f32 [tilespmem:s18], [sflag:$0x1], $0x1, s28, s17, $0xb8;
	[tilespmem:$0x5800] =	vst v63  }
0x24: {  	s25 =	simm.s32 $0x2900  }
0x25: {  	[spmem:s3] =	stream.indirect.scatter.add.f32 [tilespmem:s18], [sflag:$0x1], $0x1, s25, s17, $0xb8;
	[tilespmem:$0x5800] =	vst v63  }
0x26: {  	s26 =	simm.s32 $0x180  }
0x27: {  	[spmem:s2] =	stream.indirect.scatter.add.f32 [tilespmem:s18], [sflag:$0x1], $0x1, s26, s17, $0xb8;
	[tilespmem:$0x5800] =	vst v63  }
0x28: {  	s28 =	simm.s32 $0x2980  }
0x29: {  	[spmem:s3] =	stream.indirect.scatter.add.f32 [tilespmem:s18], [sflag:$0x1], $0x1, s28, s17, $0xb8;
	[tilespmem:$0x5800] =	vst v63  }
0x2a: {  	_ =	swait.ge [sflag:s24], $0x80  }
0x2b: {  	[sflag:s24] =	ssyncset.done $0x0  }
0x2c: {  	[sflag:s24] =	ssyncadd.s32 $0xFFFFFF80  }
0x2d: {  	_ =	swait.ge [sflag:s24], $0x80  }
0x2e: {  	[sflag:s24] =	ssyncset.done $0x0  }
0x2f: {  	[sflag:s24] =	ssyncadd.s32 $0xFFFFFF80  }
0x30: {  	_ =	swait.ge [sflag:s24], $0x80  }
0x31: {  	[sflag:s24] =	ssyncset.done $0x0  }
0x32: {  	[sflag:s24] =	ssyncadd.s32 $0xFFFFFF80  }
0x33: {  	_ =	swait.ge [sflag:s24], $0x80  }
0x34: {  	[sflag:s24] =	ssyncset.done $0x0  }
0x35: {  	[sflag:s24] =	ssyncadd.s32 $0xFFFFFF80  }
0x36: {  	_ =	swait.ge [sflag:s24], $0x80  }
0x37: {  	[sflag:s24] =	ssyncset.done $0x0  }
0x38: {  	[sflag:s24] =	ssyncadd.s32 $0xFFFFFF80  }
0x39: {  	_ =	swait.ge [sflag:s24], $0x80  }
0x3a: {  	[sflag:s24] =	ssyncset.done $0x0  }
0x3b: {  	[sflag:s24] =	ssyncadd.s32 $0xFFFFFF80  }
0x3c: {  	_ =	swait.ge [sflag:s24], $0x80  }
0x3d: {  	[sflag:s24] =	ssyncset.done $0x0  }
0x3e: {  	[sflag:s24] =	ssyncadd.s32 $0xFFFFFF80  }
0x3f: {  	_ =	swait.ge [sflag:s24], $0x80  }
0x40: {  	[sflag:s24] =	ssyncset.done $0x0  }
0x41: {  	s25 =	simm.s32 $0x200;
	[sflag:s24] =	ssyncadd.s32 $0xFFFFFF80  }
0x42: {  	[spmem:s2] =	stream.indirect.scatter.add.f32 [tilespmem:s18], [sflag:$0x1], $0x1, s25, s17, $0xb8;
	[tilespmem:$0x5800] =	vst v63  }
0x43: {  	s26 =	simm.s32 $0x2A00  }
0x44: {  	[spmem:s3] =	stream.indirect.scatter.add.f32 [tilespmem:s18], [sflag:$0x1], $0x1, s26, s17, $0xb8;
	[tilespmem:$0x5800] =	vst v63  }
0x45: {  	s28 =	simm.s32 $0x280  }
0x46: {  	[spmem:s2] =	stream.indirect.scatter.add.f32 [tilespmem:s18], [sflag:$0x1], $0x1, s28, s17, $0xb8;
	[tilespmem:$0x5800] =	vst v63  }
0x47: {  	s25 =	simm.s32 $0x2A80  }
0x48: {  	[spmem:s3] =	stream.indirect.scatter.add.f32 [tilespmem:s18], [sflag:$0x1], $0x1, s25, s17, $0xb8;
	[tilespmem:$0x5800] =	vst v63  }
0x49: {  	s26 =	simm.s32 $0x300  }
0x4a: {  	[spmem:s2] =	stream.indirect.scatter.add.f32 [tilespmem:s18], [sflag:$0x1], $0x1, s26, s17, $0xb8;
	[tilespmem:$0x5800] =	vst v63  }
0x4b: {  	s28 =	simm.s32 $0x2B00  }
0x4c: {  	[spmem:s3] =	stream.indirect.scatter.add.f32 [tilespmem:s18], [sflag:$0x1], $0x1, s28, s17, $0xb8;
	[tilespmem:$0x5800] =	vst v63  }
0x4d: {  	s25 =	simm.s32 $0x380  }
0x4e: {  	[spmem:s2] =	stream.indirect.scatter.add.f32 [tilespmem:s18], [sflag:$0x1], $0x1, s25, s17, $0xb8;
	[tilespmem:$0x5800] =	vst v63  }
0x4f: {  	s26 =	simm.s32 $0x2B80  }
0x50: {  	[spmem:s3] =	stream.indirect.scatter.add.f32 [tilespmem:s18], [sflag:$0x1], $0x1, s26, s17, $0xb8;
	[tilespmem:$0x5800] =	vst v63  }
0x51: {  	_ =	swait.ge [sflag:s24], $0x80  }
0x52: {  	[sflag:s24] =	ssyncset.done $0x0  }
0x53: {  	[sflag:s24] =	ssyncadd.s32 $0xFFFFFF80  }
0x54: {  	_ =	swait.ge [sflag:s24], $0x80  }
0x55: {  	[sflag:s24] =	ssyncset.done $0x0  }
0x56: {  	[sflag:s24] =	ssyncadd.s32 $0xFFFFFF80  }
0x57: {  	_ =	swait.ge [sflag:s24], $0x80  }
0x58: {  	[sflag:s24] =	ssyncset.done $0x0  }
0x59: {  	[sflag:s24] =	ssyncadd.s32 $0xFFFFFF80  }
0x5a: {  	_ =	swait.ge [sflag:s24], $0x80  }
0x5b: {  	[sflag:s24] =	ssyncset.done $0x0  }
0x5c: {  	[sflag:s24] =	ssyncadd.s32 $0xFFFFFF80  }
0x5d: {  	_ =	swait.ge [sflag:s24], $0x80  }
0x5e: {  	[sflag:s24] =	ssyncset.done $0x0  }
0x5f: {  	[sflag:s24] =	ssyncadd.s32 $0xFFFFFF80  }
0x60: {  	_ =	swait.ge [sflag:s24], $0x80  }
0x61: {  	[sflag:s24] =	ssyncset.done $0x0  }
0x62: {  	[sflag:s24] =	ssyncadd.s32 $0xFFFFFF80  }
0x63: {  	_ =	swait.ge [sflag:s24], $0x80  }
0x64: {  	[sflag:s24] =	ssyncset.done $0x0  }
0x65: {  	[sflag:s24] =	ssyncadd.s32 $0xFFFFFF80  }
0x66: {  	_ =	swait.ge [sflag:s24], $0x80  }
0x67: {  	[sflag:s24] =	ssyncset.done $0x0  }
0x68: {  	s28 =	simm.s32 $0x400;
	[sflag:s24] =	ssyncadd.s32 $0xFFFFFF80  }
0x69: {  	[spmem:s2] =	stream.indirect.scatter.add.f32 [tilespmem:s18], [sflag:$0x1], $0x1, s28, s17, $0xb8;
	[tilespmem:$0x5800] =	vst v63  }
0x6a: {  	s25 =	simm.s32 $0x2C00  }
0x6b: {  	[spmem:s3] =	stream.indirect.scatter.add.f32 [tilespmem:s18], [sflag:$0x1], $0x1, s25, s17, $0xb8;
	[tilespmem:$0x5800] =	vst v63  }
0x6c: {  	s26 =	simm.s32 $0x480  }
0x6d: {  	[spmem:s2] =	stream.indirect.scatter.add.f32 [tilespmem:s18], [sflag:$0x1], $0x1, s26, s17, $0xb8;
	[tilespmem:$0x5800] =	vst v63  }
0x6e: {  	s28 =	simm.s32 $0x2C80  }
0x6f: {  	[spmem:s3] =	stream.indirect.scatter.add.f32 [tilespmem:s18], [sflag:$0x1], $0x1, s28, s17, $0xb8;
	[tilespmem:$0x5800] =	vst v63  }
0x70: {  	s25 =	simm.s32 $0x500  }
0x71: {  	[spmem:s2] =	stream.indirect.scatter.add.f32 [tilespmem:s18], [sflag:$0x1], $0x1, s25, s17, $0xb8;
	[tilespmem:$0x5800] =	vst v63  }
0x72: {  	s26 =	simm.s32 $0x2D00  }
0x73: {  	[spmem:s3] =	stream.indirect.scatter.add.f32 [tilespmem:s18], [sflag:$0x1], $0x1, s26, s17, $0xb8;
	[tilespmem:$0x5800] =	vst v63  }
0x74: {  	s28 =	simm.s32 $0x580  }
0x75: {  	[spmem:s2] =	stream.indirect.scatter.add.f32 [tilespmem:s18], [sflag:$0x1], $0x1, s28, s17, $0xb8;
	[tilespmem:$0x5800] =	vst v63  }
0x76: {  	s25 =	simm.s32 $0x2D80  }
0x77: {  	[spmem:s3] =	stream.indirect.scatter.add.f32 [tilespmem:s18], [sflag:$0x1], $0x1, s25, s17, $0xb8;
	[tilespmem:$0x5800] =	vst v63  }
0x78: {  	_ =	swait.ge [sflag:s24], $0x80  }
0x79: {  	[sflag:s24] =	ssyncset.done $0x0  }
0x7a: {  	[sflag:s24] =	ssyncadd.s32 $0xFFFFFF80  }
0x7b: {  	_ =	swait.ge [sflag:s24], $0x80  }
0x7c: {  	[sflag:s24] =	ssyncset.done $0x0  }
0x7d: {  	[sflag:s24] =	ssyncadd.s32 $0xFFFFFF80  }
0x7e: {  	_ =	swait.ge [sflag:s24], $0x80  }
0x7f: {  	[sflag:s24] =	ssyncset.done $0x0  }
0x80: {  	[sflag:s24] =	ssyncadd.s32 $0xFFFFFF80  }
0x81: {  	_ =	swait.ge [sflag:s24], $0x80  }
0x82: {  	[sflag:s24] =	ssyncset.done $0x0  }
0x83: {  	[sflag:s24] =	ssyncadd.s32 $0xFFFFFF80  }
0x84: {  	_ =	swait.ge [sflag:s24], $0x80  }
0x85: {  	[sflag:s24] =	ssyncset.done $0x0  }
0x86: {  	[sflag:s24] =	ssyncadd.s32 $0xFFFFFF80  }
0x87: {  	_ =	swait.ge [sflag:s24], $0x80  }
0x88: {  	[sflag:s24] =	ssyncset.done $0x0  }
0x89: {  	[sflag:s24] =	ssyncadd.s32 $0xFFFFFF80  }
0x8a: {  	_ =	swait.ge [sflag:s24], $0x80  }
0x8b: {  	[sflag:s24] =	ssyncset.done $0x0  }
0x8c: {  	[sflag:s24] =	ssyncadd.s32 $0xFFFFFF80  }
0x8d: {  	_ =	swait.ge [sflag:s24], $0x80  }
0x8e: {  	[sflag:s24] =	ssyncset.done $0x0  }
0x8f: {  	s26 =	simm.s32 $0x600;
	[sflag:s24] =	ssyncadd.s32 $0xFFFFFF80  }
0x90: {  	[spmem:s2] =	stream.indirect.scatter.add.f32 [tilespmem:s18], [sflag:$0x1], $0x1, s26, s17, $0xb8;
	[tilespmem:$0x5800] =	vst v63  }
0x91: {  	s28 =	simm.s32 $0x2E00  }
0x92: {  	[spmem:s3] =	stream.indirect.scatter.add.f32 [tilespmem:s18], [sflag:$0x1], $0x1, s28, s17, $0xb8;
	[tilespmem:$0x5800] =	vst v63  }
0x93: {  	s25 =	simm.s32 $0x680  }
0x94: {  	[spmem:s2] =	stream.indirect.scatter.add.f32 [tilespmem:s18], [sflag:$0x1], $0x1, s25, s17, $0xb8;
	[tilespmem:$0x5800] =	vst v63  }
0x95: {  	s26 =	simm.s32 $0x2E80  }
0x96: {  	[spmem:s3] =	stream.indirect.scatter.add.f32 [tilespmem:s18], [sflag:$0x1], $0x1, s26, s17, $0xb8;
	[tilespmem:$0x5800] =	vst v63  }
0x97: {  	s28 =	simm.s32 $0x700  }
0x98: {  	[spmem:s2] =	stream.indirect.scatter.add.f32 [tilespmem:s18], [sflag:$0x1], $0x1, s28, s17, $0xb8;
	[tilespmem:$0x5800] =	vst v63  }
0x99: {  	s25 =	simm.s32 $0x2F00  }
0x9a: {  	[spmem:s3] =	stream.indirect.scatter.add.f32 [tilespmem:s18], [sflag:$0x1], $0x1, s25, s17, $0xb8;
	[tilespmem:$0x5800] =	vst v63  }
0x9b: {  	s26 =	simm.s32 $0x780  }
0x9c: {  	[spmem:s2] =	stream.indirect.scatter.add.f32 [tilespmem:s18], [sflag:$0x1], $0x1, s26, s17, $0xb8;
	[tilespmem:$0x5800] =	vst v63  }
0x9d: {  	s28 =	simm.s32 $0x2F80  }
0x9e: {  	[spmem:s3] =	stream.indirect.scatter.add.f32 [tilespmem:s18], [sflag:$0x1], $0x1, s28, s17, $0xb8;
	[tilespmem:$0x5800] =	vst v63  }
0x9f: {  	_ =	swait.ge [sflag:s24], $0x80  }
0xa0: {  	[sflag:s24] =	ssyncset.done $0x0  }
0xa1: {  	[sflag:s24] =	ssyncadd.s32 $0xFFFFFF80  }
0xa2: {  	_ =	swait.ge [sflag:s24], $0x80  }
0xa3: {  	[sflag:s24] =	ssyncset.done $0x0  }
0xa4: {  	[sflag:s24] =	ssyncadd.s32 $0xFFFFFF80  }
0xa5: {  	_ =	swait.ge [sflag:s24], $0x80  }
0xa6: {  	[sflag:s24] =	ssyncset.done $0x0  }
0xa7: {  	[sflag:s24] =	ssyncadd.s32 $0xFFFFFF80  }
0xa8: {  	_ =	swait.ge [sflag:s24], $0x80  }
0xa9: {  	[sflag:s24] =	ssyncset.done $0x0  }
0xaa: {  	[sflag:s24] =	ssyncadd.s32 $0xFFFFFF80  }
0xab: {  	_ =	swait.ge [sflag:s24], $0x80  }
0xac: {  	[sflag:s24] =	ssyncset.done $0x0  }
0xad: {  	[sflag:s24] =	ssyncadd.s32 $0xFFFFFF80  }
0xae: {  	_ =	swait.ge [sflag:s24], $0x80  }
0xaf: {  	[sflag:s24] =	ssyncset.done $0x0  }
0xb0: {  	[sflag:s24] =	ssyncadd.s32 $0xFFFFFF80  }
0xb1: {  	_ =	swait.ge [sflag:s24], $0x80  }
0xb2: {  	[sflag:s24] =	ssyncset.done $0x0  }
0xb3: {  	[sflag:s24] =	ssyncadd.s32 $0xFFFFFF80  }
0xb4: {  	_ =	swait.ge [sflag:s24], $0x80  }
0xb5: {  	[sflag:s24] =	ssyncset.done $0x0  }
0xb6: {  	s25 =	simm.s32 $0x800;
	[sflag:s24] =	ssyncadd.s32 $0xFFFFFF80  }
0xb7: {  	[spmem:s2] =	stream.indirect.scatter.add.f32 [tilespmem:s18], [sflag:$0x1], $0x1, s25, s17, $0xb8;
	[tilespmem:$0x5800] =	vst v63  }
0xb8: {  	s26 =	simm.s32 $0x3000  }
0xb9: {  	[spmem:s3] =	stream.indirect.scatter.add.f32 [tilespmem:s18], [sflag:$0x1], $0x1, s26, s17, $0xb8;
	[tilespmem:$0x5800] =	vst v63  }
0xba: {  	s28 =	simm.s32 $0x880  }
0xbb: {  	[spmem:s2] =	stream.indirect.scatter.add.f32 [tilespmem:s18], [sflag:$0x1], $0x1, s28, s17, $0xb8;
	[tilespmem:$0x5800] =	vst v63  }
0xbc: {  	_ = 	snop  }
0xbd: {  	[spmem:s3] =	stream.indirect.scatter.add.f32 [tilespmem:s18], [sflag:$0x1], $0x1, s29, s17, $0xb8;
	[tilespmem:$0x5800] =	vst v63  }
0xbe: {  	_ = 	snop  }
0xbf: {  	[spmem:s2] =	stream.indirect.scatter.add.f32 [tilespmem:s18], [sflag:$0x1], $0x1, s30, s17, $0xb8;
	[tilespmem:$0x5800] =	vst v63  }
0xc0: {  	_ = 	snop  }
0xc1: {  	[spmem:s3] =	stream.indirect.scatter.add.f32 [tilespmem:s18], [sflag:$0x1], $0x1, s31, s17, $0xb8;
	[tilespmem:$0x5800] =	vst v63  }
0xc2: {  	_ = 	snop  }
0xc3: {  	[spmem:s2] =	stream.indirect.scatter.add.f32 [tilespmem:s18], [sflag:$0x1], $0x1, s0, s17, $0xb8;
	[tilespmem:$0x5800] =	vst v63  }
0xc4: {  	_ = 	snop  }
0xc5: {  	[spmem:s3] =	stream.indirect.scatter.add.f32 [tilespmem:s18], [sflag:$0x1], $0x1, s19, s17, $0xb8;
	[tilespmem:$0x5800] =	vst v63  }
0xc6: {  	_ =	swait.ge [sflag:s24], $0x80  }
0xc7: {  	[sflag:s24] =	ssyncset.done $0x0  }
0xc8: {  	[sflag:s24] =	ssyncadd.s32 $0xFFFFFF80  }
0xc9: {  	_ =	swait.ge [sflag:s24], $0x80  }
0xca: {  	[sflag:s24] =	ssyncset.done $0x0  }
0xcb: {  	[sflag:s24] =	ssyncadd.s32 $0xFFFFFF80  }
0xcc: {  	_ =	swait.ge [sflag:s24], $0x80  }
0xcd: {  	[sflag:s24] =	ssyncset.done $0x0  }
0xce: {  	[sflag:s24] =	ssyncadd.s32 $0xFFFFFF80  }
0xcf: {  	_ =	swait.ge [sflag:s24], $0x80  }
0xd0: {  	[sflag:s24] =	ssyncset.done $0x0  }
0xd1: {  	[sflag:s24] =	ssyncadd.s32 $0xFFFFFF80  }
0xd2: {  	_ =	swait.ge [sflag:s24], $0x80  }
0xd3: {  	[sflag:s24] =	ssyncset.done $0x0  }
0xd4: {  	[sflag:s24] =	ssyncadd.s32 $0xFFFFFF80  }
0xd5: {  	_ =	swait.ge [sflag:s24], $0x80  }
0xd6: {  	[sflag:s24] =	ssyncset.done $0x0  }
0xd7: {  	[sflag:s24] =	ssyncadd.s32 $0xFFFFFF80  }
0xd8: {  	_ =	swait.ge [sflag:s24], $0x80  }
0xd9: {  	[sflag:s24] =	ssyncset.done $0x0  }
0xda: {  	[sflag:s24] =	ssyncadd.s32 $0xFFFFFF80  }
0xdb: {  	_ =	swait.ge [sflag:s24], $0x80  }
0xdc: {  	[sflag:s24] =	ssyncset.done $0x0  }
0xdd: {  	[sflag:s24] =	ssyncadd.s32 $0xFFFFFF80  }
.LBB2_6:
0xde: {  	s23 =	sshll.u32 s1, $0x6  }
0xdf: {  	[bflag:$0x0] =	sbarrier.arrive $0xFFFF;
	s25 =	sshrl.u32 s5, $0x3;
	s23 =	sor.u32 $0x1C02, s23  }
0xe0: {  	[hbm:s9@s20], [sflag:s23] =	dma.strided [spmem:s25@s21], $0x50, s24, $0x10   }
0xe1: {  	s22 =	sadd.s32 $0x1, s22;
	_ =	swait.ge [sflag:s15], $0x50  }
0xe2: {  	p1 =	sne.s32 s22, s13;
	[sflag:s15] =	ssyncset.done $0x0  }
.Ltmp1:
0xe3: {  	s28 =	sshrl.u32 s6, $0x3;
	[sflag:s15] =	ssyncadd.s32 $0xFFFFFFB0;
	(pc) =	sbr.rel @!p1 .LBB2_7-.Ltmp1, $4  }
0xe4: {  	[hbm:s12@s20], [sflag:s23] =	dma.strided [spmem:s28@s21], $0x50, s24, $0x10   }
0xe5: {  	_ =	swait.ge [sflag:s15], $0x50  }
0xe6: {  	[sflag:s15] =	ssyncset.done $0x0  }
0xe7: {  	[sflag:s15] =	ssyncadd.s32 $0xFFFFFFB0  }
.LBB2_1:
0xe8: {  	[tilespmem:$0x5080] =	vst v0  }
0xe9: {  	[tilespmem:$0x5090] =	vst v0  }
0xea: {  	[tilespmem:$0x50A0] =	vst v0  }
0xeb: {  	[tilespmem:$0x50B0] =	vst v0  }
0xec: {  	[tilespmem:$0x50C0] =	vst v0  }
0xed: {  	[tilespmem:$0x50D0] =	vst v0  }
0xee: {  	[tilespmem:$0x50E0] =	vst v0  }
0xef: {  	[tilespmem:$0x50F0] =	vst v0  }
0xf0: {  	[tilespmem:$0x5100] =	vst v0  }
0xf1: {  	[tilespmem:$0x5110] =	vst v0  }
0xf2: {  	[tilespmem:$0x5120] =	vst v0  }
0xf3: {  	[tilespmem:$0x5130] =	vst v0  }
0xf4: {  	[tilespmem:$0x5140] =	vst v0  }
0xf5: {  	[tilespmem:$0x5150] =	vst v0  }
0xf6: {  	[tilespmem:$0x5160] =	vst v0  }
0xf7: {  	[tilespmem:$0x5170] =	vst v0  }
0xf8: {  	[tilespmem:$0x5180] =	vst v0  }
0xf9: {  	[tilespmem:$0x5190] =	vst v0  }
0xfa: {  	[tilespmem:$0x51A0] =	vst v0  }
0xfb: {  	[tilespmem:$0x51B0] =	vst v0  }
0xfc: {  	[tilespmem:$0x51C0] =	vst v0  }
0xfd: {  	[tilespmem:$0x51D0] =	vst v0  }
0xfe: {  	[tilespmem:$0x51E0] =	vst v0  }
0xff: {  	[tilespmem:$0x51F0] =	vst v0  }
0x100: {  	[tilespmem:$0x5200] =	vst v0  }
0x101: {  	[tilespmem:$0x5210] =	vst v0  }
0x102: {  	[tilespmem:$0x5220] =	vst v0  }
0x103: {  	[tilespmem:$0x5230] =	vst v0  }
0x104: {  	[tilespmem:$0x5240] =	vst v0  }
0x105: {  	[tilespmem:$0x5250] =	vst v0  }
0x106: {  	[tilespmem:$0x5260] =	vst v0  }
0x107: {  	[tilespmem:$0x5270] =	vst v0  }
0x108: {  	[tilespmem:$0x5280] =	vst v0  }
0x109: {  	[tilespmem:$0x5290] =	vst v0  }
0x10a: {  	[tilespmem:$0x52A0] =	vst v0  }
0x10b: {  	[tilespmem:$0x52B0] =	vst v0  }
0x10c: {  	[tilespmem:$0x52C0] =	vst v0  }
0x10d: {  	[tilespmem:$0x52D0] =	vst v0  }
0x10e: {  	[tilespmem:$0x52E0] =	vst v0  }
0x10f: {  	[tilespmem:$0x52F0] =	vst v0  }
0x110: {  	[tilespmem:$0x5000] =	vst v1  }
0x111: {  	[tilespmem:$0x5010] =	vst v1  }
0x112: {  	[tilespmem:$0x5020] =	vst v1  }
0x113: {  	[tilespmem:$0x5030] =	vst v1  }
0x114: {  	[tilespmem:$0x5040] =	vst v1  }
0x115: {  	[tilespmem:$0x5050] =	vst v1  }
0x116: {  	[tilespmem:$0x5060] =	vst v1  }
0x117: {  	[tilespmem:$0x5070] =	vst v1  }
0x118: {  	[spmem:s5] =	stream.linear.scatter [tilespmem:s14], [sflag:$0x2], $0x280, $0x38;
	[tilespmem:$0x5800] =	vst v63  }
0x119: {  	_ =	swait.ge [sflag:s15], $0x280  }
0x11a: {  	[sflag:s15] =	ssyncset.done $0x0  }
0x11b: {  	[sflag:s15] =	ssyncadd.s32 $0xFFFFFD80  }
0x11c: {  	[spmem:s6] =	stream.linear.scatter [tilespmem:s14], [sflag:$0x2], $0x280, $0x38;
	[tilespmem:$0x5800] =	vst v63  }
.Ltmp2:
0x11d: {  	_ =	swait.ge [sflag:s15], $0x280;
	(pc) =	sbr.rel @p0 .LBB2_5-.Ltmp2, $3  }
0x11e: {  	[sflag:s15] =	ssyncset.done $0x0  }
0x11f: {  	[sflag:s15] =	ssyncadd.s32 $0xFFFFFD80  }
0x120: {  	[bflag:$0x0] =	sbarrier.arrive $0xFFFF;
	_ =	sdelay $0x1  }
0x121: {  	s23 =	simm.s32 $0x0  }
0x122: {  	[tilespmem:s23], [sflag:$0x2] =	stream.linear.gather [hbm4b:s7+s23], $0x2800, $0x38;
	[tilespmem:$0x5800] =	vst v63  }
0x123: {  	_ =	swait.ge [sflag:s15], $0x2800  }
0x124: {  	[sflag:s15] =	ssyncset.done $0x0  }
0x125: {  	[sflag:s15] =	ssyncadd.s32 $0xFFFFD800  }
0x126: {  	[tilespmem:s16], [sflag:$0x2] =	stream.linear.gather [hbm4b:s8+s23], $0x2800, $0x38;
	[tilespmem:$0x5800] =	vst v63  }
0x127: {  	_ =	swait.ge [sflag:s15], $0x2800  }
0x128: {  	[sflag:s15] =	ssyncset.done $0x0  }
0x129: {  	s28 =	simm.s32 $0x0;
	[sflag:s15] =	ssyncadd.s32 $0xFFFFD800  }
0x12a: {  	[spmem:s2] =	stream.indirect.scatter.add.f32 [tilespmem:s18], [sflag:$0x1], $0x1, s28, s17, $0xb8;
	[tilespmem:$0x5800] =	vst v63  }
0x12b: {  	s25 =	simm.s32 $0x2800  }
0x12c: {  	[spmem:s3] =	stream.indirect.scatter.add.f32 [tilespmem:s18], [sflag:$0x1], $0x1, s25, s17, $0xb8;
	[tilespmem:$0x5800] =	vst v63  }
0x12d: {  	s26 =	simm.s32 $0x80  }
0x12e: {  	[spmem:s2] =	stream.indirect.scatter.add.f32 [tilespmem:s18], [sflag:$0x1], $0x1, s26, s17, $0xb8;
	[tilespmem:$0x5800] =	vst v63  }
0x12f: {  	s28 =	simm.s32 $0x2880  }
0x130: {  	[spmem:s3] =	stream.indirect.scatter.add.f32 [tilespmem:s18], [sflag:$0x1], $0x1, s28, s17, $0xb8;
	[tilespmem:$0x5800] =	vst v63  }
0x131: {  	s25 =	simm.s32 $0x100  }
0x132: {  	[spmem:s2] =	stream.indirect.scatter.add.f32 [tilespmem:s18], [sflag:$0x1], $0x1, s25, s17, $0xb8;
	[tilespmem:$0x5800] =	vst v63  }
0x133: {  	s26 =	simm.s32 $0x2900  }
0x134: {  	[spmem:s3] =	stream.indirect.scatter.add.f32 [tilespmem:s18], [sflag:$0x1], $0x1, s26, s17, $0xb8;
	[tilespmem:$0x5800] =	vst v63  }
0x135: {  	s28 =	simm.s32 $0x180  }
0x136: {  	[spmem:s2] =	stream.indirect.scatter.add.f32 [tilespmem:s18], [sflag:$0x1], $0x1, s28, s17, $0xb8;
	[tilespmem:$0x5800] =	vst v63  }
0x137: {  	s25 =	simm.s32 $0x2980  }
0x138: {  	[spmem:s3] =	stream.indirect.scatter.add.f32 [tilespmem:s18], [sflag:$0x1], $0x1, s25, s17, $0xb8;
	[tilespmem:$0x5800] =	vst v63  }
0x139: {  	s26 =	simm.s32 $0x200  }
0x13a: {  	[spmem:s2] =	stream.indirect.scatter.add.f32 [tilespmem:s18], [sflag:$0x1], $0x1, s26, s17, $0xb8;
	[tilespmem:$0x5800] =	vst v63  }
0x13b: {  	s28 =	simm.s32 $0x2A00  }
0x13c: {  	[spmem:s3] =	stream.indirect.scatter.add.f32 [tilespmem:s18], [sflag:$0x1], $0x1, s28, s17, $0xb8;
	[tilespmem:$0x5800] =	vst v63  }
0x13d: {  	s25 =	simm.s32 $0x280  }
0x13e: {  	[spmem:s2] =	stream.indirect.scatter.add.f32 [tilespmem:s18], [sflag:$0x1], $0x1, s25, s17, $0xb8;
	[tilespmem:$0x5800] =	vst v63  }
0x13f: {  	s26 =	simm.s32 $0x2A80  }
0x140: {  	[spmem:s3] =	stream.indirect.scatter.add.f32 [tilespmem:s18], [sflag:$0x1], $0x1, s26, s17, $0xb8;
	[tilespmem:$0x5800] =	vst v63  }
0x141: {  	s28 =	simm.s32 $0x300  }
0x142: {  	[spmem:s2] =	stream.indirect.scatter.add.f32 [tilespmem:s18], [sflag:$0x1], $0x1, s28, s17, $0xb8;
	[tilespmem:$0x5800] =	vst v63  }
0x143: {  	s25 =	simm.s32 $0x2B00  }
0x144: {  	[spmem:s3] =	stream.indirect.scatter.add.f32 [tilespmem:s18], [sflag:$0x1], $0x1, s25, s17, $0xb8;
	[tilespmem:$0x5800] =	vst v63  }
0x145: {  	s26 =	simm.s32 $0x380  }
0x146: {  	[spmem:s2] =	stream.indirect.scatter.add.f32 [tilespmem:s18], [sflag:$0x1], $0x1, s26, s17, $0xb8;
	[tilespmem:$0x5800] =	vst v63  }
0x147: {  	s28 =	simm.s32 $0x2B80  }
0x148: {  	[spmem:s3] =	stream.indirect.scatter.add.f32 [tilespmem:s18], [sflag:$0x1], $0x1, s28, s17, $0xb8;
	[tilespmem:$0x5800] =	vst v63  }
0x149: {  	_ =	swait.ge [sflag:s24], $0x80  }
0x14a: {  	[sflag:s24] =	ssyncset.done $0x0  }
0x14b: {  	[sflag:s24] =	ssyncadd.s32 $0xFFFFFF80  }
0x14c: {  	_ =	swait.ge [sflag:s24], $0x80  }
0x14d: {  	[sflag:s24] =	ssyncset.done $0x0  }
0x14e: {  	[sflag:s24] =	ssyncadd.s32 $0xFFFFFF80  }
0x14f: {  	_ =	swait.ge [sflag:s24], $0x80  }
0x150: {  	[sflag:s24] =	ssyncset.done $0x0  }
0x151: {  	[sflag:s24] =	ssyncadd.s32 $0xFFFFFF80  }
0x152: {  	_ =	swait.ge [sflag:s24], $0x80  }
0x153: {  	[sflag:s24] =	ssyncset.done $0x0  }
0x154: {  	[sflag:s24] =	ssyncadd.s32 $0xFFFFFF80  }
0x155: {  	_ =	swait.ge [sflag:s24], $0x80  }
0x156: {  	[sflag:s24] =	ssyncset.done $0x0  }
0x157: {  	[sflag:s24] =	ssyncadd.s32 $0xFFFFFF80  }
0x158: {  	_ =	swait.ge [sflag:s24], $0x80  }
0x159: {  	[sflag:s24] =	ssyncset.done $0x0  }
0x15a: {  	[sflag:s24] =	ssyncadd.s32 $0xFFFFFF80  }
0x15b: {  	_ =	swait.ge [sflag:s24], $0x80  }
0x15c: {  	[sflag:s24] =	ssyncset.done $0x0  }
0x15d: {  	[sflag:s24] =	ssyncadd.s32 $0xFFFFFF80  }
0x15e: {  	_ =	swait.ge [sflag:s24], $0x80  }
0x15f: {  	[sflag:s24] =	ssyncset.done $0x0  }
0x160: {  	[sflag:s24] =	ssyncadd.s32 $0xFFFFFF80  }
0x161: {  	_ =	swait.ge [sflag:s24], $0x80  }
0x162: {  	[sflag:s24] =	ssyncset.done $0x0  }
0x163: {  	[sflag:s24] =	ssyncadd.s32 $0xFFFFFF80  }
0x164: {  	_ =	swait.ge [sflag:s24], $0x80  }
0x165: {  	[sflag:s24] =	ssyncset.done $0x0  }
0x166: {  	[sflag:s24] =	ssyncadd.s32 $0xFFFFFF80  }
0x167: {  	_ =	swait.ge [sflag:s24], $0x80  }
0x168: {  	[sflag:s24] =	ssyncset.done $0x0  }
0x169: {  	[sflag:s24] =	ssyncadd.s32 $0xFFFFFF80  }
0x16a: {  	_ =	swait.ge [sflag:s24], $0x80  }
0x16b: {  	[sflag:s24] =	ssyncset.done $0x0  }
0x16c: {  	[sflag:s24] =	ssyncadd.s32 $0xFFFFFF80  }
0x16d: {  	_ =	swait.ge [sflag:s24], $0x80  }
0x16e: {  	[sflag:s24] =	ssyncset.done $0x0  }
0x16f: {  	[sflag:s24] =	ssyncadd.s32 $0xFFFFFF80  }
0x170: {  	_ =	swait.ge [sflag:s24], $0x80  }
0x171: {  	[sflag:s24] =	ssyncset.done $0x0  }
0x172: {  	[sflag:s24] =	ssyncadd.s32 $0xFFFFFF80  }
0x173: {  	_ =	swait.ge [sflag:s24], $0x80  }
0x174: {  	[sflag:s24] =	ssyncset.done $0x0  }
0x175: {  	[sflag:s24] =	ssyncadd.s32 $0xFFFFFF80  }
0x176: {  	_ =	swait.ge [sflag:s24], $0x80  }
0x177: {  	s23 =	simm.s32 $0x1000;
	s25 =	simm.s32 $0x2000;
	[sflag:s24] =	ssyncset.done $0x0  }
.LBB2_3:
0x178: {  	s26 =	sshra.s32 s23, $0x2  }
0x179: {  	[sflag:s24] =	ssyncadd.s32 $0xFFFFFF80;
	s23 =	smov.u32 s25;
	s28 =	sadd.s32 $0x1000, s25  }
0x17a: {  	[spmem:s2] =	stream.indirect.scatter.add.f32 [tilespmem:s18], [sflag:$0x1], $0x1, s26, s17, $0xb8;
	[tilespmem:$0x5800] =	vst v63  }
0x17b: {  	p1 =	seq.s32 s25, $0x9000;
	s25 =	sadd.s32 $0x2800, s26  }
0x17c: {  	[spmem:s3] =	stream.indirect.scatter.add.f32 [tilespmem:s18], [sflag:$0x1], $0x1, s25, s17, $0xb8;
	[tilespmem:$0x5800] =	vst v63  }
0x17d: {  	s25 =	sadd.s32 $0x80, s26  }
0x17e: {  	[spmem:s2] =	stream.indirect.scatter.add.f32 [tilespmem:s18], [sflag:$0x1], $0x1, s25, s17, $0xb8;
	[tilespmem:$0x5800] =	vst v63  }
0x17f: {  	s25 =	sadd.s32 $0x2880, s26  }
0x180: {  	[spmem:s3] =	stream.indirect.scatter.add.f32 [tilespmem:s18], [sflag:$0x1], $0x1, s25, s17, $0xb8;
	[tilespmem:$0x5800] =	vst v63  }
0x181: {  	s25 =	sadd.s32 $0x100, s26  }
0x182: {  	[spmem:s2] =	stream.indirect.scatter.add.f32 [tilespmem:s18], [sflag:$0x1], $0x1, s25, s17, $0xb8;
	[tilespmem:$0x5800] =	vst v63  }
0x183: {  	s25 =	sadd.s32 $0x2900, s26  }
0x184: {  	[spmem:s3] =	stream.indirect.scatter.add.f32 [tilespmem:s18], [sflag:$0x1], $0x1, s25, s17, $0xb8;
	[tilespmem:$0x5800] =	vst v63  }
0x185: {  	s25 =	sadd.s32 $0x180, s26  }
0x186: {  	[spmem:s2] =	stream.indirect.scatter.add.f32 [tilespmem:s18], [sflag:$0x1], $0x1, s25, s17, $0xb8;
	[tilespmem:$0x5800] =	vst v63  }
0x187: {  	s25 =	sadd.s32 $0x2980, s26  }
0x188: {  	[spmem:s3] =	stream.indirect.scatter.add.f32 [tilespmem:s18], [sflag:$0x1], $0x1, s25, s17, $0xb8;
	[tilespmem:$0x5800] =	vst v63  }
0x189: {  	s25 =	sadd.s32 $0x200, s26  }
0x18a: {  	[spmem:s2] =	stream.indirect.scatter.add.f32 [tilespmem:s18], [sflag:$0x1], $0x1, s25, s17, $0xb8;
	[tilespmem:$0x5800] =	vst v63  }
0x18b: {  	s25 =	sadd.s32 $0x2A00, s26  }
0x18c: {  	[spmem:s3] =	stream.indirect.scatter.add.f32 [tilespmem:s18], [sflag:$0x1], $0x1, s25, s17, $0xb8;
	[tilespmem:$0x5800] =	vst v63  }
0x18d: {  	s25 =	sadd.s32 $0x280, s26  }
0x18e: {  	[spmem:s2] =	stream.indirect.scatter.add.f32 [tilespmem:s18], [sflag:$0x1], $0x1, s25, s17, $0xb8;
	[tilespmem:$0x5800] =	vst v63  }
0x18f: {  	s25 =	sadd.s32 $0x2A80, s26  }
0x190: {  	[spmem:s3] =	stream.indirect.scatter.add.f32 [tilespmem:s18], [sflag:$0x1], $0x1, s25, s17, $0xb8;
	[tilespmem:$0x5800] =	vst v63  }
0x191: {  	s25 =	sadd.s32 $0x300, s26  }
0x192: {  	[spmem:s2] =	stream.indirect.scatter.add.f32 [tilespmem:s18], [sflag:$0x1], $0x1, s25, s17, $0xb8;
	[tilespmem:$0x5800] =	vst v63  }
0x193: {  	s25 =	sadd.s32 $0x2B00, s26  }
0x194: {  	[spmem:s3] =	stream.indirect.scatter.add.f32 [tilespmem:s18], [sflag:$0x1], $0x1, s25, s17, $0xb8;
	[tilespmem:$0x5800] =	vst v63  }
0x195: {  	s25 =	sadd.s32 $0x380, s26  }
0x196: {  	[spmem:s2] =	stream.indirect.scatter.add.f32 [tilespmem:s18], [sflag:$0x1], $0x1, s25, s17, $0xb8;
	[tilespmem:$0x5800] =	vst v63  }
0x197: {  	s25 =	sadd.s32 $0x2B80, s26  }
0x198: {  	[spmem:s3] =	stream.indirect.scatter.add.f32 [tilespmem:s18], [sflag:$0x1], $0x1, s25, s17, $0xb8;
	[tilespmem:$0x5800] =	vst v63  }
0x199: {  	_ =	swait.ge [sflag:s24], $0x80  }
0x19a: {  	[sflag:s24] =	ssyncset.done $0x0  }
0x19b: {  	[sflag:s24] =	ssyncadd.s32 $0xFFFFFF80  }
0x19c: {  	_ =	swait.ge [sflag:s24], $0x80  }
0x19d: {  	[sflag:s24] =	ssyncset.done $0x0  }
0x19e: {  	[sflag:s24] =	ssyncadd.s32 $0xFFFFFF80  }
0x19f: {  	_ =	swait.ge [sflag:s24], $0x80  }
0x1a0: {  	[sflag:s24] =	ssyncset.done $0x0  }
0x1a1: {  	[sflag:s24] =	ssyncadd.s32 $0xFFFFFF80  }
0x1a2: {  	_ =	swait.ge [sflag:s24], $0x80  }
0x1a3: {  	[sflag:s24] =	ssyncset.done $0x0  }
0x1a4: {  	[sflag:s24] =	ssyncadd.s32 $0xFFFFFF80  }
0x1a5: {  	_ =	swait.ge [sflag:s24], $0x80  }
0x1a6: {  	[sflag:s24] =	ssyncset.done $0x0  }
0x1a7: {  	[sflag:s24] =	ssyncadd.s32 $0xFFFFFF80  }
0x1a8: {  	_ =	swait.ge [sflag:s24], $0x80  }
0x1a9: {  	[sflag:s24] =	ssyncset.done $0x0  }
0x1aa: {  	[sflag:s24] =	ssyncadd.s32 $0xFFFFFF80  }
0x1ab: {  	_ =	swait.ge [sflag:s24], $0x80  }
0x1ac: {  	[sflag:s24] =	ssyncset.done $0x0  }
0x1ad: {  	[sflag:s24] =	ssyncadd.s32 $0xFFFFFF80  }
0x1ae: {  	_ =	swait.ge [sflag:s24], $0x80  }
0x1af: {  	[sflag:s24] =	ssyncset.done $0x0  }
0x1b0: {  	[sflag:s24] =	ssyncadd.s32 $0xFFFFFF80  }
0x1b1: {  	_ =	swait.ge [sflag:s24], $0x80  }
0x1b2: {  	[sflag:s24] =	ssyncset.done $0x0  }
0x1b3: {  	[sflag:s24] =	ssyncadd.s32 $0xFFFFFF80  }
0x1b4: {  	_ =	swait.ge [sflag:s24], $0x80  }
0x1b5: {  	[sflag:s24] =	ssyncset.done $0x0  }
0x1b6: {  	[sflag:s24] =	ssyncadd.s32 $0xFFFFFF80  }
0x1b7: {  	_ =	swait.ge [sflag:s24], $0x80  }
0x1b8: {  	[sflag:s24] =	ssyncset.done $0x0  }
0x1b9: {  	[sflag:s24] =	ssyncadd.s32 $0xFFFFFF80  }
0x1ba: {  	_ =	swait.ge [sflag:s24], $0x80  }
0x1bb: {  	[sflag:s24] =	ssyncset.done $0x0  }
0x1bc: {  	[sflag:s24] =	ssyncadd.s32 $0xFFFFFF80  }
0x1bd: {  	_ =	swait.ge [sflag:s24], $0x80  }
0x1be: {  	[sflag:s24] =	ssyncset.done $0x0  }
0x1bf: {  	[sflag:s24] =	ssyncadd.s32 $0xFFFFFF80  }
0x1c0: {  	_ =	swait.ge [sflag:s24], $0x80  }
0x1c1: {  	[sflag:s24] =	ssyncset.done $0x0  }
0x1c2: {  	[sflag:s24] =	ssyncadd.s32 $0xFFFFFF80  }
.Ltmp3:
0x1c3: {  	_ =	swait.ge [sflag:s24], $0x80;
	(pc) =	sbr.rel @!p1 .LBB2_3-.Ltmp3, $4  }
0x1c4: {  	[sflag:s24] =	ssyncset.done $0x0  }
0x1c5: {  	[sflag:s24] =	ssyncadd.s32 $0xFFFFFF80  }
0x1c6: {  	_ =	swait.ge [sflag:s24], $0x80  }
0x1c7: {  	s25 =	smov.u32 s28;
	[sflag:s24] =	ssyncset.done $0x0  }
0x1c8: {  	s23 =	sshra.s32 s23, $0x2;
	[sflag:s24] =	ssyncadd.s32 $0xFFFFFF80  }
0x1c9: {  	[spmem:s2] =	stream.indirect.scatter.add.f32 [tilespmem:s18], [sflag:$0x1], $0x1, s23, s17, $0xb8;
	[tilespmem:$0x5800] =	vst v63  }
0x1ca: {  	s25 =	sadd.s32 $0x2800, s23  }
0x1cb: {  	[spmem:s3] =	stream.indirect.scatter.add.f32 [tilespmem:s18], [sflag:$0x1], $0x1, s25, s17, $0xb8;
	[tilespmem:$0x5800] =	vst v63  }
0x1cc: {  	s28 =	sadd.s32 $0x80, s23  }
0x1cd: {  	[spmem:s2] =	stream.indirect.scatter.add.f32 [tilespmem:s18], [sflag:$0x1], $0x1, s28, s17, $0xb8;
	[tilespmem:$0x5800] =	vst v63  }
0x1ce: {  	s26 =	sadd.s32 $0x2880, s23  }
0x1cf: {  	[spmem:s3] =	stream.indirect.scatter.add.f32 [tilespmem:s18], [sflag:$0x1], $0x1, s26, s17, $0xb8;
	[tilespmem:$0x5800] =	vst v63  }
0x1d0: {  	s28 =	sadd.s32 $0x100, s23  }
0x1d1: {  	[spmem:s2] =	stream.indirect.scatter.add.f32 [tilespmem:s18], [sflag:$0x1], $0x1, s28, s17, $0xb8;
	[tilespmem:$0x5800] =	vst v63  }
0x1d2: {  	s26 =	sadd.s32 $0x2900, s23  }
0x1d3: {  	[spmem:s3] =	stream.indirect.scatter.add.f32 [tilespmem:s18], [sflag:$0x1], $0x1, s26, s17, $0xb8;
	[tilespmem:$0x5800] =	vst v63  }
0x1d4: {  	s28 =	sadd.s32 $0x180, s23  }
0x1d5: {  	[spmem:s2] =	stream.indirect.scatter.add.f32 [tilespmem:s18], [sflag:$0x1], $0x1, s28, s17, $0xb8;
	[tilespmem:$0x5800] =	vst v63  }
0x1d6: {  	s26 =	sadd.s32 $0x2980, s23  }
0x1d7: {  	[spmem:s3] =	stream.indirect.scatter.add.f32 [tilespmem:s18], [sflag:$0x1], $0x1, s26, s17, $0xb8;
	[tilespmem:$0x5800] =	vst v63  }
0x1d8: {  	s28 =	sadd.s32 $0x200, s23  }
0x1d9: {  	[spmem:s2] =	stream.indirect.scatter.add.f32 [tilespmem:s18], [sflag:$0x1], $0x1, s28, s17, $0xb8;
	[tilespmem:$0x5800] =	vst v63  }
0x1da: {  	s26 =	sadd.s32 $0x2A00, s23  }
0x1db: {  	[spmem:s3] =	stream.indirect.scatter.add.f32 [tilespmem:s18], [sflag:$0x1], $0x1, s26, s17, $0xb8;
	[tilespmem:$0x5800] =	vst v63  }
0x1dc: {  	s28 =	sadd.s32 $0x280, s23  }
0x1dd: {  	[spmem:s2] =	stream.indirect.scatter.add.f32 [tilespmem:s18], [sflag:$0x1], $0x1, s28, s17, $0xb8;
	[tilespmem:$0x5800] =	vst v63  }
0x1de: {  	s26 =	sadd.s32 $0x2A80, s23  }
0x1df: {  	[spmem:s3] =	stream.indirect.scatter.add.f32 [tilespmem:s18], [sflag:$0x1], $0x1, s26, s17, $0xb8;
	[tilespmem:$0x5800] =	vst v63  }
0x1e0: {  	s28 =	sadd.s32 $0x300, s23  }
0x1e1: {  	[spmem:s2] =	stream.indirect.scatter.add.f32 [tilespmem:s18], [sflag:$0x1], $0x1, s28, s17, $0xb8;
	[tilespmem:$0x5800] =	vst v63  }
0x1e2: {  	s26 =	sadd.s32 $0x2B00, s23  }
0x1e3: {  	[spmem:s3] =	stream.indirect.scatter.add.f32 [tilespmem:s18], [sflag:$0x1], $0x1, s26, s17, $0xb8;
	[tilespmem:$0x5800] =	vst v63  }
0x1e4: {  	s28 =	sadd.s32 $0x380, s23  }
0x1e5: {  	[spmem:s2] =	stream.indirect.scatter.add.f32 [tilespmem:s18], [sflag:$0x1], $0x1, s28, s17, $0xb8;
	[tilespmem:$0x5800] =	vst v63  }
0x1e6: {  	s23 =	sadd.s32 $0x2B80, s23  }
0x1e7: {  	[spmem:s3] =	stream.indirect.scatter.add.f32 [tilespmem:s18], [sflag:$0x1], $0x1, s23, s17, $0xb8;
	[tilespmem:$0x5800] =	vst v63  }
0x1e8: {  	_ =	swait.ge [sflag:s24], $0x80  }
0x1e9: {  	[sflag:s24] =	ssyncset.done $0x0  }
0x1ea: {  	[sflag:s24] =	ssyncadd.s32 $0xFFFFFF80  }
0x1eb: {  	_ =	swait.ge [sflag:s24], $0x80  }
0x1ec: {  	[sflag:s24] =	ssyncset.done $0x0  }
0x1ed: {  	[sflag:s24] =	ssyncadd.s32 $0xFFFFFF80  }
0x1ee: {  	_ =	swait.ge [sflag:s24], $0x80  }
0x1ef: {  	[sflag:s24] =	ssyncset.done $0x0  }
0x1f0: {  	[sflag:s24] =	ssyncadd.s32 $0xFFFFFF80  }
0x1f1: {  	_ =	swait.ge [sflag:s24], $0x80  }
0x1f2: {  	[sflag:s24] =	ssyncset.done $0x0  }
0x1f3: {  	[sflag:s24] =	ssyncadd.s32 $0xFFFFFF80  }
0x1f4: {  	_ =	swait.ge [sflag:s24], $0x80  }
0x1f5: {  	[sflag:s24] =	ssyncset.done $0x0  }
0x1f6: {  	[sflag:s24] =	ssyncadd.s32 $0xFFFFFF80  }
0x1f7: {  	_ =	swait.ge [sflag:s24], $0x80  }
0x1f8: {  	[sflag:s24] =	ssyncset.done $0x0  }
0x1f9: {  	[sflag:s24] =	ssyncadd.s32 $0xFFFFFF80  }
0x1fa: {  	_ =	swait.ge [sflag:s24], $0x80  }
0x1fb: {  	[sflag:s24] =	ssyncset.done $0x0  }
0x1fc: {  	[sflag:s24] =	ssyncadd.s32 $0xFFFFFF80  }
0x1fd: {  	_ =	swait.ge [sflag:s24], $0x80  }
0x1fe: {  	[sflag:s24] =	ssyncset.done $0x0  }
0x1ff: {  	[sflag:s24] =	ssyncadd.s32 $0xFFFFFF80  }
0x200: {  	_ =	swait.ge [sflag:s24], $0x80  }
0x201: {  	[sflag:s24] =	ssyncset.done $0x0  }
0x202: {  	[sflag:s24] =	ssyncadd.s32 $0xFFFFFF80  }
0x203: {  	_ =	swait.ge [sflag:s24], $0x80  }
0x204: {  	[sflag:s24] =	ssyncset.done $0x0  }
0x205: {  	[sflag:s24] =	ssyncadd.s32 $0xFFFFFF80  }
0x206: {  	_ =	swait.ge [sflag:s24], $0x80  }
0x207: {  	[sflag:s24] =	ssyncset.done $0x0  }
0x208: {  	[sflag:s24] =	ssyncadd.s32 $0xFFFFFF80  }
0x209: {  	_ =	swait.ge [sflag:s24], $0x80  }
0x20a: {  	[sflag:s24] =	ssyncset.done $0x0  }
0x20b: {  	[sflag:s24] =	ssyncadd.s32 $0xFFFFFF80  }
0x20c: {  	_ =	swait.ge [sflag:s24], $0x80  }
0x20d: {  	[sflag:s24] =	ssyncset.done $0x0  }
0x20e: {  	[sflag:s24] =	ssyncadd.s32 $0xFFFFFF80  }
0x20f: {  	_ =	swait.ge [sflag:s24], $0x80  }
0x210: {  	[sflag:s24] =	ssyncset.done $0x0  }
0x211: {  	[sflag:s24] =	ssyncadd.s32 $0xFFFFFF80  }
0x212: {  	_ =	swait.ge [sflag:s24], $0x80  }
.Ltmp4:
0x213: {  	[sflag:s24] =	ssyncset.done $0x0;
	(pc) =	sbr.rel .LBB2_6-.Ltmp4, $4  }
0x214: {  	[sflag:s24] =	ssyncadd.s32 $0xFFFFFF80  }
0x215: {  	_ =	swait.ge [sflag:s24], $0x80  }
0x216: {  	[sflag:s24] =	ssyncset.done $0x0  }
0x217: {  	[sflag:s24] =	ssyncadd.s32 $0xFFFFFF80  }
.LBB2_7:
0x218: {  	_ =	sfence.sel $0x180000  }
0x219: {  	[bflag:$0x0] =	sbarrier.arrive $0xFFFF  }
0x21a: {  	_ =	strace $0x90000047  }
0x21b: {  	[bflag:$0x2] =	sbarrier.arrive $0xFFFF  }
0x21c: {  	p0 =	sne.s32 s1, $0x0;
	s0 =	rddreg [dreg:$0x4]  }
0x21d: {  	s0 =	sadd.s32 @!p0 $0x100000, s0  }
0x21e: {  	[sflag:s0] =	ssyncadd.tile.s32 @!p0 $0x1;
	_ =	shalt  }
.Lfunc_end2:
_tile_overlayer_lowered:
.L_overlay_start_2:
0x21f: {  	(tag) =	ssettag $0x2  }
0x220: {  	s0 =	rddreg [dreg:$0x0];
	s2 =	stileid.u32  }
0x221: {  	s1 =	rddreg [dreg:$0x1];
	p0 =	sne.s32 s2, $0x0  }
0x222: {  	s3 =	rddreg [dreg:$0x2];
	[bflag:$0x3] =	sbarrier.arrive $0xFFFF;
	s2 =	simm.s32 @!p0 $0x1C02  }
0x223: {  	[timem:s3], [sflag:s2] =	dma.local @!p0 [hbm:s0], s1  }
0x224: {  	s0 =	simm.s32 @!p0 $0x2  }
0x225: {  	_ =	swait.ge @!p0 [sflag:s0], s1  }
0x226: {  	s1 =	ssub.s32 @!p0 $0x0, s1;
	[sflag:s0] =	ssyncset.done @!p0 $0x0  }
0x227: {  	[sflag:s0] =	ssyncadd.s32 @!p0 s1  }
0x228: {  	[bflag:$0x3] =	sbarrier.arrive $0xFFFF  }
0x229: {  	_ =	shalt  }

</sc_bundles>
